<compile_context>
chip_gen: v7x
topology: tpu7x:2x2x1
jax: 0.10.2.dev20260603
libtpu: 0.0.44.dev20260713+nightly
codegen_flags: <defaults>
</compile_context>

<pallas_src>
import functools

import jax
import jax.numpy as jnp
from jax import lax
from jax.experimental import pallas as pl
from jax.experimental.pallas import tpu as pltpu
from jax.experimental.pallas import tpu_sc as plsc

_V, _D, _B = 1000000, 64, 16384
_C = 128


@functools.lru_cache(maxsize=None)
def _build_gather():
    info = plsc.get_sparse_core_info()
    nc, ns = info.num_cores, info.num_subcores
    nw = nc * ns
    b_per_w = _B // nw
    nchunk = b_per_w // _C
    mesh = plsc.VectorSubcoreMesh(core_axis_name="c", subcore_axis_name="s")

    @functools.partial(
        pl.kernel,
        mesh=mesh,
        out_type=jax.ShapeDtypeStruct((_B, _D), jnp.float32),
        scratch_types=[
            pltpu.VMEM((b_per_w,), jnp.int32),
            pltpu.VMEM((b_per_w,), jnp.int32),
            pltpu.VMEM((_C, 2 * _D), jnp.float32),
            pltpu.VMEM((_C, 2 * _D), jnp.float32),
            pltpu.VMEM((b_per_w, _D), jnp.float32),
            pltpu.SemaphoreType.DMA,
        ],
        compiler_params=pltpu.CompilerParams(
            disable_bounds_checks=True, disable_semaphore_checks=True
        ),
    )
    def gather_kernel(table_hbm, idx_hbm, out_hbm, idx_v, idx_t, g0, g1, rows_v, sem):
        wid = lax.axis_index("s") * nc + lax.axis_index("c")
        base = wid * b_per_w
        gaths = (g0, g1)

        pltpu.sync_copy(idx_hbm.at[pl.ds(base, b_per_w)], idx_v)

        def shift_body(g, carry):
            vec = idx_v[pl.ds(g * 16, 16)]
            idx_t[pl.ds(g * 16, 16)] = vec >> 1
            return carry

        lax.fori_loop(0, b_per_w // 16, shift_body, 0)

        def start_chunk(c):
            pltpu.async_copy(
                table_hbm.at[idx_t.at[pl.ds(c * _C, _C)]],
                gaths[c % 2],
                sem,
            )

        def wait_chunk(c):
            pltpu.make_async_copy(
                table_hbm.at[idx_t.at[pl.ds(c * _C, _C)]],
                gaths[c % 2],
                sem,
            ).wait()

        start_chunk(0)
        for c in range(nchunk):
            if c + 1 < nchunk:
                start_chunk(c + 1)
            wait_chunk(c)
            gath = gaths[c % 2]

            def ext_body(g, carry):
                vec = idx_v[pl.ds(c * _C + g * 16, 16)]
                for j in range(16):
                    r = vec[j]
                    off = (r & 1) * _D
                    row = c * _C + g * 16 + j
                    i = g * 16 + j
                    for k in range(_D // 16):
                        rows_v[row, pl.ds(k * 16, 16)] = gath[i, pl.ds(off + k * 16, 16)]
                return carry

            lax.fori_loop(0, _C // 16, ext_body, 0)

        pltpu.sync_copy(rows_v, out_hbm.at[pl.ds(base, b_per_w)])

    return gather_kernel


def kernel(inputs, index):
    index = index.astype(jnp.int32)
    zero = (index[0] & 0).astype(jnp.float32)
    table2 = inputs.reshape(_V // 2, 2 * _D) + zero
    out = _build_gather()(table2, index)
    return out[None]

# --- scband reference (transcript-rebuilt; emitter-appended) ---
"""Pipeline reference for scband-take-layer-37589553775340 (READ-ONLY COPY).

The authoritative reference and input builder live on the scoring server;
editing this copy changes nothing except your own understanding.
"""

import jax, jax.numpy as jnp
import numpy as np

def setup_inputs(seed: int = 0) -> dict:
    key = jax.random.key(seed)
    k1, k2 = jax.random.split(key)
    inputs = jax.random.normal(k1, (1000000, 64), dtype=jnp.float32)
    index = jax.random.randint(k2, (16384,), 0, 1000000, dtype=jnp.int64 if jax.config.jax_enable_x64 else jnp.int32)
    return {"inputs": inputs, "index": index}

def reference(inputs, index):
    axis = 0
    out = jnp.expand_dims(jnp.take(inputs, index, axis=axis), axis)
    return out

if __name__ == "__main__":
    import jax
    _d = setup_inputs()
    print(jax.jit(kernel)(*tuple(_d.values())))

</pallas_src>

<mosaic_0001>
#map = affine_map<(d0, d1) -> (0, 0)>
#map1 = affine_map<(d0, d1) -> (0)>
module attributes {stable_mosaic.version = 14 : i64} {
  func.func @gather_kernel(%arg0: i32, %arg1: i32, %arg2: memref<500000x128xf32, #tpu.memory_space<hbm>>, %arg3: memref<16384xi32, #tpu.memory_space<hbm>>, %arg4: memref<16384x64xf32, #tpu.memory_space<hbm>>, %arg5: memref<512xi32, #tpu.memory_space<vmem>>, %arg6: memref<512xi32, #tpu.memory_space<vmem>>, %arg7: memref<128x128xf32, #tpu.memory_space<vmem>>, %arg8: memref<128x128xf32, #tpu.memory_space<vmem>>, %arg9: memref<512x64xf32, #tpu.memory_space<vmem>>, %arg10: memref<!tpu.dma_semaphore, #tpu.memory_space<semaphore_mem>>) attributes {dimension_semantics = [#tpu.dimension_semantics<core_parallel>, #tpu.dimension_semantics<subcore_parallel>], iteration_bounds = array<i64: 2, 16>, scalar_prefetch = 0 : i64, scratch_operands = 6 : i64, tpu.core_type = #tpu.core_type<sc_vector_subcore>, window_params = [{transform_indices = #map}, {transform_indices = #map1}, {transform_indices = #map}]} {
    %mul3A = arith.constant 2 : i32
    %mul3A_0 = arith.muli %arg1, %mul3A : i32
    %add3A = arith.addi %mul3A_0, %arg0 : i32
    %mul3A_1 = arith.constant 512 : i32
    %mul3A_2 = arith.muli %add3A, %mul3A_1 : i32
    "tpu.region"() ({
      %run_scoped3A = tpu.sem_alloc : memref<!tpu.dma_semaphore, #tpu.memory_space<semaphore_mem>>
      %dma_start3A_70 = tpu.memref_slice %arg3[%mul3A_2] : memref<16384xi32, #tpu.memory_space<hbm>> -> memref<512xi32, #tpu.memory_space<hbm>>
      %dma_start3A_71 = tpu.memref_slice %arg3[%mul3A_2] : memref<16384xi32, #tpu.memory_space<hbm>> -> memref<512xi32, #tpu.memory_space<hbm>>
      tpu.enqueue_dma source(%dma_start3A_71 : memref<512xi32, #tpu.memory_space<hbm>>) target(%arg5 : memref<512xi32, #tpu.memory_space<vmem>>) target_semaphore(%run_scoped3A : memref<!tpu.dma_semaphore, #tpu.memory_space<semaphore_mem>>)
      %dma_wait3A_72 = tpu.memref_slice %arg3[%mul3A_2] : memref<16384xi32, #tpu.memory_space<hbm>> -> memref<512xi32, #tpu.memory_space<hbm>>
      %dma_wait3A_73 = tpu.memref_slice %arg3[%mul3A_2] : memref<16384xi32, #tpu.memory_space<hbm>> -> memref<512xi32, #tpu.memory_space<hbm>>
      tpu.wait_dma2 semaphore(%run_scoped3A : memref<!tpu.dma_semaphore, #tpu.memory_space<semaphore_mem>>) src(%dma_wait3A_73 : memref<512xi32, #tpu.memory_space<hbm>>) dst(%arg5 : memref<512xi32, #tpu.memory_space<vmem>>)
      tpu.yield
    }) : () -> ()
    %scan3A = arith.constant 0 : i32
    %scan3A_3 = arith.constant 0 : i32
    %scan3A_4 = arith.constant 32 : i32
    %scan3A_5 = arith.addi %scan3A_3, %scan3A_4 : i32
    %scan3A_6 = arith.constant 1 : i32
    scf.for %scan3A_70 = %scan3A_3 to %scan3A_5 step %scan3A_6  : i32 {
      %mul3A_71 = arith.constant 16 : i32
      %mul3A_72 = arith.muli %scan3A_70, %mul3A_71 : i32
      %get3A = arith.index_cast %mul3A_72 : i32 to index
      %get3A_73 = tpu.vector_load %arg5[%get3A] {strides = array<i32>} : memref<512xi32, #tpu.memory_space<vmem>>, vector<16xi32>,
      %get3A_74 = vector.shape_cast %get3A_73 : vector<16xi32> to vector<16xi32>
      %shift_right_arithmetic3A = arith.constant 1 : i32
      %shift_right_arithmetic3A_75 = vector.broadcast %shift_right_arithmetic3A : i32 to vector<16xi32>
      %shift_right_arithmetic3A_76 = arith.shrsi %get3A_74, %shift_right_arithmetic3A_75 : vector<16xi32>
      %mul3A_77 = arith.constant 16 : i32
      %mul3A_78 = arith.muli %scan3A_70, %mul3A_77 : i32
      %swap3A = arith.index_cast %mul3A_78 : i32 to index
      %swap3A_79 = tpu.vector_load %arg6[%swap3A] {strides = array<i32>} : memref<512xi32, #tpu.memory_space<vmem>>, vector<16xi32>,
      %swap3A_80 = vector.shape_cast %swap3A_79 : vector<16xi32> to vector<16xi32>
      %swap3A_81 = vector.shape_cast %shift_right_arithmetic3A_76 : vector<16xi32> to vector<16xi32>
      tpu.vector_store %arg6[%swap3A], %swap3A_81 {strides = array<i32>} : memref<512xi32, #tpu.memory_space<vmem>>, vector<16xi32>,
    }
    %scan3A_7 = arith.constant 32 : i32
    %dma_start3A = arith.constant 0 : i32
    %dma_start3A_8 = tpu.memref_slice %arg6[%dma_start3A] : memref<512xi32, #tpu.memory_space<vmem>> -> memref<128xi32, #tpu.memory_space<vmem>>
    %dma_start3A_9 = arith.constant 0 : i32
    %dma_start3A_10 = arith.constant 0 : i32
    %dma_start3A_11 = tpu.memref_slice %arg2[%dma_start3A_9, %dma_start3A_10] : memref<500000x128xf32, #tpu.memory_space<hbm>> -> memref<500000x128xf32, #tpu.memory_space<hbm>>
    tpu.enqueue_indirect_dma source(%dma_start3A_11 : memref<500000x128xf32, #tpu.memory_space<hbm>>) target(%arg7 : memref<128x128xf32, #tpu.memory_space<vmem>>) offsets(%dma_start3A_8 : memref<128xi32, #tpu.memory_space<vmem>>) semaphore(%arg10 : memref<!tpu.dma_semaphore, #tpu.memory_space<semaphore_mem>>)
    %dma_start3A_12 = arith.constant 128 : i32
    %dma_start3A_13 = tpu.memref_slice %arg6[%dma_start3A_12] : memref<512xi32, #tpu.memory_space<vmem>> -> memref<128xi32, #tpu.memory_space<vmem>>
    %dma_start3A_14 = arith.constant 0 : i32
    %dma_start3A_15 = arith.constant 0 : i32
    %dma_start3A_16 = tpu.memref_slice %arg2[%dma_start3A_14, %dma_start3A_15] : memref<500000x128xf32, #tpu.memory_space<hbm>> -> memref<500000x128xf32, #tpu.memory_space<hbm>>
    tpu.enqueue_indirect_dma source(%dma_start3A_16 : memref<500000x128xf32, #tpu.memory_space<hbm>>) target(%arg8 : memref<128x128xf32, #tpu.memory_space<vmem>>) offsets(%dma_start3A_13 : memref<128xi32, #tpu.memory_space<vmem>>) semaphore(%arg10 : memref<!tpu.dma_semaphore, #tpu.memory_space<semaphore_mem>>)
    %dma_wait3A = arith.constant 0 : i32
    %dma_wait3A_17 = tpu.memref_slice %arg6[%dma_wait3A] : memref<512xi32, #tpu.memory_space<vmem>> -> memref<128xi32, #tpu.memory_space<vmem>>
    %dma_wait3A_18 = arith.constant 0 : i32
    %dma_wait3A_19 = arith.constant 0 : i32
    %dma_wait3A_20 = tpu.memref_slice %arg2[%dma_wait3A_18, %dma_wait3A_19] : memref<500000x128xf32, #tpu.memory_space<hbm>> -> memref<500000x128xf32, #tpu.memory_space<hbm>>
    tpu.wait_indirect_dma semaphore(%arg10 : memref<!tpu.dma_semaphore, #tpu.memory_space<semaphore_mem>>) src(%dma_wait3A_20 : memref<500000x128xf32, #tpu.memory_space<hbm>>) dst(%arg7 : memref<128x128xf32, #tpu.memory_space<vmem>>)
    %scan3A_21 = arith.constant 0 : i32
    %scan3A_22 = arith.constant 0 : i32
    %scan3A_23 = arith.constant 8 : i32
    %scan3A_24 = arith.addi %scan3A_22, %scan3A_23 : i32
    %scan3A_25 = arith.constant 1 : i32
    scf.for %scan3A_70 = %scan3A_22 to %scan3A_24 step %scan3A_25  : i32 {
      %mul3A_71 = arith.constant 16 : i32
      %mul3A_72 = arith.muli %scan3A_70, %mul3A_71 : i32
      %add3A_73 = arith.constant 0 : i32
      %add3A_74 = arith.addi %add3A_73, %mul3A_72 : i32
      %get3A = arith.index_cast %add3A_74 : i32 to index
      %get3A_75 = tpu.vector_load %arg5[%get3A] {strides = array<i32>} : memref<512xi32, #tpu.memory_space<vmem>>, vector<16xi32>,
      %get3A_76 = vector.shape_cast %get3A_75 : vector<16xi32> to vector<16xi32>
      %slice3A = vector.extract_strided_slice %get3A_76 {offsets = [0], sizes = [1], strides = [1]} : vector<16xi32> to vector<1xi32>
      %squeeze3A = vector.extract %slice3A[0] : i32 from vector<1xi32>
      %and3A = arith.constant 1 : i32
      %and3A_77 = arith.andi %squeeze3A, %and3A : i32
      %mul3A_78 = arith.constant 64 : i32
      %mul3A_79 = arith.muli %and3A_77, %mul3A_78 : i32
      %mul3A_80 = arith.constant 16 : i32
      %mul3A_81 = arith.muli %scan3A_70, %mul3A_80 : i32
      %add3A_82 = arith.constant 0 : i32
      %add3A_83 = arith.addi %add3A_82, %mul3A_81 : i32
      %add3A_84 = arith.constant 0 : i32
      %add3A_85 = arith.addi %add3A_83, %add3A_84 : i32
      %mul3A_86 = arith.constant 16 : i32
      %mul3A_87 = arith.muli %scan3A_70, %mul3A_86 : i32
      %add3A_88 = arith.constant 0 : i32
      %add3A_89 = arith.addi %mul3A_87, %add3A_88 : i32
      %add3A_90 = arith.constant 0 : i32
      %add3A_91 = arith.addi %mul3A_79, %add3A_90 : i32
      %get3A_92 = arith.index_cast %add3A_89 : i32 to index
      %get3A_93 = arith.index_cast %add3A_91 : i32 to index
      %get3A_94 = tpu.vector_load %arg7[%get3A_92, %get3A_93] {strides = array<i32>} : memref<128x128xf32, #tpu.memory_space<vmem>>, vector<1x16xf32>,
      %get3A_95 = vector.shape_cast %get3A_94 : vector<1x16xf32> to vector<16xf32>
      %swap3A = arith.index_cast %add3A_85 : i32 to index
      %swap3A_96 = arith.constant 0 : index
      %swap3A_97 = tpu.vector_load %arg9[%swap3A, %swap3A_96] {strides = array<i32>} : memref<512x64xf32, #tpu.memory_space<vmem>>, vector<1x16xf32>,
      %swap3A_98 = vector.shape_cast %swap3A_97 : vector<1x16xf32> to vector<16xf32>
      %swap3A_99 = vector.shape_cast %get3A_95 : vector<16xf32> to vector<1x16xf32>
      tpu.vector_store %arg9[%swap3A, %swap3A_96], %swap3A_99 {strides = array<i32>} : memref<512x64xf32, #tpu.memory_space<vmem>>, vector<1x16xf32>,
      %add3A_100 = arith.constant 16 : i32
      %add3A_101 = arith.addi %mul3A_79, %add3A_100 : i32
      %get3A_102 = arith.index_cast %add3A_89 : i32 to index
      %get3A_103 = arith.index_cast %add3A_101 : i32 to index
      %get3A_104 = tpu.vector_load %arg7[%get3A_102, %get3A_103] {strides = array<i32>} : memref<128x128xf32, #tpu.memory_space<vmem>>, vector<1x16xf32>,
      %get3A_105 = vector.shape_cast %get3A_104 : vector<1x16xf32> to vector<16xf32>
      %swap3A_106 = arith.index_cast %add3A_85 : i32 to index
      %swap3A_107 = arith.constant 16 : index
      %swap3A_108 = tpu.vector_load %arg9[%swap3A_106, %swap3A_107] {strides = array<i32>} : memref<512x64xf32, #tpu.memory_space<vmem>>, vector<1x16xf32>,
      %swap3A_109 = vector.shape_cast %swap3A_108 : vector<1x16xf32> to vector<16xf32>
      %swap3A_110 = vector.shape_cast %get3A_105 : vector<16xf32> to vector<1x16xf32>
      tpu.vector_store %arg9[%swap3A_106, %swap3A_107], %swap3A_110 {strides = array<i32>} : memref<512x64xf32, #tpu.memory_space<vmem>>, vector<1x16xf32>,
      %add3A_111 = arith.constant 32 : i32
      %add3A_112 = arith.addi %mul3A_79, %add3A_111 : i32
      %get3A_113 = arith.index_cast %add3A_89 : i32 to index
      %get3A_114 = arith.index_cast %add3A_112 : i32 to index
      %get3A_115 = tpu.vector_load %arg7[%get3A_113, %get3A_114] {strides = array<i32>} : memref<128x128xf32, #tpu.memory_space<vmem>>, vector<1x16xf32>,
      %get3A_116 = vector.shape_cast %get3A_115 : vector<1x16xf32> to vector<16xf32>
      %swap3A_117 = arith.index_cast %add3A_85 : i32 to index
      %swap3A_118 = arith.constant 32 : index
      %swap3A_119 = tpu.vector_load %arg9[%swap3A_117, %swap3A_118] {strides = array<i32>} : memref<512x64xf32, #tpu.memory_space<vmem>>, vector<1x16xf32>,
      %swap3A_120 = vector.shape_cast %swap3A_119 : vector<1x16xf32> to vector<16xf32>
      %swap3A_121 = vector.shape_cast %get3A_116 : vector<16xf32> to vector<1x16xf32>
      tpu.vector_store %arg9[%swap3A_117, %swap3A_118], %swap3A_121 {strides = array<i32>} : memref<512x64xf32, #tpu.memory_space<vmem>>, vector<1x16xf32>,
      %add3A_122 = arith.constant 48 : i32
      %add3A_123 = arith.addi %mul3A_79, %add3A_122 : i32
      %get3A_124 = arith.index_cast %add3A_89 : i32 to index
      %get3A_125 = arith.index_cast %add3A_123 : i32 to index
      %get3A_126 = tpu.vector_load %arg7[%get3A_124, %get3A_125] {strides = array<i32>} : memref<128x128xf32, #tpu.memory_space<vmem>>, vector<1x16xf32>,
      %get3A_127 = vector.shape_cast %get3A_126 : vector<1x16xf32> to vector<16xf32>
      %swap3A_128 = arith.index_cast %add3A_85 : i32 to index
      %swap3A_129 = arith.constant 48 : index
      %swap3A_130 = tpu.vector_load %arg9[%swap3A_128, %swap3A_129] {strides = array<i32>} : memref<512x64xf32, #tpu.memory_space<vmem>>, vector<1x16xf32>,
      %swap3A_131 = vector.shape_cast %swap3A_130 : vector<1x16xf32> to vector<16xf32>
      %swap3A_132 = vector.shape_cast %get3A_127 : vector<16xf32> to vector<1x16xf32>
      tpu.vector_store %arg9[%swap3A_128, %swap3A_129], %swap3A_132 {strides = array<i32>} : memref<512x64xf32, #tpu.memory_space<vmem>>, vector<1x16xf32>,
      %slice3A_133 = vector.extract_strided_slice %get3A_76 {offsets = [1], sizes = [1], strides = [1]} : vector<16xi32> to vector<1xi32>
      %squeeze3A_134 = vector.extract %slice3A_133[0] : i32 from vector<1xi32>
      %and3A_135 = arith.constant 1 : i32
      %and3A_136 = arith.andi %squeeze3A_134, %and3A_135 : i32
      %mul3A_137 = arith.constant 64 : i32
      %mul3A_138 = arith.muli %and3A_136, %mul3A_137 : i32
      %mul3A_139 = arith.constant 16 : i32
      %mul3A_140 = arith.muli %scan3A_70, %mul3A_139 : i32
      %add3A_141 = arith.constant 0 : i32
      %add3A_142 = arith.addi %add3A_141, %mul3A_140 : i32
      %add3A_143 = arith.constant 1 : i32
      %add3A_144 = arith.addi %add3A_142, %add3A_143 : i32
      %mul3A_145 = arith.constant 16 : i32
      %mul3A_146 = arith.muli %scan3A_70, %mul3A_145 : i32
      %add3A_147 = arith.constant 1 : i32
      %add3A_148 = arith.addi %mul3A_146, %add3A_147 : i32
      %add3A_149 = arith.constant 0 : i32
      %add3A_150 = arith.addi %mul3A_138, %add3A_149 : i32
      %get3A_151 = arith.index_cast %add3A_148 : i32 to index
      %get3A_152 = arith.index_cast %add3A_150 : i32 to index
      %get3A_153 = tpu.vector_load %arg7[%get3A_151, %get3A_152] {strides = array<i32>} : memref<128x128xf32, #tpu.memory_space<vmem>>, vector<1x16xf32>,
      %get3A_154 = vector.shape_cast %get3A_153 : vector<1x16xf32> to vector<16xf32>
      %swap3A_155 = arith.index_cast %add3A_144 : i32 to index
      %swap3A_156 = arith.constant 0 : index
      %swap3A_157 = tpu.vector_load %arg9[%swap3A_155, %swap3A_156] {strides = array<i32>} : memref<512x64xf32, #tpu.memory_space<vmem>>, vector<1x16xf32>,
      %swap3A_158 = vector.shape_cast %swap3A_157 : vector<1x16xf32> to vector<16xf32>
      %swap3A_159 = vector.shape_cast %get3A_154 : vector<16xf32> to vector<1x16xf32>
      tpu.vector_store %arg9[%swap3A_155, %swap3A_156], %swap3A_159 {strides = array<i32>} : memref<512x64xf32, #tpu.memory_space<vmem>>, vector<1x16xf32>,
      %add3A_160 = arith.constant 16 : i32
      %add3A_161 = arith.addi %mul3A_138, %add3A_160 : i32
      %get3A_162 = arith.index_cast %add3A_148 : i32 to index
      %get3A_163 = arith.index_cast %add3A_161 : i32 to index
      %get3A_164 = tpu.vector_load %arg7[%get3A_162, %get3A_163] {strides = array<i32>} : memref<128x128xf32, #tpu.memory_space<vmem>>, vector<1x16xf32>,
      %get3A_165 = vector.shape_cast %get3A_164 : vector<1x16xf32> to vector<16xf32>
      %swap3A_166 = arith.index_cast %add3A_144 : i32 to index
      %swap3A_167 = arith.constant 16 : index
      %swap3A_168 = tpu.vector_load %arg9[%swap3A_166, %swap3A_167] {strides = array<i32>} : memref<512x64xf32, #tpu.memory_space<vmem>>, vector<1x16xf32>,
      %swap3A_169 = vector.shape_cast %swap3A_168 : vector<1x16xf32> to vector<16xf32>
      %swap3A_170 = vector.shape_cast %get3A_165 : vector<16xf32> to vector<1x16xf32>
      tpu.vector_store %arg9[%swap3A_166, %swap3A_167], %swap3A_170 {strides = array<i32>} : memref<512x64xf32, #tpu.memory_space<vmem>>, vector<1x16xf32>,
      %add3A_171 = arith.constant 32 : i32
      %add3A_172 = arith.addi %mul3A_138, %add3A_171 : i32
      %get3A_173 = arith.index_cast %add3A_148 : i32 to index
      %get3A_174 = arith.index_cast %add3A_172 : i32 to index
      %get3A_175 = tpu.vector_load %arg7[%get3A_173, %get3A_174] {strides = array<i32>} : memref<128x128xf32, #tpu.memory_space<vmem>>, vector<1x16xf32>,
      %get3A_176 = vector.shape_cast %get3A_175 : vector<1x16xf32> to vector<16xf32>
      %swap3A_177 = arith.index_cast %add3A_144 : i32 to index
      %swap3A_178 = arith.constant 32 : index
      %swap3A_179 = tpu.vector_load %arg9[%swap3A_177, %swap3A_178] {strides = array<i32>} : memref<512x64xf32, #tpu.memory_space<vmem>>, vector<1x16xf32>,
      %swap3A_180 = vector.shape_cast %swap3A_179 : vector<1x16xf32> to vector<16xf32>
      %swap3A_181 = vector.shape_cast %get3A_176 : vector<16xf32> to vector<1x16xf32>
      tpu.vector_store %arg9[%swap3A_177, %swap3A_178], %swap3A_181 {strides = array<i32>} : memref<512x64xf32, #tpu.memory_space<vmem>>, vector<1x16xf32>,
      %add3A_182 = arith.constant 48 : i32
      %add3A_183 = arith.addi %mul3A_138, %add3A_182 : i32
      %get3A_184 = arith.index_cast %add3A_148 : i32 to index
      %get3A_185 = arith.index_cast %add3A_183 : i32 to index
      %get3A_186 = tpu.vector_load %arg7[%get3A_184, %get3A_185] {strides = array<i32>} : memref<128x128xf32, #tpu.memory_space<vmem>>, vector<1x16xf32>,
      %get3A_187 = vector.shape_cast %get3A_186 : vector<1x16xf32> to vector<16xf32>
      %swap3A_188 = arith.index_cast %add3A_144 : i32 to index
      %swap3A_189 = arith.constant 48 : index
      %swap3A_190 = tpu.vector_load %arg9[%swap3A_188, %swap3A_189] {strides = array<i32>} : memref<512x64xf32, #tpu.memory_space<vmem>>, vector<1x16xf32>,
      %swap3A_191 = vector.shape_cast %swap3A_190 : vector<1x16xf32> to vector<16xf32>
      %swap3A_192 = vector.shape_cast %get3A_187 : vector<16xf32> to vector<1x16xf32>
      tpu.vector_store %arg9[%swap3A_188, %swap3A_189], %swap3A_192 {strides = array<i32>} : memref<512x64xf32, #tpu.memory_space<vmem>>, vector<1x16xf32>,
      %slice3A_193 = vector.extract_strided_slice %get3A_76 {offsets = [2], sizes = [1], strides = [1]} : vector<16xi32> to vector<1xi32>
      %squeeze3A_194 = vector.extract %slice3A_193[0] : i32 from vector<1xi32>
      %and3A_195 = arith.constant 1 : i32
      %and3A_196 = arith.andi %squeeze3A_194, %and3A_195 : i32
      %mul3A_197 = arith.constant 64 : i32
      %mul3A_198 = arith.muli %and3A_196, %mul3A_197 : i32
      %mul3A_199 = arith.constant 16 : i32
      %mul3A_200 = arith.muli %scan3A_70, %mul3A_199 : i32
      %add3A_201 = arith.constant 0 : i32
      %add3A_202 = arith.addi %add3A_201, %mul3A_200 : i32
      %add3A_203 = arith.constant 2 : i32
      %add3A_204 = arith.addi %add3A_202, %add3A_203 : i32
      %mul3A_205 = arith.constant 16 : i32
      %mul3A_206 = arith.muli %scan3A_70, %mul3A_205 : i32
      %add3A_207 = arith.constant 2 : i32
      %add3A_208 = arith.addi %mul3A_206, %add3A_207 : i32
      %add3A_209 = arith.constant 0 : i32
      %add3A_210 = arith.addi %mul3A_198, %add3A_209 : i32
      %get3A_211 = arith.index_cast %add3A_208 : i32 to index
      %get3A_212 = arith.index_cast %add3A_210 : i32 to index
      %get3A_213 = tpu.vector_load %arg7[%get3A_211, %get3A_212] {strides = array<i32>} : memref<128x128xf32, #tpu.memory_space<vmem>>, vector<1x16xf32>,
      %get3A_214 = vector.shape_cast %get3A_213 : vector<1x16xf32> to vector<16xf32>
      %swap3A_215 = arith.index_cast %add3A_204 : i32 to index
      %swap3A_216 = arith.constant 0 : index
      %swap3A_217 = tpu.vector_load %arg9[%swap3A_215, %swap3A_216] {strides = array<i32>} : memref<512x64xf32, #tpu.memory_space<vmem>>, vector<1x16xf32>,
      %swap3A_218 = vector.shape_cast %swap3A_217 : vector<1x16xf32> to vector<16xf32>
      %swap3A_219 = vector.shape_cast %get3A_214 : vector<16xf32> to vector<1x16xf32>
      tpu.vector_store %arg9[%swap3A_215, %swap3A_216], %swap3A_219 {strides = array<i32>} : memref<512x64xf32, #tpu.memory_space<vmem>>, vector<1x16xf32>,
      %add3A_220 = arith.constant 16 : i32
      %add3A_221 = arith.addi %mul3A_198, %add3A_220 : i32
      %get3A_222 = arith.index_cast %add3A_208 : i32 to index
      %get3A_223 = arith.index_cast %add3A_221 : i32 to index
      %get3A_224 = tpu.vector_load %arg7[%get3A_222, %get3A_223] {strides = array<i32>} : memref<128x128xf32, #tpu.memory_space<vmem>>, vector<1x16xf32>,
      %get3A_225 = vector.shape_cast %get3A_224 : vector<1x16xf32> to vector<16xf32>
      %swap3A_226 = arith.index_cast %add3A_204 : i32 to index
      %swap3A_227 = arith.constant 16 : index
      %swap3A_228 = tpu.vector_load %arg9[%swap3A_226, %swap3A_227] {strides = array<i32>} : memref<512x64xf32, #tpu.memory_space<vmem>>, vector<1x16xf32>,
      %swap3A_229 = vector.shape_cast %swap3A_228 : vector<1x16xf32> to vector<16xf32>
      %swap3A_230 = vector.shape_cast %get3A_225 : vector<16xf32> to vector<1x16xf32>
      tpu.vector_store %arg9[%swap3A_226, %swap3A_227], %swap3A_230 {strides = array<i32>} : memref<512x64xf32, #tpu.memory_space<vmem>>, vector<1x16xf32>,
      %add3A_231 = arith.constant 32 : i32
      %add3A_232 = arith.addi %mul3A_198, %add3A_231 : i32
      %get3A_233 = arith.index_cast %add3A_208 : i32 to index
      %get3A_234 = arith.index_cast %add3A_232 : i32 to index
      %get3A_235 = tpu.vector_load %arg7[%get3A_233, %get3A_234] {strides = array<i32>} : memref<128x128xf32, #tpu.memory_space<vmem>>, vector<1x16xf32>,
      %get3A_236 = vector.shape_cast %get3A_235 : vector<1x16xf32> to vector<16xf32>
      %swap3A_237 = arith.index_cast %add3A_204 : i32 to index
      %swap3A_238 = arith.constant 32 : index
      %swap3A_239 = tpu.vector_load %arg9[%swap3A_237, %swap3A_238] {strides = array<i32>} : memref<512x64xf32, #tpu.memory_space<vmem>>, vector<1x16xf32>,
      %swap3A_240 = vector.shape_cast %swap3A_239 : vector<1x16xf32> to vector<16xf32>
      %swap3A_241 = vector.shape_cast %get3A_236 : vector<16xf32> to vector<1x16xf32>
      tpu.vector_store %arg9[%swap3A_237, %swap3A_238], %swap3A_241 {strides = array<i32>} : memref<512x64xf32, #tpu.memory_space<vmem>>, vector<1x16xf32>,
      %add3A_242 = arith.constant 48 : i32
      %add3A_243 = arith.addi %mul3A_198, %add3A_242 : i32
      %get3A_244 = arith.index_cast %add3A_208 : i32 to index
      %get3A_245 = arith.index_cast %add3A_243 : i32 to index
      %get3A_246 = tpu.vector_load %arg7[%get3A_244, %get3A_245] {strides = array<i32>} : memref<128x128xf32, #tpu.memory_space<vmem>>, vector<1x16xf32>,
      %get3A_247 = vector.shape_cast %get3A_246 : vector<1x16xf32> to vector<16xf32>
      %swap3A_248 = arith.index_cast %add3A_204 : i32 to index
      %swap3A_249 = arith.constant 48 : index
      %swap3A_250 = tpu.vector_load %arg9[%swap3A_248, %swap3A_249] {strides = array<i32>} : memref<512x64xf32, #tpu.memory_space<vmem>>, vector<1x16xf32>,
      %swap3A_251 = vector.shape_cast %swap3A_250 : vector<1x16xf32> to vector<16xf32>
      %swap3A_252 = vector.shape_cast %get3A_247 : vector<16xf32> to vector<1x16xf32>
      tpu.vector_store %arg9[%swap3A_248, %swap3A_249], %swap3A_252 {strides = array<i32>} : memref<512x64xf32, #tpu.memory_space<vmem>>, vector<1x16xf32>,
      %slice3A_253 = vector.extract_strided_slice %get3A_76 {offsets = [3], sizes = [1], strides = [1]} : vector<16xi32> to vector<1xi32>
      %squeeze3A_254 = vector.extract %slice3A_253[0] : i32 from vector<1xi32>
      %and3A_255 = arith.constant 1 : i32
      %and3A_256 = arith.andi %squeeze3A_254, %and3A_255 : i32
      %mul3A_257 = arith.constant 64 : i32
      %mul3A_258 = arith.muli %and3A_256, %mul3A_257 : i32
      %mul3A_259 = arith.constant 16 : i32
      %mul3A_260 = arith.muli %scan3A_70, %mul3A_259 : i32
      %add3A_261 = arith.constant 0 : i32
      %add3A_262 = arith.addi %add3A_261, %mul3A_260 : i32
      %add3A_263 = arith.constant 3 : i32
      %add3A_264 = arith.addi %add3A_262, %add3A_263 : i32
      %mul3A_265 = arith.constant 16 : i32
      %mul3A_266 = arith.muli %scan3A_70, %mul3A_265 : i32
      %add3A_267 = arith.constant 3 : i32
      %add3A_268 = arith.addi %mul3A_266, %add3A_267 : i32
      %add3A_269 = arith.constant 0 : i32
      %add3A_270 = arith.addi %mul3A_258, %add3A_269 : i32
      %get3A_271 = arith.index_cast %add3A_268 : i32 to index
      %get3A_272 = arith.index_cast %add3A_270 : i32 to index
      %get3A_273 = tpu.vector_load %arg7[%get3A_271, %get3A_272] {strides = array<i32>} : memref<128x128xf32, #tpu.memory_space<vmem>>, vector<1x16xf32>,
      %get3A_274 = vector.shape_cast %get3A_273 : vector<1x16xf32> to vector<16xf32>
      %swap3A_275 = arith.index_cast %add3A_264 : i32 to index
      %swap3A_276 = arith.constant 0 : index
      %swap3A_277 = tpu.vector_load %arg9[%swap3A_275, %swap3A_276] {strides = array<i32>} : memref<512x64xf32, #tpu.memory_space<vmem>>, vector<1x16xf32>,
      %swap3A_278 = vector.shape_cast %swap3A_277 : vector<1x16xf32> to vector<16xf32>
      %swap3A_279 = vector.shape_cast %get3A_274 : vector<16xf32> to vector<1x16xf32>
      tpu.vector_store %arg9[%swap3A_275, %swap3A_276], %swap3A_279 {strides = array<i32>} : memref<512x64xf32, #tpu.memory_space<vmem>>, vector<1x16xf32>,
      %add3A_280 = arith.constant 16 : i32
      %add3A_281 = arith.addi %mul3A_258, %add3A_280 : i32
      %get3A_282 = arith.index_cast %add3A_268 : i32 to index
      %get3A_283 = arith.index_cast %add3A_281 : i32 to index
      %get3A_284 = tpu.vector_load %arg7[%get3A_282, %get3A_283] {strides = array<i32>} : memref<128x128xf32, #tpu.memory_space<vmem>>, vector<1x16xf32>,
      %get3A_285 = vector.shape_cast %get3A_284 : vector<1x16xf32> to vector<16xf32>
      %swap3A_286 = arith.index_cast %add3A_264 : i32 to index
      %swap3A_287 = arith.constant 16 : index
      %swap3A_288 = tpu.vector_load %arg9[%swap3A_286, %swap3A_287] {strides = array<i32>} : memref<512x64xf32, #tpu.memory_space<vmem>>, vector<1x16xf32>,
      %swap3A_289 = vector.shape_cast %swap3A_288 : vector<1x16xf32> to vector<16xf32>
      %swap3A_290 = vector.shape_cast %get3A_285 : vector<16xf32> to vector<1x16xf32>
      tpu.vector_store %arg9[%swap3A_286, %swap3A_287], %swap3A_290 {strides = array<i32>} : memref<512x64xf32, #tpu.memory_space<vmem>>, vector<1x16xf32>,
      %add3A_291 = arith.constant 32 : i32
      %add3A_292 = arith.addi %mul3A_258, %add3A_291 : i32
      %get3A_293 = arith.index_cast %add3A_268 : i32 to index
      %get3A_294 = arith.index_cast %add3A_292 : i32 to index
      %get3A_295 = tpu.vector_load %arg7[%get3A_293, %get3A_294] {strides = array<i32>} : memref<128x128xf32, #tpu.memory_space<vmem>>, vector<1x16xf32>,
      %get3A_296 = vector.shape_cast %get3A_295 : vector<1x16xf32> to vector<16xf32>
      %swap3A_297 = arith.index_cast %add3A_264 : i32 to index
      %swap3A_298 = arith.constant 32 : index
      %swap3A_299 = tpu.vector_load %arg9[%swap3A_297, %swap3A_298] {strides = array<i32>} : memref<512x64xf32, #tpu.memory_space<vmem>>, vector<1x16xf32>,
      %swap3A_300 = vector.shape_cast %swap3A_299 : vector<1x16xf32> to vector<16xf32>
      %swap3A_301 = vector.shape_cast %get3A_296 : vector<16xf32> to vector<1x16xf32>
      tpu.vector_store %arg9[%swap3A_297, %swap3A_298], %swap3A_301 {strides = array<i32>} : memref<512x64xf32, #tpu.memory_space<vmem>>, vector<1x16xf32>,
      %add3A_302 = arith.constant 48 : i32
      %add3A_303 = arith.addi %mul3A_258, %add3A_302 : i32
      %get3A_304 = arith.index_cast %add3A_268 : i32 to index
      %get3A_305 = arith.index_cast %add3A_303 : i32 to index
      %get3A_306 = tpu.vector_load %arg7[%get3A_304, %get3A_305] {strides = array<i32>} : memref<128x128xf32, #tpu.memory_space<vmem>>, vector<1x16xf32>,
      %get3A_307 = vector.shape_cast %get3A_306 : vector<1x16xf32> to vector<16xf32>
      %swap3A_308 = arith.index_cast %add3A_264 : i32 to index
      %swap3A_309 = arith.constant 48 : index
      %swap3A_310 = tpu.vector_load %arg9[%swap3A_308, %swap3A_309] {strides = array<i32>} : memref<512x64xf32, #tpu.memory_space<vmem>>, vector<1x16xf32>,
      %swap3A_311 = vector.shape_cast %swap3A_310 : vector<1x16xf32> to vector<16xf32>
      %swap3A_312 = vector.shape_cast %get3A_307 : vector<16xf32> to vector<1x16xf32>
      tpu.vector_store %arg9[%swap3A_308, %swap3A_309], %swap3A_312 {strides = array<i32>} : memref<512x64xf32, #tpu.memory_space<vmem>>, vector<1x16xf32>,
      %slice3A_313 = vector.extract_strided_slice %get3A_76 {offsets = [4], sizes = [1], strides = [1]} : vector<16xi32> to vector<1xi32>
      %squeeze3A_314 = vector.extract %slice3A_313[0] : i32 from vector<1xi32>
      %and3A_315 = arith.constant 1 : i32
      %and3A_316 = arith.andi %squeeze3A_314, %and3A_315 : i32
      %mul3A_317 = arith.constant 64 : i32
      %mul3A_318 = arith.muli %and3A_316, %mul3A_317 : i32
      %mul3A_319 = arith.constant 16 : i32
      %mul3A_320 = arith.muli %scan3A_70, %mul3A_319 : i32
      %add3A_321 = arith.constant 0 : i32
      %add3A_322 = arith.addi %add3A_321, %mul3A_320 : i32
      %add3A_323 = arith.constant 4 : i32
      %add3A_324 = arith.addi %add3A_322, %add3A_323 : i32
      %mul3A_325 = arith.constant 16 : i32
      %mul3A_326 = arith.muli %scan3A_70, %mul3A_325 : i32
      %add3A_327 = arith.constant 4 : i32
      %add3A_328 = arith.addi %mul3A_326, %add3A_327 : i32
      %add3A_329 = arith.constant 0 : i32
      %add3A_330 = arith.addi %mul3A_318, %add3A_329 : i32
      %get3A_331 = arith.index_cast %add3A_328 : i32 to index
      %get3A_332 = arith.index_cast %add3A_330 : i32 to index
      %get3A_333 = tpu.vector_load %arg7[%get3A_331, %get3A_332] {strides = array<i32>} : memref<128x128xf32, #tpu.memory_space<vmem>>, vector<1x16xf32>,
      %get3A_334 = vector.shape_cast %get3A_333 : vector<1x16xf32> to vector<16xf32>
      %swap3A_335 = arith.index_cast %add3A_324 : i32 to index
      %swap3A_336 = arith.constant 0 : index
      %swap3A_337 = tpu.vector_load %arg9[%swap3A_335, %swap3A_336] {strides = array<i32>} : memref<512x64xf32, #tpu.memory_space<vmem>>, vector<1x16xf32>,
      %swap3A_338 = vector.shape_cast %swap3A_337 : vector<1x16xf32> to vector<16xf32>
      %swap3A_339 = vector.shape_cast %get3A_334 : vector<16xf32> to vector<1x16xf32>
      tpu.vector_store %arg9[%swap3A_335, %swap3A_336], %swap3A_339 {strides = array<i32>} : memref<512x64xf32, #tpu.memory_space<vmem>>, vector<1x16xf32>,
      %add3A_340 = arith.constant 16 : i32
      %add3A_341 = arith.addi %mul3A_318, %add3A_340 : i32
      %get3A_342 = arith.index_cast %add3A_328 : i32 to index
      %get3A_343 = arith.index_cast %add3A_341 : i32 to index
      %get3A_344 = tpu.vector_load %arg7[%get3A_342, %get3A_343] {strides = array<i32>} : memref<128x128xf32, #tpu.memory_space<vmem>>, vector<1x16xf32>,
      %get3A_345 = vector.shape_cast %get3A_344 : vector<1x16xf32> to vector<16xf32>
      %swap3A_346 = arith.index_cast %add3A_324 : i32 to index
      %swap3A_347 = arith.constant 16 : index
      %swap3A_348 = tpu.vector_load %arg9[%swap3A_346, %swap3A_347] {strides = array<i32>} : memref<512x64xf32, #tpu.memory_space<vmem>>, vector<1x16xf32>,
      %swap3A_349 = vector.shape_cast %swap3A_348 : vector<1x16xf32> to vector<16xf32>
      %swap3A_350 = vector.shape_cast %get3A_345 : vector<16xf32> to vector<1x16xf32>
      tpu.vector_store %arg9[%swap3A_346, %swap3A_347], %swap3A_350 {strides = array<i32>} : memref<512x64xf32, #tpu.memory_space<vmem>>, vector<1x16xf32>,
      %add3A_351 = arith.constant 32 : i32
      %add3A_352 = arith.addi %mul3A_318, %add3A_351 : i32
      %get3A_353 = arith.index_cast %add3A_328 : i32 to index
      %get3A_354 = arith.index_cast %add3A_352 : i32 to index
      %get3A_355 = tpu.vector_load %arg7[%get3A_353, %get3A_354] {strides = array<i32>} : memref<128x128xf32, #tpu.memory_space<vmem>>, vector<1x16xf32>,
      %get3A_356 = vector.shape_cast %get3A_355 : vector<1x16xf32> to vector<16xf32>
      %swap3A_357 = arith.index_cast %add3A_324 : i32 to index
      %swap3A_358 = arith.constant 32 : index
      %swap3A_359 = tpu.vector_load %arg9[%swap3A_357, %swap3A_358] {strides = array<i32>} : memref<512x64xf32, #tpu.memory_space<vmem>>, vector<1x16xf32>,
      %swap3A_360 = vector.shape_cast %swap3A_359 : vector<1x16xf32> to vector<16xf32>
      %swap3A_361 = vector.shape_cast %get3A_356 : vector<16xf32> to vector<1x16xf32>
      tpu.vector_store %arg9[%swap3A_357, %swap3A_358], %swap3A_361 {strides = array<i32>} : memref<512x64xf32, #tpu.memory_space<vmem>>, vector<1x16xf32>,
      %add3A_362 = arith.constant 48 : i32
      %add3A_363 = arith.addi %mul3A_318, %add3A_362 : i32
      %get3A_364 = arith.index_cast %add3A_328 : i32 to index
      %get3A_365 = arith.index_cast %add3A_363 : i32 to index
      %get3A_366 = tpu.vector_load %arg7[%get3A_364, %get3A_365] {strides = array<i32>} : memref<128x128xf32, #tpu.memory_space<vmem>>, vector<1x16xf32>,
      %get3A_367 = vector.shape_cast %get3A_366 : vector<1x16xf32> to vector<16xf32>
      %swap3A_368 = arith.index_cast %add3A_324 : i32 to index
      %swap3A_369 = arith.constant 48 : index
      %swap3A_370 = tpu.vector_load %arg9[%swap3A_368, %swap3A_369] {strides = array<i32>} : memref<512x64xf32, #tpu.memory_space<vmem>>, vector<1x16xf32>,
      %swap3A_371 = vector.shape_cast %swap3A_370 : vector<1x16xf32> to vector<16xf32>
      %swap3A_372 = vector.shape_cast %get3A_367 : vector<16xf32> to vector<1x16xf32>
      tpu.vector_store %arg9[%swap3A_368, %swap3A_369], %swap3A_372 {strides = array<i32>} : memref<512x64xf32, #tpu.memory_space<vmem>>, vector<1x16xf32>,
      %slice3A_373 = vector.extract_strided_slice %get3A_76 {offsets = [5], sizes = [1], strides = [1]} : vector<16xi32> to vector<1xi32>
      %squeeze3A_374 = vector.extract %slice3A_373[0] : i32 from vector<1xi32>
      %and3A_375 = arith.constant 1 : i32
      %and3A_376 = arith.andi %squeeze3A_374, %and3A_375 : i32
      %mul3A_377 = arith.constant 64 : i32
      %mul3A_378 = arith.muli %and3A_376, %mul3A_377 : i32
      %mul3A_379 = arith.constant 16 : i32
      %mul3A_380 = arith.muli %scan3A_70, %mul3A_379 : i32
      %add3A_381 = arith.constant 0 : i32
      %add3A_382 = arith.addi %add3A_381, %mul3A_380 : i32
      %add3A_383 = arith.constant 5 : i32
      %add3A_384 = arith.addi %add3A_382, %add3A_383 : i32
      %mul3A_385 = arith.constant 16 : i32
      %mul3A_386 = arith.muli %scan3A_70, %mul3A_385 : i32
      %add3A_387 = arith.constant 5 : i32
      %add3A_388 = arith.addi %mul3A_386, %add3A_387 : i32
      %add3A_389 = arith.constant 0 : i32
      %add3A_390 = arith.addi %mul3A_378, %add3A_389 : i32
      %get3A_391 = arith.index_cast %add3A_388 : i32 to index
      %get3A_392 = arith.index_cast %add3A_390 : i32 to index
      %get3A_393 = tpu.vector_load %arg7[%get3A_391, %get3A_392] {strides = array<i32>} : memref<128x128xf32, #tpu.memory_space<vmem>>, vector<1x16xf32>,
      %get3A_394 = vector.shape_cast %get3A_393 : vector<1x16xf32> to vector<16xf32>
      %swap3A_395 = arith.index_cast %add3A_384 : i32 to index
      %swap3A_396 = arith.constant 0 : index
      %swap3A_397 = tpu.vector_load %arg9[%swap3A_395, %swap3A_396] {strides = array<i32>} : memref<512x64xf32, #tpu.memory_space<vmem>>, vector<1x16xf32>,
      %swap3A_398 = vector.shape_cast %swap3A_397 : vector<1x16xf32> to vector<16xf32>
      %swap3A_399 = vector.shape_cast %get3A_394 : vector<16xf32> to vector<1x16xf32>
      tpu.vector_store %arg9[%swap3A_395, %swap3A_396], %swap3A_399 {strides = array<i32>} : memref<512x64xf32, #tpu.memory_space<vmem>>, vector<1x16xf32>,
      %add3A_400 = arith.constant 16 : i32
      %add3A_401 = arith.addi %mul3A_378, %add3A_400 : i32
      %get3A_402 = arith.index_cast %add3A_388 : i32 to index
      %get3A_403 = arith.index_cast %add3A_401 : i32 to index
      %get3A_404 = tpu.vector_load %arg7[%get3A_402, %get3A_403] {strides = array<i32>} : memref<128x128xf32, #tpu.memory_space<vmem>>, vector<1x16xf32>,
      %get3A_405 = vector.shape_cast %get3A_404 : vector<1x16xf32> to vector<16xf32>
      %swap3A_406 = arith.index_cast %add3A_384 : i32 to index
      %swap3A_407 = arith.constant 16 : index
      %swap3A_408 = tpu.vector_load %arg9[%swap3A_406, %swap3A_407] {strides = array<i32>} : memref<512x64xf32, #tpu.memory_space<vmem>>, vector<1x16xf32>,
      %swap3A_409 = vector.shape_cast %swap3A_408 : vector<1x16xf32> to vector<16xf32>
      %swap3A_410 = vector.shape_cast %get3A_405 : vector<16xf32> to vector<1x16xf32>
      tpu.vector_store %arg9[%swap3A_406, %swap3A_407], %swap3A_410 {strides = array<i32>} : memref<512x64xf32, #tpu.memory_space<vmem>>, vector<1x16xf32>,
      %add3A_411 = arith.constant 32 : i32
      %add3A_412 = arith.addi %mul3A_378, %add3A_411 : i32
      %get3A_413 = arith.index_cast %add3A_388 : i32 to index
      %get3A_414 = arith.index_cast %add3A_412 : i32 to index
      %get3A_415 = tpu.vector_load %arg7[%get3A_413, %get3A_414] {strides = array<i32>} : memref<128x128xf32, #tpu.memory_space<vmem>>, vector<1x16xf32>,
      %get3A_416 = vector.shape_cast %get3A_415 : vector<1x16xf32> to vector<16xf32>
      %swap3A_417 = arith.index_cast %add3A_384 : i32 to index
      %swap3A_418 = arith.constant 32 : index
      %swap3A_419 = tpu.vector_load %arg9[%swap3A_417, %swap3A_418] {strides = array<i32>} : memref<512x64xf32, #tpu.memory_space<vmem>>, vector<1x16xf32>,
      %swap3A_420 = vector.shape_cast %swap3A_419 : vector<1x16xf32> to vector<16xf32>
      %swap3A_421 = vector.shape_cast %get3A_416 : vector<16xf32> to vector<1x16xf32>
      tpu.vector_store %arg9[%swap3A_417, %swap3A_418], %swap3A_421 {strides = array<i32>} : memref<512x64xf32, #tpu.memory_space<vmem>>, vector<1x16xf32>,
      %add3A_422 = arith.constant 48 : i32
      %add3A_423 = arith.addi %mul3A_378, %add3A_422 : i32
      %get3A_424 = arith.index_cast %add3A_388 : i32 to index
      %get3A_425 = arith.index_cast %add3A_423 : i32 to index
      %get3A_426 = tpu.vector_load %arg7[%get3A_424, %get3A_425] {strides = array<i32>} : memref<128x128xf32, #tpu.memory_space<vmem>>, vector<1x16xf32>,
      %get3A_427 = vector.shape_cast %get3A_426 : vector<1x16xf32> to vector<16xf32>
      %swap3A_428 = arith.index_cast %add3A_384 : i32 to index
      %swap3A_429 = arith.constant 48 : index
      %swap3A_430 = tpu.vector_load %arg9[%swap3A_428, %swap3A_429] {strides = array<i32>} : memref<512x64xf32, #tpu.memory_space<vmem>>, vector<1x16xf32>,
      %swap3A_431 = vector.shape_cast %swap3A_430 : vector<1x16xf32> to vector<16xf32>
      %swap3A_432 = vector.shape_cast %get3A_427 : vector<16xf32> to vector<1x16xf32>
      tpu.vector_store %arg9[%swap3A_428, %swap3A_429], %swap3A_432 {strides = array<i32>} : memref<512x64xf32, #tpu.memory_space<vmem>>, vector<1x16xf32>,
      %slice3A_433 = vector.extract_strided_slice %get3A_76 {offsets = [6], sizes = [1], strides = [1]} : vector<16xi32> to vector<1xi32>
      %squeeze3A_434 = vector.extract %slice3A_433[0] : i32 from vector<1xi32>
      %and3A_435 = arith.constant 1 : i32
      %and3A_436 = arith.andi %squeeze3A_434, %and3A_435 : i32
      %mul3A_437 = arith.constant 64 : i32
      %mul3A_438 = arith.muli %and3A_436, %mul3A_437 : i32
      %mul3A_439 = arith.constant 16 : i32
      %mul3A_440 = arith.muli %scan3A_70, %mul3A_439 : i32
      %add3A_441 = arith.constant 0 : i32
      %add3A_442 = arith.addi %add3A_441, %mul3A_440 : i32
      %add3A_443 = arith.constant 6 : i32
      %add3A_444 = arith.addi %add3A_442, %add3A_443 : i32
      %mul3A_445 = arith.constant 16 : i32
      %mul3A_446 = arith.muli %scan3A_70, %mul3A_445 : i32
      %add3A_447 = arith.constant 6 : i32
      %add3A_448 = arith.addi %mul3A_446, %add3A_447 : i32
      %add3A_449 = arith.constant 0 : i32
      %add3A_450 = arith.addi %mul3A_438, %add3A_449 : i32
      %get3A_451 = arith.index_cast %add3A_448 : i32 to index
      %get3A_452 = arith.index_cast %add3A_450 : i32 to index
      %get3A_453 = tpu.vector_load %arg7[%get3A_451, %get3A_452] {strides = array<i32>} : memref<128x128xf32, #tpu.memory_space<vmem>>, vector<1x16xf32>,
      %get3A_454 = vector.shape_cast %get3A_453 : vector<1x16xf32> to vector<16xf32>
      %swap3A_455 = arith.index_cast %add3A_444 : i32 to index
      %swap3A_456 = arith.constant 0 : index
      %swap3A_457 = tpu.vector_load %arg9[%swap3A_455, %swap3A_456] {strides = array<i32>} : memref<512x64xf32, #tpu.memory_space<vmem>>, vector<1x16xf32>,
      %swap3A_458 = vector.shape_cast %swap3A_457 : vector<1x16xf32> to vector<16xf32>
      %swap3A_459 = vector.shape_cast %get3A_454 : vector<16xf32> to vector<1x16xf32>
      tpu.vector_store %arg9[%swap3A_455, %swap3A_456], %swap3A_459 {strides = array<i32>} : memref<512x64xf32, #tpu.memory_space<vmem>>, vector<1x16xf32>,
      %add3A_460 = arith.constant 16 : i32
      %add3A_461 = arith.addi %mul3A_438, %add3A_460 : i32
      %get3A_462 = arith.index_cast %add3A_448 : i32 to index
      %get3A_463 = arith.index_cast %add3A_461 : i32 to index
      %get3A_464 = tpu.vector_load %arg7[%get3A_462, %get3A_463] {strides = array<i32>} : memref<128x128xf32, #tpu.memory_space<vmem>>, vector<1x16xf32>,
      %get3A_465 = vector.shape_cast %get3A_464 : vector<1x16xf32> to vector<16xf32>
      %swap3A_466 = arith.index_cast %add3A_444 : i32 to index
      %swap3A_467 = arith.constant 16 : index
      %swap3A_468 = tpu.vector_load %arg9[%swap3A_466, %swap3A_467] {strides = array<i32>} : memref<512x64xf32, #tpu.memory_space<vmem>>, vector<1x16xf32>,
      %swap3A_469 = vector.shape_cast %swap3A_468 : vector<1x16xf32> to vector<16xf32>
      %swap3A_470 = vector.shape_cast %get3A_465 : vector<16xf32> to vector<1x16xf32>
      tpu.vector_store %arg9[%swap3A_466, %swap3A_467], %swap3A_470 {strides = array<i32>} : memref<512x64xf32, #tpu.memory_space<vmem>>, vector<1x16xf32>,
      %add3A_471 = arith.constant 32 : i32
      %add3A_472 = arith.addi %mul3A_438, %add3A_471 : i32
      %get3A_473 = arith.index_cast %add3A_448 : i32 to index
      %get3A_474 = arith.index_cast %add3A_472 : i32 to index
      %get3A_475 = tpu.vector_load %arg7[%get3A_473, %get3A_474] {strides = array<i32>} : memref<128x128xf32, #tpu.memory_space<vmem>>, vector<1x16xf32>,
      %get3A_476 = vector.shape_cast %get3A_475 : vector<1x16xf32> to vector<16xf32>
      %swap3A_477 = arith.index_cast %add3A_444 : i32 to index
      %swap3A_478 = arith.constant 32 : index
      %swap3A_479 = tpu.vector_load %arg9[%swap3A_477, %swap3A_478] {strides = array<i32>} : memref<512x64xf32, #tpu.memory_space<vmem>>, vector<1x16xf32>,
      %swap3A_480 = vector.shape_cast %swap3A_479 : vector<1x16xf32> to vector<16xf32>
      %swap3A_481 = vector.shape_cast %get3A_476 : vector<16xf32> to vector<1x16xf32>
      tpu.vector_store %arg9[%swap3A_477, %swap3A_478], %swap3A_481 {strides = array<i32>} : memref<512x64xf32, #tpu.memory_space<vmem>>, vector<1x16xf32>,
      %add3A_482 = arith.constant 48 : i32
      %add3A_483 = arith.addi %mul3A_438, %add3A_482 : i32
      %get3A_484 = arith.index_cast %add3A_448 : i32 to index
      %get3A_485 = arith.index_cast %add3A_483 : i32 to index
      %get3A_486 = tpu.vector_load %arg7[%get3A_484, %get3A_485] {strides = array<i32>} : memref<128x128xf32, #tpu.memory_space<vmem>>, vector<1x16xf32>,
      %get3A_487 = vector.shape_cast %get3A_486 : vector<1x16xf32> to vector<16xf32>
      %swap3A_488 = arith.index_cast %add3A_444 : i32 to index
      %swap3A_489 = arith.constant 48 : index
      %swap3A_490 = tpu.vector_load %arg9[%swap3A_488, %swap3A_489] {strides = array<i32>} : memref<512x64xf32, #tpu.memory_space<vmem>>, vector<1x16xf32>,
      %swap3A_491 = vector.shape_cast %swap3A_490 : vector<1x16xf32> to vector<16xf32>
      %swap3A_492 = vector.shape_cast %get3A_487 : vector<16xf32> to vector<1x16xf32>
      tpu.vector_store %arg9[%swap3A_488, %swap3A_489], %swap3A_492 {strides = array<i32>} : memref<512x64xf32, #tpu.memory_space<vmem>>, vector<1x16xf32>,
      %slice3A_493 = vector.extract_strided_slice %get3A_76 {offsets = [7], sizes = [1], strides = [1]} : vector<16xi32> to vector<1xi32>
      %squeeze3A_494 = vector.extract %slice3A_493[0] : i32 from vector<1xi32>
      %and3A_495 = arith.constant 1 : i32
      %and3A_496 = arith.andi %squeeze3A_494, %and3A_495 : i32
      %mul3A_497 = arith.constant 64 : i32
      %mul3A_498 = arith.muli %and3A_496, %mul3A_497 : i32
      %mul3A_499 = arith.constant 16 : i32
      %mul3A_500 = arith.muli %scan3A_70, %mul3A_499 : i32
      %add3A_501 = arith.constant 0 : i32
      %add3A_502 = arith.addi %add3A_501, %mul3A_500 : i32
      %add3A_503 = arith.constant 7 : i32
      %add3A_504 = arith.addi %add3A_502, %add3A_503 : i32
      %mul3A_505 = arith.constant 16 : i32
      %mul3A_506 = arith.muli %scan3A_70, %mul3A_505 : i32
      %add3A_507 = arith.constant 7 : i32
      %add3A_508 = arith.addi %mul3A_506, %add3A_507 : i32
      %add3A_509 = arith.constant 0 : i32
      %add3A_510 = arith.addi %mul3A_498, %add3A_509 : i32
      %get3A_511 = arith.index_cast %add3A_508 : i32 to index
      %get3A_512 = arith.index_cast %add3A_510 : i32 to index
      %get3A_513 = tpu.vector_load %arg7[%get3A_511, %get3A_512] {strides = array<i32>} : memref<128x128xf32, #tpu.memory_space<vmem>>, vector<1x16xf32>,
      %get3A_514 = vector.shape_cast %get3A_513 : vector<1x16xf32> to vector<16xf32>
      %swap3A_515 = arith.index_cast %add3A_504 : i32 to index
      %swap3A_516 = arith.constant 0 : index
      %swap3A_517 = tpu.vector_load %arg9[%swap3A_515, %swap3A_516] {strides = array<i32>} : memref<512x64xf32, #tpu.memory_space<vmem>>, vector<1x16xf32>,
      %swap3A_518 = vector.shape_cast %swap3A_517 : vector<1x16xf32> to vector<16xf32>
      %swap3A_519 = vector.shape_cast %get3A_514 : vector<16xf32> to vector<1x16xf32>
      tpu.vector_store %arg9[%swap3A_515, %swap3A_516], %swap3A_519 {strides = array<i32>} : memref<512x64xf32, #tpu.memory_space<vmem>>, vector<1x16xf32>,
      %add3A_520 = arith.constant 16 : i32
      %add3A_521 = arith.addi %mul3A_498, %add3A_520 : i32
      %get3A_522 = arith.index_cast %add3A_508 : i32 to index
      %get3A_523 = arith.index_cast %add3A_521 : i32 to index
      %get3A_524 = tpu.vector_load %arg7[%get3A_522, %get3A_523] {strides = array<i32>} : memref<128x128xf32, #tpu.memory_space<vmem>>, vector<1x16xf32>,
      %get3A_525 = vector.shape_cast %get3A_524 : vector<1x16xf32> to vector<16xf32>
      %swap3A_526 = arith.index_cast %add3A_504 : i32 to index
      %swap3A_527 = arith.constant 16 : index
      %swap3A_528 = tpu.vector_load %arg9[%swap3A_526, %swap3A_527] {strides = array<i32>} : memref<512x64xf32, #tpu.memory_space<vmem>>, vector<1x16xf32>,
      %swap3A_529 = vector.shape_cast %swap3A_528 : vector<1x16xf32> to vector<16xf32>
      %swap3A_530 = vector.shape_cast %get3A_525 : vector<16xf32> to vector<1x16xf32>
      tpu.vector_store %arg9[%swap3A_526, %swap3A_527], %swap3A_530 {strides = array<i32>} : memref<512x64xf32, #tpu.memory_space<vmem>>, vector<1x16xf32>,
      %add3A_531 = arith.constant 32 : i32
      %add3A_532 = arith.addi %mul3A_498, %add3A_531 : i32
      %get3A_533 = arith.index_cast %add3A_508 : i32 to index
      %get3A_534 = arith.index_cast %add3A_532 : i32 to index
      %get3A_535 = tpu.vector_load %arg7[%get3A_533, %get3A_534] {strides = array<i32>} : memref<128x128xf32, #tpu.memory_space<vmem>>, vector<1x16xf32>,
      %get3A_536 = vector.shape_cast %get3A_535 : vector<1x16xf32> to vector<16xf32>
      %swap3A_537 = arith.index_cast %add3A_504 : i32 to index
      %swap3A_538 = arith.constant 32 : index
      %swap3A_539 = tpu.vector_load %arg9[%swap3A_537, %swap3A_538] {strides = array<i32>} : memref<512x64xf32, #tpu.memory_space<vmem>>, vector<1x16xf32>,
      %swap3A_540 = vector.shape_cast %swap3A_539 : vector<1x16xf32> to vector<16xf32>
      %swap3A_541 = vector.shape_cast %get3A_536 : vector<16xf32> to vector<1x16xf32>
      tpu.vector_store %arg9[%swap3A_537, %swap3A_538], %swap3A_541 {strides = array<i32>} : memref<512x64xf32, #tpu.memory_space<vmem>>, vector<1x16xf32>,
      %add3A_542 = arith.constant 48 : i32
      %add3A_543 = arith.addi %mul3A_498, %add3A_542 : i32
      %get3A_544 = arith.index_cast %add3A_508 : i32 to index
      %get3A_545 = arith.index_cast %add3A_543 : i32 to index
      %get3A_546 = tpu.vector_load %arg7[%get3A_544, %get3A_545] {strides = array<i32>} : memref<128x128xf32, #tpu.memory_space<vmem>>, vector<1x16xf32>,
      %get3A_547 = vector.shape_cast %get3A_546 : vector<1x16xf32> to vector<16xf32>
      %swap3A_548 = arith.index_cast %add3A_504 : i32 to index
      %swap3A_549 = arith.constant 48 : index
      %swap3A_550 = tpu.vector_load %arg9[%swap3A_548, %swap3A_549] {strides = array<i32>} : memref<512x64xf32, #tpu.memory_space<vmem>>, vector<1x16xf32>,
      %swap3A_551 = vector.shape_cast %swap3A_550 : vector<1x16xf32> to vector<16xf32>
      %swap3A_552 = vector.shape_cast %get3A_547 : vector<16xf32> to vector<1x16xf32>
      tpu.vector_store %arg9[%swap3A_548, %swap3A_549], %swap3A_552 {strides = array<i32>} : memref<512x64xf32, #tpu.memory_space<vmem>>, vector<1x16xf32>,
      %slice3A_553 = vector.extract_strided_slice %get3A_76 {offsets = [8], sizes = [1], strides = [1]} : vector<16xi32> to vector<1xi32>
      %squeeze3A_554 = vector.extract %slice3A_553[0] : i32 from vector<1xi32>
      %and3A_555 = arith.constant 1 : i32
      %and3A_556 = arith.andi %squeeze3A_554, %and3A_555 : i32
      %mul3A_557 = arith.constant 64 : i32
      %mul3A_558 = arith.muli %and3A_556, %mul3A_557 : i32
      %mul3A_559 = arith.constant 16 : i32
      %mul3A_560 = arith.muli %scan3A_70, %mul3A_559 : i32
      %add3A_561 = arith.constant 0 : i32
      %add3A_562 = arith.addi %add3A_561, %mul3A_560 : i32
      %add3A_563 = arith.constant 8 : i32
      %add3A_564 = arith.addi %add3A_562, %add3A_563 : i32
      %mul3A_565 = arith.constant 16 : i32
      %mul3A_566 = arith.muli %scan3A_70, %mul3A_565 : i32
      %add3A_567 = arith.constant 8 : i32
      %add3A_568 = arith.addi %mul3A_566, %add3A_567 : i32
      %add3A_569 = arith.constant 0 : i32
      %add3A_570 = arith.addi %mul3A_558, %add3A_569 : i32
      %get3A_571 = arith.index_cast %add3A_568 : i32 to index
      %get3A_572 = arith.index_cast %add3A_570 : i32 to index
      %get3A_573 = tpu.vector_load %arg7[%get3A_571, %get3A_572] {strides = array<i32>} : memref<128x128xf32, #tpu.memory_space<vmem>>, vector<1x16xf32>,
      %get3A_574 = vector.shape_cast %get3A_573 : vector<1x16xf32> to vector<16xf32>
      %swap3A_575 = arith.index_cast %add3A_564 : i32 to index
      %swap3A_576 = arith.constant 0 : index
      %swap3A_577 = tpu.vector_load %arg9[%swap3A_575, %swap3A_576] {strides = array<i32>} : memref<512x64xf32, #tpu.memory_space<vmem>>, vector<1x16xf32>,
      %swap3A_578 = vector.shape_cast %swap3A_577 : vector<1x16xf32> to vector<16xf32>
      %swap3A_579 = vector.shape_cast %get3A_574 : vector<16xf32> to vector<1x16xf32>
      tpu.vector_store %arg9[%swap3A_575, %swap3A_576], %swap3A_579 {strides = array<i32>} : memref<512x64xf32, #tpu.memory_space<vmem>>, vector<1x16xf32>,
      %add3A_580 = arith.constant 16 : i32
      %add3A_581 = arith.addi %mul3A_558, %add3A_580 : i32
      %get3A_582 = arith.index_cast %add3A_568 : i32 to index
      %get3A_583 = arith.index_cast %add3A_581 : i32 to index
      %get3A_584 = tpu.vector_load %arg7[%get3A_582, %get3A_583] {strides = array<i32>} : memref<128x128xf32, #tpu.memory_space<vmem>>, vector<1x16xf32>,
      %get3A_585 = vector.shape_cast %get3A_584 : vector<1x16xf32> to vector<16xf32>
      %swap3A_586 = arith.index_cast %add3A_564 : i32 to index
      %swap3A_587 = arith.constant 16 : index
      %swap3A_588 = tpu.vector_load %arg9[%swap3A_586, %swap3A_587] {strides = array<i32>} : memref<512x64xf32, #tpu.memory_space<vmem>>, vector<1x16xf32>,
      %swap3A_589 = vector.shape_cast %swap3A_588 : vector<1x16xf32> to vector<16xf32>
      %swap3A_590 = vector.shape_cast %get3A_585 : vector<16xf32> to vector<1x16xf32>
      tpu.vector_store %arg9[%swap3A_586, %swap3A_587], %swap3A_590 {strides = array<i32>} : memref<512x64xf32, #tpu.memory_space<vmem>>, vector<1x16xf32>,
      %add3A_591 = arith.constant 32 : i32
      %add3A_592 = arith.addi %mul3A_558, %add3A_591 : i32
      %get3A_593 = arith.index_cast %add3A_568 : i32 to index
      %get3A_594 = arith.index_cast %add3A_592 : i32 to index
      %get3A_595 = tpu.vector_load %arg7[%get3A_593, %get3A_594] {strides = array<i32>} : memref<128x128xf32, #tpu.memory_space<vmem>>, vector<1x16xf32>,
      %get3A_596 = vector.shape_cast %get3A_595 : vector<1x16xf32> to vector<16xf32>
      %swap3A_597 = arith.index_cast %add3A_564 : i32 to index
      %swap3A_598 = arith.constant 32 : index
      %swap3A_599 = tpu.vector_load %arg9[%swap3A_597, %swap3A_598] {strides = array<i32>} : memref<512x64xf32, #tpu.memory_space<vmem>>, vector<1x16xf32>,
      %swap3A_600 = vector.shape_cast %swap3A_599 : vector<1x16xf32> to vector<16xf32>
      %swap3A_601 = vector.shape_cast %get3A_596 : vector<16xf32> to vector<1x16xf32>
      tpu.vector_store %arg9[%swap3A_597, %swap3A_598], %swap3A_601 {strides = array<i32>} : memref<512x64xf32, #tpu.memory_space<vmem>>, vector<1x16xf32>,
      %add3A_602 = arith.constant 48 : i32
      %add3A_603 = arith.addi %mul3A_558, %add3A_602 : i32
      %get3A_604 = arith.index_cast %add3A_568 : i32 to index
      %get3A_605 = arith.index_cast %add3A_603 : i32 to index
      %get3A_606 = tpu.vector_load %arg7[%get3A_604, %get3A_605] {strides = array<i32>} : memref<128x128xf32, #tpu.memory_space<vmem>>, vector<1x16xf32>,
      %get3A_607 = vector.shape_cast %get3A_606 : vector<1x16xf32> to vector<16xf32>
      %swap3A_608 = arith.index_cast %add3A_564 : i32 to index
      %swap3A_609 = arith.constant 48 : index
      %swap3A_610 = tpu.vector_load %arg9[%swap3A_608, %swap3A_609] {strides = array<i32>} : memref<512x64xf32, #tpu.memory_space<vmem>>, vector<1x16xf32>,
      %swap3A_611 = vector.shape_cast %swap3A_610 : vector<1x16xf32> to vector<16xf32>
      %swap3A_612 = vector.shape_cast %get3A_607 : vector<16xf32> to vector<1x16xf32>
      tpu.vector_store %arg9[%swap3A_608, %swap3A_609], %swap3A_612 {strides = array<i32>} : memref<512x64xf32, #tpu.memory_space<vmem>>, vector<1x16xf32>,
      %slice3A_613 = vector.extract_strided_slice %get3A_76 {offsets = [9], sizes = [1], strides = [1]} : vector<16xi32> to vector<1xi32>
      %squeeze3A_614 = vector.extract %slice3A_613[0] : i32 from vector<1xi32>
      %and3A_615 = arith.constant 1 : i32
      %and3A_616 = arith.andi %squeeze3A_614, %and3A_615 : i32
      %mul3A_617 = arith.constant 64 : i32
      %mul3A_618 = arith.muli %and3A_616, %mul3A_617 : i32
      %mul3A_619 = arith.constant 16 : i32
      %mul3A_620 = arith.muli %scan3A_70, %mul3A_619 : i32
      %add3A_621 = arith.constant 0 : i32
      %add3A_622 = arith.addi %add3A_621, %mul3A_620 : i32
      %add3A_623 = arith.constant 9 : i32
      %add3A_624 = arith.addi %add3A_622, %add3A_623 : i32
      %mul3A_625 = arith.constant 16 : i32
      %mul3A_626 = arith.muli %scan3A_70, %mul3A_625 : i32
      %add3A_627 = arith.constant 9 : i32
      %add3A_628 = arith.addi %mul3A_626, %add3A_627 : i32
      %add3A_629 = arith.constant 0 : i32
      %add3A_630 = arith.addi %mul3A_618, %add3A_629 : i32
      %get3A_631 = arith.index_cast %add3A_628 : i32 to index
      %get3A_632 = arith.index_cast %add3A_630 : i32 to index
      %get3A_633 = tpu.vector_load %arg7[%get3A_631, %get3A_632] {strides = array<i32>} : memref<128x128xf32, #tpu.memory_space<vmem>>, vector<1x16xf32>,
      %get3A_634 = vector.shape_cast %get3A_633 : vector<1x16xf32> to vector<16xf32>
      %swap3A_635 = arith.index_cast %add3A_624 : i32 to index
      %swap3A_636 = arith.constant 0 : index
      %swap3A_637 = tpu.vector_load %arg9[%swap3A_635, %swap3A_636] {strides = array<i32>} : memref<512x64xf32, #tpu.memory_space<vmem>>, vector<1x16xf32>,
      %swap3A_638 = vector.shape_cast %swap3A_637 : vector<1x16xf32> to vector<16xf32>
      %swap3A_639 = vector.shape_cast %get3A_634 : vector<16xf32> to vector<1x16xf32>
      tpu.vector_store %arg9[%swap3A_635, %swap3A_636], %swap3A_639 {strides = array<i32>} : memref<512x64xf32, #tpu.memory_space<vmem>>, vector<1x16xf32>,
      %add3A_640 = arith.constant 16 : i32
      %add3A_641 = arith.addi %mul3A_618, %add3A_640 : i32
      %get3A_642 = arith.index_cast %add3A_628 : i32 to index
      %get3A_643 = arith.index_cast %add3A_641 : i32 to index
      %get3A_644 = tpu.vector_load %arg7[%get3A_642, %get3A_643] {strides = array<i32>} : memref<128x128xf32, #tpu.memory_space<vmem>>, vector<1x16xf32>,
      %get3A_645 = vector.shape_cast %get3A_644 : vector<1x16xf32> to vector<16xf32>
      %swap3A_646 = arith.index_cast %add3A_624 : i32 to index
      %swap3A_647 = arith.constant 16 : index
      %swap3A_648 = tpu.vector_load %arg9[%swap3A_646, %swap3A_647] {strides = array<i32>} : memref<512x64xf32, #tpu.memory_space<vmem>>, vector<1x16xf32>,
      %swap3A_649 = vector.shape_cast %swap3A_648 : vector<1x16xf32> to vector<16xf32>
      %swap3A_650 = vector.shape_cast %get3A_645 : vector<16xf32> to vector<1x16xf32>
      tpu.vector_store %arg9[%swap3A_646, %swap3A_647], %swap3A_650 {strides = array<i32>} : memref<512x64xf32, #tpu.memory_space<vmem>>, vector<1x16xf32>,
      %add3A_651 = arith.constant 32 : i32
      %add3A_652 = arith.addi %mul3A_618, %add3A_651 : i32
      %get3A_653 = arith.index_cast %add3A_628 : i32 to index
      %get3A_654 = arith.index_cast %add3A_652 : i32 to index
      %get3A_655 = tpu.vector_load %arg7[%get3A_653, %get3A_654] {strides = array<i32>} : memref<128x128xf32, #tpu.memory_space<vmem>>, vector<1x16xf32>,
      %get3A_656 = vector.shape_cast %get3A_655 : vector<1x16xf32> to vector<16xf32>
      %swap3A_657 = arith.index_cast %add3A_624 : i32 to index
      %swap3A_658 = arith.constant 32 : index
      %swap3A_659 = tpu.vector_load %arg9[%swap3A_657, %swap3A_658] {strides = array<i32>} : memref<512x64xf32, #tpu.memory_space<vmem>>, vector<1x16xf32>,
      %swap3A_660 = vector.shape_cast %swap3A_659 : vector<1x16xf32> to vector<16xf32>
      %swap3A_661 = vector.shape_cast %get3A_656 : vector<16xf32> to vector<1x16xf32>
      tpu.vector_store %arg9[%swap3A_657, %swap3A_658], %swap3A_661 {strides = array<i32>} : memref<512x64xf32, #tpu.memory_space<vmem>>, vector<1x16xf32>,
      %add3A_662 = arith.constant 48 : i32
      %add3A_663 = arith.addi %mul3A_618, %add3A_662 : i32
      %get3A_664 = arith.index_cast %add3A_628 : i32 to index
      %get3A_665 = arith.index_cast %add3A_663 : i32 to index
      %get3A_666 = tpu.vector_load %arg7[%get3A_664, %get3A_665] {strides = array<i32>} : memref<128x128xf32, #tpu.memory_space<vmem>>, vector<1x16xf32>,
      %get3A_667 = vector.shape_cast %get3A_666 : vector<1x16xf32> to vector<16xf32>
      %swap3A_668 = arith.index_cast %add3A_624 : i32 to index
      %swap3A_669 = arith.constant 48 : index
      %swap3A_670 = tpu.vector_load %arg9[%swap3A_668, %swap3A_669] {strides = array<i32>} : memref<512x64xf32, #tpu.memory_space<vmem>>, vector<1x16xf32>,
      %swap3A_671 = vector.shape_cast %swap3A_670 : vector<1x16xf32> to vector<16xf32>
      %swap3A_672 = vector.shape_cast %get3A_667 : vector<16xf32> to vector<1x16xf32>
      tpu.vector_store %arg9[%swap3A_668, %swap3A_669], %swap3A_672 {strides = array<i32>} : memref<512x64xf32, #tpu.memory_space<vmem>>, vector<1x16xf32>,
      %slice3A_673 = vector.extract_strided_slice %get3A_76 {offsets = [10], sizes = [1], strides = [1]} : vector<16xi32> to vector<1xi32>
      %squeeze3A_674 = vector.extract %slice3A_673[0] : i32 from vector<1xi32>
      %and3A_675 = arith.constant 1 : i32
      %and3A_676 = arith.andi %squeeze3A_674, %and3A_675 : i32
      %mul3A_677 = arith.constant 64 : i32
      %mul3A_678 = arith.muli %and3A_676, %mul3A_677 : i32
      %mul3A_679 = arith.constant 16 : i32
      %mul3A_680 = arith.muli %scan3A_70, %mul3A_679 : i32
      %add3A_681 = arith.constant 0 : i32
      %add3A_682 = arith.addi %add3A_681, %mul3A_680 : i32
      %add3A_683 = arith.constant 10 : i32
      %add3A_684 = arith.addi %add3A_682, %add3A_683 : i32
      %mul3A_685 = arith.constant 16 : i32
      %mul3A_686 = arith.muli %scan3A_70, %mul3A_685 : i32
      %add3A_687 = arith.constant 10 : i32
      %add3A_688 = arith.addi %mul3A_686, %add3A_687 : i32
      %add3A_689 = arith.constant 0 : i32
      %add3A_690 = arith.addi %mul3A_678, %add3A_689 : i32
      %get3A_691 = arith.index_cast %add3A_688 : i32 to index
      %get3A_692 = arith.index_cast %add3A_690 : i32 to index
      %get3A_693 = tpu.vector_load %arg7[%get3A_691, %get3A_692] {strides = array<i32>} : memref<128x128xf32, #tpu.memory_space<vmem>>, vector<1x16xf32>,
      %get3A_694 = vector.shape_cast %get3A_693 : vector<1x16xf32> to vector<16xf32>
      %swap3A_695 = arith.index_cast %add3A_684 : i32 to index
      %swap3A_696 = arith.constant 0 : index
      %swap3A_697 = tpu.vector_load %arg9[%swap3A_695, %swap3A_696] {strides = array<i32>} : memref<512x64xf32, #tpu.memory_space<vmem>>, vector<1x16xf32>,
      %swap3A_698 = vector.shape_cast %swap3A_697 : vector<1x16xf32> to vector<16xf32>
      %swap3A_699 = vector.shape_cast %get3A_694 : vector<16xf32> to vector<1x16xf32>
      tpu.vector_store %arg9[%swap3A_695, %swap3A_696], %swap3A_699 {strides = array<i32>} : memref<512x64xf32, #tpu.memory_space<vmem>>, vector<1x16xf32>,
      %add3A_700 = arith.constant 16 : i32
      %add3A_701 = arith.addi %mul3A_678, %add3A_700 : i32
      %get3A_702 = arith.index_cast %add3A_688 : i32 to index
      %get3A_703 = arith.index_cast %add3A_701 : i32 to index
      %get3A_704 = tpu.vector_load %arg7[%get3A_702, %get3A_703] {strides = array<i32>} : memref<128x128xf32, #tpu.memory_space<vmem>>, vector<1x16xf32>,
      %get3A_705 = vector.shape_cast %get3A_704 : vector<1x16xf32> to vector<16xf32>
      %swap3A_706 = arith.index_cast %add3A_684 : i32 to index
      %swap3A_707 = arith.constant 16 : index
      %swap3A_708 = tpu.vector_load %arg9[%swap3A_706, %swap3A_707] {strides = array<i32>} : memref<512x64xf32, #tpu.memory_space<vmem>>, vector<1x16xf32>,
      %swap3A_709 = vector.shape_cast %swap3A_708 : vector<1x16xf32> to vector<16xf32>
      %swap3A_710 = vector.shape_cast %get3A_705 : vector<16xf32> to vector<1x16xf32>
      tpu.vector_store %arg9[%swap3A_706, %swap3A_707], %swap3A_710 {strides = array<i32>} : memref<512x64xf32, #tpu.memory_space<vmem>>, vector<1x16xf32>,
      %add3A_711 = arith.constant 32 : i32
      %add3A_712 = arith.addi %mul3A_678, %add3A_711 : i32
      %get3A_713 = arith.index_cast %add3A_688 : i32 to index
      %get3A_714 = arith.index_cast %add3A_712 : i32 to index
      %get3A_715 = tpu.vector_load %arg7[%get3A_713, %get3A_714] {strides = array<i32>} : memref<128x128xf32, #tpu.memory_space<vmem>>, vector<1x16xf32>,
      %get3A_716 = vector.shape_cast %get3A_715 : vector<1x16xf32> to vector<16xf32>
      %swap3A_717 = arith.index_cast %add3A_684 : i32 to index
      %swap3A_718 = arith.constant 32 : index
      %swap3A_719 = tpu.vector_load %arg9[%swap3A_717, %swap3A_718] {strides = array<i32>} : memref<512x64xf32, #tpu.memory_space<vmem>>, vector<1x16xf32>,
      %swap3A_720 = vector.shape_cast %swap3A_719 : vector<1x16xf32> to vector<16xf32>
      %swap3A_721 = vector.shape_cast %get3A_716 : vector<16xf32> to vector<1x16xf32>
      tpu.vector_store %arg9[%swap3A_717, %swap3A_718], %swap3A_721 {strides = array<i32>} : memref<512x64xf32, #tpu.memory_space<vmem>>, vector<1x16xf32>,
      %add3A_722 = arith.constant 48 : i32
      %add3A_723 = arith.addi %mul3A_678, %add3A_722 : i32
      %get3A_724 = arith.index_cast %add3A_688 : i32 to index
      %get3A_725 = arith.index_cast %add3A_723 : i32 to index
      %get3A_726 = tpu.vector_load %arg7[%get3A_724, %get3A_725] {strides = array<i32>} : memref<128x128xf32, #tpu.memory_space<vmem>>, vector<1x16xf32>,
      %get3A_727 = vector.shape_cast %get3A_726 : vector<1x16xf32> to vector<16xf32>
      %swap3A_728 = arith.index_cast %add3A_684 : i32 to index
      %swap3A_729 = arith.constant 48 : index
      %swap3A_730 = tpu.vector_load %arg9[%swap3A_728, %swap3A_729] {strides = array<i32>} : memref<512x64xf32, #tpu.memory_space<vmem>>, vector<1x16xf32>,
      %swap3A_731 = vector.shape_cast %swap3A_730 : vector<1x16xf32> to vector<16xf32>
      %swap3A_732 = vector.shape_cast %get3A_727 : vector<16xf32> to vector<1x16xf32>
      tpu.vector_store %arg9[%swap3A_728, %swap3A_729], %swap3A_732 {strides = array<i32>} : memref<512x64xf32, #tpu.memory_space<vmem>>, vector<1x16xf32>,
      %slice3A_733 = vector.extract_strided_slice %get3A_76 {offsets = [11], sizes = [1], strides = [1]} : vector<16xi32> to vector<1xi32>
      %squeeze3A_734 = vector.extract %slice3A_733[0] : i32 from vector<1xi32>
      %and3A_735 = arith.constant 1 : i32
      %and3A_736 = arith.andi %squeeze3A_734, %and3A_735 : i32
      %mul3A_737 = arith.constant 64 : i32
      %mul3A_738 = arith.muli %and3A_736, %mul3A_737 : i32
      %mul3A_739 = arith.constant 16 : i32
      %mul3A_740 = arith.muli %scan3A_70, %mul3A_739 : i32
      %add3A_741 = arith.constant 0 : i32
      %add3A_742 = arith.addi %add3A_741, %mul3A_740 : i32
      %add3A_743 = arith.constant 11 : i32
      %add3A_744 = arith.addi %add3A_742, %add3A_743 : i32
      %mul3A_745 = arith.constant 16 : i32
      %mul3A_746 = arith.muli %scan3A_70, %mul3A_745 : i32
      %add3A_747 = arith.constant 11 : i32
      %add3A_748 = arith.addi %mul3A_746, %add3A_747 : i32
      %add3A_749 = arith.constant 0 : i32
      %add3A_750 = arith.addi %mul3A_738, %add3A_749 : i32
      %get3A_751 = arith.index_cast %add3A_748 : i32 to index
      %get3A_752 = arith.index_cast %add3A_750 : i32 to index
      %get3A_753 = tpu.vector_load %arg7[%get3A_751, %get3A_752] {strides = array<i32>} : memref<128x128xf32, #tpu.memory_space<vmem>>, vector<1x16xf32>,
      %get3A_754 = vector.shape_cast %get3A_753 : vector<1x16xf32> to vector<16xf32>
      %swap3A_755 = arith.index_cast %add3A_744 : i32 to index
      %swap3A_756 = arith.constant 0 : index
      %swap3A_757 = tpu.vector_load %arg9[%swap3A_755, %swap3A_756] {strides = array<i32>} : memref<512x64xf32, #tpu.memory_space<vmem>>, vector<1x16xf32>,
      %swap3A_758 = vector.shape_cast %swap3A_757 : vector<1x16xf32> to vector<16xf32>
      %swap3A_759 = vector.shape_cast %get3A_754 : vector<16xf32> to vector<1x16xf32>
      tpu.vector_store %arg9[%swap3A_755, %swap3A_756], %swap3A_759 {strides = array<i32>} : memref<512x64xf32, #tpu.memory_space<vmem>>, vector<1x16xf32>,
      %add3A_760 = arith.constant 16 : i32
      %add3A_761 = arith.addi %mul3A_738, %add3A_760 : i32
      %get3A_762 = arith.index_cast %add3A_748 : i32 to index
      %get3A_763 = arith.index_cast %add3A_761 : i32 to index
      %get3A_764 = tpu.vector_load %arg7[%get3A_762, %get3A_763] {strides = array<i32>} : memref<128x128xf32, #tpu.memory_space<vmem>>, vector<1x16xf32>,
      %get3A_765 = vector.shape_cast %get3A_764 : vector<1x16xf32> to vector<16xf32>
      %swap3A_766 = arith.index_cast %add3A_744 : i32 to index
      %swap3A_767 = arith.constant 16 : index
      %swap3A_768 = tpu.vector_load %arg9[%swap3A_766, %swap3A_767] {strides = array<i32>} : memref<512x64xf32, #tpu.memory_space<vmem>>, vector<1x16xf32>,
      %swap3A_769 = vector.shape_cast %swap3A_768 : vector<1x16xf32> to vector<16xf32>
      %swap3A_770 = vector.shape_cast %get3A_765 : vector<16xf32> to vector<1x16xf32>
      tpu.vector_store %arg9[%swap3A_766, %swap3A_767], %swap3A_770 {strides = array<i32>} : memref<512x64xf32, #tpu.memory_space<vmem>>, vector<1x16xf32>,
      %add3A_771 = arith.constant 32 : i32
      %add3A_772 = arith.addi %mul3A_738, %add3A_771 : i32
      %get3A_773 = arith.index_cast %add3A_748 : i32 to index
      %get3A_774 = arith.index_cast %add3A_772 : i32 to index
      %get3A_775 = tpu.vector_load %arg7[%get3A_773, %get3A_774] {strides = array<i32>} : memref<128x128xf32, #tpu.memory_space<vmem>>, vector<1x16xf32>,
      %get3A_776 = vector.shape_cast %get3A_775 : vector<1x16xf32> to vector<16xf32>
      %swap3A_777 = arith.index_cast %add3A_744 : i32 to index
      %swap3A_778 = arith.constant 32 : index
      %swap3A_779 = tpu.vector_load %arg9[%swap3A_777, %swap3A_778] {strides = array<i32>} : memref<512x64xf32, #tpu.memory_space<vmem>>, vector<1x16xf32>,
      %swap3A_780 = vector.shape_cast %swap3A_779 : vector<1x16xf32> to vector<16xf32>
      %swap3A_781 = vector.shape_cast %get3A_776 : vector<16xf32> to vector<1x16xf32>
      tpu.vector_store %arg9[%swap3A_777, %swap3A_778], %swap3A_781 {strides = array<i32>} : memref<512x64xf32, #tpu.memory_space<vmem>>, vector<1x16xf32>,
      %add3A_782 = arith.constant 48 : i32
      %add3A_783 = arith.addi %mul3A_738, %add3A_782 : i32
      %get3A_784 = arith.index_cast %add3A_748 : i32 to index
      %get3A_785 = arith.index_cast %add3A_783 : i32 to index
      %get3A_786 = tpu.vector_load %arg7[%get3A_784, %get3A_785] {strides = array<i32>} : memref<128x128xf32, #tpu.memory_space<vmem>>, vector<1x16xf32>,
      %get3A_787 = vector.shape_cast %get3A_786 : vector<1x16xf32> to vector<16xf32>
      %swap3A_788 = arith.index_cast %add3A_744 : i32 to index
      %swap3A_789 = arith.constant 48 : index
      %swap3A_790 = tpu.vector_load %arg9[%swap3A_788, %swap3A_789] {strides = array<i32>} : memref<512x64xf32, #tpu.memory_space<vmem>>, vector<1x16xf32>,
      %swap3A_791 = vector.shape_cast %swap3A_790 : vector<1x16xf32> to vector<16xf32>
      %swap3A_792 = vector.shape_cast %get3A_787 : vector<16xf32> to vector<1x16xf32>
      tpu.vector_store %arg9[%swap3A_788, %swap3A_789], %swap3A_792 {strides = array<i32>} : memref<512x64xf32, #tpu.memory_space<vmem>>, vector<1x16xf32>,
      %slice3A_793 = vector.extract_strided_slice %get3A_76 {offsets = [12], sizes = [1], strides = [1]} : vector<16xi32> to vector<1xi32>
      %squeeze3A_794 = vector.extract %slice3A_793[0] : i32 from vector<1xi32>
      %and3A_795 = arith.constant 1 : i32
      %and3A_796 = arith.andi %squeeze3A_794, %and3A_795 : i32
      %mul3A_797 = arith.constant 64 : i32
      %mul3A_798 = arith.muli %and3A_796, %mul3A_797 : i32
      %mul3A_799 = arith.constant 16 : i32
      %mul3A_800 = arith.muli %scan3A_70, %mul3A_799 : i32
      %add3A_801 = arith.constant 0 : i32
      %add3A_802 = arith.addi %add3A_801, %mul3A_800 : i32
      %add3A_803 = arith.constant 12 : i32
      %add3A_804 = arith.addi %add3A_802, %add3A_803 : i32
      %mul3A_805 = arith.constant 16 : i32
      %mul3A_806 = arith.muli %scan3A_70, %mul3A_805 : i32
      %add3A_807 = arith.constant 12 : i32
      %add3A_808 = arith.addi %mul3A_806, %add3A_807 : i32
      %add3A_809 = arith.constant 0 : i32
      %add3A_810 = arith.addi %mul3A_798, %add3A_809 : i32
      %get3A_811 = arith.index_cast %add3A_808 : i32 to index
      %get3A_812 = arith.index_cast %add3A_810 : i32 to index
      %get3A_813 = tpu.vector_load %arg7[%get3A_811, %get3A_812] {strides = array<i32>} : memref<128x128xf32, #tpu.memory_space<vmem>>, vector<1x16xf32>,
      %get3A_814 = vector.shape_cast %get3A_813 : vector<1x16xf32> to vector<16xf32>
      %swap3A_815 = arith.index_cast %add3A_804 : i32 to index
      %swap3A_816 = arith.constant 0 : index
      %swap3A_817 = tpu.vector_load %arg9[%swap3A_815, %swap3A_816] {strides = array<i32>} : memref<512x64xf32, #tpu.memory_space<vmem>>, vector<1x16xf32>,
      %swap3A_818 = vector.shape_cast %swap3A_817 : vector<1x16xf32> to vector<16xf32>
      %swap3A_819 = vector.shape_cast %get3A_814 : vector<16xf32> to vector<1x16xf32>
      tpu.vector_store %arg9[%swap3A_815, %swap3A_816], %swap3A_819 {strides = array<i32>} : memref<512x64xf32, #tpu.memory_space<vmem>>, vector<1x16xf32>,
      %add3A_820 = arith.constant 16 : i32
      %add3A_821 = arith.addi %mul3A_798, %add3A_820 : i32
      %get3A_822 = arith.index_cast %add3A_808 : i32 to index
      %get3A_823 = arith.index_cast %add3A_821 : i32 to index
      %get3A_824 = tpu.vector_load %arg7[%get3A_822, %get3A_823] {strides = array<i32>} : memref<128x128xf32, #tpu.memory_space<vmem>>, vector<1x16xf32>,
      %get3A_825 = vector.shape_cast %get3A_824 : vector<1x16xf32> to vector<16xf32>
      %swap3A_826 = arith.index_cast %add3A_804 : i32 to index
      %swap3A_827 = arith.constant 16 : index
      %swap3A_828 = tpu.vector_load %arg9[%swap3A_826, %swap3A_827] {strides = array<i32>} : memref<512x64xf32, #tpu.memory_space<vmem>>, vector<1x16xf32>,
      %swap3A_829 = vector.shape_cast %swap3A_828 : vector<1x16xf32> to vector<16xf32>
      %swap3A_830 = vector.shape_cast %get3A_825 : vector<16xf32> to vector<1x16xf32>
      tpu.vector_store %arg9[%swap3A_826, %swap3A_827], %swap3A_830 {strides = array<i32>} : memref<512x64xf32, #tpu.memory_space<vmem>>, vector<1x16xf32>,
      %add3A_831 = arith.constant 32 : i32
      %add3A_832 = arith.addi %mul3A_798, %add3A_831 : i32
      %get3A_833 = arith.index_cast %add3A_808 : i32 to index
      %get3A_834 = arith.index_cast %add3A_832 : i32 to index
      %get3A_835 = tpu.vector_load %arg7[%get3A_833, %get3A_834] {strides = array<i32>} : memref<128x128xf32, #tpu.memory_space<vmem>>, vector<1x16xf32>,
      %get3A_836 = vector.shape_cast %get3A_835 : vector<1x16xf32> to vector<16xf32>
      %swap3A_837 = arith.index_cast %add3A_804 : i32 to index
      %swap3A_838 = arith.constant 32 : index
      %swap3A_839 = tpu.vector_load %arg9[%swap3A_837, %swap3A_838] {strides = array<i32>} : memref<512x64xf32, #tpu.memory_space<vmem>>, vector<1x16xf32>,
      %swap3A_840 = vector.shape_cast %swap3A_839 : vector<1x16xf32> to vector<16xf32>
      %swap3A_841 = vector.shape_cast %get3A_836 : vector<16xf32> to vector<1x16xf32>
      tpu.vector_store %arg9[%swap3A_837, %swap3A_838], %swap3A_841 {strides = array<i32>} : memref<512x64xf32, #tpu.memory_space<vmem>>, vector<1x16xf32>,
      %add3A_842 = arith.constant 48 : i32
      %add3A_843 = arith.addi %mul3A_798, %add3A_842 : i32
      %get3A_844 = arith.index_cast %add3A_808 : i32 to index
      %get3A_845 = arith.index_cast %add3A_843 : i32 to index
      %get3A_846 = tpu.vector_load %arg7[%get3A_844, %get3A_845] {strides = array<i32>} : memref<128x128xf32, #tpu.memory_space<vmem>>, vector<1x16xf32>,
      %get3A_847 = vector.shape_cast %get3A_846 : vector<1x16xf32> to vector<16xf32>
      %swap3A_848 = arith.index_cast %add3A_804 : i32 to index
      %swap3A_849 = arith.constant 48 : index
      %swap3A_850 = tpu.vector_load %arg9[%swap3A_848, %swap3A_849] {strides = array<i32>} : memref<512x64xf32, #tpu.memory_space<vmem>>, vector<1x16xf32>,
      %swap3A_851 = vector.shape_cast %swap3A_850 : vector<1x16xf32> to vector<16xf32>
      %swap3A_852 = vector.shape_cast %get3A_847 : vector<16xf32> to vector<1x16xf32>
      tpu.vector_store %arg9[%swap3A_848, %swap3A_849], %swap3A_852 {strides = array<i32>} : memref<512x64xf32, #tpu.memory_space<vmem>>, vector<1x16xf32>,
      %slice3A_853 = vector.extract_strided_slice %get3A_76 {offsets = [13], sizes = [1], strides = [1]} : vector<16xi32> to vector<1xi32>
      %squeeze3A_854 = vector.extract %slice3A_853[0] : i32 from vector<1xi32>
      %and3A_855 = arith.constant 1 : i32
      %and3A_856 = arith.andi %squeeze3A_854, %and3A_855 : i32
      %mul3A_857 = arith.constant 64 : i32
      %mul3A_858 = arith.muli %and3A_856, %mul3A_857 : i32
      %mul3A_859 = arith.constant 16 : i32
      %mul3A_860 = arith.muli %scan3A_70, %mul3A_859 : i32
      %add3A_861 = arith.constant 0 : i32
      %add3A_862 = arith.addi %add3A_861, %mul3A_860 : i32
      %add3A_863 = arith.constant 13 : i32
      %add3A_864 = arith.addi %add3A_862, %add3A_863 : i32
      %mul3A_865 = arith.constant 16 : i32
      %mul3A_866 = arith.muli %scan3A_70, %mul3A_865 : i32
      %add3A_867 = arith.constant 13 : i32
      %add3A_868 = arith.addi %mul3A_866, %add3A_867 : i32
      %add3A_869 = arith.constant 0 : i32
      %add3A_870 = arith.addi %mul3A_858, %add3A_869 : i32
      %get3A_871 = arith.index_cast %add3A_868 : i32 to index
      %get3A_872 = arith.index_cast %add3A_870 : i32 to index
      %get3A_873 = tpu.vector_load %arg7[%get3A_871, %get3A_872] {strides = array<i32>} : memref<128x128xf32, #tpu.memory_space<vmem>>, vector<1x16xf32>,
      %get3A_874 = vector.shape_cast %get3A_873 : vector<1x16xf32> to vector<16xf32>
      %swap3A_875 = arith.index_cast %add3A_864 : i32 to index
      %swap3A_876 = arith.constant 0 : index
      %swap3A_877 = tpu.vector_load %arg9[%swap3A_875, %swap3A_876] {strides = array<i32>} : memref<512x64xf32, #tpu.memory_space<vmem>>, vector<1x16xf32>,
      %swap3A_878 = vector.shape_cast %swap3A_877 : vector<1x16xf32> to vector<16xf32>
      %swap3A_879 = vector.shape_cast %get3A_874 : vector<16xf32> to vector<1x16xf32>
      tpu.vector_store %arg9[%swap3A_875, %swap3A_876], %swap3A_879 {strides = array<i32>} : memref<512x64xf32, #tpu.memory_space<vmem>>, vector<1x16xf32>,
      %add3A_880 = arith.constant 16 : i32
      %add3A_881 = arith.addi %mul3A_858, %add3A_880 : i32
      %get3A_882 = arith.index_cast %add3A_868 : i32 to index
      %get3A_883 = arith.index_cast %add3A_881 : i32 to index
      %get3A_884 = tpu.vector_load %arg7[%get3A_882, %get3A_883] {strides = array<i32>} : memref<128x128xf32, #tpu.memory_space<vmem>>, vector<1x16xf32>,
      %get3A_885 = vector.shape_cast %get3A_884 : vector<1x16xf32> to vector<16xf32>
      %swap3A_886 = arith.index_cast %add3A_864 : i32 to index
      %swap3A_887 = arith.constant 16 : index
      %swap3A_888 = tpu.vector_load %arg9[%swap3A_886, %swap3A_887] {strides = array<i32>} : memref<512x64xf32, #tpu.memory_space<vmem>>, vector<1x16xf32>,
      %swap3A_889 = vector.shape_cast %swap3A_888 : vector<1x16xf32> to vector<16xf32>
      %swap3A_890 = vector.shape_cast %get3A_885 : vector<16xf32> to vector<1x16xf32>
      tpu.vector_store %arg9[%swap3A_886, %swap3A_887], %swap3A_890 {strides = array<i32>} : memref<512x64xf32, #tpu.memory_space<vmem>>, vector<1x16xf32>,
      %add3A_891 = arith.constant 32 : i32
      %add3A_892 = arith.addi %mul3A_858, %add3A_891 : i32
      %get3A_893 = arith.index_cast %add3A_868 : i32 to index
      %get3A_894 = arith.index_cast %add3A_892 : i32 to index
      %get3A_895 = tpu.vector_load %arg7[%get3A_893, %get3A_894] {strides = array<i32>} : memref<128x128xf32, #tpu.memory_space<vmem>>, vector<1x16xf32>,
      %get3A_896 = vector.shape_cast %get3A_895 : vector<1x16xf32> to vector<16xf32>
      %swap3A_897 = arith.index_cast %add3A_864 : i32 to index
      %swap3A_898 = arith.constant 32 : index
      %swap3A_899 = tpu.vector_load %arg9[%swap3A_897, %swap3A_898] {strides = array<i32>} : memref<512x64xf32, #tpu.memory_space<vmem>>, vector<1x16xf32>,
      %swap3A_900 = vector.shape_cast %swap3A_899 : vector<1x16xf32> to vector<16xf32>
      %swap3A_901 = vector.shape_cast %get3A_896 : vector<16xf32> to vector<1x16xf32>
      tpu.vector_store %arg9[%swap3A_897, %swap3A_898], %swap3A_901 {strides = array<i32>} : memref<512x64xf32, #tpu.memory_space<vmem>>, vector<1x16xf32>,
      %add3A_902 = arith.constant 48 : i32
      %add3A_903 = arith.addi %mul3A_858, %add3A_902 : i32
      %get3A_904 = arith.index_cast %add3A_868 : i32 to index
      %get3A_905 = arith.index_cast %add3A_903 : i32 to index
      %get3A_906 = tpu.vector_load %arg7[%get3A_904, %get3A_905] {strides = array<i32>} : memref<128x128xf32, #tpu.memory_space<vmem>>, vector<1x16xf32>,
      %get3A_907 = vector.shape_cast %get3A_906 : vector<1x16xf32> to vector<16xf32>
      %swap3A_908 = arith.index_cast %add3A_864 : i32 to index
      %swap3A_909 = arith.constant 48 : index
      %swap3A_910 = tpu.vector_load %arg9[%swap3A_908, %swap3A_909] {strides = array<i32>} : memref<512x64xf32, #tpu.memory_space<vmem>>, vector<1x16xf32>,
      %swap3A_911 = vector.shape_cast %swap3A_910 : vector<1x16xf32> to vector<16xf32>
      %swap3A_912 = vector.shape_cast %get3A_907 : vector<16xf32> to vector<1x16xf32>
      tpu.vector_store %arg9[%swap3A_908, %swap3A_909], %swap3A_912 {strides = array<i32>} : memref<512x64xf32, #tpu.memory_space<vmem>>, vector<1x16xf32>,
      %slice3A_913 = vector.extract_strided_slice %get3A_76 {offsets = [14], sizes = [1], strides = [1]} : vector<16xi32> to vector<1xi32>
      %squeeze3A_914 = vector.extract %slice3A_913[0] : i32 from vector<1xi32>
      %and3A_915 = arith.constant 1 : i32
      %and3A_916 = arith.andi %squeeze3A_914, %and3A_915 : i32
      %mul3A_917 = arith.constant 64 : i32
      %mul3A_918 = arith.muli %and3A_916, %mul3A_917 : i32
      %mul3A_919 = arith.constant 16 : i32
      %mul3A_920 = arith.muli %scan3A_70, %mul3A_919 : i32
      %add3A_921 = arith.constant 0 : i32
      %add3A_922 = arith.addi %add3A_921, %mul3A_920 : i32
      %add3A_923 = arith.constant 14 : i32
      %add3A_924 = arith.addi %add3A_922, %add3A_923 : i32
      %mul3A_925 = arith.constant 16 : i32
      %mul3A_926 = arith.muli %scan3A_70, %mul3A_925 : i32
      %add3A_927 = arith.constant 14 : i32
      %add3A_928 = arith.addi %mul3A_926, %add3A_927 : i32
      %add3A_929 = arith.constant 0 : i32
      %add3A_930 = arith.addi %mul3A_918, %add3A_929 : i32
      %get3A_931 = arith.index_cast %add3A_928 : i32 to index
      %get3A_932 = arith.index_cast %add3A_930 : i32 to index
      %get3A_933 = tpu.vector_load %arg7[%get3A_931, %get3A_932] {strides = array<i32>} : memref<128x128xf32, #tpu.memory_space<vmem>>, vector<1x16xf32>,
      %get3A_934 = vector.shape_cast %get3A_933 : vector<1x16xf32> to vector<16xf32>
      %swap3A_935 = arith.index_cast %add3A_924 : i32 to index
      %swap3A_936 = arith.constant 0 : index
      %swap3A_937 = tpu.vector_load %arg9[%swap3A_935, %swap3A_936] {strides = array<i32>} : memref<512x64xf32, #tpu.memory_space<vmem>>, vector<1x16xf32>,
      %swap3A_938 = vector.shape_cast %swap3A_937 : vector<1x16xf32> to vector<16xf32>
      %swap3A_939 = vector.shape_cast %get3A_934 : vector<16xf32> to vector<1x16xf32>
      tpu.vector_store %arg9[%swap3A_935, %swap3A_936], %swap3A_939 {strides = array<i32>} : memref<512x64xf32, #tpu.memory_space<vmem>>, vector<1x16xf32>,
      %add3A_940 = arith.constant 16 : i32
      %add3A_941 = arith.addi %mul3A_918, %add3A_940 : i32
      %get3A_942 = arith.index_cast %add3A_928 : i32 to index
      %get3A_943 = arith.index_cast %add3A_941 : i32 to index
      %get3A_944 = tpu.vector_load %arg7[%get3A_942, %get3A_943] {strides = array<i32>} : memref<128x128xf32, #tpu.memory_space<vmem>>, vector<1x16xf32>,
      %get3A_945 = vector.shape_cast %get3A_944 : vector<1x16xf32> to vector<16xf32>
      %swap3A_946 = arith.index_cast %add3A_924 : i32 to index
      %swap3A_947 = arith.constant 16 : index
      %swap3A_948 = tpu.vector_load %arg9[%swap3A_946, %swap3A_947] {strides = array<i32>} : memref<512x64xf32, #tpu.memory_space<vmem>>, vector<1x16xf32>,
      %swap3A_949 = vector.shape_cast %swap3A_948 : vector<1x16xf32> to vector<16xf32>
      %swap3A_950 = vector.shape_cast %get3A_945 : vector<16xf32> to vector<1x16xf32>
      tpu.vector_store %arg9[%swap3A_946, %swap3A_947], %swap3A_950 {strides = array<i32>} : memref<512x64xf32, #tpu.memory_space<vmem>>, vector<1x16xf32>,
      %add3A_951 = arith.constant 32 : i32
      %add3A_952 = arith.addi %mul3A_918, %add3A_951 : i32
      %get3A_953 = arith.index_cast %add3A_928 : i32 to index
      %get3A_954 = arith.index_cast %add3A_952 : i32 to index
      %get3A_955 = tpu.vector_load %arg7[%get3A_953, %get3A_954] {strides = array<i32>} : memref<128x128xf32, #tpu.memory_space<vmem>>, vector<1x16xf32>,
      %get3A_956 = vector.shape_cast %get3A_955 : vector<1x16xf32> to vector<16xf32>
      %swap3A_957 = arith.index_cast %add3A_924 : i32 to index
      %swap3A_958 = arith.constant 32 : index
      %swap3A_959 = tpu.vector_load %arg9[%swap3A_957, %swap3A_958] {strides = array<i32>} : memref<512x64xf32, #tpu.memory_space<vmem>>, vector<1x16xf32>,
      %swap3A_960 = vector.shape_cast %swap3A_959 : vector<1x16xf32> to vector<16xf32>
      %swap3A_961 = vector.shape_cast %get3A_956 : vector<16xf32> to vector<1x16xf32>
      tpu.vector_store %arg9[%swap3A_957, %swap3A_958], %swap3A_961 {strides = array<i32>} : memref<512x64xf32, #tpu.memory_space<vmem>>, vector<1x16xf32>,
      %add3A_962 = arith.constant 48 : i32
      %add3A_963 = arith.addi %mul3A_918, %add3A_962 : i32
      %get3A_964 = arith.index_cast %add3A_928 : i32 to index
      %get3A_965 = arith.index_cast %add3A_963 : i32 to index
      %get3A_966 = tpu.vector_load %arg7[%get3A_964, %get3A_965] {strides = array<i32>} : memref<128x128xf32, #tpu.memory_space<vmem>>, vector<1x16xf32>,
      %get3A_967 = vector.shape_cast %get3A_966 : vector<1x16xf32> to vector<16xf32>
      %swap3A_968 = arith.index_cast %add3A_924 : i32 to index
      %swap3A_969 = arith.constant 48 : index
      %swap3A_970 = tpu.vector_load %arg9[%swap3A_968, %swap3A_969] {strides = array<i32>} : memref<512x64xf32, #tpu.memory_space<vmem>>, vector<1x16xf32>,
      %swap3A_971 = vector.shape_cast %swap3A_970 : vector<1x16xf32> to vector<16xf32>
      %swap3A_972 = vector.shape_cast %get3A_967 : vector<16xf32> to vector<1x16xf32>
      tpu.vector_store %arg9[%swap3A_968, %swap3A_969], %swap3A_972 {strides = array<i32>} : memref<512x64xf32, #tpu.memory_space<vmem>>, vector<1x16xf32>,
      %slice3A_973 = vector.extract_strided_slice %get3A_76 {offsets = [15], sizes = [1], strides = [1]} : vector<16xi32> to vector<1xi32>
      %squeeze3A_974 = vector.extract %slice3A_973[0] : i32 from vector<1xi32>
      %and3A_975 = arith.constant 1 : i32
      %and3A_976 = arith.andi %squeeze3A_974, %and3A_975 : i32
      %mul3A_977 = arith.constant 64 : i32
      %mul3A_978 = arith.muli %and3A_976, %mul3A_977 : i32
      %mul3A_979 = arith.constant 16 : i32
      %mul3A_980 = arith.muli %scan3A_70, %mul3A_979 : i32
      %add3A_981 = arith.constant 0 : i32
      %add3A_982 = arith.addi %add3A_981, %mul3A_980 : i32
      %add3A_983 = arith.constant 15 : i32
      %add3A_984 = arith.addi %add3A_982, %add3A_983 : i32
      %mul3A_985 = arith.constant 16 : i32
      %mul3A_986 = arith.muli %scan3A_70, %mul3A_985 : i32
      %add3A_987 = arith.constant 15 : i32
      %add3A_988 = arith.addi %mul3A_986, %add3A_987 : i32
      %add3A_989 = arith.constant 0 : i32
      %add3A_990 = arith.addi %mul3A_978, %add3A_989 : i32
      %get3A_991 = arith.index_cast %add3A_988 : i32 to index
      %get3A_992 = arith.index_cast %add3A_990 : i32 to index
      %get3A_993 = tpu.vector_load %arg7[%get3A_991, %get3A_992] {strides = array<i32>} : memref<128x128xf32, #tpu.memory_space<vmem>>, vector<1x16xf32>,
      %get3A_994 = vector.shape_cast %get3A_993 : vector<1x16xf32> to vector<16xf32>
      %swap3A_995 = arith.index_cast %add3A_984 : i32 to index
      %swap3A_996 = arith.constant 0 : index
      %swap3A_997 = tpu.vector_load %arg9[%swap3A_995, %swap3A_996] {strides = array<i32>} : memref<512x64xf32, #tpu.memory_space<vmem>>, vector<1x16xf32>,
      %swap3A_998 = vector.shape_cast %swap3A_997 : vector<1x16xf32> to vector<16xf32>
      %swap3A_999 = vector.shape_cast %get3A_994 : vector<16xf32> to vector<1x16xf32>
      tpu.vector_store %arg9[%swap3A_995, %swap3A_996], %swap3A_999 {strides = array<i32>} : memref<512x64xf32, #tpu.memory_space<vmem>>, vector<1x16xf32>,
      %add3A_1000 = arith.constant 16 : i32
      %add3A_1001 = arith.addi %mul3A_978, %add3A_1000 : i32
      %get3A_1002 = arith.index_cast %add3A_988 : i32 to index
      %get3A_1003 = arith.index_cast %add3A_1001 : i32 to index
      %get3A_1004 = tpu.vector_load %arg7[%get3A_1002, %get3A_1003] {strides = array<i32>} : memref<128x128xf32, #tpu.memory_space<vmem>>, vector<1x16xf32>,
      %get3A_1005 = vector.shape_cast %get3A_1004 : vector<1x16xf32> to vector<16xf32>
      %swap3A_1006 = arith.index_cast %add3A_984 : i32 to index
      %swap3A_1007 = arith.constant 16 : index
      %swap3A_1008 = tpu.vector_load %arg9[%swap3A_1006, %swap3A_1007] {strides = array<i32>} : memref<512x64xf32, #tpu.memory_space<vmem>>, vector<1x16xf32>,
      %swap3A_1009 = vector.shape_cast %swap3A_1008 : vector<1x16xf32> to vector<16xf32>
      %swap3A_1010 = vector.shape_cast %get3A_1005 : vector<16xf32> to vector<1x16xf32>
      tpu.vector_store %arg9[%swap3A_1006, %swap3A_1007], %swap3A_1010 {strides = array<i32>} : memref<512x64xf32, #tpu.memory_space<vmem>>, vector<1x16xf32>,
      %add3A_1011 = arith.constant 32 : i32
      %add3A_1012 = arith.addi %mul3A_978, %add3A_1011 : i32
      %get3A_1013 = arith.index_cast %add3A_988 : i32 to index
      %get3A_1014 = arith.index_cast %add3A_1012 : i32 to index
      %get3A_1015 = tpu.vector_load %arg7[%get3A_1013, %get3A_1014] {strides = array<i32>} : memref<128x128xf32, #tpu.memory_space<vmem>>, vector<1x16xf32>,
      %get3A_1016 = vector.shape_cast %get3A_1015 : vector<1x16xf32> to vector<16xf32>
      %swap3A_1017 = arith.index_cast %add3A_984 : i32 to index
      %swap3A_1018 = arith.constant 32 : index
      %swap3A_1019 = tpu.vector_load %arg9[%swap3A_1017, %swap3A_1018] {strides = array<i32>} : memref<512x64xf32, #tpu.memory_space<vmem>>, vector<1x16xf32>,
      %swap3A_1020 = vector.shape_cast %swap3A_1019 : vector<1x16xf32> to vector<16xf32>
      %swap3A_1021 = vector.shape_cast %get3A_1016 : vector<16xf32> to vector<1x16xf32>
      tpu.vector_store %arg9[%swap3A_1017, %swap3A_1018], %swap3A_1021 {strides = array<i32>} : memref<512x64xf32, #tpu.memory_space<vmem>>, vector<1x16xf32>,
      %add3A_1022 = arith.constant 48 : i32
      %add3A_1023 = arith.addi %mul3A_978, %add3A_1022 : i32
      %get3A_1024 = arith.index_cast %add3A_988 : i32 to index
      %get3A_1025 = arith.index_cast %add3A_1023 : i32 to index
      %get3A_1026 = tpu.vector_load %arg7[%get3A_1024, %get3A_1025] {strides = array<i32>} : memref<128x128xf32, #tpu.memory_space<vmem>>, vector<1x16xf32>,
      %get3A_1027 = vector.shape_cast %get3A_1026 : vector<1x16xf32> to vector<16xf32>
      %swap3A_1028 = arith.index_cast %add3A_984 : i32 to index
      %swap3A_1029 = arith.constant 48 : index
      %swap3A_1030 = tpu.vector_load %arg9[%swap3A_1028, %swap3A_1029] {strides = array<i32>} : memref<512x64xf32, #tpu.memory_space<vmem>>, vector<1x16xf32>,
      %swap3A_1031 = vector.shape_cast %swap3A_1030 : vector<1x16xf32> to vector<16xf32>
      %swap3A_1032 = vector.shape_cast %get3A_1027 : vector<16xf32> to vector<1x16xf32>
      tpu.vector_store %arg9[%swap3A_1028, %swap3A_1029], %swap3A_1032 {strides = array<i32>} : memref<512x64xf32, #tpu.memory_space<vmem>>, vector<1x16xf32>,
    }
    %scan3A_26 = arith.constant 8 : i32
    %dma_start3A_27 = arith.constant 256 : i32
    %dma_start3A_28 = tpu.memref_slice %arg6[%dma_start3A_27] : memref<512xi32, #tpu.memory_space<vmem>> -> memref<128xi32, #tpu.memory_space<vmem>>
    %dma_start3A_29 = arith.constant 0 : i32
    %dma_start3A_30 = arith.constant 0 : i32
    %dma_start3A_31 = tpu.memref_slice %arg2[%dma_start3A_29, %dma_start3A_30] : memref<500000x128xf32, #tpu.memory_space<hbm>> -> memref<500000x128xf32, #tpu.memory_space<hbm>>
    tpu.enqueue_indirect_dma source(%dma_start3A_31 : memref<500000x128xf32, #tpu.memory_space<hbm>>) target(%arg7 : memref<128x128xf32, #tpu.memory_space<vmem>>) offsets(%dma_start3A_28 : memref<128xi32, #tpu.memory_space<vmem>>) semaphore(%arg10 : memref<!tpu.dma_semaphore, #tpu.memory_space<semaphore_mem>>)
    %dma_wait3A_32 = arith.constant 128 : i32
    %dma_wait3A_33 = tpu.memref_slice %arg6[%dma_wait3A_32] : memref<512xi32, #tpu.memory_space<vmem>> -> memref<128xi32, #tpu.memory_space<vmem>>
    %dma_wait3A_34 = arith.constant 0 : i32
    %dma_wait3A_35 = arith.constant 0 : i32
    %dma_wait3A_36 = tpu.memref_slice %arg2[%dma_wait3A_34, %dma_wait3A_35] : memref<500000x128xf32, #tpu.memory_space<hbm>> -> memref<500000x128xf32, #tpu.memory_space<hbm>>
    tpu.wait_indirect_dma semaphore(%arg10 : memref<!tpu.dma_semaphore, #tpu.memory_space<semaphore_mem>>) src(%dma_wait3A_36 : memref<500000x128xf32, #tpu.memory_space<hbm>>) dst(%arg8 : memref<128x128xf32, #tpu.memory_space<vmem>>)
    %scan3A_37 = arith.constant 0 : i32
    %scan3A_38 = arith.constant 0 : i32
    %scan3A_39 = arith.constant 8 : i32
    %scan3A_40 = arith.addi %scan3A_38, %scan3A_39 : i32
    %scan3A_41 = arith.constant 1 : i32
    scf.for %scan3A_70 = %scan3A_38 to %scan3A_40 step %scan3A_41  : i32 {
      %mul3A_71 = arith.constant 16 : i32
      %mul3A_72 = arith.muli %scan3A_70, %mul3A_71 : i32
      %add3A_73 = arith.constant 128 : i32
      %add3A_74 = arith.addi %add3A_73, %mul3A_72 : i32
      %get3A = arith.index_cast %add3A_74 : i32 to index
      %get3A_75 = tpu.vector_load %arg5[%get3A] {strides = array<i32>} : memref<512xi32, #tpu.memory_space<vmem>>, vector<16xi32>,
      %get3A_76 = vector.shape_cast %get3A_75 : vector<16xi32> to vector<16xi32>
      %slice3A = vector.extract_strided_slice %get3A_76 {offsets = [0], sizes = [1], strides = [1]} : vector<16xi32> to vector<1xi32>
      %squeeze3A = vector.extract %slice3A[0] : i32 from vector<1xi32>
      %and3A = arith.constant 1 : i32
      %and3A_77 = arith.andi %squeeze3A, %and3A : i32
      %mul3A_78 = arith.constant 64 : i32
      %mul3A_79 = arith.muli %and3A_77, %mul3A_78 : i32
      %mul3A_80 = arith.constant 16 : i32
      %mul3A_81 = arith.muli %scan3A_70, %mul3A_80 : i32
      %add3A_82 = arith.constant 128 : i32
      %add3A_83 = arith.addi %add3A_82, %mul3A_81 : i32
      %add3A_84 = arith.constant 0 : i32
      %add3A_85 = arith.addi %add3A_83, %add3A_84 : i32
      %mul3A_86 = arith.constant 16 : i32
      %mul3A_87 = arith.muli %scan3A_70, %mul3A_86 : i32
      %add3A_88 = arith.constant 0 : i32
      %add3A_89 = arith.addi %mul3A_87, %add3A_88 : i32
      %add3A_90 = arith.constant 0 : i32
      %add3A_91 = arith.addi %mul3A_79, %add3A_90 : i32
      %get3A_92 = arith.index_cast %add3A_89 : i32 to index
      %get3A_93 = arith.index_cast %add3A_91 : i32 to index
      %get3A_94 = tpu.vector_load %arg8[%get3A_92, %get3A_93] {strides = array<i32>} : memref<128x128xf32, #tpu.memory_space<vmem>>, vector<1x16xf32>,
      %get3A_95 = vector.shape_cast %get3A_94 : vector<1x16xf32> to vector<16xf32>
      %swap3A = arith.index_cast %add3A_85 : i32 to index
      %swap3A_96 = arith.constant 0 : index
      %swap3A_97 = tpu.vector_load %arg9[%swap3A, %swap3A_96] {strides = array<i32>} : memref<512x64xf32, #tpu.memory_space<vmem>>, vector<1x16xf32>,
      %swap3A_98 = vector.shape_cast %swap3A_97 : vector<1x16xf32> to vector<16xf32>
      %swap3A_99 = vector.shape_cast %get3A_95 : vector<16xf32> to vector<1x16xf32>
      tpu.vector_store %arg9[%swap3A, %swap3A_96], %swap3A_99 {strides = array<i32>} : memref<512x64xf32, #tpu.memory_space<vmem>>, vector<1x16xf32>,
      %add3A_100 = arith.constant 16 : i32
      %add3A_101 = arith.addi %mul3A_79, %add3A_100 : i32
      %get3A_102 = arith.index_cast %add3A_89 : i32 to index
      %get3A_103 = arith.index_cast %add3A_101 : i32 to index
      %get3A_104 = tpu.vector_load %arg8[%get3A_102, %get3A_103] {strides = array<i32>} : memref<128x128xf32, #tpu.memory_space<vmem>>, vector<1x16xf32>,
      %get3A_105 = vector.shape_cast %get3A_104 : vector<1x16xf32> to vector<16xf32>
      %swap3A_106 = arith.index_cast %add3A_85 : i32 to index
      %swap3A_107 = arith.constant 16 : index
      %swap3A_108 = tpu.vector_load %arg9[%swap3A_106, %swap3A_107] {strides = array<i32>} : memref<512x64xf32, #tpu.memory_space<vmem>>, vector<1x16xf32>,
      %swap3A_109 = vector.shape_cast %swap3A_108 : vector<1x16xf32> to vector<16xf32>
      %swap3A_110 = vector.shape_cast %get3A_105 : vector<16xf32> to vector<1x16xf32>
      tpu.vector_store %arg9[%swap3A_106, %swap3A_107], %swap3A_110 {strides = array<i32>} : memref<512x64xf32, #tpu.memory_space<vmem>>, vector<1x16xf32>,
      %add3A_111 = arith.constant 32 : i32
      %add3A_112 = arith.addi %mul3A_79, %add3A_111 : i32
      %get3A_113 = arith.index_cast %add3A_89 : i32 to index
      %get3A_114 = arith.index_cast %add3A_112 : i32 to index
      %get3A_115 = tpu.vector_load %arg8[%get3A_113, %get3A_114] {strides = array<i32>} : memref<128x128xf32, #tpu.memory_space<vmem>>, vector<1x16xf32>,
      %get3A_116 = vector.shape_cast %get3A_115 : vector<1x16xf32> to vector<16xf32>
      %swap3A_117 = arith.index_cast %add3A_85 : i32 to index
      %swap3A_118 = arith.constant 32 : index
      %swap3A_119 = tpu.vector_load %arg9[%swap3A_117, %swap3A_118] {strides = array<i32>} : memref<512x64xf32, #tpu.memory_space<vmem>>, vector<1x16xf32>,
      %swap3A_120 = vector.shape_cast %swap3A_119 : vector<1x16xf32> to vector<16xf32>
      %swap3A_121 = vector.shape_cast %get3A_116 : vector<16xf32> to vector<1x16xf32>
      tpu.vector_store %arg9[%swap3A_117, %swap3A_118], %swap3A_121 {strides = array<i32>} : memref<512x64xf32, #tpu.memory_space<vmem>>, vector<1x16xf32>,
      %add3A_122 = arith.constant 48 : i32
      %add3A_123 = arith.addi %mul3A_79, %add3A_122 : i32
      %get3A_124 = arith.index_cast %add3A_89 : i32 to index
      %get3A_125 = arith.index_cast %add3A_123 : i32 to index
      %get3A_126 = tpu.vector_load %arg8[%get3A_124, %get3A_125] {strides = array<i32>} : memref<128x128xf32, #tpu.memory_space<vmem>>, vector<1x16xf32>,
      %get3A_127 = vector.shape_cast %get3A_126 : vector<1x16xf32> to vector<16xf32>
      %swap3A_128 = arith.index_cast %add3A_85 : i32 to index
      %swap3A_129 = arith.constant 48 : index
      %swap3A_130 = tpu.vector_load %arg9[%swap3A_128, %swap3A_129] {strides = array<i32>} : memref<512x64xf32, #tpu.memory_space<vmem>>, vector<1x16xf32>,
      %swap3A_131 = vector.shape_cast %swap3A_130 : vector<1x16xf32> to vector<16xf32>
      %swap3A_132 = vector.shape_cast %get3A_127 : vector<16xf32> to vector<1x16xf32>
      tpu.vector_store %arg9[%swap3A_128, %swap3A_129], %swap3A_132 {strides = array<i32>} : memref<512x64xf32, #tpu.memory_space<vmem>>, vector<1x16xf32>,
      %slice3A_133 = vector.extract_strided_slice %get3A_76 {offsets = [1], sizes = [1], strides = [1]} : vector<16xi32> to vector<1xi32>
      %squeeze3A_134 = vector.extract %slice3A_133[0] : i32 from vector<1xi32>
      %and3A_135 = arith.constant 1 : i32
      %and3A_136 = arith.andi %squeeze3A_134, %and3A_135 : i32
      %mul3A_137 = arith.constant 64 : i32
      %mul3A_138 = arith.muli %and3A_136, %mul3A_137 : i32
      %mul3A_139 = arith.constant 16 : i32
      %mul3A_140 = arith.muli %scan3A_70, %mul3A_139 : i32
      %add3A_141 = arith.constant 128 : i32
      %add3A_142 = arith.addi %add3A_141, %mul3A_140 : i32
      %add3A_143 = arith.constant 1 : i32
      %add3A_144 = arith.addi %add3A_142, %add3A_143 : i32
      %mul3A_145 = arith.constant 16 : i32
      %mul3A_146 = arith.muli %scan3A_70, %mul3A_145 : i32
      %add3A_147 = arith.constant 1 : i32
      %add3A_148 = arith.addi %mul3A_146, %add3A_147 : i32
      %add3A_149 = arith.constant 0 : i32
      %add3A_150 = arith.addi %mul3A_138, %add3A_149 : i32
      %get3A_151 = arith.index_cast %add3A_148 : i32 to index
      %get3A_152 = arith.index_cast %add3A_150 : i32 to index
      %get3A_153 = tpu.vector_load %arg8[%get3A_151, %get3A_152] {strides = array<i32>} : memref<128x128xf32, #tpu.memory_space<vmem>>, vector<1x16xf32>,
      %get3A_154 = vector.shape_cast %get3A_153 : vector<1x16xf32> to vector<16xf32>
      %swap3A_155 = arith.index_cast %add3A_144 : i32 to index
      %swap3A_156 = arith.constant 0 : index
      %swap3A_157 = tpu.vector_load %arg9[%swap3A_155, %swap3A_156] {strides = array<i32>} : memref<512x64xf32, #tpu.memory_space<vmem>>, vector<1x16xf32>,
      %swap3A_158 = vector.shape_cast %swap3A_157 : vector<1x16xf32> to vector<16xf32>
      %swap3A_159 = vector.shape_cast %get3A_154 : vector<16xf32> to vector<1x16xf32>
      tpu.vector_store %arg9[%swap3A_155, %swap3A_156], %swap3A_159 {strides = array<i32>} : memref<512x64xf32, #tpu.memory_space<vmem>>, vector<1x16xf32>,
      %add3A_160 = arith.constant 16 : i32
      %add3A_161 = arith.addi %mul3A_138, %add3A_160 : i32
      %get3A_162 = arith.index_cast %add3A_148 : i32 to index
      %get3A_163 = arith.index_cast %add3A_161 : i32 to index
      %get3A_164 = tpu.vector_load %arg8[%get3A_162, %get3A_163] {strides = array<i32>} : memref<128x128xf32, #tpu.memory_space<vmem>>, vector<1x16xf32>,
      %get3A_165 = vector.shape_cast %get3A_164 : vector<1x16xf32> to vector<16xf32>
      %swap3A_166 = arith.index_cast %add3A_144 : i32 to index
      %swap3A_167 = arith.constant 16 : index
      %swap3A_168 = tpu.vector_load %arg9[%swap3A_166, %swap3A_167] {strides = array<i32>} : memref<512x64xf32, #tpu.memory_space<vmem>>, vector<1x16xf32>,
      %swap3A_169 = vector.shape_cast %swap3A_168 : vector<1x16xf32> to vector<16xf32>
      %swap3A_170 = vector.shape_cast %get3A_165 : vector<16xf32> to vector<1x16xf32>
      tpu.vector_store %arg9[%swap3A_166, %swap3A_167], %swap3A_170 {strides = array<i32>} : memref<512x64xf32, #tpu.memory_space<vmem>>, vector<1x16xf32>,
      %add3A_171 = arith.constant 32 : i32
      %add3A_172 = arith.addi %mul3A_138, %add3A_171 : i32
      %get3A_173 = arith.index_cast %add3A_148 : i32 to index
      %get3A_174 = arith.index_cast %add3A_172 : i32 to index
      %get3A_175 = tpu.vector_load %arg8[%get3A_173, %get3A_174] {strides = array<i32>} : memref<128x128xf32, #tpu.memory_space<vmem>>, vector<1x16xf32>,
      %get3A_176 = vector.shape_cast %get3A_175 : vector<1x16xf32> to vector<16xf32>
      %swap3A_177 = arith.index_cast %add3A_144 : i32 to index
      %swap3A_178 = arith.constant 32 : index
      %swap3A_179 = tpu.vector_load %arg9[%swap3A_177, %swap3A_178] {strides = array<i32>} : memref<512x64xf32, #tpu.memory_space<vmem>>, vector<1x16xf32>,
      %swap3A_180 = vector.shape_cast %swap3A_179 : vector<1x16xf32> to vector<16xf32>
      %swap3A_181 = vector.shape_cast %get3A_176 : vector<16xf32> to vector<1x16xf32>
      tpu.vector_store %arg9[%swap3A_177, %swap3A_178], %swap3A_181 {strides = array<i32>} : memref<512x64xf32, #tpu.memory_space<vmem>>, vector<1x16xf32>,
      %add3A_182 = arith.constant 48 : i32
      %add3A_183 = arith.addi %mul3A_138, %add3A_182 : i32
      %get3A_184 = arith.index_cast %add3A_148 : i32 to index
      %get3A_185 = arith.index_cast %add3A_183 : i32 to index
      %get3A_186 = tpu.vector_load %arg8[%get3A_184, %get3A_185] {strides = array<i32>} : memref<128x128xf32, #tpu.memory_space<vmem>>, vector<1x16xf32>,
      %get3A_187 = vector.shape_cast %get3A_186 : vector<1x16xf32> to vector<16xf32>
      %swap3A_188 = arith.index_cast %add3A_144 : i32 to index
      %swap3A_189 = arith.constant 48 : index
      %swap3A_190 = tpu.vector_load %arg9[%swap3A_188, %swap3A_189] {strides = array<i32>} : memref<512x64xf32, #tpu.memory_space<vmem>>, vector<1x16xf32>,
      %swap3A_191 = vector.shape_cast %swap3A_190 : vector<1x16xf32> to vector<16xf32>
      %swap3A_192 = vector.shape_cast %get3A_187 : vector<16xf32> to vector<1x16xf32>
      tpu.vector_store %arg9[%swap3A_188, %swap3A_189], %swap3A_192 {strides = array<i32>} : memref<512x64xf32, #tpu.memory_space<vmem>>, vector<1x16xf32>,
      %slice3A_193 = vector.extract_strided_slice %get3A_76 {offsets = [2], sizes = [1], strides = [1]} : vector<16xi32> to vector<1xi32>
      %squeeze3A_194 = vector.extract %slice3A_193[0] : i32 from vector<1xi32>
      %and3A_195 = arith.constant 1 : i32
      %and3A_196 = arith.andi %squeeze3A_194, %and3A_195 : i32
      %mul3A_197 = arith.constant 64 : i32
      %mul3A_198 = arith.muli %and3A_196, %mul3A_197 : i32
      %mul3A_199 = arith.constant 16 : i32
      %mul3A_200 = arith.muli %scan3A_70, %mul3A_199 : i32
      %add3A_201 = arith.constant 128 : i32
      %add3A_202 = arith.addi %add3A_201, %mul3A_200 : i32
      %add3A_203 = arith.constant 2 : i32
      %add3A_204 = arith.addi %add3A_202, %add3A_203 : i32
      %mul3A_205 = arith.constant 16 : i32
      %mul3A_206 = arith.muli %scan3A_70, %mul3A_205 : i32
      %add3A_207 = arith.constant 2 : i32
      %add3A_208 = arith.addi %mul3A_206, %add3A_207 : i32
      %add3A_209 = arith.constant 0 : i32
      %add3A_210 = arith.addi %mul3A_198, %add3A_209 : i32
      %get3A_211 = arith.index_cast %add3A_208 : i32 to index
      %get3A_212 = arith.index_cast %add3A_210 : i32 to index
      %get3A_213 = tpu.vector_load %arg8[%get3A_211, %get3A_212] {strides = array<i32>} : memref<128x128xf32, #tpu.memory_space<vmem>>, vector<1x16xf32>,
      %get3A_214 = vector.shape_cast %get3A_213 : vector<1x16xf32> to vector<16xf32>
      %swap3A_215 = arith.index_cast %add3A_204 : i32 to index
      %swap3A_216 = arith.constant 0 : index
      %swap3A_217 = tpu.vector_load %arg9[%swap3A_215, %swap3A_216] {strides = array<i32>} : memref<512x64xf32, #tpu.memory_space<vmem>>, vector<1x16xf32>,
      %swap3A_218 = vector.shape_cast %swap3A_217 : vector<1x16xf32> to vector<16xf32>
      %swap3A_219 = vector.shape_cast %get3A_214 : vector<16xf32> to vector<1x16xf32>
      tpu.vector_store %arg9[%swap3A_215, %swap3A_216], %swap3A_219 {strides = array<i32>} : memref<512x64xf32, #tpu.memory_space<vmem>>, vector<1x16xf32>,
      %add3A_220 = arith.constant 16 : i32
      %add3A_221 = arith.addi %mul3A_198, %add3A_220 : i32
      %get3A_222 = arith.index_cast %add3A_208 : i32 to index
      %get3A_223 = arith.index_cast %add3A_221 : i32 to index
      %get3A_224 = tpu.vector_load %arg8[%get3A_222, %get3A_223] {strides = array<i32>} : memref<128x128xf32, #tpu.memory_space<vmem>>, vector<1x16xf32>,
      %get3A_225 = vector.shape_cast %get3A_224 : vector<1x16xf32> to vector<16xf32>
      %swap3A_226 = arith.index_cast %add3A_204 : i32 to index
      %swap3A_227 = arith.constant 16 : index
      %swap3A_228 = tpu.vector_load %arg9[%swap3A_226, %swap3A_227] {strides = array<i32>} : memref<512x64xf32, #tpu.memory_space<vmem>>, vector<1x16xf32>,
      %swap3A_229 = vector.shape_cast %swap3A_228 : vector<1x16xf32> to vector<16xf32>
      %swap3A_230 = vector.shape_cast %get3A_225 : vector<16xf32> to vector<1x16xf32>
      tpu.vector_store %arg9[%swap3A_226, %swap3A_227], %swap3A_230 {strides = array<i32>} : memref<512x64xf32, #tpu.memory_space<vmem>>, vector<1x16xf32>,
      %add3A_231 = arith.constant 32 : i32
      %add3A_232 = arith.addi %mul3A_198, %add3A_231 : i32
      %get3A_233 = arith.index_cast %add3A_208 : i32 to index
      %get3A_234 = arith.index_cast %add3A_232 : i32 to index
      %get3A_235 = tpu.vector_load %arg8[%get3A_233, %get3A_234] {strides = array<i32>} : memref<128x128xf32, #tpu.memory_space<vmem>>, vector<1x16xf32>,
      %get3A_236 = vector.shape_cast %get3A_235 : vector<1x16xf32> to vector<16xf32>
      %swap3A_237 = arith.index_cast %add3A_204 : i32 to index
      %swap3A_238 = arith.constant 32 : index
      %swap3A_239 = tpu.vector_load %arg9[%swap3A_237, %swap3A_238] {strides = array<i32>} : memref<512x64xf32, #tpu.memory_space<vmem>>, vector<1x16xf32>,
      %swap3A_240 = vector.shape_cast %swap3A_239 : vector<1x16xf32> to vector<16xf32>
      %swap3A_241 = vector.shape_cast %get3A_236 : vector<16xf32> to vector<1x16xf32>
      tpu.vector_store %arg9[%swap3A_237, %swap3A_238], %swap3A_241 {strides = array<i32>} : memref<512x64xf32, #tpu.memory_space<vmem>>, vector<1x16xf32>,
      %add3A_242 = arith.constant 48 : i32
      %add3A_243 = arith.addi %mul3A_198, %add3A_242 : i32
      %get3A_244 = arith.index_cast %add3A_208 : i32 to index
      %get3A_245 = arith.index_cast %add3A_243 : i32 to index
      %get3A_246 = tpu.vector_load %arg8[%get3A_244, %get3A_245] {strides = array<i32>} : memref<128x128xf32, #tpu.memory_space<vmem>>, vector<1x16xf32>,
      %get3A_247 = vector.shape_cast %get3A_246 : vector<1x16xf32> to vector<16xf32>
      %swap3A_248 = arith.index_cast %add3A_204 : i32 to index
      %swap3A_249 = arith.constant 48 : index
      %swap3A_250 = tpu.vector_load %arg9[%swap3A_248, %swap3A_249] {strides = array<i32>} : memref<512x64xf32, #tpu.memory_space<vmem>>, vector<1x16xf32>,
      %swap3A_251 = vector.shape_cast %swap3A_250 : vector<1x16xf32> to vector<16xf32>
      %swap3A_252 = vector.shape_cast %get3A_247 : vector<16xf32> to vector<1x16xf32>
      tpu.vector_store %arg9[%swap3A_248, %swap3A_249], %swap3A_252 {strides = array<i32>} : memref<512x64xf32, #tpu.memory_space<vmem>>, vector<1x16xf32>,
      %slice3A_253 = vector.extract_strided_slice %get3A_76 {offsets = [3], sizes = [1], strides = [1]} : vector<16xi32> to vector<1xi32>
      %squeeze3A_254 = vector.extract %slice3A_253[0] : i32 from vector<1xi32>
      %and3A_255 = arith.constant 1 : i32
      %and3A_256 = arith.andi %squeeze3A_254, %and3A_255 : i32
      %mul3A_257 = arith.constant 64 : i32
      %mul3A_258 = arith.muli %and3A_256, %mul3A_257 : i32
      %mul3A_259 = arith.constant 16 : i32
      %mul3A_260 = arith.muli %scan3A_70, %mul3A_259 : i32
      %add3A_261 = arith.constant 128 : i32
      %add3A_262 = arith.addi %add3A_261, %mul3A_260 : i32
      %add3A_263 = arith.constant 3 : i32
      %add3A_264 = arith.addi %add3A_262, %add3A_263 : i32
      %mul3A_265 = arith.constant 16 : i32
      %mul3A_266 = arith.muli %scan3A_70, %mul3A_265 : i32
      %add3A_267 = arith.constant 3 : i32
      %add3A_268 = arith.addi %mul3A_266, %add3A_267 : i32
      %add3A_269 = arith.constant 0 : i32
      %add3A_270 = arith.addi %mul3A_258, %add3A_269 : i32
      %get3A_271 = arith.index_cast %add3A_268 : i32 to index
      %get3A_272 = arith.index_cast %add3A_270 : i32 to index
      %get3A_273 = tpu.vector_load %arg8[%get3A_271, %get3A_272] {strides = array<i32>} : memref<128x128xf32, #tpu.memory_space<vmem>>, vector<1x16xf32>,
      %get3A_274 = vector.shape_cast %get3A_273 : vector<1x16xf32> to vector<16xf32>
      %swap3A_275 = arith.index_cast %add3A_264 : i32 to index
      %swap3A_276 = arith.constant 0 : index
      %swap3A_277 = tpu.vector_load %arg9[%swap3A_275, %swap3A_276] {strides = array<i32>} : memref<512x64xf32, #tpu.memory_space<vmem>>, vector<1x16xf32>,
      %swap3A_278 = vector.shape_cast %swap3A_277 : vector<1x16xf32> to vector<16xf32>
      %swap3A_279 = vector.shape_cast %get3A_274 : vector<16xf32> to vector<1x16xf32>
      tpu.vector_store %arg9[%swap3A_275, %swap3A_276], %swap3A_279 {strides = array<i32>} : memref<512x64xf32, #tpu.memory_space<vmem>>, vector<1x16xf32>,
      %add3A_280 = arith.constant 16 : i32
      %add3A_281 = arith.addi %mul3A_258, %add3A_280 : i32
      %get3A_282 = arith.index_cast %add3A_268 : i32 to index
      %get3A_283 = arith.index_cast %add3A_281 : i32 to index
      %get3A_284 = tpu.vector_load %arg8[%get3A_282, %get3A_283] {strides = array<i32>} : memref<128x128xf32, #tpu.memory_space<vmem>>, vector<1x16xf32>,
      %get3A_285 = vector.shape_cast %get3A_284 : vector<1x16xf32> to vector<16xf32>
      %swap3A_286 = arith.index_cast %add3A_264 : i32 to index
      %swap3A_287 = arith.constant 16 : index
      %swap3A_288 = tpu.vector_load %arg9[%swap3A_286, %swap3A_287] {strides = array<i32>} : memref<512x64xf32, #tpu.memory_space<vmem>>, vector<1x16xf32>,
      %swap3A_289 = vector.shape_cast %swap3A_288 : vector<1x16xf32> to vector<16xf32>
      %swap3A_290 = vector.shape_cast %get3A_285 : vector<16xf32> to vector<1x16xf32>
      tpu.vector_store %arg9[%swap3A_286, %swap3A_287], %swap3A_290 {strides = array<i32>} : memref<512x64xf32, #tpu.memory_space<vmem>>, vector<1x16xf32>,
      %add3A_291 = arith.constant 32 : i32
      %add3A_292 = arith.addi %mul3A_258, %add3A_291 : i32
      %get3A_293 = arith.index_cast %add3A_268 : i32 to index
      %get3A_294 = arith.index_cast %add3A_292 : i32 to index
      %get3A_295 = tpu.vector_load %arg8[%get3A_293, %get3A_294] {strides = array<i32>} : memref<128x128xf32, #tpu.memory_space<vmem>>, vector<1x16xf32>,
      %get3A_296 = vector.shape_cast %get3A_295 : vector<1x16xf32> to vector<16xf32>
      %swap3A_297 = arith.index_cast %add3A_264 : i32 to index
      %swap3A_298 = arith.constant 32 : index
      %swap3A_299 = tpu.vector_load %arg9[%swap3A_297, %swap3A_298] {strides = array<i32>} : memref<512x64xf32, #tpu.memory_space<vmem>>, vector<1x16xf32>,
      %swap3A_300 = vector.shape_cast %swap3A_299 : vector<1x16xf32> to vector<16xf32>
      %swap3A_301 = vector.shape_cast %get3A_296 : vector<16xf32> to vector<1x16xf32>
      tpu.vector_store %arg9[%swap3A_297, %swap3A_298], %swap3A_301 {strides = array<i32>} : memref<512x64xf32, #tpu.memory_space<vmem>>, vector<1x16xf32>,
      %add3A_302 = arith.constant 48 : i32
      %add3A_303 = arith.addi %mul3A_258, %add3A_302 : i32
      %get3A_304 = arith.index_cast %add3A_268 : i32 to index
      %get3A_305 = arith.index_cast %add3A_303 : i32 to index
      %get3A_306 = tpu.vector_load %arg8[%get3A_304, %get3A_305] {strides = array<i32>} : memref<128x128xf32, #tpu.memory_space<vmem>>, vector<1x16xf32>,
      %get3A_307 = vector.shape_cast %get3A_306 : vector<1x16xf32> to vector<16xf32>
      %swap3A_308 = arith.index_cast %add3A_264 : i32 to index
      %swap3A_309 = arith.constant 48 : index
      %swap3A_310 = tpu.vector_load %arg9[%swap3A_308, %swap3A_309] {strides = array<i32>} : memref<512x64xf32, #tpu.memory_space<vmem>>, vector<1x16xf32>,
      %swap3A_311 = vector.shape_cast %swap3A_310 : vector<1x16xf32> to vector<16xf32>
      %swap3A_312 = vector.shape_cast %get3A_307 : vector<16xf32> to vector<1x16xf32>
      tpu.vector_store %arg9[%swap3A_308, %swap3A_309], %swap3A_312 {strides = array<i32>} : memref<512x64xf32, #tpu.memory_space<vmem>>, vector<1x16xf32>,
      %slice3A_313 = vector.extract_strided_slice %get3A_76 {offsets = [4], sizes = [1], strides = [1]} : vector<16xi32> to vector<1xi32>
      %squeeze3A_314 = vector.extract %slice3A_313[0] : i32 from vector<1xi32>
      %and3A_315 = arith.constant 1 : i32
      %and3A_316 = arith.andi %squeeze3A_314, %and3A_315 : i32
      %mul3A_317 = arith.constant 64 : i32
      %mul3A_318 = arith.muli %and3A_316, %mul3A_317 : i32
      %mul3A_319 = arith.constant 16 : i32
      %mul3A_320 = arith.muli %scan3A_70, %mul3A_319 : i32
      %add3A_321 = arith.constant 128 : i32
      %add3A_322 = arith.addi %add3A_321, %mul3A_320 : i32
      %add3A_323 = arith.constant 4 : i32
      %add3A_324 = arith.addi %add3A_322, %add3A_323 : i32
      %mul3A_325 = arith.constant 16 : i32
      %mul3A_326 = arith.muli %scan3A_70, %mul3A_325 : i32
      %add3A_327 = arith.constant 4 : i32
      %add3A_328 = arith.addi %mul3A_326, %add3A_327 : i32
      %add3A_329 = arith.constant 0 : i32
      %add3A_330 = arith.addi %mul3A_318, %add3A_329 : i32
      %get3A_331 = arith.index_cast %add3A_328 : i32 to index
      %get3A_332 = arith.index_cast %add3A_330 : i32 to index
      %get3A_333 = tpu.vector_load %arg8[%get3A_331, %get3A_332] {strides = array<i32>} : memref<128x128xf32, #tpu.memory_space<vmem>>, vector<1x16xf32>,
      %get3A_334 = vector.shape_cast %get3A_333 : vector<1x16xf32> to vector<16xf32>
      %swap3A_335 = arith.index_cast %add3A_324 : i32 to index
      %swap3A_336 = arith.constant 0 : index
      %swap3A_337 = tpu.vector_load %arg9[%swap3A_335, %swap3A_336] {strides = array<i32>} : memref<512x64xf32, #tpu.memory_space<vmem>>, vector<1x16xf32>,
      %swap3A_338 = vector.shape_cast %swap3A_337 : vector<1x16xf32> to vector<16xf32>
      %swap3A_339 = vector.shape_cast %get3A_334 : vector<16xf32> to vector<1x16xf32>
      tpu.vector_store %arg9[%swap3A_335, %swap3A_336], %swap3A_339 {strides = array<i32>} : memref<512x64xf32, #tpu.memory_space<vmem>>, vector<1x16xf32>,
      %add3A_340 = arith.constant 16 : i32
      %add3A_341 = arith.addi %mul3A_318, %add3A_340 : i32
      %get3A_342 = arith.index_cast %add3A_328 : i32 to index
      %get3A_343 = arith.index_cast %add3A_341 : i32 to index
      %get3A_344 = tpu.vector_load %arg8[%get3A_342, %get3A_343] {strides = array<i32>} : memref<128x128xf32, #tpu.memory_space<vmem>>, vector<1x16xf32>,
      %get3A_345 = vector.shape_cast %get3A_344 : vector<1x16xf32> to vector<16xf32>
      %swap3A_346 = arith.index_cast %add3A_324 : i32 to index
      %swap3A_347 = arith.constant 16 : index
      %swap3A_348 = tpu.vector_load %arg9[%swap3A_346, %swap3A_347] {strides = array<i32>} : memref<512x64xf32, #tpu.memory_space<vmem>>, vector<1x16xf32>,
      %swap3A_349 = vector.shape_cast %swap3A_348 : vector<1x16xf32> to vector<16xf32>
      %swap3A_350 = vector.shape_cast %get3A_345 : vector<16xf32> to vector<1x16xf32>
      tpu.vector_store %arg9[%swap3A_346, %swap3A_347], %swap3A_350 {strides = array<i32>} : memref<512x64xf32, #tpu.memory_space<vmem>>, vector<1x16xf32>,
      %add3A_351 = arith.constant 32 : i32
      %add3A_352 = arith.addi %mul3A_318, %add3A_351 : i32
      %get3A_353 = arith.index_cast %add3A_328 : i32 to index
      %get3A_354 = arith.index_cast %add3A_352 : i32 to index
      %get3A_355 = tpu.vector_load %arg8[%get3A_353, %get3A_354] {strides = array<i32>} : memref<128x128xf32, #tpu.memory_space<vmem>>, vector<1x16xf32>,
      %get3A_356 = vector.shape_cast %get3A_355 : vector<1x16xf32> to vector<16xf32>
      %swap3A_357 = arith.index_cast %add3A_324 : i32 to index
      %swap3A_358 = arith.constant 32 : index
      %swap3A_359 = tpu.vector_load %arg9[%swap3A_357, %swap3A_358] {strides = array<i32>} : memref<512x64xf32, #tpu.memory_space<vmem>>, vector<1x16xf32>,
      %swap3A_360 = vector.shape_cast %swap3A_359 : vector<1x16xf32> to vector<16xf32>
      %swap3A_361 = vector.shape_cast %get3A_356 : vector<16xf32> to vector<1x16xf32>
      tpu.vector_store %arg9[%swap3A_357, %swap3A_358], %swap3A_361 {strides = array<i32>} : memref<512x64xf32, #tpu.memory_space<vmem>>, vector<1x16xf32>,
      %add3A_362 = arith.constant 48 : i32
      %add3A_363 = arith.addi %mul3A_318, %add3A_362 : i32
      %get3A_364 = arith.index_cast %add3A_328 : i32 to index
      %get3A_365 = arith.index_cast %add3A_363 : i32 to index
      %get3A_366 = tpu.vector_load %arg8[%get3A_364, %get3A_365] {strides = array<i32>} : memref<128x128xf32, #tpu.memory_space<vmem>>, vector<1x16xf32>,
      %get3A_367 = vector.shape_cast %get3A_366 : vector<1x16xf32> to vector<16xf32>
      %swap3A_368 = arith.index_cast %add3A_324 : i32 to index
      %swap3A_369 = arith.constant 48 : index
      %swap3A_370 = tpu.vector_load %arg9[%swap3A_368, %swap3A_369] {strides = array<i32>} : memref<512x64xf32, #tpu.memory_space<vmem>>, vector<1x16xf32>,
      %swap3A_371 = vector.shape_cast %swap3A_370 : vector<1x16xf32> to vector<16xf32>
      %swap3A_372 = vector.shape_cast %get3A_367 : vector<16xf32> to vector<1x16xf32>
      tpu.vector_store %arg9[%swap3A_368, %swap3A_369], %swap3A_372 {strides = array<i32>} : memref<512x64xf32, #tpu.memory_space<vmem>>, vector<1x16xf32>,
      %slice3A_373 = vector.extract_strided_slice %get3A_76 {offsets = [5], sizes = [1], strides = [1]} : vector<16xi32> to vector<1xi32>
      %squeeze3A_374 = vector.extract %slice3A_373[0] : i32 from vector<1xi32>
      %and3A_375 = arith.constant 1 : i32
      %and3A_376 = arith.andi %squeeze3A_374, %and3A_375 : i32
      %mul3A_377 = arith.constant 64 : i32
      %mul3A_378 = arith.muli %and3A_376, %mul3A_377 : i32
      %mul3A_379 = arith.constant 16 : i32
      %mul3A_380 = arith.muli %scan3A_70, %mul3A_379 : i32
      %add3A_381 = arith.constant 128 : i32
      %add3A_382 = arith.addi %add3A_381, %mul3A_380 : i32
      %add3A_383 = arith.constant 5 : i32
      %add3A_384 = arith.addi %add3A_382, %add3A_383 : i32
      %mul3A_385 = arith.constant 16 : i32
      %mul3A_386 = arith.muli %scan3A_70, %mul3A_385 : i32
      %add3A_387 = arith.constant 5 : i32
      %add3A_388 = arith.addi %mul3A_386, %add3A_387 : i32
      %add3A_389 = arith.constant 0 : i32
      %add3A_390 = arith.addi %mul3A_378, %add3A_389 : i32
      %get3A_391 = arith.index_cast %add3A_388 : i32 to index
      %get3A_392 = arith.index_cast %add3A_390 : i32 to index
      %get3A_393 = tpu.vector_load %arg8[%get3A_391, %get3A_392] {strides = array<i32>} : memref<128x128xf32, #tpu.memory_space<vmem>>, vector<1x16xf32>,
      %get3A_394 = vector.shape_cast %get3A_393 : vector<1x16xf32> to vector<16xf32>
      %swap3A_395 = arith.index_cast %add3A_384 : i32 to index
      %swap3A_396 = arith.constant 0 : index
      %swap3A_397 = tpu.vector_load %arg9[%swap3A_395, %swap3A_396] {strides = array<i32>} : memref<512x64xf32, #tpu.memory_space<vmem>>, vector<1x16xf32>,
      %swap3A_398 = vector.shape_cast %swap3A_397 : vector<1x16xf32> to vector<16xf32>
      %swap3A_399 = vector.shape_cast %get3A_394 : vector<16xf32> to vector<1x16xf32>
      tpu.vector_store %arg9[%swap3A_395, %swap3A_396], %swap3A_399 {strides = array<i32>} : memref<512x64xf32, #tpu.memory_space<vmem>>, vector<1x16xf32>,
      %add3A_400 = arith.constant 16 : i32
      %add3A_401 = arith.addi %mul3A_378, %add3A_400 : i32
      %get3A_402 = arith.index_cast %add3A_388 : i32 to index
      %get3A_403 = arith.index_cast %add3A_401 : i32 to index
      %get3A_404 = tpu.vector_load %arg8[%get3A_402, %get3A_403] {strides = array<i32>} : memref<128x128xf32, #tpu.memory_space<vmem>>, vector<1x16xf32>,
      %get3A_405 = vector.shape_cast %get3A_404 : vector<1x16xf32> to vector<16xf32>
      %swap3A_406 = arith.index_cast %add3A_384 : i32 to index
      %swap3A_407 = arith.constant 16 : index
      %swap3A_408 = tpu.vector_load %arg9[%swap3A_406, %swap3A_407] {strides = array<i32>} : memref<512x64xf32, #tpu.memory_space<vmem>>, vector<1x16xf32>,
      %swap3A_409 = vector.shape_cast %swap3A_408 : vector<1x16xf32> to vector<16xf32>
      %swap3A_410 = vector.shape_cast %get3A_405 : vector<16xf32> to vector<1x16xf32>
      tpu.vector_store %arg9[%swap3A_406, %swap3A_407], %swap3A_410 {strides = array<i32>} : memref<512x64xf32, #tpu.memory_space<vmem>>, vector<1x16xf32>,
      %add3A_411 = arith.constant 32 : i32
      %add3A_412 = arith.addi %mul3A_378, %add3A_411 : i32
      %get3A_413 = arith.index_cast %add3A_388 : i32 to index
      %get3A_414 = arith.index_cast %add3A_412 : i32 to index
      %get3A_415 = tpu.vector_load %arg8[%get3A_413, %get3A_414] {strides = array<i32>} : memref<128x128xf32, #tpu.memory_space<vmem>>, vector<1x16xf32>,
      %get3A_416 = vector.shape_cast %get3A_415 : vector<1x16xf32> to vector<16xf32>
      %swap3A_417 = arith.index_cast %add3A_384 : i32 to index
      %swap3A_418 = arith.constant 32 : index
      %swap3A_419 = tpu.vector_load %arg9[%swap3A_417, %swap3A_418] {strides = array<i32>} : memref<512x64xf32, #tpu.memory_space<vmem>>, vector<1x16xf32>,
      %swap3A_420 = vector.shape_cast %swap3A_419 : vector<1x16xf32> to vector<16xf32>
      %swap3A_421 = vector.shape_cast %get3A_416 : vector<16xf32> to vector<1x16xf32>
      tpu.vector_store %arg9[%swap3A_417, %swap3A_418], %swap3A_421 {strides = array<i32>} : memref<512x64xf32, #tpu.memory_space<vmem>>, vector<1x16xf32>,
      %add3A_422 = arith.constant 48 : i32
      %add3A_423 = arith.addi %mul3A_378, %add3A_422 : i32
      %get3A_424 = arith.index_cast %add3A_388 : i32 to index
      %get3A_425 = arith.index_cast %add3A_423 : i32 to index
      %get3A_426 = tpu.vector_load %arg8[%get3A_424, %get3A_425] {strides = array<i32>} : memref<128x128xf32, #tpu.memory_space<vmem>>, vector<1x16xf32>,
      %get3A_427 = vector.shape_cast %get3A_426 : vector<1x16xf32> to vector<16xf32>
      %swap3A_428 = arith.index_cast %add3A_384 : i32 to index
      %swap3A_429 = arith.constant 48 : index
      %swap3A_430 = tpu.vector_load %arg9[%swap3A_428, %swap3A_429] {strides = array<i32>} : memref<512x64xf32, #tpu.memory_space<vmem>>, vector<1x16xf32>,
      %swap3A_431 = vector.shape_cast %swap3A_430 : vector<1x16xf32> to vector<16xf32>
      %swap3A_432 = vector.shape_cast %get3A_427 : vector<16xf32> to vector<1x16xf32>
      tpu.vector_store %arg9[%swap3A_428, %swap3A_429], %swap3A_432 {strides = array<i32>} : memref<512x64xf32, #tpu.memory_space<vmem>>, vector<1x16xf32>,
      %slice3A_433 = vector.extract_strided_slice %get3A_76 {offsets = [6], sizes = [1], strides = [1]} : vector<16xi32> to vector<1xi32>
      %squeeze3A_434 = vector.extract %slice3A_433[0] : i32 from vector<1xi32>
      %and3A_435 = arith.constant 1 : i32
      %and3A_436 = arith.andi %squeeze3A_434, %and3A_435 : i32
      %mul3A_437 = arith.constant 64 : i32
      %mul3A_438 = arith.muli %and3A_436, %mul3A_437 : i32
      %mul3A_439 = arith.constant 16 : i32
      %mul3A_440 = arith.muli %scan3A_70, %mul3A_439 : i32
      %add3A_441 = arith.constant 128 : i32
      %add3A_442 = arith.addi %add3A_441, %mul3A_440 : i32
      %add3A_443 = arith.constant 6 : i32
      %add3A_444 = arith.addi %add3A_442, %add3A_443 : i32
      %mul3A_445 = arith.constant 16 : i32
      %mul3A_446 = arith.muli %scan3A_70, %mul3A_445 : i32
      %add3A_447 = arith.constant 6 : i32
      %add3A_448 = arith.addi %mul3A_446, %add3A_447 : i32
      %add3A_449 = arith.constant 0 : i32
      %add3A_450 = arith.addi %mul3A_438, %add3A_449 : i32
      %get3A_451 = arith.index_cast %add3A_448 : i32 to index
      %get3A_452 = arith.index_cast %add3A_450 : i32 to index
      %get3A_453 = tpu.vector_load %arg8[%get3A_451, %get3A_452] {strides = array<i32>} : memref<128x128xf32, #tpu.memory_space<vmem>>, vector<1x16xf32>,
      %get3A_454 = vector.shape_cast %get3A_453 : vector<1x16xf32> to vector<16xf32>
      %swap3A_455 = arith.index_cast %add3A_444 : i32 to index
      %swap3A_456 = arith.constant 0 : index
      %swap3A_457 = tpu.vector_load %arg9[%swap3A_455, %swap3A_456] {strides = array<i32>} : memref<512x64xf32, #tpu.memory_space<vmem>>, vector<1x16xf32>,
      %swap3A_458 = vector.shape_cast %swap3A_457 : vector<1x16xf32> to vector<16xf32>
      %swap3A_459 = vector.shape_cast %get3A_454 : vector<16xf32> to vector<1x16xf32>
      tpu.vector_store %arg9[%swap3A_455, %swap3A_456], %swap3A_459 {strides = array<i32>} : memref<512x64xf32, #tpu.memory_space<vmem>>, vector<1x16xf32>,
      %add3A_460 = arith.constant 16 : i32
      %add3A_461 = arith.addi %mul3A_438, %add3A_460 : i32
      %get3A_462 = arith.index_cast %add3A_448 : i32 to index
      %get3A_463 = arith.index_cast %add3A_461 : i32 to index
      %get3A_464 = tpu.vector_load %arg8[%get3A_462, %get3A_463] {strides = array<i32>} : memref<128x128xf32, #tpu.memory_space<vmem>>, vector<1x16xf32>,
      %get3A_465 = vector.shape_cast %get3A_464 : vector<1x16xf32> to vector<16xf32>
      %swap3A_466 = arith.index_cast %add3A_444 : i32 to index
      %swap3A_467 = arith.constant 16 : index
      %swap3A_468 = tpu.vector_load %arg9[%swap3A_466, %swap3A_467] {strides = array<i32>} : memref<512x64xf32, #tpu.memory_space<vmem>>, vector<1x16xf32>,
      %swap3A_469 = vector.shape_cast %swap3A_468 : vector<1x16xf32> to vector<16xf32>
      %swap3A_470 = vector.shape_cast %get3A_465 : vector<16xf32> to vector<1x16xf32>
      tpu.vector_store %arg9[%swap3A_466, %swap3A_467], %swap3A_470 {strides = array<i32>} : memref<512x64xf32, #tpu.memory_space<vmem>>, vector<1x16xf32>,
      %add3A_471 = arith.constant 32 : i32
      %add3A_472 = arith.addi %mul3A_438, %add3A_471 : i32
      %get3A_473 = arith.index_cast %add3A_448 : i32 to index
      %get3A_474 = arith.index_cast %add3A_472 : i32 to index
      %get3A_475 = tpu.vector_load %arg8[%get3A_473, %get3A_474] {strides = array<i32>} : memref<128x128xf32, #tpu.memory_space<vmem>>, vector<1x16xf32>,
      %get3A_476 = vector.shape_cast %get3A_475 : vector<1x16xf32> to vector<16xf32>
      %swap3A_477 = arith.index_cast %add3A_444 : i32 to index
      %swap3A_478 = arith.constant 32 : index
      %swap3A_479 = tpu.vector_load %arg9[%swap3A_477, %swap3A_478] {strides = array<i32>} : memref<512x64xf32, #tpu.memory_space<vmem>>, vector<1x16xf32>,
      %swap3A_480 = vector.shape_cast %swap3A_479 : vector<1x16xf32> to vector<16xf32>
      %swap3A_481 = vector.shape_cast %get3A_476 : vector<16xf32> to vector<1x16xf32>
      tpu.vector_store %arg9[%swap3A_477, %swap3A_478], %swap3A_481 {strides = array<i32>} : memref<512x64xf32, #tpu.memory_space<vmem>>, vector<1x16xf32>,
      %add3A_482 = arith.constant 48 : i32
      %add3A_483 = arith.addi %mul3A_438, %add3A_482 : i32
      %get3A_484 = arith.index_cast %add3A_448 : i32 to index
      %get3A_485 = arith.index_cast %add3A_483 : i32 to index
      %get3A_486 = tpu.vector_load %arg8[%get3A_484, %get3A_485] {strides = array<i32>} : memref<128x128xf32, #tpu.memory_space<vmem>>, vector<1x16xf32>,
      %get3A_487 = vector.shape_cast %get3A_486 : vector<1x16xf32> to vector<16xf32>
      %swap3A_488 = arith.index_cast %add3A_444 : i32 to index
      %swap3A_489 = arith.constant 48 : index
      %swap3A_490 = tpu.vector_load %arg9[%swap3A_488, %swap3A_489] {strides = array<i32>} : memref<512x64xf32, #tpu.memory_space<vmem>>, vector<1x16xf32>,
      %swap3A_491 = vector.shape_cast %swap3A_490 : vector<1x16xf32> to vector<16xf32>
      %swap3A_492 = vector.shape_cast %get3A_487 : vector<16xf32> to vector<1x16xf32>
      tpu.vector_store %arg9[%swap3A_488, %swap3A_489], %swap3A_492 {strides = array<i32>} : memref<512x64xf32, #tpu.memory_space<vmem>>, vector<1x16xf32>,
      %slice3A_493 = vector.extract_strided_slice %get3A_76 {offsets = [7], sizes = [1], strides = [1]} : vector<16xi32> to vector<1xi32>
      %squeeze3A_494 = vector.extract %slice3A_493[0] : i32 from vector<1xi32>
      %and3A_495 = arith.constant 1 : i32
      %and3A_496 = arith.andi %squeeze3A_494, %and3A_495 : i32
      %mul3A_497 = arith.constant 64 : i32
      %mul3A_498 = arith.muli %and3A_496, %mul3A_497 : i32
      %mul3A_499 = arith.constant 16 : i32
      %mul3A_500 = arith.muli %scan3A_70, %mul3A_499 : i32
      %add3A_501 = arith.constant 128 : i32
      %add3A_502 = arith.addi %add3A_501, %mul3A_500 : i32
      %add3A_503 = arith.constant 7 : i32
      %add3A_504 = arith.addi %add3A_502, %add3A_503 : i32
      %mul3A_505 = arith.constant 16 : i32
      %mul3A_506 = arith.muli %scan3A_70, %mul3A_505 : i32
      %add3A_507 = arith.constant 7 : i32
      %add3A_508 = arith.addi %mul3A_506, %add3A_507 : i32
      %add3A_509 = arith.constant 0 : i32
      %add3A_510 = arith.addi %mul3A_498, %add3A_509 : i32
      %get3A_511 = arith.index_cast %add3A_508 : i32 to index
      %get3A_512 = arith.index_cast %add3A_510 : i32 to index
      %get3A_513 = tpu.vector_load %arg8[%get3A_511, %get3A_512] {strides = array<i32>} : memref<128x128xf32, #tpu.memory_space<vmem>>, vector<1x16xf32>,
      %get3A_514 = vector.shape_cast %get3A_513 : vector<1x16xf32> to vector<16xf32>
      %swap3A_515 = arith.index_cast %add3A_504 : i32 to index
      %swap3A_516 = arith.constant 0 : index
      %swap3A_517 = tpu.vector_load %arg9[%swap3A_515, %swap3A_516] {strides = array<i32>} : memref<512x64xf32, #tpu.memory_space<vmem>>, vector<1x16xf32>,
      %swap3A_518 = vector.shape_cast %swap3A_517 : vector<1x16xf32> to vector<16xf32>
      %swap3A_519 = vector.shape_cast %get3A_514 : vector<16xf32> to vector<1x16xf32>
      tpu.vector_store %arg9[%swap3A_515, %swap3A_516], %swap3A_519 {strides = array<i32>} : memref<512x64xf32, #tpu.memory_space<vmem>>, vector<1x16xf32>,
      %add3A_520 = arith.constant 16 : i32
      %add3A_521 = arith.addi %mul3A_498, %add3A_520 : i32
      %get3A_522 = arith.index_cast %add3A_508 : i32 to index
      %get3A_523 = arith.index_cast %add3A_521 : i32 to index
      %get3A_524 = tpu.vector_load %arg8[%get3A_522, %get3A_523] {strides = array<i32>} : memref<128x128xf32, #tpu.memory_space<vmem>>, vector<1x16xf32>,
      %get3A_525 = vector.shape_cast %get3A_524 : vector<1x16xf32> to vector<16xf32>
      %swap3A_526 = arith.index_cast %add3A_504 : i32 to index
      %swap3A_527 = arith.constant 16 : index
      %swap3A_528 = tpu.vector_load %arg9[%swap3A_526, %swap3A_527] {strides = array<i32>} : memref<512x64xf32, #tpu.memory_space<vmem>>, vector<1x16xf32>,
      %swap3A_529 = vector.shape_cast %swap3A_528 : vector<1x16xf32> to vector<16xf32>
      %swap3A_530 = vector.shape_cast %get3A_525 : vector<16xf32> to vector<1x16xf32>
      tpu.vector_store %arg9[%swap3A_526, %swap3A_527], %swap3A_530 {strides = array<i32>} : memref<512x64xf32, #tpu.memory_space<vmem>>, vector<1x16xf32>,
      %add3A_531 = arith.constant 32 : i32
      %add3A_532 = arith.addi %mul3A_498, %add3A_531 : i32
      %get3A_533 = arith.index_cast %add3A_508 : i32 to index
      %get3A_534 = arith.index_cast %add3A_532 : i32 to index
      %get3A_535 = tpu.vector_load %arg8[%get3A_533, %get3A_534] {strides = array<i32>} : memref<128x128xf32, #tpu.memory_space<vmem>>, vector<1x16xf32>,
      %get3A_536 = vector.shape_cast %get3A_535 : vector<1x16xf32> to vector<16xf32>
      %swap3A_537 = arith.index_cast %add3A_504 : i32 to index
      %swap3A_538 = arith.constant 32 : index
      %swap3A_539 = tpu.vector_load %arg9[%swap3A_537, %swap3A_538] {strides = array<i32>} : memref<512x64xf32, #tpu.memory_space<vmem>>, vector<1x16xf32>,
      %swap3A_540 = vector.shape_cast %swap3A_539 : vector<1x16xf32> to vector<16xf32>
      %swap3A_541 = vector.shape_cast %get3A_536 : vector<16xf32> to vector<1x16xf32>
      tpu.vector_store %arg9[%swap3A_537, %swap3A_538], %swap3A_541 {strides = array<i32>} : memref<512x64xf32, #tpu.memory_space<vmem>>, vector<1x16xf32>,
      %add3A_542 = arith.constant 48 : i32
      %add3A_543 = arith.addi %mul3A_498, %add3A_542 : i32
      %get3A_544 = arith.index_cast %add3A_508 : i32 to index
      %get3A_545 = arith.index_cast %add3A_543 : i32 to index
      %get3A_546 = tpu.vector_load %arg8[%get3A_544, %get3A_545] {strides = array<i32>} : memref<128x128xf32, #tpu.memory_space<vmem>>, vector<1x16xf32>,
      %get3A_547 = vector.shape_cast %get3A_546 : vector<1x16xf32> to vector<16xf32>
      %swap3A_548 = arith.index_cast %add3A_504 : i32 to index
      %swap3A_549 = arith.constant 48 : index
      %swap3A_550 = tpu.vector_load %arg9[%swap3A_548, %swap3A_549] {strides = array<i32>} : memref<512x64xf32, #tpu.memory_space<vmem>>, vector<1x16xf32>,
      %swap3A_551 = vector.shape_cast %swap3A_550 : vector<1x16xf32> to vector<16xf32>
      %swap3A_552 = vector.shape_cast %get3A_547 : vector<16xf32> to vector<1x16xf32>
      tpu.vector_store %arg9[%swap3A_548, %swap3A_549], %swap3A_552 {strides = array<i32>} : memref<512x64xf32, #tpu.memory_space<vmem>>, vector<1x16xf32>,
      %slice3A_553 = vector.extract_strided_slice %get3A_76 {offsets = [8], sizes = [1], strides = [1]} : vector<16xi32> to vector<1xi32>
      %squeeze3A_554 = vector.extract %slice3A_553[0] : i32 from vector<1xi32>
      %and3A_555 = arith.constant 1 : i32
      %and3A_556 = arith.andi %squeeze3A_554, %and3A_555 : i32
      %mul3A_557 = arith.constant 64 : i32
      %mul3A_558 = arith.muli %and3A_556, %mul3A_557 : i32
      %mul3A_559 = arith.constant 16 : i32
      %mul3A_560 = arith.muli %scan3A_70, %mul3A_559 : i32
      %add3A_561 = arith.constant 128 : i32
      %add3A_562 = arith.addi %add3A_561, %mul3A_560 : i32
      %add3A_563 = arith.constant 8 : i32
      %add3A_564 = arith.addi %add3A_562, %add3A_563 : i32
      %mul3A_565 = arith.constant 16 : i32
      %mul3A_566 = arith.muli %scan3A_70, %mul3A_565 : i32
      %add3A_567 = arith.constant 8 : i32
      %add3A_568 = arith.addi %mul3A_566, %add3A_567 : i32
      %add3A_569 = arith.constant 0 : i32
      %add3A_570 = arith.addi %mul3A_558, %add3A_569 : i32
      %get3A_571 = arith.index_cast %add3A_568 : i32 to index
      %get3A_572 = arith.index_cast %add3A_570 : i32 to index
      %get3A_573 = tpu.vector_load %arg8[%get3A_571, %get3A_572] {strides = array<i32>} : memref<128x128xf32, #tpu.memory_space<vmem>>, vector<1x16xf32>,
      %get3A_574 = vector.shape_cast %get3A_573 : vector<1x16xf32> to vector<16xf32>
      %swap3A_575 = arith.index_cast %add3A_564 : i32 to index
      %swap3A_576 = arith.constant 0 : index
      %swap3A_577 = tpu.vector_load %arg9[%swap3A_575, %swap3A_576] {strides = array<i32>} : memref<512x64xf32, #tpu.memory_space<vmem>>, vector<1x16xf32>,
      %swap3A_578 = vector.shape_cast %swap3A_577 : vector<1x16xf32> to vector<16xf32>
      %swap3A_579 = vector.shape_cast %get3A_574 : vector<16xf32> to vector<1x16xf32>
      tpu.vector_store %arg9[%swap3A_575, %swap3A_576], %swap3A_579 {strides = array<i32>} : memref<512x64xf32, #tpu.memory_space<vmem>>, vector<1x16xf32>,
      %add3A_580 = arith.constant 16 : i32
      %add3A_581 = arith.addi %mul3A_558, %add3A_580 : i32
      %get3A_582 = arith.index_cast %add3A_568 : i32 to index
      %get3A_583 = arith.index_cast %add3A_581 : i32 to index
      %get3A_584 = tpu.vector_load %arg8[%get3A_582, %get3A_583] {strides = array<i32>} : memref<128x128xf32, #tpu.memory_space<vmem>>, vector<1x16xf32>,
      %get3A_585 = vector.shape_cast %get3A_584 : vector<1x16xf32> to vector<16xf32>
      %swap3A_586 = arith.index_cast %add3A_564 : i32 to index
      %swap3A_587 = arith.constant 16 : index
      %swap3A_588 = tpu.vector_load %arg9[%swap3A_586, %swap3A_587] {strides = array<i32>} : memref<512x64xf32, #tpu.memory_space<vmem>>, vector<1x16xf32>,
      %swap3A_589 = vector.shape_cast %swap3A_588 : vector<1x16xf32> to vector<16xf32>
      %swap3A_590 = vector.shape_cast %get3A_585 : vector<16xf32> to vector<1x16xf32>
      tpu.vector_store %arg9[%swap3A_586, %swap3A_587], %swap3A_590 {strides = array<i32>} : memref<512x64xf32, #tpu.memory_space<vmem>>, vector<1x16xf32>,
      %add3A_591 = arith.constant 32 : i32
      %add3A_592 = arith.addi %mul3A_558, %add3A_591 : i32
      %get3A_593 = arith.index_cast %add3A_568 : i32 to index
      %get3A_594 = arith.index_cast %add3A_592 : i32 to index
      %get3A_595 = tpu.vector_load %arg8[%get3A_593, %get3A_594] {strides = array<i32>} : memref<128x128xf32, #tpu.memory_space<vmem>>, vector<1x16xf32>,
      %get3A_596 = vector.shape_cast %get3A_595 : vector<1x16xf32> to vector<16xf32>
      %swap3A_597 = arith.index_cast %add3A_564 : i32 to index
      %swap3A_598 = arith.constant 32 : index
      %swap3A_599 = tpu.vector_load %arg9[%swap3A_597, %swap3A_598] {strides = array<i32>} : memref<512x64xf32, #tpu.memory_space<vmem>>, vector<1x16xf32>,
      %swap3A_600 = vector.shape_cast %swap3A_599 : vector<1x16xf32> to vector<16xf32>
      %swap3A_601 = vector.shape_cast %get3A_596 : vector<16xf32> to vector<1x16xf32>
      tpu.vector_store %arg9[%swap3A_597, %swap3A_598], %swap3A_601 {strides = array<i32>} : memref<512x64xf32, #tpu.memory_space<vmem>>, vector<1x16xf32>,
      %add3A_602 = arith.constant 48 : i32
      %add3A_603 = arith.addi %mul3A_558, %add3A_602 : i32
      %get3A_604 = arith.index_cast %add3A_568 : i32 to index
      %get3A_605 = arith.index_cast %add3A_603 : i32 to index
      %get3A_606 = tpu.vector_load %arg8[%get3A_604, %get3A_605] {strides = array<i32>} : memref<128x128xf32, #tpu.memory_space<vmem>>, vector<1x16xf32>,
      %get3A_607 = vector.shape_cast %get3A_606 : vector<1x16xf32> to vector<16xf32>
      %swap3A_608 = arith.index_cast %add3A_564 : i32 to index
      %swap3A_609 = arith.constant 48 : index
      %swap3A_610 = tpu.vector_load %arg9[%swap3A_608, %swap3A_609] {strides = array<i32>} : memref<512x64xf32, #tpu.memory_space<vmem>>, vector<1x16xf32>,
      %swap3A_611 = vector.shape_cast %swap3A_610 : vector<1x16xf32> to vector<16xf32>
      %swap3A_612 = vector.shape_cast %get3A_607 : vector<16xf32> to vector<1x16xf32>
      tpu.vector_store %arg9[%swap3A_608, %swap3A_609], %swap3A_612 {strides = array<i32>} : memref<512x64xf32, #tpu.memory_space<vmem>>, vector<1x16xf32>,
      %slice3A_613 = vector.extract_strided_slice %get3A_76 {offsets = [9], sizes = [1], strides = [1]} : vector<16xi32> to vector<1xi32>
      %squeeze3A_614 = vector.extract %slice3A_613[0] : i32 from vector<1xi32>
      %and3A_615 = arith.constant 1 : i32
      %and3A_616 = arith.andi %squeeze3A_614, %and3A_615 : i32
      %mul3A_617 = arith.constant 64 : i32
      %mul3A_618 = arith.muli %and3A_616, %mul3A_617 : i32
      %mul3A_619 = arith.constant 16 : i32
      %mul3A_620 = arith.muli %scan3A_70, %mul3A_619 : i32
      %add3A_621 = arith.constant 128 : i32
      %add3A_622 = arith.addi %add3A_621, %mul3A_620 : i32
      %add3A_623 = arith.constant 9 : i32
      %add3A_624 = arith.addi %add3A_622, %add3A_623 : i32
      %mul3A_625 = arith.constant 16 : i32
      %mul3A_626 = arith.muli %scan3A_70, %mul3A_625 : i32
      %add3A_627 = arith.constant 9 : i32
      %add3A_628 = arith.addi %mul3A_626, %add3A_627 : i32
      %add3A_629 = arith.constant 0 : i32
      %add3A_630 = arith.addi %mul3A_618, %add3A_629 : i32
      %get3A_631 = arith.index_cast %add3A_628 : i32 to index
      %get3A_632 = arith.index_cast %add3A_630 : i32 to index
      %get3A_633 = tpu.vector_load %arg8[%get3A_631, %get3A_632] {strides = array<i32>} : memref<128x128xf32, #tpu.memory_space<vmem>>, vector<1x16xf32>,
      %get3A_634 = vector.shape_cast %get3A_633 : vector<1x16xf32> to vector<16xf32>
      %swap3A_635 = arith.index_cast %add3A_624 : i32 to index
      %swap3A_636 = arith.constant 0 : index
      %swap3A_637 = tpu.vector_load %arg9[%swap3A_635, %swap3A_636] {strides = array<i32>} : memref<512x64xf32, #tpu.memory_space<vmem>>, vector<1x16xf32>,
      %swap3A_638 = vector.shape_cast %swap3A_637 : vector<1x16xf32> to vector<16xf32>
      %swap3A_639 = vector.shape_cast %get3A_634 : vector<16xf32> to vector<1x16xf32>
      tpu.vector_store %arg9[%swap3A_635, %swap3A_636], %swap3A_639 {strides = array<i32>} : memref<512x64xf32, #tpu.memory_space<vmem>>, vector<1x16xf32>,
      %add3A_640 = arith.constant 16 : i32
      %add3A_641 = arith.addi %mul3A_618, %add3A_640 : i32
      %get3A_642 = arith.index_cast %add3A_628 : i32 to index
      %get3A_643 = arith.index_cast %add3A_641 : i32 to index
      %get3A_644 = tpu.vector_load %arg8[%get3A_642, %get3A_643] {strides = array<i32>} : memref<128x128xf32, #tpu.memory_space<vmem>>, vector<1x16xf32>,
      %get3A_645 = vector.shape_cast %get3A_644 : vector<1x16xf32> to vector<16xf32>
      %swap3A_646 = arith.index_cast %add3A_624 : i32 to index
      %swap3A_647 = arith.constant 16 : index
      %swap3A_648 = tpu.vector_load %arg9[%swap3A_646, %swap3A_647] {strides = array<i32>} : memref<512x64xf32, #tpu.memory_space<vmem>>, vector<1x16xf32>,
      %swap3A_649 = vector.shape_cast %swap3A_648 : vector<1x16xf32> to vector<16xf32>
      %swap3A_650 = vector.shape_cast %get3A_645 : vector<16xf32> to vector<1x16xf32>
      tpu.vector_store %arg9[%swap3A_646, %swap3A_647], %swap3A_650 {strides = array<i32>} : memref<512x64xf32, #tpu.memory_space<vmem>>, vector<1x16xf32>,
      %add3A_651 = arith.constant 32 : i32
      %add3A_652 = arith.addi %mul3A_618, %add3A_651 : i32
      %get3A_653 = arith.index_cast %add3A_628 : i32 to index
      %get3A_654 = arith.index_cast %add3A_652 : i32 to index
      %get3A_655 = tpu.vector_load %arg8[%get3A_653, %get3A_654] {strides = array<i32>} : memref<128x128xf32, #tpu.memory_space<vmem>>, vector<1x16xf32>,
      %get3A_656 = vector.shape_cast %get3A_655 : vector<1x16xf32> to vector<16xf32>
      %swap3A_657 = arith.index_cast %add3A_624 : i32 to index
      %swap3A_658 = arith.constant 32 : index
      %swap3A_659 = tpu.vector_load %arg9[%swap3A_657, %swap3A_658] {strides = array<i32>} : memref<512x64xf32, #tpu.memory_space<vmem>>, vector<1x16xf32>,
      %swap3A_660 = vector.shape_cast %swap3A_659 : vector<1x16xf32> to vector<16xf32>
      %swap3A_661 = vector.shape_cast %get3A_656 : vector<16xf32> to vector<1x16xf32>
      tpu.vector_store %arg9[%swap3A_657, %swap3A_658], %swap3A_661 {strides = array<i32>} : memref<512x64xf32, #tpu.memory_space<vmem>>, vector<1x16xf32>,
      %add3A_662 = arith.constant 48 : i32
      %add3A_663 = arith.addi %mul3A_618, %add3A_662 : i32
      %get3A_664 = arith.index_cast %add3A_628 : i32 to index
      %get3A_665 = arith.index_cast %add3A_663 : i32 to index
      %get3A_666 = tpu.vector_load %arg8[%get3A_664, %get3A_665] {strides = array<i32>} : memref<128x128xf32, #tpu.memory_space<vmem>>, vector<1x16xf32>,
      %get3A_667 = vector.shape_cast %get3A_666 : vector<1x16xf32> to vector<16xf32>
      %swap3A_668 = arith.index_cast %add3A_624 : i32 to index
      %swap3A_669 = arith.constant 48 : index
      %swap3A_670 = tpu.vector_load %arg9[%swap3A_668, %swap3A_669] {strides = array<i32>} : memref<512x64xf32, #tpu.memory_space<vmem>>, vector<1x16xf32>,
      %swap3A_671 = vector.shape_cast %swap3A_670 : vector<1x16xf32> to vector<16xf32>
      %swap3A_672 = vector.shape_cast %get3A_667 : vector<16xf32> to vector<1x16xf32>
      tpu.vector_store %arg9[%swap3A_668, %swap3A_669], %swap3A_672 {strides = array<i32>} : memref<512x64xf32, #tpu.memory_space<vmem>>, vector<1x16xf32>,
      %slice3A_673 = vector.extract_strided_slice %get3A_76 {offsets = [10], sizes = [1], strides = [1]} : vector<16xi32> to vector<1xi32>
      %squeeze3A_674 = vector.extract %slice3A_673[0] : i32 from vector<1xi32>
      %and3A_675 = arith.constant 1 : i32
      %and3A_676 = arith.andi %squeeze3A_674, %and3A_675 : i32
      %mul3A_677 = arith.constant 64 : i32
      %mul3A_678 = arith.muli %and3A_676, %mul3A_677 : i32
      %mul3A_679 = arith.constant 16 : i32
      %mul3A_680 = arith.muli %scan3A_70, %mul3A_679 : i32
      %add3A_681 = arith.constant 128 : i32
      %add3A_682 = arith.addi %add3A_681, %mul3A_680 : i32
      %add3A_683 = arith.constant 10 : i32
      %add3A_684 = arith.addi %add3A_682, %add3A_683 : i32
      %mul3A_685 = arith.constant 16 : i32
      %mul3A_686 = arith.muli %scan3A_70, %mul3A_685 : i32
      %add3A_687 = arith.constant 10 : i32
      %add3A_688 = arith.addi %mul3A_686, %add3A_687 : i32
      %add3A_689 = arith.constant 0 : i32
      %add3A_690 = arith.addi %mul3A_678, %add3A_689 : i32
      %get3A_691 = arith.index_cast %add3A_688 : i32 to index
      %get3A_692 = arith.index_cast %add3A_690 : i32 to index
      %get3A_693 = tpu.vector_load %arg8[%get3A_691, %get3A_692] {strides = array<i32>} : memref<128x128xf32, #tpu.memory_space<vmem>>, vector<1x16xf32>,
      %get3A_694 = vector.shape_cast %get3A_693 : vector<1x16xf32> to vector<16xf32>
      %swap3A_695 = arith.index_cast %add3A_684 : i32 to index
      %swap3A_696 = arith.constant 0 : index
      %swap3A_697 = tpu.vector_load %arg9[%swap3A_695, %swap3A_696] {strides = array<i32>} : memref<512x64xf32, #tpu.memory_space<vmem>>, vector<1x16xf32>,
      %swap3A_698 = vector.shape_cast %swap3A_697 : vector<1x16xf32> to vector<16xf32>
      %swap3A_699 = vector.shape_cast %get3A_694 : vector<16xf32> to vector<1x16xf32>
      tpu.vector_store %arg9[%swap3A_695, %swap3A_696], %swap3A_699 {strides = array<i32>} : memref<512x64xf32, #tpu.memory_space<vmem>>, vector<1x16xf32>,
      %add3A_700 = arith.constant 16 : i32
      %add3A_701 = arith.addi %mul3A_678, %add3A_700 : i32
      %get3A_702 = arith.index_cast %add3A_688 : i32 to index
      %get3A_703 = arith.index_cast %add3A_701 : i32 to index
      %get3A_704 = tpu.vector_load %arg8[%get3A_702, %get3A_703] {strides = array<i32>} : memref<128x128xf32, #tpu.memory_space<vmem>>, vector<1x16xf32>,
      %get3A_705 = vector.shape_cast %get3A_704 : vector<1x16xf32> to vector<16xf32>
      %swap3A_706 = arith.index_cast %add3A_684 : i32 to index
      %swap3A_707 = arith.constant 16 : index
      %swap3A_708 = tpu.vector_load %arg9[%swap3A_706, %swap3A_707] {strides = array<i32>} : memref<512x64xf32, #tpu.memory_space<vmem>>, vector<1x16xf32>,
      %swap3A_709 = vector.shape_cast %swap3A_708 : vector<1x16xf32> to vector<16xf32>
      %swap3A_710 = vector.shape_cast %get3A_705 : vector<16xf32> to vector<1x16xf32>
      tpu.vector_store %arg9[%swap3A_706, %swap3A_707], %swap3A_710 {strides = array<i32>} : memref<512x64xf32, #tpu.memory_space<vmem>>, vector<1x16xf32>,
      %add3A_711 = arith.constant 32 : i32
      %add3A_712 = arith.addi %mul3A_678, %add3A_711 : i32
      %get3A_713 = arith.index_cast %add3A_688 : i32 to index
      %get3A_714 = arith.index_cast %add3A_712 : i32 to index
      %get3A_715 = tpu.vector_load %arg8[%get3A_713, %get3A_714] {strides = array<i32>} : memref<128x128xf32, #tpu.memory_space<vmem>>, vector<1x16xf32>,
      %get3A_716 = vector.shape_cast %get3A_715 : vector<1x16xf32> to vector<16xf32>
      %swap3A_717 = arith.index_cast %add3A_684 : i32 to index
      %swap3A_718 = arith.constant 32 : index
      %swap3A_719 = tpu.vector_load %arg9[%swap3A_717, %swap3A_718] {strides = array<i32>} : memref<512x64xf32, #tpu.memory_space<vmem>>, vector<1x16xf32>,
      %swap3A_720 = vector.shape_cast %swap3A_719 : vector<1x16xf32> to vector<16xf32>
      %swap3A_721 = vector.shape_cast %get3A_716 : vector<16xf32> to vector<1x16xf32>
      tpu.vector_store %arg9[%swap3A_717, %swap3A_718], %swap3A_721 {strides = array<i32>} : memref<512x64xf32, #tpu.memory_space<vmem>>, vector<1x16xf32>,
      %add3A_722 = arith.constant 48 : i32
      %add3A_723 = arith.addi %mul3A_678, %add3A_722 : i32
      %get3A_724 = arith.index_cast %add3A_688 : i32 to index
      %get3A_725 = arith.index_cast %add3A_723 : i32 to index
      %get3A_726 = tpu.vector_load %arg8[%get3A_724, %get3A_725] {strides = array<i32>} : memref<128x128xf32, #tpu.memory_space<vmem>>, vector<1x16xf32>,
      %get3A_727 = vector.shape_cast %get3A_726 : vector<1x16xf32> to vector<16xf32>
      %swap3A_728 = arith.index_cast %add3A_684 : i32 to index
      %swap3A_729 = arith.constant 48 : index
      %swap3A_730 = tpu.vector_load %arg9[%swap3A_728, %swap3A_729] {strides = array<i32>} : memref<512x64xf32, #tpu.memory_space<vmem>>, vector<1x16xf32>,
      %swap3A_731 = vector.shape_cast %swap3A_730 : vector<1x16xf32> to vector<16xf32>
      %swap3A_732 = vector.shape_cast %get3A_727 : vector<16xf32> to vector<1x16xf32>
      tpu.vector_store %arg9[%swap3A_728, %swap3A_729], %swap3A_732 {strides = array<i32>} : memref<512x64xf32, #tpu.memory_space<vmem>>, vector<1x16xf32>,
      %slice3A_733 = vector.extract_strided_slice %get3A_76 {offsets = [11], sizes = [1], strides = [1]} : vector<16xi32> to vector<1xi32>
      %squeeze3A_734 = vector.extract %slice3A_733[0] : i32 from vector<1xi32>
      %and3A_735 = arith.constant 1 : i32
      %and3A_736 = arith.andi %squeeze3A_734, %and3A_735 : i32
      %mul3A_737 = arith.constant 64 : i32
      %mul3A_738 = arith.muli %and3A_736, %mul3A_737 : i32
      %mul3A_739 = arith.constant 16 : i32
      %mul3A_740 = arith.muli %scan3A_70, %mul3A_739 : i32
      %add3A_741 = arith.constant 128 : i32
      %add3A_742 = arith.addi %add3A_741, %mul3A_740 : i32
      %add3A_743 = arith.constant 11 : i32
      %add3A_744 = arith.addi %add3A_742, %add3A_743 : i32
      %mul3A_745 = arith.constant 16 : i32
      %mul3A_746 = arith.muli %scan3A_70, %mul3A_745 : i32
      %add3A_747 = arith.constant 11 : i32
      %add3A_748 = arith.addi %mul3A_746, %add3A_747 : i32
      %add3A_749 = arith.constant 0 : i32
      %add3A_750 = arith.addi %mul3A_738, %add3A_749 : i32
      %get3A_751 = arith.index_cast %add3A_748 : i32 to index
      %get3A_752 = arith.index_cast %add3A_750 : i32 to index
      %get3A_753 = tpu.vector_load %arg8[%get3A_751, %get3A_752] {strides = array<i32>} : memref<128x128xf32, #tpu.memory_space<vmem>>, vector<1x16xf32>,
      %get3A_754 = vector.shape_cast %get3A_753 : vector<1x16xf32> to vector<16xf32>
      %swap3A_755 = arith.index_cast %add3A_744 : i32 to index
      %swap3A_756 = arith.constant 0 : index
      %swap3A_757 = tpu.vector_load %arg9[%swap3A_755, %swap3A_756] {strides = array<i32>} : memref<512x64xf32, #tpu.memory_space<vmem>>, vector<1x16xf32>,
      %swap3A_758 = vector.shape_cast %swap3A_757 : vector<1x16xf32> to vector<16xf32>
      %swap3A_759 = vector.shape_cast %get3A_754 : vector<16xf32> to vector<1x16xf32>
      tpu.vector_store %arg9[%swap3A_755, %swap3A_756], %swap3A_759 {strides = array<i32>} : memref<512x64xf32, #tpu.memory_space<vmem>>, vector<1x16xf32>,
      %add3A_760 = arith.constant 16 : i32
      %add3A_761 = arith.addi %mul3A_738, %add3A_760 : i32
      %get3A_762 = arith.index_cast %add3A_748 : i32 to index
      %get3A_763 = arith.index_cast %add3A_761 : i32 to index
      %get3A_764 = tpu.vector_load %arg8[%get3A_762, %get3A_763] {strides = array<i32>} : memref<128x128xf32, #tpu.memory_space<vmem>>, vector<1x16xf32>,
      %get3A_765 = vector.shape_cast %get3A_764 : vector<1x16xf32> to vector<16xf32>
      %swap3A_766 = arith.index_cast %add3A_744 : i32 to index
      %swap3A_767 = arith.constant 16 : index
      %swap3A_768 = tpu.vector_load %arg9[%swap3A_766, %swap3A_767] {strides = array<i32>} : memref<512x64xf32, #tpu.memory_space<vmem>>, vector<1x16xf32>,
      %swap3A_769 = vector.shape_cast %swap3A_768 : vector<1x16xf32> to vector<16xf32>
      %swap3A_770 = vector.shape_cast %get3A_765 : vector<16xf32> to vector<1x16xf32>
      tpu.vector_store %arg9[%swap3A_766, %swap3A_767], %swap3A_770 {strides = array<i32>} : memref<512x64xf32, #tpu.memory_space<vmem>>, vector<1x16xf32>,
      %add3A_771 = arith.constant 32 : i32
      %add3A_772 = arith.addi %mul3A_738, %add3A_771 : i32
      %get3A_773 = arith.index_cast %add3A_748 : i32 to index
      %get3A_774 = arith.index_cast %add3A_772 : i32 to index
      %get3A_775 = tpu.vector_load %arg8[%get3A_773, %get3A_774] {strides = array<i32>} : memref<128x128xf32, #tpu.memory_space<vmem>>, vector<1x16xf32>,
      %get3A_776 = vector.shape_cast %get3A_775 : vector<1x16xf32> to vector<16xf32>
      %swap3A_777 = arith.index_cast %add3A_744 : i32 to index
      %swap3A_778 = arith.constant 32 : index
      %swap3A_779 = tpu.vector_load %arg9[%swap3A_777, %swap3A_778] {strides = array<i32>} : memref<512x64xf32, #tpu.memory_space<vmem>>, vector<1x16xf32>,
      %swap3A_780 = vector.shape_cast %swap3A_779 : vector<1x16xf32> to vector<16xf32>
      %swap3A_781 = vector.shape_cast %get3A_776 : vector<16xf32> to vector<1x16xf32>
      tpu.vector_store %arg9[%swap3A_777, %swap3A_778], %swap3A_781 {strides = array<i32>} : memref<512x64xf32, #tpu.memory_space<vmem>>, vector<1x16xf32>,
      %add3A_782 = arith.constant 48 : i32
      %add3A_783 = arith.addi %mul3A_738, %add3A_782 : i32
      %get3A_784 = arith.index_cast %add3A_748 : i32 to index
      %get3A_785 = arith.index_cast %add3A_783 : i32 to index
      %get3A_786 = tpu.vector_load %arg8[%get3A_784, %get3A_785] {strides = array<i32>} : memref<128x128xf32, #tpu.memory_space<vmem>>, vector<1x16xf32>,
      %get3A_787 = vector.shape_cast %get3A_786 : vector<1x16xf32> to vector<16xf32>
      %swap3A_788 = arith.index_cast %add3A_744 : i32 to index
      %swap3A_789 = arith.constant 48 : index
      %swap3A_790 = tpu.vector_load %arg9[%swap3A_788, %swap3A_789] {strides = array<i32>} : memref<512x64xf32, #tpu.memory_space<vmem>>, vector<1x16xf32>,
      %swap3A_791 = vector.shape_cast %swap3A_790 : vector<1x16xf32> to vector<16xf32>
      %swap3A_792 = vector.shape_cast %get3A_787 : vector<16xf32> to vector<1x16xf32>
      tpu.vector_store %arg9[%swap3A_788, %swap3A_789], %swap3A_792 {strides = array<i32>} : memref<512x64xf32, #tpu.memory_space<vmem>>, vector<1x16xf32>,
      %slice3A_793 = vector.extract_strided_slice %get3A_76 {offsets = [12], sizes = [1], strides = [1]} : vector<16xi32> to vector<1xi32>
      %squeeze3A_794 = vector.extract %slice3A_793[0] : i32 from vector<1xi32>
      %and3A_795 = arith.constant 1 : i32
      %and3A_796 = arith.andi %squeeze3A_794, %and3A_795 : i32
      %mul3A_797 = arith.constant 64 : i32
      %mul3A_798 = arith.muli %and3A_796, %mul3A_797 : i32
      %mul3A_799 = arith.constant 16 : i32
      %mul3A_800 = arith.muli %scan3A_70, %mul3A_799 : i32
      %add3A_801 = arith.constant 128 : i32
      %add3A_802 = arith.addi %add3A_801, %mul3A_800 : i32
      %add3A_803 = arith.constant 12 : i32
      %add3A_804 = arith.addi %add3A_802, %add3A_803 : i32
      %mul3A_805 = arith.constant 16 : i32
      %mul3A_806 = arith.muli %scan3A_70, %mul3A_805 : i32
      %add3A_807 = arith.constant 12 : i32
      %add3A_808 = arith.addi %mul3A_806, %add3A_807 : i32
      %add3A_809 = arith.constant 0 : i32
      %add3A_810 = arith.addi %mul3A_798, %add3A_809 : i32
      %get3A_811 = arith.index_cast %add3A_808 : i32 to index
      %get3A_812 = arith.index_cast %add3A_810 : i32 to index
      %get3A_813 = tpu.vector_load %arg8[%get3A_811, %get3A_812] {strides = array<i32>} : memref<128x128xf32, #tpu.memory_space<vmem>>, vector<1x16xf32>,
      %get3A_814 = vector.shape_cast %get3A_813 : vector<1x16xf32> to vector<16xf32>
      %swap3A_815 = arith.index_cast %add3A_804 : i32 to index
      %swap3A_816 = arith.constant 0 : index
      %swap3A_817 = tpu.vector_load %arg9[%swap3A_815, %swap3A_816] {strides = array<i32>} : memref<512x64xf32, #tpu.memory_space<vmem>>, vector<1x16xf32>,
      %swap3A_818 = vector.shape_cast %swap3A_817 : vector<1x16xf32> to vector<16xf32>
      %swap3A_819 = vector.shape_cast %get3A_814 : vector<16xf32> to vector<1x16xf32>
      tpu.vector_store %arg9[%swap3A_815, %swap3A_816], %swap3A_819 {strides = array<i32>} : memref<512x64xf32, #tpu.memory_space<vmem>>, vector<1x16xf32>,
      %add3A_820 = arith.constant 16 : i32
      %add3A_821 = arith.addi %mul3A_798, %add3A_820 : i32
      %get3A_822 = arith.index_cast %add3A_808 : i32 to index
      %get3A_823 = arith.index_cast %add3A_821 : i32 to index
      %get3A_824 = tpu.vector_load %arg8[%get3A_822, %get3A_823] {strides = array<i32>} : memref<128x128xf32, #tpu.memory_space<vmem>>, vector<1x16xf32>,
      %get3A_825 = vector.shape_cast %get3A_824 : vector<1x16xf32> to vector<16xf32>
      %swap3A_826 = arith.index_cast %add3A_804 : i32 to index
      %swap3A_827 = arith.constant 16 : index
      %swap3A_828 = tpu.vector_load %arg9[%swap3A_826, %swap3A_827] {strides = array<i32>} : memref<512x64xf32, #tpu.memory_space<vmem>>, vector<1x16xf32>,
      %swap3A_829 = vector.shape_cast %swap3A_828 : vector<1x16xf32> to vector<16xf32>
      %swap3A_830 = vector.shape_cast %get3A_825 : vector<16xf32> to vector<1x16xf32>
      tpu.vector_store %arg9[%swap3A_826, %swap3A_827], %swap3A_830 {strides = array<i32>} : memref<512x64xf32, #tpu.memory_space<vmem>>, vector<1x16xf32>,
      %add3A_831 = arith.constant 32 : i32
      %add3A_832 = arith.addi %mul3A_798, %add3A_831 : i32
      %get3A_833 = arith.index_cast %add3A_808 : i32 to index
      %get3A_834 = arith.index_cast %add3A_832 : i32 to index
      %get3A_835 = tpu.vector_load %arg8[%get3A_833, %get3A_834] {strides = array<i32>} : memref<128x128xf32, #tpu.memory_space<vmem>>, vector<1x16xf32>,
      %get3A_836 = vector.shape_cast %get3A_835 : vector<1x16xf32> to vector<16xf32>
      %swap3A_837 = arith.index_cast %add3A_804 : i32 to index
      %swap3A_838 = arith.constant 32 : index
      %swap3A_839 = tpu.vector_load %arg9[%swap3A_837, %swap3A_838] {strides = array<i32>} : memref<512x64xf32, #tpu.memory_space<vmem>>, vector<1x16xf32>,
      %swap3A_840 = vector.shape_cast %swap3A_839 : vector<1x16xf32> to vector<16xf32>
      %swap3A_841 = vector.shape_cast %get3A_836 : vector<16xf32> to vector<1x16xf32>
      tpu.vector_store %arg9[%swap3A_837, %swap3A_838], %swap3A_841 {strides = array<i32>} : memref<512x64xf32, #tpu.memory_space<vmem>>, vector<1x16xf32>,
      %add3A_842 = arith.constant 48 : i32
      %add3A_843 = arith.addi %mul3A_798, %add3A_842 : i32
      %get3A_844 = arith.index_cast %add3A_808 : i32 to index
      %get3A_845 = arith.index_cast %add3A_843 : i32 to index
      %get3A_846 = tpu.vector_load %arg8[%get3A_844, %get3A_845] {strides = array<i32>} : memref<128x128xf32, #tpu.memory_space<vmem>>, vector<1x16xf32>,
      %get3A_847 = vector.shape_cast %get3A_846 : vector<1x16xf32> to vector<16xf32>
      %swap3A_848 = arith.index_cast %add3A_804 : i32 to index
      %swap3A_849 = arith.constant 48 : index
      %swap3A_850 = tpu.vector_load %arg9[%swap3A_848, %swap3A_849] {strides = array<i32>} : memref<512x64xf32, #tpu.memory_space<vmem>>, vector<1x16xf32>,
      %swap3A_851 = vector.shape_cast %swap3A_850 : vector<1x16xf32> to vector<16xf32>
      %swap3A_852 = vector.shape_cast %get3A_847 : vector<16xf32> to vector<1x16xf32>
      tpu.vector_store %arg9[%swap3A_848, %swap3A_849], %swap3A_852 {strides = array<i32>} : memref<512x64xf32, #tpu.memory_space<vmem>>, vector<1x16xf32>,
      %slice3A_853 = vector.extract_strided_slice %get3A_76 {offsets = [13], sizes = [1], strides = [1]} : vector<16xi32> to vector<1xi32>
      %squeeze3A_854 = vector.extract %slice3A_853[0] : i32 from vector<1xi32>
      %and3A_855 = arith.constant 1 : i32
      %and3A_856 = arith.andi %squeeze3A_854, %and3A_855 : i32
      %mul3A_857 = arith.constant 64 : i32
      %mul3A_858 = arith.muli %and3A_856, %mul3A_857 : i32
      %mul3A_859 = arith.constant 16 : i32
      %mul3A_860 = arith.muli %scan3A_70, %mul3A_859 : i32
      %add3A_861 = arith.constant 128 : i32
      %add3A_862 = arith.addi %add3A_861, %mul3A_860 : i32
      %add3A_863 = arith.constant 13 : i32
      %add3A_864 = arith.addi %add3A_862, %add3A_863 : i32
      %mul3A_865 = arith.constant 16 : i32
      %mul3A_866 = arith.muli %scan3A_70, %mul3A_865 : i32
      %add3A_867 = arith.constant 13 : i32
      %add3A_868 = arith.addi %mul3A_866, %add3A_867 : i32
      %add3A_869 = arith.constant 0 : i32
      %add3A_870 = arith.addi %mul3A_858, %add3A_869 : i32
      %get3A_871 = arith.index_cast %add3A_868 : i32 to index
      %get3A_872 = arith.index_cast %add3A_870 : i32 to index
      %get3A_873 = tpu.vector_load %arg8[%get3A_871, %get3A_872] {strides = array<i32>} : memref<128x128xf32, #tpu.memory_space<vmem>>, vector<1x16xf32>,
      %get3A_874 = vector.shape_cast %get3A_873 : vector<1x16xf32> to vector<16xf32>
      %swap3A_875 = arith.index_cast %add3A_864 : i32 to index
      %swap3A_876 = arith.constant 0 : index
      %swap3A_877 = tpu.vector_load %arg9[%swap3A_875, %swap3A_876] {strides = array<i32>} : memref<512x64xf32, #tpu.memory_space<vmem>>, vector<1x16xf32>,
      %swap3A_878 = vector.shape_cast %swap3A_877 : vector<1x16xf32> to vector<16xf32>
      %swap3A_879 = vector.shape_cast %get3A_874 : vector<16xf32> to vector<1x16xf32>
      tpu.vector_store %arg9[%swap3A_875, %swap3A_876], %swap3A_879 {strides = array<i32>} : memref<512x64xf32, #tpu.memory_space<vmem>>, vector<1x16xf32>,
      %add3A_880 = arith.constant 16 : i32
      %add3A_881 = arith.addi %mul3A_858, %add3A_880 : i32
      %get3A_882 = arith.index_cast %add3A_868 : i32 to index
      %get3A_883 = arith.index_cast %add3A_881 : i32 to index
      %get3A_884 = tpu.vector_load %arg8[%get3A_882, %get3A_883] {strides = array<i32>} : memref<128x128xf32, #tpu.memory_space<vmem>>, vector<1x16xf32>,
      %get3A_885 = vector.shape_cast %get3A_884 : vector<1x16xf32> to vector<16xf32>
      %swap3A_886 = arith.index_cast %add3A_864 : i32 to index
      %swap3A_887 = arith.constant 16 : index
      %swap3A_888 = tpu.vector_load %arg9[%swap3A_886, %swap3A_887] {strides = array<i32>} : memref<512x64xf32, #tpu.memory_space<vmem>>, vector<1x16xf32>,
      %swap3A_889 = vector.shape_cast %swap3A_888 : vector<1x16xf32> to vector<16xf32>
      %swap3A_890 = vector.shape_cast %get3A_885 : vector<16xf32> to vector<1x16xf32>
      tpu.vector_store %arg9[%swap3A_886, %swap3A_887], %swap3A_890 {strides = array<i32>} : memref<512x64xf32, #tpu.memory_space<vmem>>, vector<1x16xf32>,
      %add3A_891 = arith.constant 32 : i32
      %add3A_892 = arith.addi %mul3A_858, %add3A_891 : i32
      %get3A_893 = arith.index_cast %add3A_868 : i32 to index
      %get3A_894 = arith.index_cast %add3A_892 : i32 to index
      %get3A_895 = tpu.vector_load %arg8[%get3A_893, %get3A_894] {strides = array<i32>} : memref<128x128xf32, #tpu.memory_space<vmem>>, vector<1x16xf32>,
      %get3A_896 = vector.shape_cast %get3A_895 : vector<1x16xf32> to vector<16xf32>
      %swap3A_897 = arith.index_cast %add3A_864 : i32 to index
      %swap3A_898 = arith.constant 32 : index
      %swap3A_899 = tpu.vector_load %arg9[%swap3A_897, %swap3A_898] {strides = array<i32>} : memref<512x64xf32, #tpu.memory_space<vmem>>, vector<1x16xf32>,
      %swap3A_900 = vector.shape_cast %swap3A_899 : vector<1x16xf32> to vector<16xf32>
      %swap3A_901 = vector.shape_cast %get3A_896 : vector<16xf32> to vector<1x16xf32>
      tpu.vector_store %arg9[%swap3A_897, %swap3A_898], %swap3A_901 {strides = array<i32>} : memref<512x64xf32, #tpu.memory_space<vmem>>, vector<1x16xf32>,
      %add3A_902 = arith.constant 48 : i32
      %add3A_903 = arith.addi %mul3A_858, %add3A_902 : i32
      %get3A_904 = arith.index_cast %add3A_868 : i32 to index
      %get3A_905 = arith.index_cast %add3A_903 : i32 to index
      %get3A_906 = tpu.vector_load %arg8[%get3A_904, %get3A_905] {strides = array<i32>} : memref<128x128xf32, #tpu.memory_space<vmem>>, vector<1x16xf32>,
      %get3A_907 = vector.shape_cast %get3A_906 : vector<1x16xf32> to vector<16xf32>
      %swap3A_908 = arith.index_cast %add3A_864 : i32 to index
      %swap3A_909 = arith.constant 48 : index
      %swap3A_910 = tpu.vector_load %arg9[%swap3A_908, %swap3A_909] {strides = array<i32>} : memref<512x64xf32, #tpu.memory_space<vmem>>, vector<1x16xf32>,
      %swap3A_911 = vector.shape_cast %swap3A_910 : vector<1x16xf32> to vector<16xf32>
      %swap3A_912 = vector.shape_cast %get3A_907 : vector<16xf32> to vector<1x16xf32>
      tpu.vector_store %arg9[%swap3A_908, %swap3A_909], %swap3A_912 {strides = array<i32>} : memref<512x64xf32, #tpu.memory_space<vmem>>, vector<1x16xf32>,
      %slice3A_913 = vector.extract_strided_slice %get3A_76 {offsets = [14], sizes = [1], strides = [1]} : vector<16xi32> to vector<1xi32>
      %squeeze3A_914 = vector.extract %slice3A_913[0] : i32 from vector<1xi32>
      %and3A_915 = arith.constant 1 : i32
      %and3A_916 = arith.andi %squeeze3A_914, %and3A_915 : i32
      %mul3A_917 = arith.constant 64 : i32
      %mul3A_918 = arith.muli %and3A_916, %mul3A_917 : i32
      %mul3A_919 = arith.constant 16 : i32
      %mul3A_920 = arith.muli %scan3A_70, %mul3A_919 : i32
      %add3A_921 = arith.constant 128 : i32
      %add3A_922 = arith.addi %add3A_921, %mul3A_920 : i32
      %add3A_923 = arith.constant 14 : i32
      %add3A_924 = arith.addi %add3A_922, %add3A_923 : i32
      %mul3A_925 = arith.constant 16 : i32
      %mul3A_926 = arith.muli %scan3A_70, %mul3A_925 : i32
      %add3A_927 = arith.constant 14 : i32
      %add3A_928 = arith.addi %mul3A_926, %add3A_927 : i32
      %add3A_929 = arith.constant 0 : i32
      %add3A_930 = arith.addi %mul3A_918, %add3A_929 : i32
      %get3A_931 = arith.index_cast %add3A_928 : i32 to index
      %get3A_932 = arith.index_cast %add3A_930 : i32 to index
      %get3A_933 = tpu.vector_load %arg8[%get3A_931, %get3A_932] {strides = array<i32>} : memref<128x128xf32, #tpu.memory_space<vmem>>, vector<1x16xf32>,
      %get3A_934 = vector.shape_cast %get3A_933 : vector<1x16xf32> to vector<16xf32>
      %swap3A_935 = arith.index_cast %add3A_924 : i32 to index
      %swap3A_936 = arith.constant 0 : index
      %swap3A_937 = tpu.vector_load %arg9[%swap3A_935, %swap3A_936] {strides = array<i32>} : memref<512x64xf32, #tpu.memory_space<vmem>>, vector<1x16xf32>,
      %swap3A_938 = vector.shape_cast %swap3A_937 : vector<1x16xf32> to vector<16xf32>
      %swap3A_939 = vector.shape_cast %get3A_934 : vector<16xf32> to vector<1x16xf32>
      tpu.vector_store %arg9[%swap3A_935, %swap3A_936], %swap3A_939 {strides = array<i32>} : memref<512x64xf32, #tpu.memory_space<vmem>>, vector<1x16xf32>,
      %add3A_940 = arith.constant 16 : i32
      %add3A_941 = arith.addi %mul3A_918, %add3A_940 : i32
      %get3A_942 = arith.index_cast %add3A_928 : i32 to index
      %get3A_943 = arith.index_cast %add3A_941 : i32 to index
      %get3A_944 = tpu.vector_load %arg8[%get3A_942, %get3A_943] {strides = array<i32>} : memref<128x128xf32, #tpu.memory_space<vmem>>, vector<1x16xf32>,
      %get3A_945 = vector.shape_cast %get3A_944 : vector<1x16xf32> to vector<16xf32>
      %swap3A_946 = arith.index_cast %add3A_924 : i32 to index
      %swap3A_947 = arith.constant 16 : index
      %swap3A_948 = tpu.vector_load %arg9[%swap3A_946, %swap3A_947] {strides = array<i32>} : memref<512x64xf32, #tpu.memory_space<vmem>>, vector<1x16xf32>,
      %swap3A_949 = vector.shape_cast %swap3A_948 : vector<1x16xf32> to vector<16xf32>
      %swap3A_950 = vector.shape_cast %get3A_945 : vector<16xf32> to vector<1x16xf32>
      tpu.vector_store %arg9[%swap3A_946, %swap3A_947], %swap3A_950 {strides = array<i32>} : memref<512x64xf32, #tpu.memory_space<vmem>>, vector<1x16xf32>,
      %add3A_951 = arith.constant 32 : i32
      %add3A_952 = arith.addi %mul3A_918, %add3A_951 : i32
      %get3A_953 = arith.index_cast %add3A_928 : i32 to index
      %get3A_954 = arith.index_cast %add3A_952 : i32 to index
      %get3A_955 = tpu.vector_load %arg8[%get3A_953, %get3A_954] {strides = array<i32>} : memref<128x128xf32, #tpu.memory_space<vmem>>, vector<1x16xf32>,
      %get3A_956 = vector.shape_cast %get3A_955 : vector<1x16xf32> to vector<16xf32>
      %swap3A_957 = arith.index_cast %add3A_924 : i32 to index
      %swap3A_958 = arith.constant 32 : index
      %swap3A_959 = tpu.vector_load %arg9[%swap3A_957, %swap3A_958] {strides = array<i32>} : memref<512x64xf32, #tpu.memory_space<vmem>>, vector<1x16xf32>,
      %swap3A_960 = vector.shape_cast %swap3A_959 : vector<1x16xf32> to vector<16xf32>
      %swap3A_961 = vector.shape_cast %get3A_956 : vector<16xf32> to vector<1x16xf32>
      tpu.vector_store %arg9[%swap3A_957, %swap3A_958], %swap3A_961 {strides = array<i32>} : memref<512x64xf32, #tpu.memory_space<vmem>>, vector<1x16xf32>,
      %add3A_962 = arith.constant 48 : i32
      %add3A_963 = arith.addi %mul3A_918, %add3A_962 : i32
      %get3A_964 = arith.index_cast %add3A_928 : i32 to index
      %get3A_965 = arith.index_cast %add3A_963 : i32 to index
      %get3A_966 = tpu.vector_load %arg8[%get3A_964, %get3A_965] {strides = array<i32>} : memref<128x128xf32, #tpu.memory_space<vmem>>, vector<1x16xf32>,
      %get3A_967 = vector.shape_cast %get3A_966 : vector<1x16xf32> to vector<16xf32>
      %swap3A_968 = arith.index_cast %add3A_924 : i32 to index
      %swap3A_969 = arith.constant 48 : index
      %swap3A_970 = tpu.vector_load %arg9[%swap3A_968, %swap3A_969] {strides = array<i32>} : memref<512x64xf32, #tpu.memory_space<vmem>>, vector<1x16xf32>,
      %swap3A_971 = vector.shape_cast %swap3A_970 : vector<1x16xf32> to vector<16xf32>
      %swap3A_972 = vector.shape_cast %get3A_967 : vector<16xf32> to vector<1x16xf32>
      tpu.vector_store %arg9[%swap3A_968, %swap3A_969], %swap3A_972 {strides = array<i32>} : memref<512x64xf32, #tpu.memory_space<vmem>>, vector<1x16xf32>,
      %slice3A_973 = vector.extract_strided_slice %get3A_76 {offsets = [15], sizes = [1], strides = [1]} : vector<16xi32> to vector<1xi32>
      %squeeze3A_974 = vector.extract %slice3A_973[0] : i32 from vector<1xi32>
      %and3A_975 = arith.constant 1 : i32
      %and3A_976 = arith.andi %squeeze3A_974, %and3A_975 : i32
      %mul3A_977 = arith.constant 64 : i32
      %mul3A_978 = arith.muli %and3A_976, %mul3A_977 : i32
      %mul3A_979 = arith.constant 16 : i32
      %mul3A_980 = arith.muli %scan3A_70, %mul3A_979 : i32
      %add3A_981 = arith.constant 128 : i32
      %add3A_982 = arith.addi %add3A_981, %mul3A_980 : i32
      %add3A_983 = arith.constant 15 : i32
      %add3A_984 = arith.addi %add3A_982, %add3A_983 : i32
      %mul3A_985 = arith.constant 16 : i32
      %mul3A_986 = arith.muli %scan3A_70, %mul3A_985 : i32
      %add3A_987 = arith.constant 15 : i32
      %add3A_988 = arith.addi %mul3A_986, %add3A_987 : i32
      %add3A_989 = arith.constant 0 : i32
      %add3A_990 = arith.addi %mul3A_978, %add3A_989 : i32
      %get3A_991 = arith.index_cast %add3A_988 : i32 to index
      %get3A_992 = arith.index_cast %add3A_990 : i32 to index
      %get3A_993 = tpu.vector_load %arg8[%get3A_991, %get3A_992] {strides = array<i32>} : memref<128x128xf32, #tpu.memory_space<vmem>>, vector<1x16xf32>,
      %get3A_994 = vector.shape_cast %get3A_993 : vector<1x16xf32> to vector<16xf32>
      %swap3A_995 = arith.index_cast %add3A_984 : i32 to index
      %swap3A_996 = arith.constant 0 : index
      %swap3A_997 = tpu.vector_load %arg9[%swap3A_995, %swap3A_996] {strides = array<i32>} : memref<512x64xf32, #tpu.memory_space<vmem>>, vector<1x16xf32>,
      %swap3A_998 = vector.shape_cast %swap3A_997 : vector<1x16xf32> to vector<16xf32>
      %swap3A_999 = vector.shape_cast %get3A_994 : vector<16xf32> to vector<1x16xf32>
      tpu.vector_store %arg9[%swap3A_995, %swap3A_996], %swap3A_999 {strides = array<i32>} : memref<512x64xf32, #tpu.memory_space<vmem>>, vector<1x16xf32>,
      %add3A_1000 = arith.constant 16 : i32
      %add3A_1001 = arith.addi %mul3A_978, %add3A_1000 : i32
      %get3A_1002 = arith.index_cast %add3A_988 : i32 to index
      %get3A_1003 = arith.index_cast %add3A_1001 : i32 to index
      %get3A_1004 = tpu.vector_load %arg8[%get3A_1002, %get3A_1003] {strides = array<i32>} : memref<128x128xf32, #tpu.memory_space<vmem>>, vector<1x16xf32>,
      %get3A_1005 = vector.shape_cast %get3A_1004 : vector<1x16xf32> to vector<16xf32>
      %swap3A_1006 = arith.index_cast %add3A_984 : i32 to index
      %swap3A_1007 = arith.constant 16 : index
      %swap3A_1008 = tpu.vector_load %arg9[%swap3A_1006, %swap3A_1007] {strides = array<i32>} : memref<512x64xf32, #tpu.memory_space<vmem>>, vector<1x16xf32>,
      %swap3A_1009 = vector.shape_cast %swap3A_1008 : vector<1x16xf32> to vector<16xf32>
      %swap3A_1010 = vector.shape_cast %get3A_1005 : vector<16xf32> to vector<1x16xf32>
      tpu.vector_store %arg9[%swap3A_1006, %swap3A_1007], %swap3A_1010 {strides = array<i32>} : memref<512x64xf32, #tpu.memory_space<vmem>>, vector<1x16xf32>,
      %add3A_1011 = arith.constant 32 : i32
      %add3A_1012 = arith.addi %mul3A_978, %add3A_1011 : i32
      %get3A_1013 = arith.index_cast %add3A_988 : i32 to index
      %get3A_1014 = arith.index_cast %add3A_1012 : i32 to index
      %get3A_1015 = tpu.vector_load %arg8[%get3A_1013, %get3A_1014] {strides = array<i32>} : memref<128x128xf32, #tpu.memory_space<vmem>>, vector<1x16xf32>,
      %get3A_1016 = vector.shape_cast %get3A_1015 : vector<1x16xf32> to vector<16xf32>
      %swap3A_1017 = arith.index_cast %add3A_984 : i32 to index
      %swap3A_1018 = arith.constant 32 : index
      %swap3A_1019 = tpu.vector_load %arg9[%swap3A_1017, %swap3A_1018] {strides = array<i32>} : memref<512x64xf32, #tpu.memory_space<vmem>>, vector<1x16xf32>,
      %swap3A_1020 = vector.shape_cast %swap3A_1019 : vector<1x16xf32> to vector<16xf32>
      %swap3A_1021 = vector.shape_cast %get3A_1016 : vector<16xf32> to vector<1x16xf32>
      tpu.vector_store %arg9[%swap3A_1017, %swap3A_1018], %swap3A_1021 {strides = array<i32>} : memref<512x64xf32, #tpu.memory_space<vmem>>, vector<1x16xf32>,
      %add3A_1022 = arith.constant 48 : i32
      %add3A_1023 = arith.addi %mul3A_978, %add3A_1022 : i32
      %get3A_1024 = arith.index_cast %add3A_988 : i32 to index
      %get3A_1025 = arith.index_cast %add3A_1023 : i32 to index
      %get3A_1026 = tpu.vector_load %arg8[%get3A_1024, %get3A_1025] {strides = array<i32>} : memref<128x128xf32, #tpu.memory_space<vmem>>, vector<1x16xf32>,
      %get3A_1027 = vector.shape_cast %get3A_1026 : vector<1x16xf32> to vector<16xf32>
      %swap3A_1028 = arith.index_cast %add3A_984 : i32 to index
      %swap3A_1029 = arith.constant 48 : index
      %swap3A_1030 = tpu.vector_load %arg9[%swap3A_1028, %swap3A_1029] {strides = array<i32>} : memref<512x64xf32, #tpu.memory_space<vmem>>, vector<1x16xf32>,
      %swap3A_1031 = vector.shape_cast %swap3A_1030 : vector<1x16xf32> to vector<16xf32>
      %swap3A_1032 = vector.shape_cast %get3A_1027 : vector<16xf32> to vector<1x16xf32>
      tpu.vector_store %arg9[%swap3A_1028, %swap3A_1029], %swap3A_1032 {strides = array<i32>} : memref<512x64xf32, #tpu.memory_space<vmem>>, vector<1x16xf32>,
    }
    %scan3A_42 = arith.constant 8 : i32
    %dma_start3A_43 = arith.constant 384 : i32
    %dma_start3A_44 = tpu.memref_slice %arg6[%dma_start3A_43] : memref<512xi32, #tpu.memory_space<vmem>> -> memref<128xi32, #tpu.memory_space<vmem>>
    %dma_start3A_45 = arith.constant 0 : i32
    %dma_start3A_46 = arith.constant 0 : i32
    %dma_start3A_47 = tpu.memref_slice %arg2[%dma_start3A_45, %dma_start3A_46] : memref<500000x128xf32, #tpu.memory_space<hbm>> -> memref<500000x128xf32, #tpu.memory_space<hbm>>
    tpu.enqueue_indirect_dma source(%dma_start3A_47 : memref<500000x128xf32, #tpu.memory_space<hbm>>) target(%arg8 : memref<128x128xf32, #tpu.memory_space<vmem>>) offsets(%dma_start3A_44 : memref<128xi32, #tpu.memory_space<vmem>>) semaphore(%arg10 : memref<!tpu.dma_semaphore, #tpu.memory_space<semaphore_mem>>)
    %dma_wait3A_48 = arith.constant 256 : i32
    %dma_wait3A_49 = tpu.memref_slice %arg6[%dma_wait3A_48] : memref<512xi32, #tpu.memory_space<vmem>> -> memref<128xi32, #tpu.memory_space<vmem>>
    %dma_wait3A_50 = arith.constant 0 : i32
    %dma_wait3A_51 = arith.constant 0 : i32
    %dma_wait3A_52 = tpu.memref_slice %arg2[%dma_wait3A_50, %dma_wait3A_51] : memref<500000x128xf32, #tpu.memory_space<hbm>> -> memref<500000x128xf32, #tpu.memory_space<hbm>>
    tpu.wait_indirect_dma semaphore(%arg10 : memref<!tpu.dma_semaphore, #tpu.memory_space<semaphore_mem>>) src(%dma_wait3A_52 : memref<500000x128xf32, #tpu.memory_space<hbm>>) dst(%arg7 : memref<128x128xf32, #tpu.memory_space<vmem>>)
    %scan3A_53 = arith.constant 0 : i32
    %scan3A_54 = arith.constant 0 : i32
    %scan3A_55 = arith.constant 8 : i32
    %scan3A_56 = arith.addi %scan3A_54, %scan3A_55 : i32
    %scan3A_57 = arith.constant 1 : i32
    scf.for %scan3A_70 = %scan3A_54 to %scan3A_56 step %scan3A_57  : i32 {
      %mul3A_71 = arith.constant 16 : i32
      %mul3A_72 = arith.muli %scan3A_70, %mul3A_71 : i32
      %add3A_73 = arith.constant 256 : i32
      %add3A_74 = arith.addi %add3A_73, %mul3A_72 : i32
      %get3A = arith.index_cast %add3A_74 : i32 to index
      %get3A_75 = tpu.vector_load %arg5[%get3A] {strides = array<i32>} : memref<512xi32, #tpu.memory_space<vmem>>, vector<16xi32>,
      %get3A_76 = vector.shape_cast %get3A_75 : vector<16xi32> to vector<16xi32>
      %slice3A = vector.extract_strided_slice %get3A_76 {offsets = [0], sizes = [1], strides = [1]} : vector<16xi32> to vector<1xi32>
      %squeeze3A = vector.extract %slice3A[0] : i32 from vector<1xi32>
      %and3A = arith.constant 1 : i32
      %and3A_77 = arith.andi %squeeze3A, %and3A : i32
      %mul3A_78 = arith.constant 64 : i32
      %mul3A_79 = arith.muli %and3A_77, %mul3A_78 : i32
      %mul3A_80 = arith.constant 16 : i32
      %mul3A_81 = arith.muli %scan3A_70, %mul3A_80 : i32
      %add3A_82 = arith.constant 256 : i32
      %add3A_83 = arith.addi %add3A_82, %mul3A_81 : i32
      %add3A_84 = arith.constant 0 : i32
      %add3A_85 = arith.addi %add3A_83, %add3A_84 : i32
      %mul3A_86 = arith.constant 16 : i32
      %mul3A_87 = arith.muli %scan3A_70, %mul3A_86 : i32
      %add3A_88 = arith.constant 0 : i32
      %add3A_89 = arith.addi %mul3A_87, %add3A_88 : i32
      %add3A_90 = arith.constant 0 : i32
      %add3A_91 = arith.addi %mul3A_79, %add3A_90 : i32
      %get3A_92 = arith.index_cast %add3A_89 : i32 to index
      %get3A_93 = arith.index_cast %add3A_91 : i32 to index
      %get3A_94 = tpu.vector_load %arg7[%get3A_92, %get3A_93] {strides = array<i32>} : memref<128x128xf32, #tpu.memory_space<vmem>>, vector<1x16xf32>,
      %get3A_95 = vector.shape_cast %get3A_94 : vector<1x16xf32> to vector<16xf32>
      %swap3A = arith.index_cast %add3A_85 : i32 to index
      %swap3A_96 = arith.constant 0 : index
      %swap3A_97 = tpu.vector_load %arg9[%swap3A, %swap3A_96] {strides = array<i32>} : memref<512x64xf32, #tpu.memory_space<vmem>>, vector<1x16xf32>,
      %swap3A_98 = vector.shape_cast %swap3A_97 : vector<1x16xf32> to vector<16xf32>
      %swap3A_99 = vector.shape_cast %get3A_95 : vector<16xf32> to vector<1x16xf32>
      tpu.vector_store %arg9[%swap3A, %swap3A_96], %swap3A_99 {strides = array<i32>} : memref<512x64xf32, #tpu.memory_space<vmem>>, vector<1x16xf32>,
      %add3A_100 = arith.constant 16 : i32
      %add3A_101 = arith.addi %mul3A_79, %add3A_100 : i32
      %get3A_102 = arith.index_cast %add3A_89 : i32 to index
      %get3A_103 = arith.index_cast %add3A_101 : i32 to index
      %get3A_104 = tpu.vector_load %arg7[%get3A_102, %get3A_103] {strides = array<i32>} : memref<128x128xf32, #tpu.memory_space<vmem>>, vector<1x16xf32>,
      %get3A_105 = vector.shape_cast %get3A_104 : vector<1x16xf32> to vector<16xf32>
      %swap3A_106 = arith.index_cast %add3A_85 : i32 to index
      %swap3A_107 = arith.constant 16 : index
      %swap3A_108 = tpu.vector_load %arg9[%swap3A_106, %swap3A_107] {strides = array<i32>} : memref<512x64xf32, #tpu.memory_space<vmem>>, vector<1x16xf32>,
      %swap3A_109 = vector.shape_cast %swap3A_108 : vector<1x16xf32> to vector<16xf32>
      %swap3A_110 = vector.shape_cast %get3A_105 : vector<16xf32> to vector<1x16xf32>
      tpu.vector_store %arg9[%swap3A_106, %swap3A_107], %swap3A_110 {strides = array<i32>} : memref<512x64xf32, #tpu.memory_space<vmem>>, vector<1x16xf32>,
      %add3A_111 = arith.constant 32 : i32
      %add3A_112 = arith.addi %mul3A_79, %add3A_111 : i32
      %get3A_113 = arith.index_cast %add3A_89 : i32 to index
      %get3A_114 = arith.index_cast %add3A_112 : i32 to index
      %get3A_115 = tpu.vector_load %arg7[%get3A_113, %get3A_114] {strides = array<i32>} : memref<128x128xf32, #tpu.memory_space<vmem>>, vector<1x16xf32>,
      %get3A_116 = vector.shape_cast %get3A_115 : vector<1x16xf32> to vector<16xf32>
      %swap3A_117 = arith.index_cast %add3A_85 : i32 to index
      %swap3A_118 = arith.constant 32 : index
      %swap3A_119 = tpu.vector_load %arg9[%swap3A_117, %swap3A_118] {strides = array<i32>} : memref<512x64xf32, #tpu.memory_space<vmem>>, vector<1x16xf32>,
      %swap3A_120 = vector.shape_cast %swap3A_119 : vector<1x16xf32> to vector<16xf32>
      %swap3A_121 = vector.shape_cast %get3A_116 : vector<16xf32> to vector<1x16xf32>
      tpu.vector_store %arg9[%swap3A_117, %swap3A_118], %swap3A_121 {strides = array<i32>} : memref<512x64xf32, #tpu.memory_space<vmem>>, vector<1x16xf32>,
      %add3A_122 = arith.constant 48 : i32
      %add3A_123 = arith.addi %mul3A_79, %add3A_122 : i32
      %get3A_124 = arith.index_cast %add3A_89 : i32 to index
      %get3A_125 = arith.index_cast %add3A_123 : i32 to index
      %get3A_126 = tpu.vector_load %arg7[%get3A_124, %get3A_125] {strides = array<i32>} : memref<128x128xf32, #tpu.memory_space<vmem>>, vector<1x16xf32>,
      %get3A_127 = vector.shape_cast %get3A_126 : vector<1x16xf32> to vector<16xf32>
      %swap3A_128 = arith.index_cast %add3A_85 : i32 to index
      %swap3A_129 = arith.constant 48 : index
      %swap3A_130 = tpu.vector_load %arg9[%swap3A_128, %swap3A_129] {strides = array<i32>} : memref<512x64xf32, #tpu.memory_space<vmem>>, vector<1x16xf32>,
      %swap3A_131 = vector.shape_cast %swap3A_130 : vector<1x16xf32> to vector<16xf32>
      %swap3A_132 = vector.shape_cast %get3A_127 : vector<16xf32> to vector<1x16xf32>
      tpu.vector_store %arg9[%swap3A_128, %swap3A_129], %swap3A_132 {strides = array<i32>} : memref<512x64xf32, #tpu.memory_space<vmem>>, vector<1x16xf32>,
      %slice3A_133 = vector.extract_strided_slice %get3A_76 {offsets = [1], sizes = [1], strides = [1]} : vector<16xi32> to vector<1xi32>
      %squeeze3A_134 = vector.extract %slice3A_133[0] : i32 from vector<1xi32>
      %and3A_135 = arith.constant 1 : i32
      %and3A_136 = arith.andi %squeeze3A_134, %and3A_135 : i32
      %mul3A_137 = arith.constant 64 : i32
      %mul3A_138 = arith.muli %and3A_136, %mul3A_137 : i32
      %mul3A_139 = arith.constant 16 : i32
      %mul3A_140 = arith.muli %scan3A_70, %mul3A_139 : i32
      %add3A_141 = arith.constant 256 : i32
      %add3A_142 = arith.addi %add3A_141, %mul3A_140 : i32
      %add3A_143 = arith.constant 1 : i32
      %add3A_144 = arith.addi %add3A_142, %add3A_143 : i32
      %mul3A_145 = arith.constant 16 : i32
      %mul3A_146 = arith.muli %scan3A_70, %mul3A_145 : i32
      %add3A_147 = arith.constant 1 : i32
      %add3A_148 = arith.addi %mul3A_146, %add3A_147 : i32
      %add3A_149 = arith.constant 0 : i32
      %add3A_150 = arith.addi %mul3A_138, %add3A_149 : i32
      %get3A_151 = arith.index_cast %add3A_148 : i32 to index
      %get3A_152 = arith.index_cast %add3A_150 : i32 to index
      %get3A_153 = tpu.vector_load %arg7[%get3A_151, %get3A_152] {strides = array<i32>} : memref<128x128xf32, #tpu.memory_space<vmem>>, vector<1x16xf32>,
      %get3A_154 = vector.shape_cast %get3A_153 : vector<1x16xf32> to vector<16xf32>
      %swap3A_155 = arith.index_cast %add3A_144 : i32 to index
      %swap3A_156 = arith.constant 0 : index
      %swap3A_157 = tpu.vector_load %arg9[%swap3A_155, %swap3A_156] {strides = array<i32>} : memref<512x64xf32, #tpu.memory_space<vmem>>, vector<1x16xf32>,
      %swap3A_158 = vector.shape_cast %swap3A_157 : vector<1x16xf32> to vector<16xf32>
      %swap3A_159 = vector.shape_cast %get3A_154 : vector<16xf32> to vector<1x16xf32>
      tpu.vector_store %arg9[%swap3A_155, %swap3A_156], %swap3A_159 {strides = array<i32>} : memref<512x64xf32, #tpu.memory_space<vmem>>, vector<1x16xf32>,
      %add3A_160 = arith.constant 16 : i32
      %add3A_161 = arith.addi %mul3A_138, %add3A_160 : i32
      %get3A_162 = arith.index_cast %add3A_148 : i32 to index
      %get3A_163 = arith.index_cast %add3A_161 : i32 to index
      %get3A_164 = tpu.vector_load %arg7[%get3A_162, %get3A_163] {strides = array<i32>} : memref<128x128xf32, #tpu.memory_space<vmem>>, vector<1x16xf32>,
      %get3A_165 = vector.shape_cast %get3A_164 : vector<1x16xf32> to vector<16xf32>
      %swap3A_166 = arith.index_cast %add3A_144 : i32 to index
      %swap3A_167 = arith.constant 16 : index
      %swap3A_168 = tpu.vector_load %arg9[%swap3A_166, %swap3A_167] {strides = array<i32>} : memref<512x64xf32, #tpu.memory_space<vmem>>, vector<1x16xf32>,
      %swap3A_169 = vector.shape_cast %swap3A_168 : vector<1x16xf32> to vector<16xf32>
      %swap3A_170 = vector.shape_cast %get3A_165 : vector<16xf32> to vector<1x16xf32>
      tpu.vector_store %arg9[%swap3A_166, %swap3A_167], %swap3A_170 {strides = array<i32>} : memref<512x64xf32, #tpu.memory_space<vmem>>, vector<1x16xf32>,
      %add3A_171 = arith.constant 32 : i32
      %add3A_172 = arith.addi %mul3A_138, %add3A_171 : i32
      %get3A_173 = arith.index_cast %add3A_148 : i32 to index
      %get3A_174 = arith.index_cast %add3A_172 : i32 to index
      %get3A_175 = tpu.vector_load %arg7[%get3A_173, %get3A_174] {strides = array<i32>} : memref<128x128xf32, #tpu.memory_space<vmem>>, vector<1x16xf32>,
      %get3A_176 = vector.shape_cast %get3A_175 : vector<1x16xf32> to vector<16xf32>
      %swap3A_177 = arith.index_cast %add3A_144 : i32 to index
      %swap3A_178 = arith.constant 32 : index
      %swap3A_179 = tpu.vector_load %arg9[%swap3A_177, %swap3A_178] {strides = array<i32>} : memref<512x64xf32, #tpu.memory_space<vmem>>, vector<1x16xf32>,
      %swap3A_180 = vector.shape_cast %swap3A_179 : vector<1x16xf32> to vector<16xf32>
      %swap3A_181 = vector.shape_cast %get3A_176 : vector<16xf32> to vector<1x16xf32>
      tpu.vector_store %arg9[%swap3A_177, %swap3A_178], %swap3A_181 {strides = array<i32>} : memref<512x64xf32, #tpu.memory_space<vmem>>, vector<1x16xf32>,
      %add3A_182 = arith.constant 48 : i32
      %add3A_183 = arith.addi %mul3A_138, %add3A_182 : i32
      %get3A_184 = arith.index_cast %add3A_148 : i32 to index
      %get3A_185 = arith.index_cast %add3A_183 : i32 to index
      %get3A_186 = tpu.vector_load %arg7[%get3A_184, %get3A_185] {strides = array<i32>} : memref<128x128xf32, #tpu.memory_space<vmem>>, vector<1x16xf32>,
      %get3A_187 = vector.shape_cast %get3A_186 : vector<1x16xf32> to vector<16xf32>
      %swap3A_188 = arith.index_cast %add3A_144 : i32 to index
      %swap3A_189 = arith.constant 48 : index
      %swap3A_190 = tpu.vector_load %arg9[%swap3A_188, %swap3A_189] {strides = array<i32>} : memref<512x64xf32, #tpu.memory_space<vmem>>, vector<1x16xf32>,
      %swap3A_191 = vector.shape_cast %swap3A_190 : vector<1x16xf32> to vector<16xf32>
      %swap3A_192 = vector.shape_cast %get3A_187 : vector<16xf32> to vector<1x16xf32>
      tpu.vector_store %arg9[%swap3A_188, %swap3A_189], %swap3A_192 {strides = array<i32>} : memref<512x64xf32, #tpu.memory_space<vmem>>, vector<1x16xf32>,
      %slice3A_193 = vector.extract_strided_slice %get3A_76 {offsets = [2], sizes = [1], strides = [1]} : vector<16xi32> to vector<1xi32>
      %squeeze3A_194 = vector.extract %slice3A_193[0] : i32 from vector<1xi32>
      %and3A_195 = arith.constant 1 : i32
      %and3A_196 = arith.andi %squeeze3A_194, %and3A_195 : i32
      %mul3A_197 = arith.constant 64 : i32
      %mul3A_198 = arith.muli %and3A_196, %mul3A_197 : i32
      %mul3A_199 = arith.constant 16 : i32
      %mul3A_200 = arith.muli %scan3A_70, %mul3A_199 : i32
      %add3A_201 = arith.constant 256 : i32
      %add3A_202 = arith.addi %add3A_201, %mul3A_200 : i32
      %add3A_203 = arith.constant 2 : i32
      %add3A_204 = arith.addi %add3A_202, %add3A_203 : i32
      %mul3A_205 = arith.constant 16 : i32
      %mul3A_206 = arith.muli %scan3A_70, %mul3A_205 : i32
      %add3A_207 = arith.constant 2 : i32
      %add3A_208 = arith.addi %mul3A_206, %add3A_207 : i32
      %add3A_209 = arith.constant 0 : i32
      %add3A_210 = arith.addi %mul3A_198, %add3A_209 : i32
      %get3A_211 = arith.index_cast %add3A_208 : i32 to index
      %get3A_212 = arith.index_cast %add3A_210 : i32 to index
      %get3A_213 = tpu.vector_load %arg7[%get3A_211, %get3A_212] {strides = array<i32>} : memref<128x128xf32, #tpu.memory_space<vmem>>, vector<1x16xf32>,
      %get3A_214 = vector.shape_cast %get3A_213 : vector<1x16xf32> to vector<16xf32>
      %swap3A_215 = arith.index_cast %add3A_204 : i32 to index
      %swap3A_216 = arith.constant 0 : index
      %swap3A_217 = tpu.vector_load %arg9[%swap3A_215, %swap3A_216] {strides = array<i32>} : memref<512x64xf32, #tpu.memory_space<vmem>>, vector<1x16xf32>,
      %swap3A_218 = vector.shape_cast %swap3A_217 : vector<1x16xf32> to vector<16xf32>
      %swap3A_219 = vector.shape_cast %get3A_214 : vector<16xf32> to vector<1x16xf32>
      tpu.vector_store %arg9[%swap3A_215, %swap3A_216], %swap3A_219 {strides = array<i32>} : memref<512x64xf32, #tpu.memory_space<vmem>>, vector<1x16xf32>,
      %add3A_220 = arith.constant 16 : i32
      %add3A_221 = arith.addi %mul3A_198, %add3A_220 : i32
      %get3A_222 = arith.index_cast %add3A_208 : i32 to index
      %get3A_223 = arith.index_cast %add3A_221 : i32 to index
      %get3A_224 = tpu.vector_load %arg7[%get3A_222, %get3A_223] {strides = array<i32>} : memref<128x128xf32, #tpu.memory_space<vmem>>, vector<1x16xf32>,
      %get3A_225 = vector.shape_cast %get3A_224 : vector<1x16xf32> to vector<16xf32>
      %swap3A_226 = arith.index_cast %add3A_204 : i32 to index
      %swap3A_227 = arith.constant 16 : index
      %swap3A_228 = tpu.vector_load %arg9[%swap3A_226, %swap3A_227] {strides = array<i32>} : memref<512x64xf32, #tpu.memory_space<vmem>>, vector<1x16xf32>,
      %swap3A_229 = vector.shape_cast %swap3A_228 : vector<1x16xf32> to vector<16xf32>
      %swap3A_230 = vector.shape_cast %get3A_225 : vector<16xf32> to vector<1x16xf32>
      tpu.vector_store %arg9[%swap3A_226, %swap3A_227], %swap3A_230 {strides = array<i32>} : memref<512x64xf32, #tpu.memory_space<vmem>>, vector<1x16xf32>,
      %add3A_231 = arith.constant 32 : i32
      %add3A_232 = arith.addi %mul3A_198, %add3A_231 : i32
      %get3A_233 = arith.index_cast %add3A_208 : i32 to index
      %get3A_234 = arith.index_cast %add3A_232 : i32 to index
      %get3A_235 = tpu.vector_load %arg7[%get3A_233, %get3A_234] {strides = array<i32>} : memref<128x128xf32, #tpu.memory_space<vmem>>, vector<1x16xf32>,
      %get3A_236 = vector.shape_cast %get3A_235 : vector<1x16xf32> to vector<16xf32>
      %swap3A_237 = arith.index_cast %add3A_204 : i32 to index
      %swap3A_238 = arith.constant 32 : index
      %swap3A_239 = tpu.vector_load %arg9[%swap3A_237, %swap3A_238] {strides = array<i32>} : memref<512x64xf32, #tpu.memory_space<vmem>>, vector<1x16xf32>,
      %swap3A_240 = vector.shape_cast %swap3A_239 : vector<1x16xf32> to vector<16xf32>
      %swap3A_241 = vector.shape_cast %get3A_236 : vector<16xf32> to vector<1x16xf32>
      tpu.vector_store %arg9[%swap3A_237, %swap3A_238], %swap3A_241 {strides = array<i32>} : memref<512x64xf32, #tpu.memory_space<vmem>>, vector<1x16xf32>,
      %add3A_242 = arith.constant 48 : i32
      %add3A_243 = arith.addi %mul3A_198, %add3A_242 : i32
      %get3A_244 = arith.index_cast %add3A_208 : i32 to index
      %get3A_245 = arith.index_cast %add3A_243 : i32 to index
      %get3A_246 = tpu.vector_load %arg7[%get3A_244, %get3A_245] {strides = array<i32>} : memref<128x128xf32, #tpu.memory_space<vmem>>, vector<1x16xf32>,
      %get3A_247 = vector.shape_cast %get3A_246 : vector<1x16xf32> to vector<16xf32>
      %swap3A_248 = arith.index_cast %add3A_204 : i32 to index
      %swap3A_249 = arith.constant 48 : index
      %swap3A_250 = tpu.vector_load %arg9[%swap3A_248, %swap3A_249] {strides = array<i32>} : memref<512x64xf32, #tpu.memory_space<vmem>>, vector<1x16xf32>,
      %swap3A_251 = vector.shape_cast %swap3A_250 : vector<1x16xf32> to vector<16xf32>
      %swap3A_252 = vector.shape_cast %get3A_247 : vector<16xf32> to vector<1x16xf32>
      tpu.vector_store %arg9[%swap3A_248, %swap3A_249], %swap3A_252 {strides = array<i32>} : memref<512x64xf32, #tpu.memory_space<vmem>>, vector<1x16xf32>,
      %slice3A_253 = vector.extract_strided_slice %get3A_76 {offsets = [3], sizes = [1], strides = [1]} : vector<16xi32> to vector<1xi32>
      %squeeze3A_254 = vector.extract %slice3A_253[0] : i32 from vector<1xi32>
      %and3A_255 = arith.constant 1 : i32
      %and3A_256 = arith.andi %squeeze3A_254, %and3A_255 : i32
      %mul3A_257 = arith.constant 64 : i32
      %mul3A_258 = arith.muli %and3A_256, %mul3A_257 : i32
      %mul3A_259 = arith.constant 16 : i32
      %mul3A_260 = arith.muli %scan3A_70, %mul3A_259 : i32
      %add3A_261 = arith.constant 256 : i32
      %add3A_262 = arith.addi %add3A_261, %mul3A_260 : i32
      %add3A_263 = arith.constant 3 : i32
      %add3A_264 = arith.addi %add3A_262, %add3A_263 : i32
      %mul3A_265 = arith.constant 16 : i32
      %mul3A_266 = arith.muli %scan3A_70, %mul3A_265 : i32
      %add3A_267 = arith.constant 3 : i32
      %add3A_268 = arith.addi %mul3A_266, %add3A_267 : i32
      %add3A_269 = arith.constant 0 : i32
      %add3A_270 = arith.addi %mul3A_258, %add3A_269 : i32
      %get3A_271 = arith.index_cast %add3A_268 : i32 to index
      %get3A_272 = arith.index_cast %add3A_270 : i32 to index
      %get3A_273 = tpu.vector_load %arg7[%get3A_271, %get3A_272] {strides = array<i32>} : memref<128x128xf32, #tpu.memory_space<vmem>>, vector<1x16xf32>,
      %get3A_274 = vector.shape_cast %get3A_273 : vector<1x16xf32> to vector<16xf32>
      %swap3A_275 = arith.index_cast %add3A_264 : i32 to index
      %swap3A_276 = arith.constant 0 : index
      %swap3A_277 = tpu.vector_load %arg9[%swap3A_275, %swap3A_276] {strides = array<i32>} : memref<512x64xf32, #tpu.memory_space<vmem>>, vector<1x16xf32>,
      %swap3A_278 = vector.shape_cast %swap3A_277 : vector<1x16xf32> to vector<16xf32>
      %swap3A_279 = vector.shape_cast %get3A_274 : vector<16xf32> to vector<1x16xf32>
      tpu.vector_store %arg9[%swap3A_275, %swap3A_276], %swap3A_279 {strides = array<i32>} : memref<512x64xf32, #tpu.memory_space<vmem>>, vector<1x16xf32>,
      %add3A_280 = arith.constant 16 : i32
      %add3A_281 = arith.addi %mul3A_258, %add3A_280 : i32
      %get3A_282 = arith.index_cast %add3A_268 : i32 to index
      %get3A_283 = arith.index_cast %add3A_281 : i32 to index
      %get3A_284 = tpu.vector_load %arg7[%get3A_282, %get3A_283] {strides = array<i32>} : memref<128x128xf32, #tpu.memory_space<vmem>>, vector<1x16xf32>,
      %get3A_285 = vector.shape_cast %get3A_284 : vector<1x16xf32> to vector<16xf32>
      %swap3A_286 = arith.index_cast %add3A_264 : i32 to index
      %swap3A_287 = arith.constant 16 : index
      %swap3A_288 = tpu.vector_load %arg9[%swap3A_286, %swap3A_287] {strides = array<i32>} : memref<512x64xf32, #tpu.memory_space<vmem>>, vector<1x16xf32>,
      %swap3A_289 = vector.shape_cast %swap3A_288 : vector<1x16xf32> to vector<16xf32>
      %swap3A_290 = vector.shape_cast %get3A_285 : vector<16xf32> to vector<1x16xf32>
      tpu.vector_store %arg9[%swap3A_286, %swap3A_287], %swap3A_290 {strides = array<i32>} : memref<512x64xf32, #tpu.memory_space<vmem>>, vector<1x16xf32>,
      %add3A_291 = arith.constant 32 : i32
      %add3A_292 = arith.addi %mul3A_258, %add3A_291 : i32
      %get3A_293 = arith.index_cast %add3A_268 : i32 to index
      %get3A_294 = arith.index_cast %add3A_292 : i32 to index
      %get3A_295 = tpu.vector_load %arg7[%get3A_293, %get3A_294] {strides = array<i32>} : memref<128x128xf32, #tpu.memory_space<vmem>>, vector<1x16xf32>,
      %get3A_296 = vector.shape_cast %get3A_295 : vector<1x16xf32> to vector<16xf32>
      %swap3A_297 = arith.index_cast %add3A_264 : i32 to index
      %swap3A_298 = arith.constant 32 : index
      %swap3A_299 = tpu.vector_load %arg9[%swap3A_297, %swap3A_298] {strides = array<i32>} : memref<512x64xf32, #tpu.memory_space<vmem>>, vector<1x16xf32>,
      %swap3A_300 = vector.shape_cast %swap3A_299 : vector<1x16xf32> to vector<16xf32>
      %swap3A_301 = vector.shape_cast %get3A_296 : vector<16xf32> to vector<1x16xf32>
      tpu.vector_store %arg9[%swap3A_297, %swap3A_298], %swap3A_301 {strides = array<i32>} : memref<512x64xf32, #tpu.memory_space<vmem>>, vector<1x16xf32>,
      %add3A_302 = arith.constant 48 : i32
      %add3A_303 = arith.addi %mul3A_258, %add3A_302 : i32
      %get3A_304 = arith.index_cast %add3A_268 : i32 to index
      %get3A_305 = arith.index_cast %add3A_303 : i32 to index
      %get3A_306 = tpu.vector_load %arg7[%get3A_304, %get3A_305] {strides = array<i32>} : memref<128x128xf32, #tpu.memory_space<vmem>>, vector<1x16xf32>,
      %get3A_307 = vector.shape_cast %get3A_306 : vector<1x16xf32> to vector<16xf32>
      %swap3A_308 = arith.index_cast %add3A_264 : i32 to index
      %swap3A_309 = arith.constant 48 : index
      %swap3A_310 = tpu.vector_load %arg9[%swap3A_308, %swap3A_309] {strides = array<i32>} : memref<512x64xf32, #tpu.memory_space<vmem>>, vector<1x16xf32>,
      %swap3A_311 = vector.shape_cast %swap3A_310 : vector<1x16xf32> to vector<16xf32>
      %swap3A_312 = vector.shape_cast %get3A_307 : vector<16xf32> to vector<1x16xf32>
      tpu.vector_store %arg9[%swap3A_308, %swap3A_309], %swap3A_312 {strides = array<i32>} : memref<512x64xf32, #tpu.memory_space<vmem>>, vector<1x16xf32>,
      %slice3A_313 = vector.extract_strided_slice %get3A_76 {offsets = [4], sizes = [1], strides = [1]} : vector<16xi32> to vector<1xi32>
      %squeeze3A_314 = vector.extract %slice3A_313[0] : i32 from vector<1xi32>
      %and3A_315 = arith.constant 1 : i32
      %and3A_316 = arith.andi %squeeze3A_314, %and3A_315 : i32
      %mul3A_317 = arith.constant 64 : i32
      %mul3A_318 = arith.muli %and3A_316, %mul3A_317 : i32
      %mul3A_319 = arith.constant 16 : i32
      %mul3A_320 = arith.muli %scan3A_70, %mul3A_319 : i32
      %add3A_321 = arith.constant 256 : i32
      %add3A_322 = arith.addi %add3A_321, %mul3A_320 : i32
      %add3A_323 = arith.constant 4 : i32
      %add3A_324 = arith.addi %add3A_322, %add3A_323 : i32
      %mul3A_325 = arith.constant 16 : i32
      %mul3A_326 = arith.muli %scan3A_70, %mul3A_325 : i32
      %add3A_327 = arith.constant 4 : i32
      %add3A_328 = arith.addi %mul3A_326, %add3A_327 : i32
      %add3A_329 = arith.constant 0 : i32
      %add3A_330 = arith.addi %mul3A_318, %add3A_329 : i32
      %get3A_331 = arith.index_cast %add3A_328 : i32 to index
      %get3A_332 = arith.index_cast %add3A_330 : i32 to index
      %get3A_333 = tpu.vector_load %arg7[%get3A_331, %get3A_332] {strides = array<i32>} : memref<128x128xf32, #tpu.memory_space<vmem>>, vector<1x16xf32>,
      %get3A_334 = vector.shape_cast %get3A_333 : vector<1x16xf32> to vector<16xf32>
      %swap3A_335 = arith.index_cast %add3A_324 : i32 to index
      %swap3A_336 = arith.constant 0 : index
      %swap3A_337 = tpu.vector_load %arg9[%swap3A_335, %swap3A_336] {strides = array<i32>} : memref<512x64xf32, #tpu.memory_space<vmem>>, vector<1x16xf32>,
      %swap3A_338 = vector.shape_cast %swap3A_337 : vector<1x16xf32> to vector<16xf32>
      %swap3A_339 = vector.shape_cast %get3A_334 : vector<16xf32> to vector<1x16xf32>
      tpu.vector_store %arg9[%swap3A_335, %swap3A_336], %swap3A_339 {strides = array<i32>} : memref<512x64xf32, #tpu.memory_space<vmem>>, vector<1x16xf32>,
      %add3A_340 = arith.constant 16 : i32
      %add3A_341 = arith.addi %mul3A_318, %add3A_340 : i32
      %get3A_342 = arith.index_cast %add3A_328 : i32 to index
      %get3A_343 = arith.index_cast %add3A_341 : i32 to index
      %get3A_344 = tpu.vector_load %arg7[%get3A_342, %get3A_343] {strides = array<i32>} : memref<128x128xf32, #tpu.memory_space<vmem>>, vector<1x16xf32>,
      %get3A_345 = vector.shape_cast %get3A_344 : vector<1x16xf32> to vector<16xf32>
      %swap3A_346 = arith.index_cast %add3A_324 : i32 to index
      %swap3A_347 = arith.constant 16 : index
      %swap3A_348 = tpu.vector_load %arg9[%swap3A_346, %swap3A_347] {strides = array<i32>} : memref<512x64xf32, #tpu.memory_space<vmem>>, vector<1x16xf32>,
      %swap3A_349 = vector.shape_cast %swap3A_348 : vector<1x16xf32> to vector<16xf32>
      %swap3A_350 = vector.shape_cast %get3A_345 : vector<16xf32> to vector<1x16xf32>
      tpu.vector_store %arg9[%swap3A_346, %swap3A_347], %swap3A_350 {strides = array<i32>} : memref<512x64xf32, #tpu.memory_space<vmem>>, vector<1x16xf32>,
      %add3A_351 = arith.constant 32 : i32
      %add3A_352 = arith.addi %mul3A_318, %add3A_351 : i32
      %get3A_353 = arith.index_cast %add3A_328 : i32 to index
      %get3A_354 = arith.index_cast %add3A_352 : i32 to index
      %get3A_355 = tpu.vector_load %arg7[%get3A_353, %get3A_354] {strides = array<i32>} : memref<128x128xf32, #tpu.memory_space<vmem>>, vector<1x16xf32>,
      %get3A_356 = vector.shape_cast %get3A_355 : vector<1x16xf32> to vector<16xf32>
      %swap3A_357 = arith.index_cast %add3A_324 : i32 to index
      %swap3A_358 = arith.constant 32 : index
      %swap3A_359 = tpu.vector_load %arg9[%swap3A_357, %swap3A_358] {strides = array<i32>} : memref<512x64xf32, #tpu.memory_space<vmem>>, vector<1x16xf32>,
      %swap3A_360 = vector.shape_cast %swap3A_359 : vector<1x16xf32> to vector<16xf32>
      %swap3A_361 = vector.shape_cast %get3A_356 : vector<16xf32> to vector<1x16xf32>
      tpu.vector_store %arg9[%swap3A_357, %swap3A_358], %swap3A_361 {strides = array<i32>} : memref<512x64xf32, #tpu.memory_space<vmem>>, vector<1x16xf32>,
      %add3A_362 = arith.constant 48 : i32
      %add3A_363 = arith.addi %mul3A_318, %add3A_362 : i32
      %get3A_364 = arith.index_cast %add3A_328 : i32 to index
      %get3A_365 = arith.index_cast %add3A_363 : i32 to index
      %get3A_366 = tpu.vector_load %arg7[%get3A_364, %get3A_365] {strides = array<i32>} : memref<128x128xf32, #tpu.memory_space<vmem>>, vector<1x16xf32>,
      %get3A_367 = vector.shape_cast %get3A_366 : vector<1x16xf32> to vector<16xf32>
      %swap3A_368 = arith.index_cast %add3A_324 : i32 to index
      %swap3A_369 = arith.constant 48 : index
      %swap3A_370 = tpu.vector_load %arg9[%swap3A_368, %swap3A_369] {strides = array<i32>} : memref<512x64xf32, #tpu.memory_space<vmem>>, vector<1x16xf32>,
      %swap3A_371 = vector.shape_cast %swap3A_370 : vector<1x16xf32> to vector<16xf32>
      %swap3A_372 = vector.shape_cast %get3A_367 : vector<16xf32> to vector<1x16xf32>
      tpu.vector_store %arg9[%swap3A_368, %swap3A_369], %swap3A_372 {strides = array<i32>} : memref<512x64xf32, #tpu.memory_space<vmem>>, vector<1x16xf32>,
      %slice3A_373 = vector.extract_strided_slice %get3A_76 {offsets = [5], sizes = [1], strides = [1]} : vector<16xi32> to vector<1xi32>
      %squeeze3A_374 = vector.extract %slice3A_373[0] : i32 from vector<1xi32>
      %and3A_375 = arith.constant 1 : i32
      %and3A_376 = arith.andi %squeeze3A_374, %and3A_375 : i32
      %mul3A_377 = arith.constant 64 : i32
      %mul3A_378 = arith.muli %and3A_376, %mul3A_377 : i32
      %mul3A_379 = arith.constant 16 : i32
      %mul3A_380 = arith.muli %scan3A_70, %mul3A_379 : i32
      %add3A_381 = arith.constant 256 : i32
      %add3A_382 = arith.addi %add3A_381, %mul3A_380 : i32
      %add3A_383 = arith.constant 5 : i32
      %add3A_384 = arith.addi %add3A_382, %add3A_383 : i32
      %mul3A_385 = arith.constant 16 : i32
      %mul3A_386 = arith.muli %scan3A_70, %mul3A_385 : i32
      %add3A_387 = arith.constant 5 : i32
      %add3A_388 = arith.addi %mul3A_386, %add3A_387 : i32
      %add3A_389 = arith.constant 0 : i32
      %add3A_390 = arith.addi %mul3A_378, %add3A_389 : i32
      %get3A_391 = arith.index_cast %add3A_388 : i32 to index
      %get3A_392 = arith.index_cast %add3A_390 : i32 to index
      %get3A_393 = tpu.vector_load %arg7[%get3A_391, %get3A_392] {strides = array<i32>} : memref<128x128xf32, #tpu.memory_space<vmem>>, vector<1x16xf32>,
      %get3A_394 = vector.shape_cast %get3A_393 : vector<1x16xf32> to vector<16xf32>
      %swap3A_395 = arith.index_cast %add3A_384 : i32 to index
      %swap3A_396 = arith.constant 0 : index
      %swap3A_397 = tpu.vector_load %arg9[%swap3A_395, %swap3A_396] {strides = array<i32>} : memref<512x64xf32, #tpu.memory_space<vmem>>, vector<1x16xf32>,
      %swap3A_398 = vector.shape_cast %swap3A_397 : vector<1x16xf32> to vector<16xf32>
      %swap3A_399 = vector.shape_cast %get3A_394 : vector<16xf32> to vector<1x16xf32>
      tpu.vector_store %arg9[%swap3A_395, %swap3A_396], %swap3A_399 {strides = array<i32>} : memref<512x64xf32, #tpu.memory_space<vmem>>, vector<1x16xf32>,
      %add3A_400 = arith.constant 16 : i32
      %add3A_401 = arith.addi %mul3A_378, %add3A_400 : i32
      %get3A_402 = arith.index_cast %add3A_388 : i32 to index
      %get3A_403 = arith.index_cast %add3A_401 : i32 to index
      %get3A_404 = tpu.vector_load %arg7[%get3A_402, %get3A_403] {strides = array<i32>} : memref<128x128xf32, #tpu.memory_space<vmem>>, vector<1x16xf32>,
      %get3A_405 = vector.shape_cast %get3A_404 : vector<1x16xf32> to vector<16xf32>
      %swap3A_406 = arith.index_cast %add3A_384 : i32 to index
      %swap3A_407 = arith.constant 16 : index
      %swap3A_408 = tpu.vector_load %arg9[%swap3A_406, %swap3A_407] {strides = array<i32>} : memref<512x64xf32, #tpu.memory_space<vmem>>, vector<1x16xf32>,
      %swap3A_409 = vector.shape_cast %swap3A_408 : vector<1x16xf32> to vector<16xf32>
      %swap3A_410 = vector.shape_cast %get3A_405 : vector<16xf32> to vector<1x16xf32>
      tpu.vector_store %arg9[%swap3A_406, %swap3A_407], %swap3A_410 {strides = array<i32>} : memref<512x64xf32, #tpu.memory_space<vmem>>, vector<1x16xf32>,
      %add3A_411 = arith.constant 32 : i32
      %add3A_412 = arith.addi %mul3A_378, %add3A_411 : i32
      %get3A_413 = arith.index_cast %add3A_388 : i32 to index
      %get3A_414 = arith.index_cast %add3A_412 : i32 to index
      %get3A_415 = tpu.vector_load %arg7[%get3A_413, %get3A_414] {strides = array<i32>} : memref<128x128xf32, #tpu.memory_space<vmem>>, vector<1x16xf32>,
      %get3A_416 = vector.shape_cast %get3A_415 : vector<1x16xf32> to vector<16xf32>
      %swap3A_417 = arith.index_cast %add3A_384 : i32 to index
      %swap3A_418 = arith.constant 32 : index
      %swap3A_419 = tpu.vector_load %arg9[%swap3A_417, %swap3A_418] {strides = array<i32>} : memref<512x64xf32, #tpu.memory_space<vmem>>, vector<1x16xf32>,
      %swap3A_420 = vector.shape_cast %swap3A_419 : vector<1x16xf32> to vector<16xf32>
      %swap3A_421 = vector.shape_cast %get3A_416 : vector<16xf32> to vector<1x16xf32>
      tpu.vector_store %arg9[%swap3A_417, %swap3A_418], %swap3A_421 {strides = array<i32>} : memref<512x64xf32, #tpu.memory_space<vmem>>, vector<1x16xf32>,
      %add3A_422 = arith.constant 48 : i32
      %add3A_423 = arith.addi %mul3A_378, %add3A_422 : i32
      %get3A_424 = arith.index_cast %add3A_388 : i32 to index
      %get3A_425 = arith.index_cast %add3A_423 : i32 to index
      %get3A_426 = tpu.vector_load %arg7[%get3A_424, %get3A_425] {strides = array<i32>} : memref<128x128xf32, #tpu.memory_space<vmem>>, vector<1x16xf32>,
      %get3A_427 = vector.shape_cast %get3A_426 : vector<1x16xf32> to vector<16xf32>
      %swap3A_428 = arith.index_cast %add3A_384 : i32 to index
      %swap3A_429 = arith.constant 48 : index
      %swap3A_430 = tpu.vector_load %arg9[%swap3A_428, %swap3A_429] {strides = array<i32>} : memref<512x64xf32, #tpu.memory_space<vmem>>, vector<1x16xf32>,
      %swap3A_431 = vector.shape_cast %swap3A_430 : vector<1x16xf32> to vector<16xf32>
      %swap3A_432 = vector.shape_cast %get3A_427 : vector<16xf32> to vector<1x16xf32>
      tpu.vector_store %arg9[%swap3A_428, %swap3A_429], %swap3A_432 {strides = array<i32>} : memref<512x64xf32, #tpu.memory_space<vmem>>, vector<1x16xf32>,
      %slice3A_433 = vector.extract_strided_slice %get3A_76 {offsets = [6], sizes = [1], strides = [1]} : vector<16xi32> to vector<1xi32>
      %squeeze3A_434 = vector.extract %slice3A_433[0] : i32 from vector<1xi32>
      %and3A_435 = arith.constant 1 : i32
      %and3A_436 = arith.andi %squeeze3A_434, %and3A_435 : i32
      %mul3A_437 = arith.constant 64 : i32
      %mul3A_438 = arith.muli %and3A_436, %mul3A_437 : i32
      %mul3A_439 = arith.constant 16 : i32
      %mul3A_440 = arith.muli %scan3A_70, %mul3A_439 : i32
      %add3A_441 = arith.constant 256 : i32
      %add3A_442 = arith.addi %add3A_441, %mul3A_440 : i32
      %add3A_443 = arith.constant 6 : i32
      %add3A_444 = arith.addi %add3A_442, %add3A_443 : i32
      %mul3A_445 = arith.constant 16 : i32
      %mul3A_446 = arith.muli %scan3A_70, %mul3A_445 : i32
      %add3A_447 = arith.constant 6 : i32
      %add3A_448 = arith.addi %mul3A_446, %add3A_447 : i32
      %add3A_449 = arith.constant 0 : i32
      %add3A_450 = arith.addi %mul3A_438, %add3A_449 : i32
      %get3A_451 = arith.index_cast %add3A_448 : i32 to index
      %get3A_452 = arith.index_cast %add3A_450 : i32 to index
      %get3A_453 = tpu.vector_load %arg7[%get3A_451, %get3A_452] {strides = array<i32>} : memref<128x128xf32, #tpu.memory_space<vmem>>, vector<1x16xf32>,
      %get3A_454 = vector.shape_cast %get3A_453 : vector<1x16xf32> to vector<16xf32>
      %swap3A_455 = arith.index_cast %add3A_444 : i32 to index
      %swap3A_456 = arith.constant 0 : index
      %swap3A_457 = tpu.vector_load %arg9[%swap3A_455, %swap3A_456] {strides = array<i32>} : memref<512x64xf32, #tpu.memory_space<vmem>>, vector<1x16xf32>,
      %swap3A_458 = vector.shape_cast %swap3A_457 : vector<1x16xf32> to vector<16xf32>
      %swap3A_459 = vector.shape_cast %get3A_454 : vector<16xf32> to vector<1x16xf32>
      tpu.vector_store %arg9[%swap3A_455, %swap3A_456], %swap3A_459 {strides = array<i32>} : memref<512x64xf32, #tpu.memory_space<vmem>>, vector<1x16xf32>,
      %add3A_460 = arith.constant 16 : i32
      %add3A_461 = arith.addi %mul3A_438, %add3A_460 : i32
      %get3A_462 = arith.index_cast %add3A_448 : i32 to index
      %get3A_463 = arith.index_cast %add3A_461 : i32 to index
      %get3A_464 = tpu.vector_load %arg7[%get3A_462, %get3A_463] {strides = array<i32>} : memref<128x128xf32, #tpu.memory_space<vmem>>, vector<1x16xf32>,
      %get3A_465 = vector.shape_cast %get3A_464 : vector<1x16xf32> to vector<16xf32>
      %swap3A_466 = arith.index_cast %add3A_444 : i32 to index
      %swap3A_467 = arith.constant 16 : index
      %swap3A_468 = tpu.vector_load %arg9[%swap3A_466, %swap3A_467] {strides = array<i32>} : memref<512x64xf32, #tpu.memory_space<vmem>>, vector<1x16xf32>,
      %swap3A_469 = vector.shape_cast %swap3A_468 : vector<1x16xf32> to vector<16xf32>
      %swap3A_470 = vector.shape_cast %get3A_465 : vector<16xf32> to vector<1x16xf32>
      tpu.vector_store %arg9[%swap3A_466, %swap3A_467], %swap3A_470 {strides = array<i32>} : memref<512x64xf32, #tpu.memory_space<vmem>>, vector<1x16xf32>,
      %add3A_471 = arith.constant 32 : i32
      %add3A_472 = arith.addi %mul3A_438, %add3A_471 : i32
      %get3A_473 = arith.index_cast %add3A_448 : i32 to index
      %get3A_474 = arith.index_cast %add3A_472 : i32 to index
      %get3A_475 = tpu.vector_load %arg7[%get3A_473, %get3A_474] {strides = array<i32>} : memref<128x128xf32, #tpu.memory_space<vmem>>, vector<1x16xf32>,
      %get3A_476 = vector.shape_cast %get3A_475 : vector<1x16xf32> to vector<16xf32>
      %swap3A_477 = arith.index_cast %add3A_444 : i32 to index
      %swap3A_478 = arith.constant 32 : index
      %swap3A_479 = tpu.vector_load %arg9[%swap3A_477, %swap3A_478] {strides = array<i32>} : memref<512x64xf32, #tpu.memory_space<vmem>>, vector<1x16xf32>,
      %swap3A_480 = vector.shape_cast %swap3A_479 : vector<1x16xf32> to vector<16xf32>
      %swap3A_481 = vector.shape_cast %get3A_476 : vector<16xf32> to vector<1x16xf32>
      tpu.vector_store %arg9[%swap3A_477, %swap3A_478], %swap3A_481 {strides = array<i32>} : memref<512x64xf32, #tpu.memory_space<vmem>>, vector<1x16xf32>,
      %add3A_482 = arith.constant 48 : i32
      %add3A_483 = arith.addi %mul3A_438, %add3A_482 : i32
      %get3A_484 = arith.index_cast %add3A_448 : i32 to index
      %get3A_485 = arith.index_cast %add3A_483 : i32 to index
      %get3A_486 = tpu.vector_load %arg7[%get3A_484, %get3A_485] {strides = array<i32>} : memref<128x128xf32, #tpu.memory_space<vmem>>, vector<1x16xf32>,
      %get3A_487 = vector.shape_cast %get3A_486 : vector<1x16xf32> to vector<16xf32>
      %swap3A_488 = arith.index_cast %add3A_444 : i32 to index
      %swap3A_489 = arith.constant 48 : index
      %swap3A_490 = tpu.vector_load %arg9[%swap3A_488, %swap3A_489] {strides = array<i32>} : memref<512x64xf32, #tpu.memory_space<vmem>>, vector<1x16xf32>,
      %swap3A_491 = vector.shape_cast %swap3A_490 : vector<1x16xf32> to vector<16xf32>
      %swap3A_492 = vector.shape_cast %get3A_487 : vector<16xf32> to vector<1x16xf32>
      tpu.vector_store %arg9[%swap3A_488, %swap3A_489], %swap3A_492 {strides = array<i32>} : memref<512x64xf32, #tpu.memory_space<vmem>>, vector<1x16xf32>,
      %slice3A_493 = vector.extract_strided_slice %get3A_76 {offsets = [7], sizes = [1], strides = [1]} : vector<16xi32> to vector<1xi32>
      %squeeze3A_494 = vector.extract %slice3A_493[0] : i32 from vector<1xi32>
      %and3A_495 = arith.constant 1 : i32
      %and3A_496 = arith.andi %squeeze3A_494, %and3A_495 : i32
      %mul3A_497 = arith.constant 64 : i32
      %mul3A_498 = arith.muli %and3A_496, %mul3A_497 : i32
      %mul3A_499 = arith.constant 16 : i32
      %mul3A_500 = arith.muli %scan3A_70, %mul3A_499 : i32
      %add3A_501 = arith.constant 256 : i32
      %add3A_502 = arith.addi %add3A_501, %mul3A_500 : i32
      %add3A_503 = arith.constant 7 : i32
      %add3A_504 = arith.addi %add3A_502, %add3A_503 : i32
      %mul3A_505 = arith.constant 16 : i32
      %mul3A_506 = arith.muli %scan3A_70, %mul3A_505 : i32
      %add3A_507 = arith.constant 7 : i32
      %add3A_508 = arith.addi %mul3A_506, %add3A_507 : i32
      %add3A_509 = arith.constant 0 : i32
      %add3A_510 = arith.addi %mul3A_498, %add3A_509 : i32
      %get3A_511 = arith.index_cast %add3A_508 : i32 to index
      %get3A_512 = arith.index_cast %add3A_510 : i32 to index
      %get3A_513 = tpu.vector_load %arg7[%get3A_511, %get3A_512] {strides = array<i32>} : memref<128x128xf32, #tpu.memory_space<vmem>>, vector<1x16xf32>,
      %get3A_514 = vector.shape_cast %get3A_513 : vector<1x16xf32> to vector<16xf32>
      %swap3A_515 = arith.index_cast %add3A_504 : i32 to index
      %swap3A_516 = arith.constant 0 : index
      %swap3A_517 = tpu.vector_load %arg9[%swap3A_515, %swap3A_516] {strides = array<i32>} : memref<512x64xf32, #tpu.memory_space<vmem>>, vector<1x16xf32>,
      %swap3A_518 = vector.shape_cast %swap3A_517 : vector<1x16xf32> to vector<16xf32>
      %swap3A_519 = vector.shape_cast %get3A_514 : vector<16xf32> to vector<1x16xf32>
      tpu.vector_store %arg9[%swap3A_515, %swap3A_516], %swap3A_519 {strides = array<i32>} : memref<512x64xf32, #tpu.memory_space<vmem>>, vector<1x16xf32>,
      %add3A_520 = arith.constant 16 : i32
      %add3A_521 = arith.addi %mul3A_498, %add3A_520 : i32
      %get3A_522 = arith.index_cast %add3A_508 : i32 to index
      %get3A_523 = arith.index_cast %add3A_521 : i32 to index
      %get3A_524 = tpu.vector_load %arg7[%get3A_522, %get3A_523] {strides = array<i32>} : memref<128x128xf32, #tpu.memory_space<vmem>>, vector<1x16xf32>,
      %get3A_525 = vector.shape_cast %get3A_524 : vector<1x16xf32> to vector<16xf32>
      %swap3A_526 = arith.index_cast %add3A_504 : i32 to index
      %swap3A_527 = arith.constant 16 : index
      %swap3A_528 = tpu.vector_load %arg9[%swap3A_526, %swap3A_527] {strides = array<i32>} : memref<512x64xf32, #tpu.memory_space<vmem>>, vector<1x16xf32>,
      %swap3A_529 = vector.shape_cast %swap3A_528 : vector<1x16xf32> to vector<16xf32>
      %swap3A_530 = vector.shape_cast %get3A_525 : vector<16xf32> to vector<1x16xf32>
      tpu.vector_store %arg9[%swap3A_526, %swap3A_527], %swap3A_530 {strides = array<i32>} : memref<512x64xf32, #tpu.memory_space<vmem>>, vector<1x16xf32>,
      %add3A_531 = arith.constant 32 : i32
      %add3A_532 = arith.addi %mul3A_498, %add3A_531 : i32
      %get3A_533 = arith.index_cast %add3A_508 : i32 to index
      %get3A_534 = arith.index_cast %add3A_532 : i32 to index
      %get3A_535 = tpu.vector_load %arg7[%get3A_533, %get3A_534] {strides = array<i32>} : memref<128x128xf32, #tpu.memory_space<vmem>>, vector<1x16xf32>,
      %get3A_536 = vector.shape_cast %get3A_535 : vector<1x16xf32> to vector<16xf32>
      %swap3A_537 = arith.index_cast %add3A_504 : i32 to index
      %swap3A_538 = arith.constant 32 : index
      %swap3A_539 = tpu.vector_load %arg9[%swap3A_537, %swap3A_538] {strides = array<i32>} : memref<512x64xf32, #tpu.memory_space<vmem>>, vector<1x16xf32>,
      %swap3A_540 = vector.shape_cast %swap3A_539 : vector<1x16xf32> to vector<16xf32>
      %swap3A_541 = vector.shape_cast %get3A_536 : vector<16xf32> to vector<1x16xf32>
      tpu.vector_store %arg9[%swap3A_537, %swap3A_538], %swap3A_541 {strides = array<i32>} : memref<512x64xf32, #tpu.memory_space<vmem>>, vector<1x16xf32>,
      %add3A_542 = arith.constant 48 : i32
      %add3A_543 = arith.addi %mul3A_498, %add3A_542 : i32
      %get3A_544 = arith.index_cast %add3A_508 : i32 to index
      %get3A_545 = arith.index_cast %add3A_543 : i32 to index
      %get3A_546 = tpu.vector_load %arg7[%get3A_544, %get3A_545] {strides = array<i32>} : memref<128x128xf32, #tpu.memory_space<vmem>>, vector<1x16xf32>,
      %get3A_547 = vector.shape_cast %get3A_546 : vector<1x16xf32> to vector<16xf32>
      %swap3A_548 = arith.index_cast %add3A_504 : i32 to index
      %swap3A_549 = arith.constant 48 : index
      %swap3A_550 = tpu.vector_load %arg9[%swap3A_548, %swap3A_549] {strides = array<i32>} : memref<512x64xf32, #tpu.memory_space<vmem>>, vector<1x16xf32>,
      %swap3A_551 = vector.shape_cast %swap3A_550 : vector<1x16xf32> to vector<16xf32>
      %swap3A_552 = vector.shape_cast %get3A_547 : vector<16xf32> to vector<1x16xf32>
      tpu.vector_store %arg9[%swap3A_548, %swap3A_549], %swap3A_552 {strides = array<i32>} : memref<512x64xf32, #tpu.memory_space<vmem>>, vector<1x16xf32>,
      %slice3A_553 = vector.extract_strided_slice %get3A_76 {offsets = [8], sizes = [1], strides = [1]} : vector<16xi32> to vector<1xi32>
      %squeeze3A_554 = vector.extract %slice3A_553[0] : i32 from vector<1xi32>
      %and3A_555 = arith.constant 1 : i32
      %and3A_556 = arith.andi %squeeze3A_554, %and3A_555 : i32
      %mul3A_557 = arith.constant 64 : i32
      %mul3A_558 = arith.muli %and3A_556, %mul3A_557 : i32
      %mul3A_559 = arith.constant 16 : i32
      %mul3A_560 = arith.muli %scan3A_70, %mul3A_559 : i32
      %add3A_561 = arith.constant 256 : i32
      %add3A_562 = arith.addi %add3A_561, %mul3A_560 : i32
      %add3A_563 = arith.constant 8 : i32
      %add3A_564 = arith.addi %add3A_562, %add3A_563 : i32
      %mul3A_565 = arith.constant 16 : i32
      %mul3A_566 = arith.muli %scan3A_70, %mul3A_565 : i32
      %add3A_567 = arith.constant 8 : i32
      %add3A_568 = arith.addi %mul3A_566, %add3A_567 : i32
      %add3A_569 = arith.constant 0 : i32
      %add3A_570 = arith.addi %mul3A_558, %add3A_569 : i32
      %get3A_571 = arith.index_cast %add3A_568 : i32 to index
      %get3A_572 = arith.index_cast %add3A_570 : i32 to index
      %get3A_573 = tpu.vector_load %arg7[%get3A_571, %get3A_572] {strides = array<i32>} : memref<128x128xf32, #tpu.memory_space<vmem>>, vector<1x16xf32>,
      %get3A_574 = vector.shape_cast %get3A_573 : vector<1x16xf32> to vector<16xf32>
      %swap3A_575 = arith.index_cast %add3A_564 : i32 to index
      %swap3A_576 = arith.constant 0 : index
      %swap3A_577 = tpu.vector_load %arg9[%swap3A_575, %swap3A_576] {strides = array<i32>} : memref<512x64xf32, #tpu.memory_space<vmem>>, vector<1x16xf32>,
      %swap3A_578 = vector.shape_cast %swap3A_577 : vector<1x16xf32> to vector<16xf32>
      %swap3A_579 = vector.shape_cast %get3A_574 : vector<16xf32> to vector<1x16xf32>
      tpu.vector_store %arg9[%swap3A_575, %swap3A_576], %swap3A_579 {strides = array<i32>} : memref<512x64xf32, #tpu.memory_space<vmem>>, vector<1x16xf32>,
      %add3A_580 = arith.constant 16 : i32
      %add3A_581 = arith.addi %mul3A_558, %add3A_580 : i32
      %get3A_582 = arith.index_cast %add3A_568 : i32 to index
      %get3A_583 = arith.index_cast %add3A_581 : i32 to index
      %get3A_584 = tpu.vector_load %arg7[%get3A_582, %get3A_583] {strides = array<i32>} : memref<128x128xf32, #tpu.memory_space<vmem>>, vector<1x16xf32>,
      %get3A_585 = vector.shape_cast %get3A_584 : vector<1x16xf32> to vector<16xf32>
      %swap3A_586 = arith.index_cast %add3A_564 : i32 to index
      %swap3A_587 = arith.constant 16 : index
      %swap3A_588 = tpu.vector_load %arg9[%swap3A_586, %swap3A_587] {strides = array<i32>} : memref<512x64xf32, #tpu.memory_space<vmem>>, vector<1x16xf32>,
      %swap3A_589 = vector.shape_cast %swap3A_588 : vector<1x16xf32> to vector<16xf32>
      %swap3A_590 = vector.shape_cast %get3A_585 : vector<16xf32> to vector<1x16xf32>
      tpu.vector_store %arg9[%swap3A_586, %swap3A_587], %swap3A_590 {strides = array<i32>} : memref<512x64xf32, #tpu.memory_space<vmem>>, vector<1x16xf32>,
      %add3A_591 = arith.constant 32 : i32
      %add3A_592 = arith.addi %mul3A_558, %add3A_591 : i32
      %get3A_593 = arith.index_cast %add3A_568 : i32 to index
      %get3A_594 = arith.index_cast %add3A_592 : i32 to index
      %get3A_595 = tpu.vector_load %arg7[%get3A_593, %get3A_594] {strides = array<i32>} : memref<128x128xf32, #tpu.memory_space<vmem>>, vector<1x16xf32>,
      %get3A_596 = vector.shape_cast %get3A_595 : vector<1x16xf32> to vector<16xf32>
      %swap3A_597 = arith.index_cast %add3A_564 : i32 to index
      %swap3A_598 = arith.constant 32 : index
      %swap3A_599 = tpu.vector_load %arg9[%swap3A_597, %swap3A_598] {strides = array<i32>} : memref<512x64xf32, #tpu.memory_space<vmem>>, vector<1x16xf32>,
      %swap3A_600 = vector.shape_cast %swap3A_599 : vector<1x16xf32> to vector<16xf32>
      %swap3A_601 = vector.shape_cast %get3A_596 : vector<16xf32> to vector<1x16xf32>
      tpu.vector_store %arg9[%swap3A_597, %swap3A_598], %swap3A_601 {strides = array<i32>} : memref<512x64xf32, #tpu.memory_space<vmem>>, vector<1x16xf32>,
      %add3A_602 = arith.constant 48 : i32
      %add3A_603 = arith.addi %mul3A_558, %add3A_602 : i32
      %get3A_604 = arith.index_cast %add3A_568 : i32 to index
      %get3A_605 = arith.index_cast %add3A_603 : i32 to index
      %get3A_606 = tpu.vector_load %arg7[%get3A_604, %get3A_605] {strides = array<i32>} : memref<128x128xf32, #tpu.memory_space<vmem>>, vector<1x16xf32>,
      %get3A_607 = vector.shape_cast %get3A_606 : vector<1x16xf32> to vector<16xf32>
      %swap3A_608 = arith.index_cast %add3A_564 : i32 to index
      %swap3A_609 = arith.constant 48 : index
      %swap3A_610 = tpu.vector_load %arg9[%swap3A_608, %swap3A_609] {strides = array<i32>} : memref<512x64xf32, #tpu.memory_space<vmem>>, vector<1x16xf32>,
      %swap3A_611 = vector.shape_cast %swap3A_610 : vector<1x16xf32> to vector<16xf32>
      %swap3A_612 = vector.shape_cast %get3A_607 : vector<16xf32> to vector<1x16xf32>
      tpu.vector_store %arg9[%swap3A_608, %swap3A_609], %swap3A_612 {strides = array<i32>} : memref<512x64xf32, #tpu.memory_space<vmem>>, vector<1x16xf32>,
      %slice3A_613 = vector.extract_strided_slice %get3A_76 {offsets = [9], sizes = [1], strides = [1]} : vector<16xi32> to vector<1xi32>
      %squeeze3A_614 = vector.extract %slice3A_613[0] : i32 from vector<1xi32>
      %and3A_615 = arith.constant 1 : i32
      %and3A_616 = arith.andi %squeeze3A_614, %and3A_615 : i32
      %mul3A_617 = arith.constant 64 : i32
      %mul3A_618 = arith.muli %and3A_616, %mul3A_617 : i32
      %mul3A_619 = arith.constant 16 : i32
      %mul3A_620 = arith.muli %scan3A_70, %mul3A_619 : i32
      %add3A_621 = arith.constant 256 : i32
      %add3A_622 = arith.addi %add3A_621, %mul3A_620 : i32
      %add3A_623 = arith.constant 9 : i32
      %add3A_624 = arith.addi %add3A_622, %add3A_623 : i32
      %mul3A_625 = arith.constant 16 : i32
      %mul3A_626 = arith.muli %scan3A_70, %mul3A_625 : i32
      %add3A_627 = arith.constant 9 : i32
      %add3A_628 = arith.addi %mul3A_626, %add3A_627 : i32
      %add3A_629 = arith.constant 0 : i32
      %add3A_630 = arith.addi %mul3A_618, %add3A_629 : i32
      %get3A_631 = arith.index_cast %add3A_628 : i32 to index
      %get3A_632 = arith.index_cast %add3A_630 : i32 to index
      %get3A_633 = tpu.vector_load %arg7[%get3A_631, %get3A_632] {strides = array<i32>} : memref<128x128xf32, #tpu.memory_space<vmem>>, vector<1x16xf32>,
      %get3A_634 = vector.shape_cast %get3A_633 : vector<1x16xf32> to vector<16xf32>
      %swap3A_635 = arith.index_cast %add3A_624 : i32 to index
      %swap3A_636 = arith.constant 0 : index
      %swap3A_637 = tpu.vector_load %arg9[%swap3A_635, %swap3A_636] {strides = array<i32>} : memref<512x64xf32, #tpu.memory_space<vmem>>, vector<1x16xf32>,
      %swap3A_638 = vector.shape_cast %swap3A_637 : vector<1x16xf32> to vector<16xf32>
      %swap3A_639 = vector.shape_cast %get3A_634 : vector<16xf32> to vector<1x16xf32>
      tpu.vector_store %arg9[%swap3A_635, %swap3A_636], %swap3A_639 {strides = array<i32>} : memref<512x64xf32, #tpu.memory_space<vmem>>, vector<1x16xf32>,
      %add3A_640 = arith.constant 16 : i32
      %add3A_641 = arith.addi %mul3A_618, %add3A_640 : i32
      %get3A_642 = arith.index_cast %add3A_628 : i32 to index
      %get3A_643 = arith.index_cast %add3A_641 : i32 to index
      %get3A_644 = tpu.vector_load %arg7[%get3A_642, %get3A_643] {strides = array<i32>} : memref<128x128xf32, #tpu.memory_space<vmem>>, vector<1x16xf32>,
      %get3A_645 = vector.shape_cast %get3A_644 : vector<1x16xf32> to vector<16xf32>
      %swap3A_646 = arith.index_cast %add3A_624 : i32 to index
      %swap3A_647 = arith.constant 16 : index
      %swap3A_648 = tpu.vector_load %arg9[%swap3A_646, %swap3A_647] {strides = array<i32>} : memref<512x64xf32, #tpu.memory_space<vmem>>, vector<1x16xf32>,
      %swap3A_649 = vector.shape_cast %swap3A_648 : vector<1x16xf32> to vector<16xf32>
      %swap3A_650 = vector.shape_cast %get3A_645 : vector<16xf32> to vector<1x16xf32>
      tpu.vector_store %arg9[%swap3A_646, %swap3A_647], %swap3A_650 {strides = array<i32>} : memref<512x64xf32, #tpu.memory_space<vmem>>, vector<1x16xf32>,
      %add3A_651 = arith.constant 32 : i32
      %add3A_652 = arith.addi %mul3A_618, %add3A_651 : i32
      %get3A_653 = arith.index_cast %add3A_628 : i32 to index
      %get3A_654 = arith.index_cast %add3A_652 : i32 to index
      %get3A_655 = tpu.vector_load %arg7[%get3A_653, %get3A_654] {strides = array<i32>} : memref<128x128xf32, #tpu.memory_space<vmem>>, vector<1x16xf32>,
      %get3A_656 = vector.shape_cast %get3A_655 : vector<1x16xf32> to vector<16xf32>
      %swap3A_657 = arith.index_cast %add3A_624 : i32 to index
      %swap3A_658 = arith.constant 32 : index
      %swap3A_659 = tpu.vector_load %arg9[%swap3A_657, %swap3A_658] {strides = array<i32>} : memref<512x64xf32, #tpu.memory_space<vmem>>, vector<1x16xf32>,
      %swap3A_660 = vector.shape_cast %swap3A_659 : vector<1x16xf32> to vector<16xf32>
      %swap3A_661 = vector.shape_cast %get3A_656 : vector<16xf32> to vector<1x16xf32>
      tpu.vector_store %arg9[%swap3A_657, %swap3A_658], %swap3A_661 {strides = array<i32>} : memref<512x64xf32, #tpu.memory_space<vmem>>, vector<1x16xf32>,
      %add3A_662 = arith.constant 48 : i32
      %add3A_663 = arith.addi %mul3A_618, %add3A_662 : i32
      %get3A_664 = arith.index_cast %add3A_628 : i32 to index
      %get3A_665 = arith.index_cast %add3A_663 : i32 to index
      %get3A_666 = tpu.vector_load %arg7[%get3A_664, %get3A_665] {strides = array<i32>} : memref<128x128xf32, #tpu.memory_space<vmem>>, vector<1x16xf32>,
      %get3A_667 = vector.shape_cast %get3A_666 : vector<1x16xf32> to vector<16xf32>
      %swap3A_668 = arith.index_cast %add3A_624 : i32 to index
      %swap3A_669 = arith.constant 48 : index
      %swap3A_670 = tpu.vector_load %arg9[%swap3A_668, %swap3A_669] {strides = array<i32>} : memref<512x64xf32, #tpu.memory_space<vmem>>, vector<1x16xf32>,
      %swap3A_671 = vector.shape_cast %swap3A_670 : vector<1x16xf32> to vector<16xf32>
      %swap3A_672 = vector.shape_cast %get3A_667 : vector<16xf32> to vector<1x16xf32>
      tpu.vector_store %arg9[%swap3A_668, %swap3A_669], %swap3A_672 {strides = array<i32>} : memref<512x64xf32, #tpu.memory_space<vmem>>, vector<1x16xf32>,
      %slice3A_673 = vector.extract_strided_slice %get3A_76 {offsets = [10], sizes = [1], strides = [1]} : vector<16xi32> to vector<1xi32>
      %squeeze3A_674 = vector.extract %slice3A_673[0] : i32 from vector<1xi32>
      %and3A_675 = arith.constant 1 : i32
      %and3A_676 = arith.andi %squeeze3A_674, %and3A_675 : i32
      %mul3A_677 = arith.constant 64 : i32
      %mul3A_678 = arith.muli %and3A_676, %mul3A_677 : i32
      %mul3A_679 = arith.constant 16 : i32
      %mul3A_680 = arith.muli %scan3A_70, %mul3A_679 : i32
      %add3A_681 = arith.constant 256 : i32
      %add3A_682 = arith.addi %add3A_681, %mul3A_680 : i32
      %add3A_683 = arith.constant 10 : i32
      %add3A_684 = arith.addi %add3A_682, %add3A_683 : i32
      %mul3A_685 = arith.constant 16 : i32
      %mul3A_686 = arith.muli %scan3A_70, %mul3A_685 : i32
      %add3A_687 = arith.constant 10 : i32
      %add3A_688 = arith.addi %mul3A_686, %add3A_687 : i32
      %add3A_689 = arith.constant 0 : i32
      %add3A_690 = arith.addi %mul3A_678, %add3A_689 : i32
      %get3A_691 = arith.index_cast %add3A_688 : i32 to index
      %get3A_692 = arith.index_cast %add3A_690 : i32 to index
      %get3A_693 = tpu.vector_load %arg7[%get3A_691, %get3A_692] {strides = array<i32>} : memref<128x128xf32, #tpu.memory_space<vmem>>, vector<1x16xf32>,
      %get3A_694 = vector.shape_cast %get3A_693 : vector<1x16xf32> to vector<16xf32>
      %swap3A_695 = arith.index_cast %add3A_684 : i32 to index
      %swap3A_696 = arith.constant 0 : index
      %swap3A_697 = tpu.vector_load %arg9[%swap3A_695, %swap3A_696] {strides = array<i32>} : memref<512x64xf32, #tpu.memory_space<vmem>>, vector<1x16xf32>,
      %swap3A_698 = vector.shape_cast %swap3A_697 : vector<1x16xf32> to vector<16xf32>
      %swap3A_699 = vector.shape_cast %get3A_694 : vector<16xf32> to vector<1x16xf32>
      tpu.vector_store %arg9[%swap3A_695, %swap3A_696], %swap3A_699 {strides = array<i32>} : memref<512x64xf32, #tpu.memory_space<vmem>>, vector<1x16xf32>,
      %add3A_700 = arith.constant 16 : i32
      %add3A_701 = arith.addi %mul3A_678, %add3A_700 : i32
      %get3A_702 = arith.index_cast %add3A_688 : i32 to index
      %get3A_703 = arith.index_cast %add3A_701 : i32 to index
      %get3A_704 = tpu.vector_load %arg7[%get3A_702, %get3A_703] {strides = array<i32>} : memref<128x128xf32, #tpu.memory_space<vmem>>, vector<1x16xf32>,
      %get3A_705 = vector.shape_cast %get3A_704 : vector<1x16xf32> to vector<16xf32>
      %swap3A_706 = arith.index_cast %add3A_684 : i32 to index
      %swap3A_707 = arith.constant 16 : index
      %swap3A_708 = tpu.vector_load %arg9[%swap3A_706, %swap3A_707] {strides = array<i32>} : memref<512x64xf32, #tpu.memory_space<vmem>>, vector<1x16xf32>,
      %swap3A_709 = vector.shape_cast %swap3A_708 : vector<1x16xf32> to vector<16xf32>
      %swap3A_710 = vector.shape_cast %get3A_705 : vector<16xf32> to vector<1x16xf32>
      tpu.vector_store %arg9[%swap3A_706, %swap3A_707], %swap3A_710 {strides = array<i32>} : memref<512x64xf32, #tpu.memory_space<vmem>>, vector<1x16xf32>,
      %add3A_711 = arith.constant 32 : i32
      %add3A_712 = arith.addi %mul3A_678, %add3A_711 : i32
      %get3A_713 = arith.index_cast %add3A_688 : i32 to index
      %get3A_714 = arith.index_cast %add3A_712 : i32 to index
      %get3A_715 = tpu.vector_load %arg7[%get3A_713, %get3A_714] {strides = array<i32>} : memref<128x128xf32, #tpu.memory_space<vmem>>, vector<1x16xf32>,
      %get3A_716 = vector.shape_cast %get3A_715 : vector<1x16xf32> to vector<16xf32>
      %swap3A_717 = arith.index_cast %add3A_684 : i32 to index
      %swap3A_718 = arith.constant 32 : index
      %swap3A_719 = tpu.vector_load %arg9[%swap3A_717, %swap3A_718] {strides = array<i32>} : memref<512x64xf32, #tpu.memory_space<vmem>>, vector<1x16xf32>,
      %swap3A_720 = vector.shape_cast %swap3A_719 : vector<1x16xf32> to vector<16xf32>
      %swap3A_721 = vector.shape_cast %get3A_716 : vector<16xf32> to vector<1x16xf32>
      tpu.vector_store %arg9[%swap3A_717, %swap3A_718], %swap3A_721 {strides = array<i32>} : memref<512x64xf32, #tpu.memory_space<vmem>>, vector<1x16xf32>,
      %add3A_722 = arith.constant 48 : i32
      %add3A_723 = arith.addi %mul3A_678, %add3A_722 : i32
      %get3A_724 = arith.index_cast %add3A_688 : i32 to index
      %get3A_725 = arith.index_cast %add3A_723 : i32 to index
      %get3A_726 = tpu.vector_load %arg7[%get3A_724, %get3A_725] {strides = array<i32>} : memref<128x128xf32, #tpu.memory_space<vmem>>, vector<1x16xf32>,
      %get3A_727 = vector.shape_cast %get3A_726 : vector<1x16xf32> to vector<16xf32>
      %swap3A_728 = arith.index_cast %add3A_684 : i32 to index
      %swap3A_729 = arith.constant 48 : index
      %swap3A_730 = tpu.vector_load %arg9[%swap3A_728, %swap3A_729] {strides = array<i32>} : memref<512x64xf32, #tpu.memory_space<vmem>>, vector<1x16xf32>,
      %swap3A_731 = vector.shape_cast %swap3A_730 : vector<1x16xf32> to vector<16xf32>
      %swap3A_732 = vector.shape_cast %get3A_727 : vector<16xf32> to vector<1x16xf32>
      tpu.vector_store %arg9[%swap3A_728, %swap3A_729], %swap3A_732 {strides = array<i32>} : memref<512x64xf32, #tpu.memory_space<vmem>>, vector<1x16xf32>,
      %slice3A_733 = vector.extract_strided_slice %get3A_76 {offsets = [11], sizes = [1], strides = [1]} : vector<16xi32> to vector<1xi32>
      %squeeze3A_734 = vector.extract %slice3A_733[0] : i32 from vector<1xi32>
      %and3A_735 = arith.constant 1 : i32
      %and3A_736 = arith.andi %squeeze3A_734, %and3A_735 : i32
      %mul3A_737 = arith.constant 64 : i32
      %mul3A_738 = arith.muli %and3A_736, %mul3A_737 : i32
      %mul3A_739 = arith.constant 16 : i32
      %mul3A_740 = arith.muli %scan3A_70, %mul3A_739 : i32
      %add3A_741 = arith.constant 256 : i32
      %add3A_742 = arith.addi %add3A_741, %mul3A_740 : i32
      %add3A_743 = arith.constant 11 : i32
      %add3A_744 = arith.addi %add3A_742, %add3A_743 : i32
      %mul3A_745 = arith.constant 16 : i32
      %mul3A_746 = arith.muli %scan3A_70, %mul3A_745 : i32
      %add3A_747 = arith.constant 11 : i32
      %add3A_748 = arith.addi %mul3A_746, %add3A_747 : i32
      %add3A_749 = arith.constant 0 : i32
      %add3A_750 = arith.addi %mul3A_738, %add3A_749 : i32
      %get3A_751 = arith.index_cast %add3A_748 : i32 to index
      %get3A_752 = arith.index_cast %add3A_750 : i32 to index
      %get3A_753 = tpu.vector_load %arg7[%get3A_751, %get3A_752] {strides = array<i32>} : memref<128x128xf32, #tpu.memory_space<vmem>>, vector<1x16xf32>,
      %get3A_754 = vector.shape_cast %get3A_753 : vector<1x16xf32> to vector<16xf32>
      %swap3A_755 = arith.index_cast %add3A_744 : i32 to index
      %swap3A_756 = arith.constant 0 : index
      %swap3A_757 = tpu.vector_load %arg9[%swap3A_755, %swap3A_756] {strides = array<i32>} : memref<512x64xf32, #tpu.memory_space<vmem>>, vector<1x16xf32>,
      %swap3A_758 = vector.shape_cast %swap3A_757 : vector<1x16xf32> to vector<16xf32>
      %swap3A_759 = vector.shape_cast %get3A_754 : vector<16xf32> to vector<1x16xf32>
      tpu.vector_store %arg9[%swap3A_755, %swap3A_756], %swap3A_759 {strides = array<i32>} : memref<512x64xf32, #tpu.memory_space<vmem>>, vector<1x16xf32>,
      %add3A_760 = arith.constant 16 : i32
      %add3A_761 = arith.addi %mul3A_738, %add3A_760 : i32
      %get3A_762 = arith.index_cast %add3A_748 : i32 to index
      %get3A_763 = arith.index_cast %add3A_761 : i32 to index
      %get3A_764 = tpu.vector_load %arg7[%get3A_762, %get3A_763] {strides = array<i32>} : memref<128x128xf32, #tpu.memory_space<vmem>>, vector<1x16xf32>,
      %get3A_765 = vector.shape_cast %get3A_764 : vector<1x16xf32> to vector<16xf32>
      %swap3A_766 = arith.index_cast %add3A_744 : i32 to index
      %swap3A_767 = arith.constant 16 : index
      %swap3A_768 = tpu.vector_load %arg9[%swap3A_766, %swap3A_767] {strides = array<i32>} : memref<512x64xf32, #tpu.memory_space<vmem>>, vector<1x16xf32>,
      %swap3A_769 = vector.shape_cast %swap3A_768 : vector<1x16xf32> to vector<16xf32>
      %swap3A_770 = vector.shape_cast %get3A_765 : vector<16xf32> to vector<1x16xf32>
      tpu.vector_store %arg9[%swap3A_766, %swap3A_767], %swap3A_770 {strides = array<i32>} : memref<512x64xf32, #tpu.memory_space<vmem>>, vector<1x16xf32>,
      %add3A_771 = arith.constant 32 : i32
      %add3A_772 = arith.addi %mul3A_738, %add3A_771 : i32
      %get3A_773 = arith.index_cast %add3A_748 : i32 to index
      %get3A_774 = arith.index_cast %add3A_772 : i32 to index
      %get3A_775 = tpu.vector_load %arg7[%get3A_773, %get3A_774] {strides = array<i32>} : memref<128x128xf32, #tpu.memory_space<vmem>>, vector<1x16xf32>,
      %get3A_776 = vector.shape_cast %get3A_775 : vector<1x16xf32> to vector<16xf32>
      %swap3A_777 = arith.index_cast %add3A_744 : i32 to index
      %swap3A_778 = arith.constant 32 : index
      %swap3A_779 = tpu.vector_load %arg9[%swap3A_777, %swap3A_778] {strides = array<i32>} : memref<512x64xf32, #tpu.memory_space<vmem>>, vector<1x16xf32>,
      %swap3A_780 = vector.shape_cast %swap3A_779 : vector<1x16xf32> to vector<16xf32>
      %swap3A_781 = vector.shape_cast %get3A_776 : vector<16xf32> to vector<1x16xf32>
      tpu.vector_store %arg9[%swap3A_777, %swap3A_778], %swap3A_781 {strides = array<i32>} : memref<512x64xf32, #tpu.memory_space<vmem>>, vector<1x16xf32>,
      %add3A_782 = arith.constant 48 : i32
      %add3A_783 = arith.addi %mul3A_738, %add3A_782 : i32
      %get3A_784 = arith.index_cast %add3A_748 : i32 to index
      %get3A_785 = arith.index_cast %add3A_783 : i32 to index
      %get3A_786 = tpu.vector_load %arg7[%get3A_784, %get3A_785] {strides = array<i32>} : memref<128x128xf32, #tpu.memory_space<vmem>>, vector<1x16xf32>,
      %get3A_787 = vector.shape_cast %get3A_786 : vector<1x16xf32> to vector<16xf32>
      %swap3A_788 = arith.index_cast %add3A_744 : i32 to index
      %swap3A_789 = arith.constant 48 : index
      %swap3A_790 = tpu.vector_load %arg9[%swap3A_788, %swap3A_789] {strides = array<i32>} : memref<512x64xf32, #tpu.memory_space<vmem>>, vector<1x16xf32>,
      %swap3A_791 = vector.shape_cast %swap3A_790 : vector<1x16xf32> to vector<16xf32>
      %swap3A_792 = vector.shape_cast %get3A_787 : vector<16xf32> to vector<1x16xf32>
      tpu.vector_store %arg9[%swap3A_788, %swap3A_789], %swap3A_792 {strides = array<i32>} : memref<512x64xf32, #tpu.memory_space<vmem>>, vector<1x16xf32>,
      %slice3A_793 = vector.extract_strided_slice %get3A_76 {offsets = [12], sizes = [1], strides = [1]} : vector<16xi32> to vector<1xi32>
      %squeeze3A_794 = vector.extract %slice3A_793[0] : i32 from vector<1xi32>
      %and3A_795 = arith.constant 1 : i32
      %and3A_796 = arith.andi %squeeze3A_794, %and3A_795 : i32
      %mul3A_797 = arith.constant 64 : i32
      %mul3A_798 = arith.muli %and3A_796, %mul3A_797 : i32
      %mul3A_799 = arith.constant 16 : i32
      %mul3A_800 = arith.muli %scan3A_70, %mul3A_799 : i32
      %add3A_801 = arith.constant 256 : i32
      %add3A_802 = arith.addi %add3A_801, %mul3A_800 : i32
      %add3A_803 = arith.constant 12 : i32
      %add3A_804 = arith.addi %add3A_802, %add3A_803 : i32
      %mul3A_805 = arith.constant 16 : i32
      %mul3A_806 = arith.muli %scan3A_70, %mul3A_805 : i32
      %add3A_807 = arith.constant 12 : i32
      %add3A_808 = arith.addi %mul3A_806, %add3A_807 : i32
      %add3A_809 = arith.constant 0 : i32
      %add3A_810 = arith.addi %mul3A_798, %add3A_809 : i32
      %get3A_811 = arith.index_cast %add3A_808 : i32 to index
      %get3A_812 = arith.index_cast %add3A_810 : i32 to index
      %get3A_813 = tpu.vector_load %arg7[%get3A_811, %get3A_812] {strides = array<i32>} : memref<128x128xf32, #tpu.memory_space<vmem>>, vector<1x16xf32>,
      %get3A_814 = vector.shape_cast %get3A_813 : vector<1x16xf32> to vector<16xf32>
      %swap3A_815 = arith.index_cast %add3A_804 : i32 to index
      %swap3A_816 = arith.constant 0 : index
      %swap3A_817 = tpu.vector_load %arg9[%swap3A_815, %swap3A_816] {strides = array<i32>} : memref<512x64xf32, #tpu.memory_space<vmem>>, vector<1x16xf32>,
      %swap3A_818 = vector.shape_cast %swap3A_817 : vector<1x16xf32> to vector<16xf32>
      %swap3A_819 = vector.shape_cast %get3A_814 : vector<16xf32> to vector<1x16xf32>
      tpu.vector_store %arg9[%swap3A_815, %swap3A_816], %swap3A_819 {strides = array<i32>} : memref<512x64xf32, #tpu.memory_space<vmem>>, vector<1x16xf32>,
      %add3A_820 = arith.constant 16 : i32
      %add3A_821 = arith.addi %mul3A_798, %add3A_820 : i32
      %get3A_822 = arith.index_cast %add3A_808 : i32 to index
      %get3A_823 = arith.index_cast %add3A_821 : i32 to index
      %get3A_824 = tpu.vector_load %arg7[%get3A_822, %get3A_823] {strides = array<i32>} : memref<128x128xf32, #tpu.memory_space<vmem>>, vector<1x16xf32>,
      %get3A_825 = vector.shape_cast %get3A_824 : vector<1x16xf32> to vector<16xf32>
      %swap3A_826 = arith.index_cast %add3A_804 : i32 to index
      %swap3A_827 = arith.constant 16 : index
      %swap3A_828 = tpu.vector_load %arg9[%swap3A_826, %swap3A_827] {strides = array<i32>} : memref<512x64xf32, #tpu.memory_space<vmem>>, vector<1x16xf32>,
      %swap3A_829 = vector.shape_cast %swap3A_828 : vector<1x16xf32> to vector<16xf32>
      %swap3A_830 = vector.shape_cast %get3A_825 : vector<16xf32> to vector<1x16xf32>
      tpu.vector_store %arg9[%swap3A_826, %swap3A_827], %swap3A_830 {strides = array<i32>} : memref<512x64xf32, #tpu.memory_space<vmem>>, vector<1x16xf32>,
      %add3A_831 = arith.constant 32 : i32
      %add3A_832 = arith.addi %mul3A_798, %add3A_831 : i32
      %get3A_833 = arith.index_cast %add3A_808 : i32 to index
      %get3A_834 = arith.index_cast %add3A_832 : i32 to index
      %get3A_835 = tpu.vector_load %arg7[%get3A_833, %get3A_834] {strides = array<i32>} : memref<128x128xf32, #tpu.memory_space<vmem>>, vector<1x16xf32>,
      %get3A_836 = vector.shape_cast %get3A_835 : vector<1x16xf32> to vector<16xf32>
      %swap3A_837 = arith.index_cast %add3A_804 : i32 to index
      %swap3A_838 = arith.constant 32 : index
      %swap3A_839 = tpu.vector_load %arg9[%swap3A_837, %swap3A_838] {strides = array<i32>} : memref<512x64xf32, #tpu.memory_space<vmem>>, vector<1x16xf32>,
      %swap3A_840 = vector.shape_cast %swap3A_839 : vector<1x16xf32> to vector<16xf32>
      %swap3A_841 = vector.shape_cast %get3A_836 : vector<16xf32> to vector<1x16xf32>
      tpu.vector_store %arg9[%swap3A_837, %swap3A_838], %swap3A_841 {strides = array<i32>} : memref<512x64xf32, #tpu.memory_space<vmem>>, vector<1x16xf32>,
      %add3A_842 = arith.constant 48 : i32
      %add3A_843 = arith.addi %mul3A_798, %add3A_842 : i32
      %get3A_844 = arith.index_cast %add3A_808 : i32 to index
      %get3A_845 = arith.index_cast %add3A_843 : i32 to index
      %get3A_846 = tpu.vector_load %arg7[%get3A_844, %get3A_845] {strides = array<i32>} : memref<128x128xf32, #tpu.memory_space<vmem>>, vector<1x16xf32>,
      %get3A_847 = vector.shape_cast %get3A_846 : vector<1x16xf32> to vector<16xf32>
      %swap3A_848 = arith.index_cast %add3A_804 : i32 to index
      %swap3A_849 = arith.constant 48 : index
      %swap3A_850 = tpu.vector_load %arg9[%swap3A_848, %swap3A_849] {strides = array<i32>} : memref<512x64xf32, #tpu.memory_space<vmem>>, vector<1x16xf32>,
      %swap3A_851 = vector.shape_cast %swap3A_850 : vector<1x16xf32> to vector<16xf32>
      %swap3A_852 = vector.shape_cast %get3A_847 : vector<16xf32> to vector<1x16xf32>
      tpu.vector_store %arg9[%swap3A_848, %swap3A_849], %swap3A_852 {strides = array<i32>} : memref<512x64xf32, #tpu.memory_space<vmem>>, vector<1x16xf32>,
      %slice3A_853 = vector.extract_strided_slice %get3A_76 {offsets = [13], sizes = [1], strides = [1]} : vector<16xi32> to vector<1xi32>
      %squeeze3A_854 = vector.extract %slice3A_853[0] : i32 from vector<1xi32>
      %and3A_855 = arith.constant 1 : i32
      %and3A_856 = arith.andi %squeeze3A_854, %and3A_855 : i32
      %mul3A_857 = arith.constant 64 : i32
      %mul3A_858 = arith.muli %and3A_856, %mul3A_857 : i32
      %mul3A_859 = arith.constant 16 : i32
      %mul3A_860 = arith.muli %scan3A_70, %mul3A_859 : i32
      %add3A_861 = arith.constant 256 : i32
      %add3A_862 = arith.addi %add3A_861, %mul3A_860 : i32
      %add3A_863 = arith.constant 13 : i32
      %add3A_864 = arith.addi %add3A_862, %add3A_863 : i32
      %mul3A_865 = arith.constant 16 : i32
      %mul3A_866 = arith.muli %scan3A_70, %mul3A_865 : i32
      %add3A_867 = arith.constant 13 : i32
      %add3A_868 = arith.addi %mul3A_866, %add3A_867 : i32
      %add3A_869 = arith.constant 0 : i32
      %add3A_870 = arith.addi %mul3A_858, %add3A_869 : i32
      %get3A_871 = arith.index_cast %add3A_868 : i32 to index
      %get3A_872 = arith.index_cast %add3A_870 : i32 to index
      %get3A_873 = tpu.vector_load %arg7[%get3A_871, %get3A_872] {strides = array<i32>} : memref<128x128xf32, #tpu.memory_space<vmem>>, vector<1x16xf32>,
      %get3A_874 = vector.shape_cast %get3A_873 : vector<1x16xf32> to vector<16xf32>
      %swap3A_875 = arith.index_cast %add3A_864 : i32 to index
      %swap3A_876 = arith.constant 0 : index
      %swap3A_877 = tpu.vector_load %arg9[%swap3A_875, %swap3A_876] {strides = array<i32>} : memref<512x64xf32, #tpu.memory_space<vmem>>, vector<1x16xf32>,
      %swap3A_878 = vector.shape_cast %swap3A_877 : vector<1x16xf32> to vector<16xf32>
      %swap3A_879 = vector.shape_cast %get3A_874 : vector<16xf32> to vector<1x16xf32>
      tpu.vector_store %arg9[%swap3A_875, %swap3A_876], %swap3A_879 {strides = array<i32>} : memref<512x64xf32, #tpu.memory_space<vmem>>, vector<1x16xf32>,
      %add3A_880 = arith.constant 16 : i32
      %add3A_881 = arith.addi %mul3A_858, %add3A_880 : i32
      %get3A_882 = arith.index_cast %add3A_868 : i32 to index
      %get3A_883 = arith.index_cast %add3A_881 : i32 to index
      %get3A_884 = tpu.vector_load %arg7[%get3A_882, %get3A_883] {strides = array<i32>} : memref<128x128xf32, #tpu.memory_space<vmem>>, vector<1x16xf32>,
      %get3A_885 = vector.shape_cast %get3A_884 : vector<1x16xf32> to vector<16xf32>
      %swap3A_886 = arith.index_cast %add3A_864 : i32 to index
      %swap3A_887 = arith.constant 16 : index
      %swap3A_888 = tpu.vector_load %arg9[%swap3A_886, %swap3A_887] {strides = array<i32>} : memref<512x64xf32, #tpu.memory_space<vmem>>, vector<1x16xf32>,
      %swap3A_889 = vector.shape_cast %swap3A_888 : vector<1x16xf32> to vector<16xf32>
      %swap3A_890 = vector.shape_cast %get3A_885 : vector<16xf32> to vector<1x16xf32>
      tpu.vector_store %arg9[%swap3A_886, %swap3A_887], %swap3A_890 {strides = array<i32>} : memref<512x64xf32, #tpu.memory_space<vmem>>, vector<1x16xf32>,
      %add3A_891 = arith.constant 32 : i32
      %add3A_892 = arith.addi %mul3A_858, %add3A_891 : i32
      %get3A_893 = arith.index_cast %add3A_868 : i32 to index
      %get3A_894 = arith.index_cast %add3A_892 : i32 to index
      %get3A_895 = tpu.vector_load %arg7[%get3A_893, %get3A_894] {strides = array<i32>} : memref<128x128xf32, #tpu.memory_space<vmem>>, vector<1x16xf32>,
      %get3A_896 = vector.shape_cast %get3A_895 : vector<1x16xf32> to vector<16xf32>
      %swap3A_897 = arith.index_cast %add3A_864 : i32 to index
      %swap3A_898 = arith.constant 32 : index
      %swap3A_899 = tpu.vector_load %arg9[%swap3A_897, %swap3A_898] {strides = array<i32>} : memref<512x64xf32, #tpu.memory_space<vmem>>, vector<1x16xf32>,
      %swap3A_900 = vector.shape_cast %swap3A_899 : vector<1x16xf32> to vector<16xf32>
      %swap3A_901 = vector.shape_cast %get3A_896 : vector<16xf32> to vector<1x16xf32>
      tpu.vector_store %arg9[%swap3A_897, %swap3A_898], %swap3A_901 {strides = array<i32>} : memref<512x64xf32, #tpu.memory_space<vmem>>, vector<1x16xf32>,
      %add3A_902 = arith.constant 48 : i32
      %add3A_903 = arith.addi %mul3A_858, %add3A_902 : i32
      %get3A_904 = arith.index_cast %add3A_868 : i32 to index
      %get3A_905 = arith.index_cast %add3A_903 : i32 to index
      %get3A_906 = tpu.vector_load %arg7[%get3A_904, %get3A_905] {strides = array<i32>} : memref<128x128xf32, #tpu.memory_space<vmem>>, vector<1x16xf32>,
      %get3A_907 = vector.shape_cast %get3A_906 : vector<1x16xf32> to vector<16xf32>
      %swap3A_908 = arith.index_cast %add3A_864 : i32 to index
      %swap3A_909 = arith.constant 48 : index
      %swap3A_910 = tpu.vector_load %arg9[%swap3A_908, %swap3A_909] {strides = array<i32>} : memref<512x64xf32, #tpu.memory_space<vmem>>, vector<1x16xf32>,
      %swap3A_911 = vector.shape_cast %swap3A_910 : vector<1x16xf32> to vector<16xf32>
      %swap3A_912 = vector.shape_cast %get3A_907 : vector<16xf32> to vector<1x16xf32>
      tpu.vector_store %arg9[%swap3A_908, %swap3A_909], %swap3A_912 {strides = array<i32>} : memref<512x64xf32, #tpu.memory_space<vmem>>, vector<1x16xf32>,
      %slice3A_913 = vector.extract_strided_slice %get3A_76 {offsets = [14], sizes = [1], strides = [1]} : vector<16xi32> to vector<1xi32>
      %squeeze3A_914 = vector.extract %slice3A_913[0] : i32 from vector<1xi32>
      %and3A_915 = arith.constant 1 : i32
      %and3A_916 = arith.andi %squeeze3A_914, %and3A_915 : i32
      %mul3A_917 = arith.constant 64 : i32
      %mul3A_918 = arith.muli %and3A_916, %mul3A_917 : i32
      %mul3A_919 = arith.constant 16 : i32
      %mul3A_920 = arith.muli %scan3A_70, %mul3A_919 : i32
      %add3A_921 = arith.constant 256 : i32
      %add3A_922 = arith.addi %add3A_921, %mul3A_920 : i32
      %add3A_923 = arith.constant 14 : i32
      %add3A_924 = arith.addi %add3A_922, %add3A_923 : i32
      %mul3A_925 = arith.constant 16 : i32
      %mul3A_926 = arith.muli %scan3A_70, %mul3A_925 : i32
      %add3A_927 = arith.constant 14 : i32
      %add3A_928 = arith.addi %mul3A_926, %add3A_927 : i32
      %add3A_929 = arith.constant 0 : i32
      %add3A_930 = arith.addi %mul3A_918, %add3A_929 : i32
      %get3A_931 = arith.index_cast %add3A_928 : i32 to index
      %get3A_932 = arith.index_cast %add3A_930 : i32 to index
      %get3A_933 = tpu.vector_load %arg7[%get3A_931, %get3A_932] {strides = array<i32>} : memref<128x128xf32, #tpu.memory_space<vmem>>, vector<1x16xf32>,
      %get3A_934 = vector.shape_cast %get3A_933 : vector<1x16xf32> to vector<16xf32>
      %swap3A_935 = arith.index_cast %add3A_924 : i32 to index
      %swap3A_936 = arith.constant 0 : index
      %swap3A_937 = tpu.vector_load %arg9[%swap3A_935, %swap3A_936] {strides = array<i32>} : memref<512x64xf32, #tpu.memory_space<vmem>>, vector<1x16xf32>,
      %swap3A_938 = vector.shape_cast %swap3A_937 : vector<1x16xf32> to vector<16xf32>
      %swap3A_939 = vector.shape_cast %get3A_934 : vector<16xf32> to vector<1x16xf32>
      tpu.vector_store %arg9[%swap3A_935, %swap3A_936], %swap3A_939 {strides = array<i32>} : memref<512x64xf32, #tpu.memory_space<vmem>>, vector<1x16xf32>,
      %add3A_940 = arith.constant 16 : i32
      %add3A_941 = arith.addi %mul3A_918, %add3A_940 : i32
      %get3A_942 = arith.index_cast %add3A_928 : i32 to index
      %get3A_943 = arith.index_cast %add3A_941 : i32 to index
      %get3A_944 = tpu.vector_load %arg7[%get3A_942, %get3A_943] {strides = array<i32>} : memref<128x128xf32, #tpu.memory_space<vmem>>, vector<1x16xf32>,
      %get3A_945 = vector.shape_cast %get3A_944 : vector<1x16xf32> to vector<16xf32>
      %swap3A_946 = arith.index_cast %add3A_924 : i32 to index
      %swap3A_947 = arith.constant 16 : index
      %swap3A_948 = tpu.vector_load %arg9[%swap3A_946, %swap3A_947] {strides = array<i32>} : memref<512x64xf32, #tpu.memory_space<vmem>>, vector<1x16xf32>,
      %swap3A_949 = vector.shape_cast %swap3A_948 : vector<1x16xf32> to vector<16xf32>
      %swap3A_950 = vector.shape_cast %get3A_945 : vector<16xf32> to vector<1x16xf32>
      tpu.vector_store %arg9[%swap3A_946, %swap3A_947], %swap3A_950 {strides = array<i32>} : memref<512x64xf32, #tpu.memory_space<vmem>>, vector<1x16xf32>,
      %add3A_951 = arith.constant 32 : i32
      %add3A_952 = arith.addi %mul3A_918, %add3A_951 : i32
      %get3A_953 = arith.index_cast %add3A_928 : i32 to index
      %get3A_954 = arith.index_cast %add3A_952 : i32 to index
      %get3A_955 = tpu.vector_load %arg7[%get3A_953, %get3A_954] {strides = array<i32>} : memref<128x128xf32, #tpu.memory_space<vmem>>, vector<1x16xf32>,
      %get3A_956 = vector.shape_cast %get3A_955 : vector<1x16xf32> to vector<16xf32>
      %swap3A_957 = arith.index_cast %add3A_924 : i32 to index
      %swap3A_958 = arith.constant 32 : index
      %swap3A_959 = tpu.vector_load %arg9[%swap3A_957, %swap3A_958] {strides = array<i32>} : memref<512x64xf32, #tpu.memory_space<vmem>>, vector<1x16xf32>,
      %swap3A_960 = vector.shape_cast %swap3A_959 : vector<1x16xf32> to vector<16xf32>
      %swap3A_961 = vector.shape_cast %get3A_956 : vector<16xf32> to vector<1x16xf32>
      tpu.vector_store %arg9[%swap3A_957, %swap3A_958], %swap3A_961 {strides = array<i32>} : memref<512x64xf32, #tpu.memory_space<vmem>>, vector<1x16xf32>,
      %add3A_962 = arith.constant 48 : i32
      %add3A_963 = arith.addi %mul3A_918, %add3A_962 : i32
      %get3A_964 = arith.index_cast %add3A_928 : i32 to index
      %get3A_965 = arith.index_cast %add3A_963 : i32 to index
      %get3A_966 = tpu.vector_load %arg7[%get3A_964, %get3A_965] {strides = array<i32>} : memref<128x128xf32, #tpu.memory_space<vmem>>, vector<1x16xf32>,
      %get3A_967 = vector.shape_cast %get3A_966 : vector<1x16xf32> to vector<16xf32>
      %swap3A_968 = arith.index_cast %add3A_924 : i32 to index
      %swap3A_969 = arith.constant 48 : index
      %swap3A_970 = tpu.vector_load %arg9[%swap3A_968, %swap3A_969] {strides = array<i32>} : memref<512x64xf32, #tpu.memory_space<vmem>>, vector<1x16xf32>,
      %swap3A_971 = vector.shape_cast %swap3A_970 : vector<1x16xf32> to vector<16xf32>
      %swap3A_972 = vector.shape_cast %get3A_967 : vector<16xf32> to vector<1x16xf32>
      tpu.vector_store %arg9[%swap3A_968, %swap3A_969], %swap3A_972 {strides = array<i32>} : memref<512x64xf32, #tpu.memory_space<vmem>>, vector<1x16xf32>,
      %slice3A_973 = vector.extract_strided_slice %get3A_76 {offsets = [15], sizes = [1], strides = [1]} : vector<16xi32> to vector<1xi32>
      %squeeze3A_974 = vector.extract %slice3A_973[0] : i32 from vector<1xi32>
      %and3A_975 = arith.constant 1 : i32
      %and3A_976 = arith.andi %squeeze3A_974, %and3A_975 : i32
      %mul3A_977 = arith.constant 64 : i32
      %mul3A_978 = arith.muli %and3A_976, %mul3A_977 : i32
      %mul3A_979 = arith.constant 16 : i32
      %mul3A_980 = arith.muli %scan3A_70, %mul3A_979 : i32
      %add3A_981 = arith.constant 256 : i32
      %add3A_982 = arith.addi %add3A_981, %mul3A_980 : i32
      %add3A_983 = arith.constant 15 : i32
      %add3A_984 = arith.addi %add3A_982, %add3A_983 : i32
      %mul3A_985 = arith.constant 16 : i32
      %mul3A_986 = arith.muli %scan3A_70, %mul3A_985 : i32
      %add3A_987 = arith.constant 15 : i32
      %add3A_988 = arith.addi %mul3A_986, %add3A_987 : i32
      %add3A_989 = arith.constant 0 : i32
      %add3A_990 = arith.addi %mul3A_978, %add3A_989 : i32
      %get3A_991 = arith.index_cast %add3A_988 : i32 to index
      %get3A_992 = arith.index_cast %add3A_990 : i32 to index
      %get3A_993 = tpu.vector_load %arg7[%get3A_991, %get3A_992] {strides = array<i32>} : memref<128x128xf32, #tpu.memory_space<vmem>>, vector<1x16xf32>,
      %get3A_994 = vector.shape_cast %get3A_993 : vector<1x16xf32> to vector<16xf32>
      %swap3A_995 = arith.index_cast %add3A_984 : i32 to index
      %swap3A_996 = arith.constant 0 : index
      %swap3A_997 = tpu.vector_load %arg9[%swap3A_995, %swap3A_996] {strides = array<i32>} : memref<512x64xf32, #tpu.memory_space<vmem>>, vector<1x16xf32>,
      %swap3A_998 = vector.shape_cast %swap3A_997 : vector<1x16xf32> to vector<16xf32>
      %swap3A_999 = vector.shape_cast %get3A_994 : vector<16xf32> to vector<1x16xf32>
      tpu.vector_store %arg9[%swap3A_995, %swap3A_996], %swap3A_999 {strides = array<i32>} : memref<512x64xf32, #tpu.memory_space<vmem>>, vector<1x16xf32>,
      %add3A_1000 = arith.constant 16 : i32
      %add3A_1001 = arith.addi %mul3A_978, %add3A_1000 : i32
      %get3A_1002 = arith.index_cast %add3A_988 : i32 to index
      %get3A_1003 = arith.index_cast %add3A_1001 : i32 to index
      %get3A_1004 = tpu.vector_load %arg7[%get3A_1002, %get3A_1003] {strides = array<i32>} : memref<128x128xf32, #tpu.memory_space<vmem>>, vector<1x16xf32>,
      %get3A_1005 = vector.shape_cast %get3A_1004 : vector<1x16xf32> to vector<16xf32>
      %swap3A_1006 = arith.index_cast %add3A_984 : i32 to index
      %swap3A_1007 = arith.constant 16 : index
      %swap3A_1008 = tpu.vector_load %arg9[%swap3A_1006, %swap3A_1007] {strides = array<i32>} : memref<512x64xf32, #tpu.memory_space<vmem>>, vector<1x16xf32>,
      %swap3A_1009 = vector.shape_cast %swap3A_1008 : vector<1x16xf32> to vector<16xf32>
      %swap3A_1010 = vector.shape_cast %get3A_1005 : vector<16xf32> to vector<1x16xf32>
      tpu.vector_store %arg9[%swap3A_1006, %swap3A_1007], %swap3A_1010 {strides = array<i32>} : memref<512x64xf32, #tpu.memory_space<vmem>>, vector<1x16xf32>,
      %add3A_1011 = arith.constant 32 : i32
      %add3A_1012 = arith.addi %mul3A_978, %add3A_1011 : i32
      %get3A_1013 = arith.index_cast %add3A_988 : i32 to index
      %get3A_1014 = arith.index_cast %add3A_1012 : i32 to index
      %get3A_1015 = tpu.vector_load %arg7[%get3A_1013, %get3A_1014] {strides = array<i32>} : memref<128x128xf32, #tpu.memory_space<vmem>>, vector<1x16xf32>,
      %get3A_1016 = vector.shape_cast %get3A_1015 : vector<1x16xf32> to vector<16xf32>
      %swap3A_1017 = arith.index_cast %add3A_984 : i32 to index
      %swap3A_1018 = arith.constant 32 : index
      %swap3A_1019 = tpu.vector_load %arg9[%swap3A_1017, %swap3A_1018] {strides = array<i32>} : memref<512x64xf32, #tpu.memory_space<vmem>>, vector<1x16xf32>,
      %swap3A_1020 = vector.shape_cast %swap3A_1019 : vector<1x16xf32> to vector<16xf32>
      %swap3A_1021 = vector.shape_cast %get3A_1016 : vector<16xf32> to vector<1x16xf32>
      tpu.vector_store %arg9[%swap3A_1017, %swap3A_1018], %swap3A_1021 {strides = array<i32>} : memref<512x64xf32, #tpu.memory_space<vmem>>, vector<1x16xf32>,
      %add3A_1022 = arith.constant 48 : i32
      %add3A_1023 = arith.addi %mul3A_978, %add3A_1022 : i32
      %get3A_1024 = arith.index_cast %add3A_988 : i32 to index
      %get3A_1025 = arith.index_cast %add3A_1023 : i32 to index
      %get3A_1026 = tpu.vector_load %arg7[%get3A_1024, %get3A_1025] {strides = array<i32>} : memref<128x128xf32, #tpu.memory_space<vmem>>, vector<1x16xf32>,
      %get3A_1027 = vector.shape_cast %get3A_1026 : vector<1x16xf32> to vector<16xf32>
      %swap3A_1028 = arith.index_cast %add3A_984 : i32 to index
      %swap3A_1029 = arith.constant 48 : index
      %swap3A_1030 = tpu.vector_load %arg9[%swap3A_1028, %swap3A_1029] {strides = array<i32>} : memref<512x64xf32, #tpu.memory_space<vmem>>, vector<1x16xf32>,
      %swap3A_1031 = vector.shape_cast %swap3A_1030 : vector<1x16xf32> to vector<16xf32>
      %swap3A_1032 = vector.shape_cast %get3A_1027 : vector<16xf32> to vector<1x16xf32>
      tpu.vector_store %arg9[%swap3A_1028, %swap3A_1029], %swap3A_1032 {strides = array<i32>} : memref<512x64xf32, #tpu.memory_space<vmem>>, vector<1x16xf32>,
    }
    %scan3A_58 = arith.constant 8 : i32
    %dma_wait3A_59 = arith.constant 384 : i32
    %dma_wait3A_60 = tpu.memref_slice %arg6[%dma_wait3A_59] : memref<512xi32, #tpu.memory_space<vmem>> -> memref<128xi32, #tpu.memory_space<vmem>>
    %dma_wait3A_61 = arith.constant 0 : i32
    %dma_wait3A_62 = arith.constant 0 : i32
    %dma_wait3A_63 = tpu.memref_slice %arg2[%dma_wait3A_61, %dma_wait3A_62] : memref<500000x128xf32, #tpu.memory_space<hbm>> -> memref<500000x128xf32, #tpu.memory_space<hbm>>
    tpu.wait_indirect_dma semaphore(%arg10 : memref<!tpu.dma_semaphore, #tpu.memory_space<semaphore_mem>>) src(%dma_wait3A_63 : memref<500000x128xf32, #tpu.memory_space<hbm>>) dst(%arg8 : memref<128x128xf32, #tpu.memory_space<vmem>>)
    %scan3A_64 = arith.constant 0 : i32
    %scan3A_65 = arith.constant 0 : i32
    %scan3A_66 = arith.constant 8 : i32
    %scan3A_67 = arith.addi %scan3A_65, %scan3A_66 : i32
    %scan3A_68 = arith.constant 1 : i32
    scf.for %scan3A_70 = %scan3A_65 to %scan3A_67 step %scan3A_68  : i32 {
      %mul3A_71 = arith.constant 16 : i32
      %mul3A_72 = arith.muli %scan3A_70, %mul3A_71 : i32
      %add3A_73 = arith.constant 384 : i32
      %add3A_74 = arith.addi %add3A_73, %mul3A_72 : i32
      %get3A = arith.index_cast %add3A_74 : i32 to index
      %get3A_75 = tpu.vector_load %arg5[%get3A] {strides = array<i32>} : memref<512xi32, #tpu.memory_space<vmem>>, vector<16xi32>,
      %get3A_76 = vector.shape_cast %get3A_75 : vector<16xi32> to vector<16xi32>
      %slice3A = vector.extract_strided_slice %get3A_76 {offsets = [0], sizes = [1], strides = [1]} : vector<16xi32> to vector<1xi32>
      %squeeze3A = vector.extract %slice3A[0] : i32 from vector<1xi32>
      %and3A = arith.constant 1 : i32
      %and3A_77 = arith.andi %squeeze3A, %and3A : i32
      %mul3A_78 = arith.constant 64 : i32
      %mul3A_79 = arith.muli %and3A_77, %mul3A_78 : i32
      %mul3A_80 = arith.constant 16 : i32
      %mul3A_81 = arith.muli %scan3A_70, %mul3A_80 : i32
      %add3A_82 = arith.constant 384 : i32
      %add3A_83 = arith.addi %add3A_82, %mul3A_81 : i32
      %add3A_84 = arith.constant 0 : i32
      %add3A_85 = arith.addi %add3A_83, %add3A_84 : i32
      %mul3A_86 = arith.constant 16 : i32
      %mul3A_87 = arith.muli %scan3A_70, %mul3A_86 : i32
      %add3A_88 = arith.constant 0 : i32
      %add3A_89 = arith.addi %mul3A_87, %add3A_88 : i32
      %add3A_90 = arith.constant 0 : i32
      %add3A_91 = arith.addi %mul3A_79, %add3A_90 : i32
      %get3A_92 = arith.index_cast %add3A_89 : i32 to index
      %get3A_93 = arith.index_cast %add3A_91 : i32 to index
      %get3A_94 = tpu.vector_load %arg8[%get3A_92, %get3A_93] {strides = array<i32>} : memref<128x128xf32, #tpu.memory_space<vmem>>, vector<1x16xf32>,
      %get3A_95 = vector.shape_cast %get3A_94 : vector<1x16xf32> to vector<16xf32>
      %swap3A = arith.index_cast %add3A_85 : i32 to index
      %swap3A_96 = arith.constant 0 : index
      %swap3A_97 = tpu.vector_load %arg9[%swap3A, %swap3A_96] {strides = array<i32>} : memref<512x64xf32, #tpu.memory_space<vmem>>, vector<1x16xf32>,
      %swap3A_98 = vector.shape_cast %swap3A_97 : vector<1x16xf32> to vector<16xf32>
      %swap3A_99 = vector.shape_cast %get3A_95 : vector<16xf32> to vector<1x16xf32>
      tpu.vector_store %arg9[%swap3A, %swap3A_96], %swap3A_99 {strides = array<i32>} : memref<512x64xf32, #tpu.memory_space<vmem>>, vector<1x16xf32>,
      %add3A_100 = arith.constant 16 : i32
      %add3A_101 = arith.addi %mul3A_79, %add3A_100 : i32
      %get3A_102 = arith.index_cast %add3A_89 : i32 to index
      %get3A_103 = arith.index_cast %add3A_101 : i32 to index
      %get3A_104 = tpu.vector_load %arg8[%get3A_102, %get3A_103] {strides = array<i32>} : memref<128x128xf32, #tpu.memory_space<vmem>>, vector<1x16xf32>,
      %get3A_105 = vector.shape_cast %get3A_104 : vector<1x16xf32> to vector<16xf32>
      %swap3A_106 = arith.index_cast %add3A_85 : i32 to index
      %swap3A_107 = arith.constant 16 : index
      %swap3A_108 = tpu.vector_load %arg9[%swap3A_106, %swap3A_107] {strides = array<i32>} : memref<512x64xf32, #tpu.memory_space<vmem>>, vector<1x16xf32>,
      %swap3A_109 = vector.shape_cast %swap3A_108 : vector<1x16xf32> to vector<16xf32>
      %swap3A_110 = vector.shape_cast %get3A_105 : vector<16xf32> to vector<1x16xf32>
      tpu.vector_store %arg9[%swap3A_106, %swap3A_107], %swap3A_110 {strides = array<i32>} : memref<512x64xf32, #tpu.memory_space<vmem>>, vector<1x16xf32>,
      %add3A_111 = arith.constant 32 : i32
      %add3A_112 = arith.addi %mul3A_79, %add3A_111 : i32
      %get3A_113 = arith.index_cast %add3A_89 : i32 to index
      %get3A_114 = arith.index_cast %add3A_112 : i32 to index
      %get3A_115 = tpu.vector_load %arg8[%get3A_113, %get3A_114] {strides = array<i32>} : memref<128x128xf32, #tpu.memory_space<vmem>>, vector<1x16xf32>,
      %get3A_116 = vector.shape_cast %get3A_115 : vector<1x16xf32> to vector<16xf32>
      %swap3A_117 = arith.index_cast %add3A_85 : i32 to index
      %swap3A_118 = arith.constant 32 : index
      %swap3A_119 = tpu.vector_load %arg9[%swap3A_117, %swap3A_118] {strides = array<i32>} : memref<512x64xf32, #tpu.memory_space<vmem>>, vector<1x16xf32>,
      %swap3A_120 = vector.shape_cast %swap3A_119 : vector<1x16xf32> to vector<16xf32>
      %swap3A_121 = vector.shape_cast %get3A_116 : vector<16xf32> to vector<1x16xf32>
      tpu.vector_store %arg9[%swap3A_117, %swap3A_118], %swap3A_121 {strides = array<i32>} : memref<512x64xf32, #tpu.memory_space<vmem>>, vector<1x16xf32>,
      %add3A_122 = arith.constant 48 : i32
      %add3A_123 = arith.addi %mul3A_79, %add3A_122 : i32
      %get3A_124 = arith.index_cast %add3A_89 : i32 to index
      %get3A_125 = arith.index_cast %add3A_123 : i32 to index
      %get3A_126 = tpu.vector_load %arg8[%get3A_124, %get3A_125] {strides = array<i32>} : memref<128x128xf32, #tpu.memory_space<vmem>>, vector<1x16xf32>,
      %get3A_127 = vector.shape_cast %get3A_126 : vector<1x16xf32> to vector<16xf32>
      %swap3A_128 = arith.index_cast %add3A_85 : i32 to index
      %swap3A_129 = arith.constant 48 : index
      %swap3A_130 = tpu.vector_load %arg9[%swap3A_128, %swap3A_129] {strides = array<i32>} : memref<512x64xf32, #tpu.memory_space<vmem>>, vector<1x16xf32>,
      %swap3A_131 = vector.shape_cast %swap3A_130 : vector<1x16xf32> to vector<16xf32>
      %swap3A_132 = vector.shape_cast %get3A_127 : vector<16xf32> to vector<1x16xf32>
      tpu.vector_store %arg9[%swap3A_128, %swap3A_129], %swap3A_132 {strides = array<i32>} : memref<512x64xf32, #tpu.memory_space<vmem>>, vector<1x16xf32>,
      %slice3A_133 = vector.extract_strided_slice %get3A_76 {offsets = [1], sizes = [1], strides = [1]} : vector<16xi32> to vector<1xi32>
      %squeeze3A_134 = vector.extract %slice3A_133[0] : i32 from vector<1xi32>
      %and3A_135 = arith.constant 1 : i32
      %and3A_136 = arith.andi %squeeze3A_134, %and3A_135 : i32
      %mul3A_137 = arith.constant 64 : i32
      %mul3A_138 = arith.muli %and3A_136, %mul3A_137 : i32
      %mul3A_139 = arith.constant 16 : i32
      %mul3A_140 = arith.muli %scan3A_70, %mul3A_139 : i32
      %add3A_141 = arith.constant 384 : i32
      %add3A_142 = arith.addi %add3A_141, %mul3A_140 : i32
      %add3A_143 = arith.constant 1 : i32
      %add3A_144 = arith.addi %add3A_142, %add3A_143 : i32
      %mul3A_145 = arith.constant 16 : i32
      %mul3A_146 = arith.muli %scan3A_70, %mul3A_145 : i32
      %add3A_147 = arith.constant 1 : i32
      %add3A_148 = arith.addi %mul3A_146, %add3A_147 : i32
      %add3A_149 = arith.constant 0 : i32
      %add3A_150 = arith.addi %mul3A_138, %add3A_149 : i32
      %get3A_151 = arith.index_cast %add3A_148 : i32 to index
      %get3A_152 = arith.index_cast %add3A_150 : i32 to index
      %get3A_153 = tpu.vector_load %arg8[%get3A_151, %get3A_152] {strides = array<i32>} : memref<128x128xf32, #tpu.memory_space<vmem>>, vector<1x16xf32>,
      %get3A_154 = vector.shape_cast %get3A_153 : vector<1x16xf32> to vector<16xf32>
      %swap3A_155 = arith.index_cast %add3A_144 : i32 to index
      %swap3A_156 = arith.constant 0 : index
      %swap3A_157 = tpu.vector_load %arg9[%swap3A_155, %swap3A_156] {strides = array<i32>} : memref<512x64xf32, #tpu.memory_space<vmem>>, vector<1x16xf32>,
      %swap3A_158 = vector.shape_cast %swap3A_157 : vector<1x16xf32> to vector<16xf32>
      %swap3A_159 = vector.shape_cast %get3A_154 : vector<16xf32> to vector<1x16xf32>
      tpu.vector_store %arg9[%swap3A_155, %swap3A_156], %swap3A_159 {strides = array<i32>} : memref<512x64xf32, #tpu.memory_space<vmem>>, vector<1x16xf32>,
      %add3A_160 = arith.constant 16 : i32
      %add3A_161 = arith.addi %mul3A_138, %add3A_160 : i32
      %get3A_162 = arith.index_cast %add3A_148 : i32 to index
      %get3A_163 = arith.index_cast %add3A_161 : i32 to index
      %get3A_164 = tpu.vector_load %arg8[%get3A_162, %get3A_163] {strides = array<i32>} : memref<128x128xf32, #tpu.memory_space<vmem>>, vector<1x16xf32>,
      %get3A_165 = vector.shape_cast %get3A_164 : vector<1x16xf32> to vector<16xf32>
      %swap3A_166 = arith.index_cast %add3A_144 : i32 to index
      %swap3A_167 = arith.constant 16 : index
      %swap3A_168 = tpu.vector_load %arg9[%swap3A_166, %swap3A_167] {strides = array<i32>} : memref<512x64xf32, #tpu.memory_space<vmem>>, vector<1x16xf32>,
      %swap3A_169 = vector.shape_cast %swap3A_168 : vector<1x16xf32> to vector<16xf32>
      %swap3A_170 = vector.shape_cast %get3A_165 : vector<16xf32> to vector<1x16xf32>
      tpu.vector_store %arg9[%swap3A_166, %swap3A_167], %swap3A_170 {strides = array<i32>} : memref<512x64xf32, #tpu.memory_space<vmem>>, vector<1x16xf32>,
      %add3A_171 = arith.constant 32 : i32
      %add3A_172 = arith.addi %mul3A_138, %add3A_171 : i32
      %get3A_173 = arith.index_cast %add3A_148 : i32 to index
      %get3A_174 = arith.index_cast %add3A_172 : i32 to index
      %get3A_175 = tpu.vector_load %arg8[%get3A_173, %get3A_174] {strides = array<i32>} : memref<128x128xf32, #tpu.memory_space<vmem>>, vector<1x16xf32>,
      %get3A_176 = vector.shape_cast %get3A_175 : vector<1x16xf32> to vector<16xf32>
      %swap3A_177 = arith.index_cast %add3A_144 : i32 to index
      %swap3A_178 = arith.constant 32 : index
      %swap3A_179 = tpu.vector_load %arg9[%swap3A_177, %swap3A_178] {strides = array<i32>} : memref<512x64xf32, #tpu.memory_space<vmem>>, vector<1x16xf32>,
      %swap3A_180 = vector.shape_cast %swap3A_179 : vector<1x16xf32> to vector<16xf32>
      %swap3A_181 = vector.shape_cast %get3A_176 : vector<16xf32> to vector<1x16xf32>
      tpu.vector_store %arg9[%swap3A_177, %swap3A_178], %swap3A_181 {strides = array<i32>} : memref<512x64xf32, #tpu.memory_space<vmem>>, vector<1x16xf32>,
      %add3A_182 = arith.constant 48 : i32
      %add3A_183 = arith.addi %mul3A_138, %add3A_182 : i32
      %get3A_184 = arith.index_cast %add3A_148 : i32 to index
      %get3A_185 = arith.index_cast %add3A_183 : i32 to index
      %get3A_186 = tpu.vector_load %arg8[%get3A_184, %get3A_185] {strides = array<i32>} : memref<128x128xf32, #tpu.memory_space<vmem>>, vector<1x16xf32>,
      %get3A_187 = vector.shape_cast %get3A_186 : vector<1x16xf32> to vector<16xf32>
      %swap3A_188 = arith.index_cast %add3A_144 : i32 to index
      %swap3A_189 = arith.constant 48 : index
      %swap3A_190 = tpu.vector_load %arg9[%swap3A_188, %swap3A_189] {strides = array<i32>} : memref<512x64xf32, #tpu.memory_space<vmem>>, vector<1x16xf32>,
      %swap3A_191 = vector.shape_cast %swap3A_190 : vector<1x16xf32> to vector<16xf32>
      %swap3A_192 = vector.shape_cast %get3A_187 : vector<16xf32> to vector<1x16xf32>
      tpu.vector_store %arg9[%swap3A_188, %swap3A_189], %swap3A_192 {strides = array<i32>} : memref<512x64xf32, #tpu.memory_space<vmem>>, vector<1x16xf32>,
      %slice3A_193 = vector.extract_strided_slice %get3A_76 {offsets = [2], sizes = [1], strides = [1]} : vector<16xi32> to vector<1xi32>
      %squeeze3A_194 = vector.extract %slice3A_193[0] : i32 from vector<1xi32>
      %and3A_195 = arith.constant 1 : i32
      %and3A_196 = arith.andi %squeeze3A_194, %and3A_195 : i32
      %mul3A_197 = arith.constant 64 : i32
      %mul3A_198 = arith.muli %and3A_196, %mul3A_197 : i32
      %mul3A_199 = arith.constant 16 : i32
      %mul3A_200 = arith.muli %scan3A_70, %mul3A_199 : i32
      %add3A_201 = arith.constant 384 : i32
      %add3A_202 = arith.addi %add3A_201, %mul3A_200 : i32
      %add3A_203 = arith.constant 2 : i32
      %add3A_204 = arith.addi %add3A_202, %add3A_203 : i32
      %mul3A_205 = arith.constant 16 : i32
      %mul3A_206 = arith.muli %scan3A_70, %mul3A_205 : i32
      %add3A_207 = arith.constant 2 : i32
      %add3A_208 = arith.addi %mul3A_206, %add3A_207 : i32
      %add3A_209 = arith.constant 0 : i32
      %add3A_210 = arith.addi %mul3A_198, %add3A_209 : i32
      %get3A_211 = arith.index_cast %add3A_208 : i32 to index
      %get3A_212 = arith.index_cast %add3A_210 : i32 to index
      %get3A_213 = tpu.vector_load %arg8[%get3A_211, %get3A_212] {strides = array<i32>} : memref<128x128xf32, #tpu.memory_space<vmem>>, vector<1x16xf32>,
      %get3A_214 = vector.shape_cast %get3A_213 : vector<1x16xf32> to vector<16xf32>
      %swap3A_215 = arith.index_cast %add3A_204 : i32 to index
      %swap3A_216 = arith.constant 0 : index
      %swap3A_217 = tpu.vector_load %arg9[%swap3A_215, %swap3A_216] {strides = array<i32>} : memref<512x64xf32, #tpu.memory_space<vmem>>, vector<1x16xf32>,
      %swap3A_218 = vector.shape_cast %swap3A_217 : vector<1x16xf32> to vector<16xf32>
      %swap3A_219 = vector.shape_cast %get3A_214 : vector<16xf32> to vector<1x16xf32>
      tpu.vector_store %arg9[%swap3A_215, %swap3A_216], %swap3A_219 {strides = array<i32>} : memref<512x64xf32, #tpu.memory_space<vmem>>, vector<1x16xf32>,
      %add3A_220 = arith.constant 16 : i32
      %add3A_221 = arith.addi %mul3A_198, %add3A_220 : i32
      %get3A_222 = arith.index_cast %add3A_208 : i32 to index
      %get3A_223 = arith.index_cast %add3A_221 : i32 to index
      %get3A_224 = tpu.vector_load %arg8[%get3A_222, %get3A_223] {strides = array<i32>} : memref<128x128xf32, #tpu.memory_space<vmem>>, vector<1x16xf32>,
      %get3A_225 = vector.shape_cast %get3A_224 : vector<1x16xf32> to vector<16xf32>
      %swap3A_226 = arith.index_cast %add3A_204 : i32 to index
      %swap3A_227 = arith.constant 16 : index
      %swap3A_228 = tpu.vector_load %arg9[%swap3A_226, %swap3A_227] {strides = array<i32>} : memref<512x64xf32, #tpu.memory_space<vmem>>, vector<1x16xf32>,
      %swap3A_229 = vector.shape_cast %swap3A_228 : vector<1x16xf32> to vector<16xf32>
      %swap3A_230 = vector.shape_cast %get3A_225 : vector<16xf32> to vector<1x16xf32>
      tpu.vector_store %arg9[%swap3A_226, %swap3A_227], %swap3A_230 {strides = array<i32>} : memref<512x64xf32, #tpu.memory_space<vmem>>, vector<1x16xf32>,
      %add3A_231 = arith.constant 32 : i32
      %add3A_232 = arith.addi %mul3A_198, %add3A_231 : i32
      %get3A_233 = arith.index_cast %add3A_208 : i32 to index
      %get3A_234 = arith.index_cast %add3A_232 : i32 to index
      %get3A_235 = tpu.vector_load %arg8[%get3A_233, %get3A_234] {strides = array<i32>} : memref<128x128xf32, #tpu.memory_space<vmem>>, vector<1x16xf32>,
      %get3A_236 = vector.shape_cast %get3A_235 : vector<1x16xf32> to vector<16xf32>
      %swap3A_237 = arith.index_cast %add3A_204 : i32 to index
      %swap3A_238 = arith.constant 32 : index
      %swap3A_239 = tpu.vector_load %arg9[%swap3A_237, %swap3A_238] {strides = array<i32>} : memref<512x64xf32, #tpu.memory_space<vmem>>, vector<1x16xf32>,
      %swap3A_240 = vector.shape_cast %swap3A_239 : vector<1x16xf32> to vector<16xf32>
      %swap3A_241 = vector.shape_cast %get3A_236 : vector<16xf32> to vector<1x16xf32>
      tpu.vector_store %arg9[%swap3A_237, %swap3A_238], %swap3A_241 {strides = array<i32>} : memref<512x64xf32, #tpu.memory_space<vmem>>, vector<1x16xf32>,
      %add3A_242 = arith.constant 48 : i32
      %add3A_243 = arith.addi %mul3A_198, %add3A_242 : i32
      %get3A_244 = arith.index_cast %add3A_208 : i32 to index
      %get3A_245 = arith.index_cast %add3A_243 : i32 to index
      %get3A_246 = tpu.vector_load %arg8[%get3A_244, %get3A_245] {strides = array<i32>} : memref<128x128xf32, #tpu.memory_space<vmem>>, vector<1x16xf32>,
      %get3A_247 = vector.shape_cast %get3A_246 : vector<1x16xf32> to vector<16xf32>
      %swap3A_248 = arith.index_cast %add3A_204 : i32 to index
      %swap3A_249 = arith.constant 48 : index
      %swap3A_250 = tpu.vector_load %arg9[%swap3A_248, %swap3A_249] {strides = array<i32>} : memref<512x64xf32, #tpu.memory_space<vmem>>, vector<1x16xf32>,
      %swap3A_251 = vector.shape_cast %swap3A_250 : vector<1x16xf32> to vector<16xf32>
      %swap3A_252 = vector.shape_cast %get3A_247 : vector<16xf32> to vector<1x16xf32>
      tpu.vector_store %arg9[%swap3A_248, %swap3A_249], %swap3A_252 {strides = array<i32>} : memref<512x64xf32, #tpu.memory_space<vmem>>, vector<1x16xf32>,
      %slice3A_253 = vector.extract_strided_slice %get3A_76 {offsets = [3], sizes = [1], strides = [1]} : vector<16xi32> to vector<1xi32>
      %squeeze3A_254 = vector.extract %slice3A_253[0] : i32 from vector<1xi32>
      %and3A_255 = arith.constant 1 : i32
      %and3A_256 = arith.andi %squeeze3A_254, %and3A_255 : i32
      %mul3A_257 = arith.constant 64 : i32
      %mul3A_258 = arith.muli %and3A_256, %mul3A_257 : i32
      %mul3A_259 = arith.constant 16 : i32
      %mul3A_260 = arith.muli %scan3A_70, %mul3A_259 : i32
      %add3A_261 = arith.constant 384 : i32
      %add3A_262 = arith.addi %add3A_261, %mul3A_260 : i32
      %add3A_263 = arith.constant 3 : i32
      %add3A_264 = arith.addi %add3A_262, %add3A_263 : i32
      %mul3A_265 = arith.constant 16 : i32
      %mul3A_266 = arith.muli %scan3A_70, %mul3A_265 : i32
      %add3A_267 = arith.constant 3 : i32
      %add3A_268 = arith.addi %mul3A_266, %add3A_267 : i32
      %add3A_269 = arith.constant 0 : i32
      %add3A_270 = arith.addi %mul3A_258, %add3A_269 : i32
      %get3A_271 = arith.index_cast %add3A_268 : i32 to index
      %get3A_272 = arith.index_cast %add3A_270 : i32 to index
      %get3A_273 = tpu.vector_load %arg8[%get3A_271, %get3A_272] {strides = array<i32>} : memref<128x128xf32, #tpu.memory_space<vmem>>, vector<1x16xf32>,
      %get3A_274 = vector.shape_cast %get3A_273 : vector<1x16xf32> to vector<16xf32>
      %swap3A_275 = arith.index_cast %add3A_264 : i32 to index
      %swap3A_276 = arith.constant 0 : index
      %swap3A_277 = tpu.vector_load %arg9[%swap3A_275, %swap3A_276] {strides = array<i32>} : memref<512x64xf32, #tpu.memory_space<vmem>>, vector<1x16xf32>,
      %swap3A_278 = vector.shape_cast %swap3A_277 : vector<1x16xf32> to vector<16xf32>
      %swap3A_279 = vector.shape_cast %get3A_274 : vector<16xf32> to vector<1x16xf32>
      tpu.vector_store %arg9[%swap3A_275, %swap3A_276], %swap3A_279 {strides = array<i32>} : memref<512x64xf32, #tpu.memory_space<vmem>>, vector<1x16xf32>,
      %add3A_280 = arith.constant 16 : i32
      %add3A_281 = arith.addi %mul3A_258, %add3A_280 : i32
      %get3A_282 = arith.index_cast %add3A_268 : i32 to index
      %get3A_283 = arith.index_cast %add3A_281 : i32 to index
      %get3A_284 = tpu.vector_load %arg8[%get3A_282, %get3A_283] {strides = array<i32>} : memref<128x128xf32, #tpu.memory_space<vmem>>, vector<1x16xf32>,
      %get3A_285 = vector.shape_cast %get3A_284 : vector<1x16xf32> to vector<16xf32>
      %swap3A_286 = arith.index_cast %add3A_264 : i32 to index
      %swap3A_287 = arith.constant 16 : index
      %swap3A_288 = tpu.vector_load %arg9[%swap3A_286, %swap3A_287] {strides = array<i32>} : memref<512x64xf32, #tpu.memory_space<vmem>>, vector<1x16xf32>,
      %swap3A_289 = vector.shape_cast %swap3A_288 : vector<1x16xf32> to vector<16xf32>
      %swap3A_290 = vector.shape_cast %get3A_285 : vector<16xf32> to vector<1x16xf32>
      tpu.vector_store %arg9[%swap3A_286, %swap3A_287], %swap3A_290 {strides = array<i32>} : memref<512x64xf32, #tpu.memory_space<vmem>>, vector<1x16xf32>,
      %add3A_291 = arith.constant 32 : i32
      %add3A_292 = arith.addi %mul3A_258, %add3A_291 : i32
      %get3A_293 = arith.index_cast %add3A_268 : i32 to index
      %get3A_294 = arith.index_cast %add3A_292 : i32 to index
      %get3A_295 = tpu.vector_load %arg8[%get3A_293, %get3A_294] {strides = array<i32>} : memref<128x128xf32, #tpu.memory_space<vmem>>, vector<1x16xf32>,
      %get3A_296 = vector.shape_cast %get3A_295 : vector<1x16xf32> to vector<16xf32>
      %swap3A_297 = arith.index_cast %add3A_264 : i32 to index
      %swap3A_298 = arith.constant 32 : index
      %swap3A_299 = tpu.vector_load %arg9[%swap3A_297, %swap3A_298] {strides = array<i32>} : memref<512x64xf32, #tpu.memory_space<vmem>>, vector<1x16xf32>,
      %swap3A_300 = vector.shape_cast %swap3A_299 : vector<1x16xf32> to vector<16xf32>
      %swap3A_301 = vector.shape_cast %get3A_296 : vector<16xf32> to vector<1x16xf32>
      tpu.vector_store %arg9[%swap3A_297, %swap3A_298], %swap3A_301 {strides = array<i32>} : memref<512x64xf32, #tpu.memory_space<vmem>>, vector<1x16xf32>,
      %add3A_302 = arith.constant 48 : i32
      %add3A_303 = arith.addi %mul3A_258, %add3A_302 : i32
      %get3A_304 = arith.index_cast %add3A_268 : i32 to index
      %get3A_305 = arith.index_cast %add3A_303 : i32 to index
      %get3A_306 = tpu.vector_load %arg8[%get3A_304, %get3A_305] {strides = array<i32>} : memref<128x128xf32, #tpu.memory_space<vmem>>, vector<1x16xf32>,
      %get3A_307 = vector.shape_cast %get3A_306 : vector<1x16xf32> to vector<16xf32>
      %swap3A_308 = arith.index_cast %add3A_264 : i32 to index
      %swap3A_309 = arith.constant 48 : index
      %swap3A_310 = tpu.vector_load %arg9[%swap3A_308, %swap3A_309] {strides = array<i32>} : memref<512x64xf32, #tpu.memory_space<vmem>>, vector<1x16xf32>,
      %swap3A_311 = vector.shape_cast %swap3A_310 : vector<1x16xf32> to vector<16xf32>
      %swap3A_312 = vector.shape_cast %get3A_307 : vector<16xf32> to vector<1x16xf32>
      tpu.vector_store %arg9[%swap3A_308, %swap3A_309], %swap3A_312 {strides = array<i32>} : memref<512x64xf32, #tpu.memory_space<vmem>>, vector<1x16xf32>,
      %slice3A_313 = vector.extract_strided_slice %get3A_76 {offsets = [4], sizes = [1], strides = [1]} : vector<16xi32> to vector<1xi32>
      %squeeze3A_314 = vector.extract %slice3A_313[0] : i32 from vector<1xi32>
      %and3A_315 = arith.constant 1 : i32
      %and3A_316 = arith.andi %squeeze3A_314, %and3A_315 : i32
      %mul3A_317 = arith.constant 64 : i32
      %mul3A_318 = arith.muli %and3A_316, %mul3A_317 : i32
      %mul3A_319 = arith.constant 16 : i32
      %mul3A_320 = arith.muli %scan3A_70, %mul3A_319 : i32
      %add3A_321 = arith.constant 384 : i32
      %add3A_322 = arith.addi %add3A_321, %mul3A_320 : i32
      %add3A_323 = arith.constant 4 : i32
      %add3A_324 = arith.addi %add3A_322, %add3A_323 : i32
      %mul3A_325 = arith.constant 16 : i32
      %mul3A_326 = arith.muli %scan3A_70, %mul3A_325 : i32
      %add3A_327 = arith.constant 4 : i32
      %add3A_328 = arith.addi %mul3A_326, %add3A_327 : i32
      %add3A_329 = arith.constant 0 : i32
      %add3A_330 = arith.addi %mul3A_318, %add3A_329 : i32
      %get3A_331 = arith.index_cast %add3A_328 : i32 to index
      %get3A_332 = arith.index_cast %add3A_330 : i32 to index
      %get3A_333 = tpu.vector_load %arg8[%get3A_331, %get3A_332] {strides = array<i32>} : memref<128x128xf32, #tpu.memory_space<vmem>>, vector<1x16xf32>,
      %get3A_334 = vector.shape_cast %get3A_333 : vector<1x16xf32> to vector<16xf32>
      %swap3A_335 = arith.index_cast %add3A_324 : i32 to index
      %swap3A_336 = arith.constant 0 : index
      %swap3A_337 = tpu.vector_load %arg9[%swap3A_335, %swap3A_336] {strides = array<i32>} : memref<512x64xf32, #tpu.memory_space<vmem>>, vector<1x16xf32>,
      %swap3A_338 = vector.shape_cast %swap3A_337 : vector<1x16xf32> to vector<16xf32>
      %swap3A_339 = vector.shape_cast %get3A_334 : vector<16xf32> to vector<1x16xf32>
      tpu.vector_store %arg9[%swap3A_335, %swap3A_336], %swap3A_339 {strides = array<i32>} : memref<512x64xf32, #tpu.memory_space<vmem>>, vector<1x16xf32>,
      %add3A_340 = arith.constant 16 : i32
      %add3A_341 = arith.addi %mul3A_318, %add3A_340 : i32
      %get3A_342 = arith.index_cast %add3A_328 : i32 to index
      %get3A_343 = arith.index_cast %add3A_341 : i32 to index
      %get3A_344 = tpu.vector_load %arg8[%get3A_342, %get3A_343] {strides = array<i32>} : memref<128x128xf32, #tpu.memory_space<vmem>>, vector<1x16xf32>,
      %get3A_345 = vector.shape_cast %get3A_344 : vector<1x16xf32> to vector<16xf32>
      %swap3A_346 = arith.index_cast %add3A_324 : i32 to index
      %swap3A_347 = arith.constant 16 : index
      %swap3A_348 = tpu.vector_load %arg9[%swap3A_346, %swap3A_347] {strides = array<i32>} : memref<512x64xf32, #tpu.memory_space<vmem>>, vector<1x16xf32>,
      %swap3A_349 = vector.shape_cast %swap3A_348 : vector<1x16xf32> to vector<16xf32>
      %swap3A_350 = vector.shape_cast %get3A_345 : vector<16xf32> to vector<1x16xf32>
      tpu.vector_store %arg9[%swap3A_346, %swap3A_347], %swap3A_350 {strides = array<i32>} : memref<512x64xf32, #tpu.memory_space<vmem>>, vector<1x16xf32>,
      %add3A_351 = arith.constant 32 : i32
      %add3A_352 = arith.addi %mul3A_318, %add3A_351 : i32
      %get3A_353 = arith.index_cast %add3A_328 : i32 to index
      %get3A_354 = arith.index_cast %add3A_352 : i32 to index
      %get3A_355 = tpu.vector_load %arg8[%get3A_353, %get3A_354] {strides = array<i32>} : memref<128x128xf32, #tpu.memory_space<vmem>>, vector<1x16xf32>,
      %get3A_356 = vector.shape_cast %get3A_355 : vector<1x16xf32> to vector<16xf32>
      %swap3A_357 = arith.index_cast %add3A_324 : i32 to index
      %swap3A_358 = arith.constant 32 : index
      %swap3A_359 = tpu.vector_load %arg9[%swap3A_357, %swap3A_358] {strides = array<i32>} : memref<512x64xf32, #tpu.memory_space<vmem>>, vector<1x16xf32>,
      %swap3A_360 = vector.shape_cast %swap3A_359 : vector<1x16xf32> to vector<16xf32>
      %swap3A_361 = vector.shape_cast %get3A_356 : vector<16xf32> to vector<1x16xf32>
      tpu.vector_store %arg9[%swap3A_357, %swap3A_358], %swap3A_361 {strides = array<i32>} : memref<512x64xf32, #tpu.memory_space<vmem>>, vector<1x16xf32>,
      %add3A_362 = arith.constant 48 : i32
      %add3A_363 = arith.addi %mul3A_318, %add3A_362 : i32
      %get3A_364 = arith.index_cast %add3A_328 : i32 to index
      %get3A_365 = arith.index_cast %add3A_363 : i32 to index
      %get3A_366 = tpu.vector_load %arg8[%get3A_364, %get3A_365] {strides = array<i32>} : memref<128x128xf32, #tpu.memory_space<vmem>>, vector<1x16xf32>,
      %get3A_367 = vector.shape_cast %get3A_366 : vector<1x16xf32> to vector<16xf32>
      %swap3A_368 = arith.index_cast %add3A_324 : i32 to index
      %swap3A_369 = arith.constant 48 : index
      %swap3A_370 = tpu.vector_load %arg9[%swap3A_368, %swap3A_369] {strides = array<i32>} : memref<512x64xf32, #tpu.memory_space<vmem>>, vector<1x16xf32>,
      %swap3A_371 = vector.shape_cast %swap3A_370 : vector<1x16xf32> to vector<16xf32>
      %swap3A_372 = vector.shape_cast %get3A_367 : vector<16xf32> to vector<1x16xf32>
      tpu.vector_store %arg9[%swap3A_368, %swap3A_369], %swap3A_372 {strides = array<i32>} : memref<512x64xf32, #tpu.memory_space<vmem>>, vector<1x16xf32>,
      %slice3A_373 = vector.extract_strided_slice %get3A_76 {offsets = [5], sizes = [1], strides = [1]} : vector<16xi32> to vector<1xi32>
      %squeeze3A_374 = vector.extract %slice3A_373[0] : i32 from vector<1xi32>
      %and3A_375 = arith.constant 1 : i32
      %and3A_376 = arith.andi %squeeze3A_374, %and3A_375 : i32
      %mul3A_377 = arith.constant 64 : i32
      %mul3A_378 = arith.muli %and3A_376, %mul3A_377 : i32
      %mul3A_379 = arith.constant 16 : i32
      %mul3A_380 = arith.muli %scan3A_70, %mul3A_379 : i32
      %add3A_381 = arith.constant 384 : i32
      %add3A_382 = arith.addi %add3A_381, %mul3A_380 : i32
      %add3A_383 = arith.constant 5 : i32
      %add3A_384 = arith.addi %add3A_382, %add3A_383 : i32
      %mul3A_385 = arith.constant 16 : i32
      %mul3A_386 = arith.muli %scan3A_70, %mul3A_385 : i32
      %add3A_387 = arith.constant 5 : i32
      %add3A_388 = arith.addi %mul3A_386, %add3A_387 : i32
      %add3A_389 = arith.constant 0 : i32
      %add3A_390 = arith.addi %mul3A_378, %add3A_389 : i32
      %get3A_391 = arith.index_cast %add3A_388 : i32 to index
      %get3A_392 = arith.index_cast %add3A_390 : i32 to index
      %get3A_393 = tpu.vector_load %arg8[%get3A_391, %get3A_392] {strides = array<i32>} : memref<128x128xf32, #tpu.memory_space<vmem>>, vector<1x16xf32>,
      %get3A_394 = vector.shape_cast %get3A_393 : vector<1x16xf32> to vector<16xf32>
      %swap3A_395 = arith.index_cast %add3A_384 : i32 to index
      %swap3A_396 = arith.constant 0 : index
      %swap3A_397 = tpu.vector_load %arg9[%swap3A_395, %swap3A_396] {strides = array<i32>} : memref<512x64xf32, #tpu.memory_space<vmem>>, vector<1x16xf32>,
      %swap3A_398 = vector.shape_cast %swap3A_397 : vector<1x16xf32> to vector<16xf32>
      %swap3A_399 = vector.shape_cast %get3A_394 : vector<16xf32> to vector<1x16xf32>
      tpu.vector_store %arg9[%swap3A_395, %swap3A_396], %swap3A_399 {strides = array<i32>} : memref<512x64xf32, #tpu.memory_space<vmem>>, vector<1x16xf32>,
      %add3A_400 = arith.constant 16 : i32
      %add3A_401 = arith.addi %mul3A_378, %add3A_400 : i32
      %get3A_402 = arith.index_cast %add3A_388 : i32 to index
      %get3A_403 = arith.index_cast %add3A_401 : i32 to index
      %get3A_404 = tpu.vector_load %arg8[%get3A_402, %get3A_403] {strides = array<i32>} : memref<128x128xf32, #tpu.memory_space<vmem>>, vector<1x16xf32>,
      %get3A_405 = vector.shape_cast %get3A_404 : vector<1x16xf32> to vector<16xf32>
      %swap3A_406 = arith.index_cast %add3A_384 : i32 to index
      %swap3A_407 = arith.constant 16 : index
      %swap3A_408 = tpu.vector_load %arg9[%swap3A_406, %swap3A_407] {strides = array<i32>} : memref<512x64xf32, #tpu.memory_space<vmem>>, vector<1x16xf32>,
      %swap3A_409 = vector.shape_cast %swap3A_408 : vector<1x16xf32> to vector<16xf32>
      %swap3A_410 = vector.shape_cast %get3A_405 : vector<16xf32> to vector<1x16xf32>
      tpu.vector_store %arg9[%swap3A_406, %swap3A_407], %swap3A_410 {strides = array<i32>} : memref<512x64xf32, #tpu.memory_space<vmem>>, vector<1x16xf32>,
      %add3A_411 = arith.constant 32 : i32
      %add3A_412 = arith.addi %mul3A_378, %add3A_411 : i32
      %get3A_413 = arith.index_cast %add3A_388 : i32 to index
      %get3A_414 = arith.index_cast %add3A_412 : i32 to index
      %get3A_415 = tpu.vector_load %arg8[%get3A_413, %get3A_414] {strides = array<i32>} : memref<128x128xf32, #tpu.memory_space<vmem>>, vector<1x16xf32>,
      %get3A_416 = vector.shape_cast %get3A_415 : vector<1x16xf32> to vector<16xf32>
      %swap3A_417 = arith.index_cast %add3A_384 : i32 to index
      %swap3A_418 = arith.constant 32 : index
      %swap3A_419 = tpu.vector_load %arg9[%swap3A_417, %swap3A_418] {strides = array<i32>} : memref<512x64xf32, #tpu.memory_space<vmem>>, vector<1x16xf32>,
      %swap3A_420 = vector.shape_cast %swap3A_419 : vector<1x16xf32> to vector<16xf32>
      %swap3A_421 = vector.shape_cast %get3A_416 : vector<16xf32> to vector<1x16xf32>
      tpu.vector_store %arg9[%swap3A_417, %swap3A_418], %swap3A_421 {strides = array<i32>} : memref<512x64xf32, #tpu.memory_space<vmem>>, vector<1x16xf32>,
      %add3A_422 = arith.constant 48 : i32
      %add3A_423 = arith.addi %mul3A_378, %add3A_422 : i32
      %get3A_424 = arith.index_cast %add3A_388 : i32 to index
      %get3A_425 = arith.index_cast %add3A_423 : i32 to index
      %get3A_426 = tpu.vector_load %arg8[%get3A_424, %get3A_425] {strides = array<i32>} : memref<128x128xf32, #tpu.memory_space<vmem>>, vector<1x16xf32>,
      %get3A_427 = vector.shape_cast %get3A_426 : vector<1x16xf32> to vector<16xf32>
      %swap3A_428 = arith.index_cast %add3A_384 : i32 to index
      %swap3A_429 = arith.constant 48 : index
      %swap3A_430 = tpu.vector_load %arg9[%swap3A_428, %swap3A_429] {strides = array<i32>} : memref<512x64xf32, #tpu.memory_space<vmem>>, vector<1x16xf32>,
      %swap3A_431 = vector.shape_cast %swap3A_430 : vector<1x16xf32> to vector<16xf32>
      %swap3A_432 = vector.shape_cast %get3A_427 : vector<16xf32> to vector<1x16xf32>
      tpu.vector_store %arg9[%swap3A_428, %swap3A_429], %swap3A_432 {strides = array<i32>} : memref<512x64xf32, #tpu.memory_space<vmem>>, vector<1x16xf32>,
      %slice3A_433 = vector.extract_strided_slice %get3A_76 {offsets = [6], sizes = [1], strides = [1]} : vector<16xi32> to vector<1xi32>
      %squeeze3A_434 = vector.extract %slice3A_433[0] : i32 from vector<1xi32>
      %and3A_435 = arith.constant 1 : i32
      %and3A_436 = arith.andi %squeeze3A_434, %and3A_435 : i32
      %mul3A_437 = arith.constant 64 : i32
      %mul3A_438 = arith.muli %and3A_436, %mul3A_437 : i32
      %mul3A_439 = arith.constant 16 : i32
      %mul3A_440 = arith.muli %scan3A_70, %mul3A_439 : i32
      %add3A_441 = arith.constant 384 : i32
      %add3A_442 = arith.addi %add3A_441, %mul3A_440 : i32
      %add3A_443 = arith.constant 6 : i32
      %add3A_444 = arith.addi %add3A_442, %add3A_443 : i32
      %mul3A_445 = arith.constant 16 : i32
      %mul3A_446 = arith.muli %scan3A_70, %mul3A_445 : i32
      %add3A_447 = arith.constant 6 : i32
      %add3A_448 = arith.addi %mul3A_446, %add3A_447 : i32
      %add3A_449 = arith.constant 0 : i32
      %add3A_450 = arith.addi %mul3A_438, %add3A_449 : i32
      %get3A_451 = arith.index_cast %add3A_448 : i32 to index
      %get3A_452 = arith.index_cast %add3A_450 : i32 to index
      %get3A_453 = tpu.vector_load %arg8[%get3A_451, %get3A_452] {strides = array<i32>} : memref<128x128xf32, #tpu.memory_space<vmem>>, vector<1x16xf32>,
      %get3A_454 = vector.shape_cast %get3A_453 : vector<1x16xf32> to vector<16xf32>
      %swap3A_455 = arith.index_cast %add3A_444 : i32 to index
      %swap3A_456 = arith.constant 0 : index
      %swap3A_457 = tpu.vector_load %arg9[%swap3A_455, %swap3A_456] {strides = array<i32>} : memref<512x64xf32, #tpu.memory_space<vmem>>, vector<1x16xf32>,
      %swap3A_458 = vector.shape_cast %swap3A_457 : vector<1x16xf32> to vector<16xf32>
      %swap3A_459 = vector.shape_cast %get3A_454 : vector<16xf32> to vector<1x16xf32>
      tpu.vector_store %arg9[%swap3A_455, %swap3A_456], %swap3A_459 {strides = array<i32>} : memref<512x64xf32, #tpu.memory_space<vmem>>, vector<1x16xf32>,
      %add3A_460 = arith.constant 16 : i32
      %add3A_461 = arith.addi %mul3A_438, %add3A_460 : i32
      %get3A_462 = arith.index_cast %add3A_448 : i32 to index
      %get3A_463 = arith.index_cast %add3A_461 : i32 to index
      %get3A_464 = tpu.vector_load %arg8[%get3A_462, %get3A_463] {strides = array<i32>} : memref<128x128xf32, #tpu.memory_space<vmem>>, vector<1x16xf32>,
      %get3A_465 = vector.shape_cast %get3A_464 : vector<1x16xf32> to vector<16xf32>
      %swap3A_466 = arith.index_cast %add3A_444 : i32 to index
      %swap3A_467 = arith.constant 16 : index
      %swap3A_468 = tpu.vector_load %arg9[%swap3A_466, %swap3A_467] {strides = array<i32>} : memref<512x64xf32, #tpu.memory_space<vmem>>, vector<1x16xf32>,
      %swap3A_469 = vector.shape_cast %swap3A_468 : vector<1x16xf32> to vector<16xf32>
      %swap3A_470 = vector.shape_cast %get3A_465 : vector<16xf32> to vector<1x16xf32>
      tpu.vector_store %arg9[%swap3A_466, %swap3A_467], %swap3A_470 {strides = array<i32>} : memref<512x64xf32, #tpu.memory_space<vmem>>, vector<1x16xf32>,
      %add3A_471 = arith.constant 32 : i32
      %add3A_472 = arith.addi %mul3A_438, %add3A_471 : i32
      %get3A_473 = arith.index_cast %add3A_448 : i32 to index
      %get3A_474 = arith.index_cast %add3A_472 : i32 to index
      %get3A_475 = tpu.vector_load %arg8[%get3A_473, %get3A_474] {strides = array<i32>} : memref<128x128xf32, #tpu.memory_space<vmem>>, vector<1x16xf32>,
      %get3A_476 = vector.shape_cast %get3A_475 : vector<1x16xf32> to vector<16xf32>
      %swap3A_477 = arith.index_cast %add3A_444 : i32 to index
      %swap3A_478 = arith.constant 32 : index
      %swap3A_479 = tpu.vector_load %arg9[%swap3A_477, %swap3A_478] {strides = array<i32>} : memref<512x64xf32, #tpu.memory_space<vmem>>, vector<1x16xf32>,
      %swap3A_480 = vector.shape_cast %swap3A_479 : vector<1x16xf32> to vector<16xf32>
      %swap3A_481 = vector.shape_cast %get3A_476 : vector<16xf32> to vector<1x16xf32>
      tpu.vector_store %arg9[%swap3A_477, %swap3A_478], %swap3A_481 {strides = array<i32>} : memref<512x64xf32, #tpu.memory_space<vmem>>, vector<1x16xf32>,
      %add3A_482 = arith.constant 48 : i32
      %add3A_483 = arith.addi %mul3A_438, %add3A_482 : i32
      %get3A_484 = arith.index_cast %add3A_448 : i32 to index
      %get3A_485 = arith.index_cast %add3A_483 : i32 to index
      %get3A_486 = tpu.vector_load %arg8[%get3A_484, %get3A_485] {strides = array<i32>} : memref<128x128xf32, #tpu.memory_space<vmem>>, vector<1x16xf32>,
      %get3A_487 = vector.shape_cast %get3A_486 : vector<1x16xf32> to vector<16xf32>
      %swap3A_488 = arith.index_cast %add3A_444 : i32 to index
      %swap3A_489 = arith.constant 48 : index
      %swap3A_490 = tpu.vector_load %arg9[%swap3A_488, %swap3A_489] {strides = array<i32>} : memref<512x64xf32, #tpu.memory_space<vmem>>, vector<1x16xf32>,
      %swap3A_491 = vector.shape_cast %swap3A_490 : vector<1x16xf32> to vector<16xf32>
      %swap3A_492 = vector.shape_cast %get3A_487 : vector<16xf32> to vector<1x16xf32>
      tpu.vector_store %arg9[%swap3A_488, %swap3A_489], %swap3A_492 {strides = array<i32>} : memref<512x64xf32, #tpu.memory_space<vmem>>, vector<1x16xf32>,
      %slice3A_493 = vector.extract_strided_slice %get3A_76 {offsets = [7], sizes = [1], strides = [1]} : vector<16xi32> to vector<1xi32>
      %squeeze3A_494 = vector.extract %slice3A_493[0] : i32 from vector<1xi32>
      %and3A_495 = arith.constant 1 : i32
      %and3A_496 = arith.andi %squeeze3A_494, %and3A_495 : i32
      %mul3A_497 = arith.constant 64 : i32
      %mul3A_498 = arith.muli %and3A_496, %mul3A_497 : i32
      %mul3A_499 = arith.constant 16 : i32
      %mul3A_500 = arith.muli %scan3A_70, %mul3A_499 : i32
      %add3A_501 = arith.constant 384 : i32
      %add3A_502 = arith.addi %add3A_501, %mul3A_500 : i32
      %add3A_503 = arith.constant 7 : i32
      %add3A_504 = arith.addi %add3A_502, %add3A_503 : i32
      %mul3A_505 = arith.constant 16 : i32
      %mul3A_506 = arith.muli %scan3A_70, %mul3A_505 : i32
      %add3A_507 = arith.constant 7 : i32
      %add3A_508 = arith.addi %mul3A_506, %add3A_507 : i32
      %add3A_509 = arith.constant 0 : i32
      %add3A_510 = arith.addi %mul3A_498, %add3A_509 : i32
      %get3A_511 = arith.index_cast %add3A_508 : i32 to index
      %get3A_512 = arith.index_cast %add3A_510 : i32 to index
      %get3A_513 = tpu.vector_load %arg8[%get3A_511, %get3A_512] {strides = array<i32>} : memref<128x128xf32, #tpu.memory_space<vmem>>, vector<1x16xf32>,
      %get3A_514 = vector.shape_cast %get3A_513 : vector<1x16xf32> to vector<16xf32>
      %swap3A_515 = arith.index_cast %add3A_504 : i32 to index
      %swap3A_516 = arith.constant 0 : index
      %swap3A_517 = tpu.vector_load %arg9[%swap3A_515, %swap3A_516] {strides = array<i32>} : memref<512x64xf32, #tpu.memory_space<vmem>>, vector<1x16xf32>,
      %swap3A_518 = vector.shape_cast %swap3A_517 : vector<1x16xf32> to vector<16xf32>
      %swap3A_519 = vector.shape_cast %get3A_514 : vector<16xf32> to vector<1x16xf32>
      tpu.vector_store %arg9[%swap3A_515, %swap3A_516], %swap3A_519 {strides = array<i32>} : memref<512x64xf32, #tpu.memory_space<vmem>>, vector<1x16xf32>,
      %add3A_520 = arith.constant 16 : i32
      %add3A_521 = arith.addi %mul3A_498, %add3A_520 : i32
      %get3A_522 = arith.index_cast %add3A_508 : i32 to index
      %get3A_523 = arith.index_cast %add3A_521 : i32 to index
      %get3A_524 = tpu.vector_load %arg8[%get3A_522, %get3A_523] {strides = array<i32>} : memref<128x128xf32, #tpu.memory_space<vmem>>, vector<1x16xf32>,
      %get3A_525 = vector.shape_cast %get3A_524 : vector<1x16xf32> to vector<16xf32>
      %swap3A_526 = arith.index_cast %add3A_504 : i32 to index
      %swap3A_527 = arith.constant 16 : index
      %swap3A_528 = tpu.vector_load %arg9[%swap3A_526, %swap3A_527] {strides = array<i32>} : memref<512x64xf32, #tpu.memory_space<vmem>>, vector<1x16xf32>,
      %swap3A_529 = vector.shape_cast %swap3A_528 : vector<1x16xf32> to vector<16xf32>
      %swap3A_530 = vector.shape_cast %get3A_525 : vector<16xf32> to vector<1x16xf32>
      tpu.vector_store %arg9[%swap3A_526, %swap3A_527], %swap3A_530 {strides = array<i32>} : memref<512x64xf32, #tpu.memory_space<vmem>>, vector<1x16xf32>,
      %add3A_531 = arith.constant 32 : i32
      %add3A_532 = arith.addi %mul3A_498, %add3A_531 : i32
      %get3A_533 = arith.index_cast %add3A_508 : i32 to index
      %get3A_534 = arith.index_cast %add3A_532 : i32 to index
      %get3A_535 = tpu.vector_load %arg8[%get3A_533, %get3A_534] {strides = array<i32>} : memref<128x128xf32, #tpu.memory_space<vmem>>, vector<1x16xf32>,
      %get3A_536 = vector.shape_cast %get3A_535 : vector<1x16xf32> to vector<16xf32>
      %swap3A_537 = arith.index_cast %add3A_504 : i32 to index
      %swap3A_538 = arith.constant 32 : index
      %swap3A_539 = tpu.vector_load %arg9[%swap3A_537, %swap3A_538] {strides = array<i32>} : memref<512x64xf32, #tpu.memory_space<vmem>>, vector<1x16xf32>,
      %swap3A_540 = vector.shape_cast %swap3A_539 : vector<1x16xf32> to vector<16xf32>
      %swap3A_541 = vector.shape_cast %get3A_536 : vector<16xf32> to vector<1x16xf32>
      tpu.vector_store %arg9[%swap3A_537, %swap3A_538], %swap3A_541 {strides = array<i32>} : memref<512x64xf32, #tpu.memory_space<vmem>>, vector<1x16xf32>,
      %add3A_542 = arith.constant 48 : i32
      %add3A_543 = arith.addi %mul3A_498, %add3A_542 : i32
      %get3A_544 = arith.index_cast %add3A_508 : i32 to index
      %get3A_545 = arith.index_cast %add3A_543 : i32 to index
      %get3A_546 = tpu.vector_load %arg8[%get3A_544, %get3A_545] {strides = array<i32>} : memref<128x128xf32, #tpu.memory_space<vmem>>, vector<1x16xf32>,
      %get3A_547 = vector.shape_cast %get3A_546 : vector<1x16xf32> to vector<16xf32>
      %swap3A_548 = arith.index_cast %add3A_504 : i32 to index
      %swap3A_549 = arith.constant 48 : index
      %swap3A_550 = tpu.vector_load %arg9[%swap3A_548, %swap3A_549] {strides = array<i32>} : memref<512x64xf32, #tpu.memory_space<vmem>>, vector<1x16xf32>,
      %swap3A_551 = vector.shape_cast %swap3A_550 : vector<1x16xf32> to vector<16xf32>
      %swap3A_552 = vector.shape_cast %get3A_547 : vector<16xf32> to vector<1x16xf32>
      tpu.vector_store %arg9[%swap3A_548, %swap3A_549], %swap3A_552 {strides = array<i32>} : memref<512x64xf32, #tpu.memory_space<vmem>>, vector<1x16xf32>,
      %slice3A_553 = vector.extract_strided_slice %get3A_76 {offsets = [8], sizes = [1], strides = [1]} : vector<16xi32> to vector<1xi32>
      %squeeze3A_554 = vector.extract %slice3A_553[0] : i32 from vector<1xi32>
      %and3A_555 = arith.constant 1 : i32
      %and3A_556 = arith.andi %squeeze3A_554, %and3A_555 : i32
      %mul3A_557 = arith.constant 64 : i32
      %mul3A_558 = arith.muli %and3A_556, %mul3A_557 : i32
      %mul3A_559 = arith.constant 16 : i32
      %mul3A_560 = arith.muli %scan3A_70, %mul3A_559 : i32
      %add3A_561 = arith.constant 384 : i32
      %add3A_562 = arith.addi %add3A_561, %mul3A_560 : i32
      %add3A_563 = arith.constant 8 : i32
      %add3A_564 = arith.addi %add3A_562, %add3A_563 : i32
      %mul3A_565 = arith.constant 16 : i32
      %mul3A_566 = arith.muli %scan3A_70, %mul3A_565 : i32
      %add3A_567 = arith.constant 8 : i32
      %add3A_568 = arith.addi %mul3A_566, %add3A_567 : i32
      %add3A_569 = arith.constant 0 : i32
      %add3A_570 = arith.addi %mul3A_558, %add3A_569 : i32
      %get3A_571 = arith.index_cast %add3A_568 : i32 to index
      %get3A_572 = arith.index_cast %add3A_570 : i32 to index
      %get3A_573 = tpu.vector_load %arg8[%get3A_571, %get3A_572] {strides = array<i32>} : memref<128x128xf32, #tpu.memory_space<vmem>>, vector<1x16xf32>,
      %get3A_574 = vector.shape_cast %get3A_573 : vector<1x16xf32> to vector<16xf32>
      %swap3A_575 = arith.index_cast %add3A_564 : i32 to index
      %swap3A_576 = arith.constant 0 : index
      %swap3A_577 = tpu.vector_load %arg9[%swap3A_575, %swap3A_576] {strides = array<i32>} : memref<512x64xf32, #tpu.memory_space<vmem>>, vector<1x16xf32>,
      %swap3A_578 = vector.shape_cast %swap3A_577 : vector<1x16xf32> to vector<16xf32>
      %swap3A_579 = vector.shape_cast %get3A_574 : vector<16xf32> to vector<1x16xf32>
      tpu.vector_store %arg9[%swap3A_575, %swap3A_576], %swap3A_579 {strides = array<i32>} : memref<512x64xf32, #tpu.memory_space<vmem>>, vector<1x16xf32>,
      %add3A_580 = arith.constant 16 : i32
      %add3A_581 = arith.addi %mul3A_558, %add3A_580 : i32
      %get3A_582 = arith.index_cast %add3A_568 : i32 to index
      %get3A_583 = arith.index_cast %add3A_581 : i32 to index
      %get3A_584 = tpu.vector_load %arg8[%get3A_582, %get3A_583] {strides = array<i32>} : memref<128x128xf32, #tpu.memory_space<vmem>>, vector<1x16xf32>,
      %get3A_585 = vector.shape_cast %get3A_584 : vector<1x16xf32> to vector<16xf32>
      %swap3A_586 = arith.index_cast %add3A_564 : i32 to index
      %swap3A_587 = arith.constant 16 : index
      %swap3A_588 = tpu.vector_load %arg9[%swap3A_586, %swap3A_587] {strides = array<i32>} : memref<512x64xf32, #tpu.memory_space<vmem>>, vector<1x16xf32>,
      %swap3A_589 = vector.shape_cast %swap3A_588 : vector<1x16xf32> to vector<16xf32>
      %swap3A_590 = vector.shape_cast %get3A_585 : vector<16xf32> to vector<1x16xf32>
      tpu.vector_store %arg9[%swap3A_586, %swap3A_587], %swap3A_590 {strides = array<i32>} : memref<512x64xf32, #tpu.memory_space<vmem>>, vector<1x16xf32>,
      %add3A_591 = arith.constant 32 : i32
      %add3A_592 = arith.addi %mul3A_558, %add3A_591 : i32
      %get3A_593 = arith.index_cast %add3A_568 : i32 to index
      %get3A_594 = arith.index_cast %add3A_592 : i32 to index
      %get3A_595 = tpu.vector_load %arg8[%get3A_593, %get3A_594] {strides = array<i32>} : memref<128x128xf32, #tpu.memory_space<vmem>>, vector<1x16xf32>,
      %get3A_596 = vector.shape_cast %get3A_595 : vector<1x16xf32> to vector<16xf32>
      %swap3A_597 = arith.index_cast %add3A_564 : i32 to index
      %swap3A_598 = arith.constant 32 : index
      %swap3A_599 = tpu.vector_load %arg9[%swap3A_597, %swap3A_598] {strides = array<i32>} : memref<512x64xf32, #tpu.memory_space<vmem>>, vector<1x16xf32>,
      %swap3A_600 = vector.shape_cast %swap3A_599 : vector<1x16xf32> to vector<16xf32>
      %swap3A_601 = vector.shape_cast %get3A_596 : vector<16xf32> to vector<1x16xf32>
      tpu.vector_store %arg9[%swap3A_597, %swap3A_598], %swap3A_601 {strides = array<i32>} : memref<512x64xf32, #tpu.memory_space<vmem>>, vector<1x16xf32>,
      %add3A_602 = arith.constant 48 : i32
      %add3A_603 = arith.addi %mul3A_558, %add3A_602 : i32
      %get3A_604 = arith.index_cast %add3A_568 : i32 to index
      %get3A_605 = arith.index_cast %add3A_603 : i32 to index
      %get3A_606 = tpu.vector_load %arg8[%get3A_604, %get3A_605] {strides = array<i32>} : memref<128x128xf32, #tpu.memory_space<vmem>>, vector<1x16xf32>,
      %get3A_607 = vector.shape_cast %get3A_606 : vector<1x16xf32> to vector<16xf32>
      %swap3A_608 = arith.index_cast %add3A_564 : i32 to index
      %swap3A_609 = arith.constant 48 : index
      %swap3A_610 = tpu.vector_load %arg9[%swap3A_608, %swap3A_609] {strides = array<i32>} : memref<512x64xf32, #tpu.memory_space<vmem>>, vector<1x16xf32>,
      %swap3A_611 = vector.shape_cast %swap3A_610 : vector<1x16xf32> to vector<16xf32>
      %swap3A_612 = vector.shape_cast %get3A_607 : vector<16xf32> to vector<1x16xf32>
      tpu.vector_store %arg9[%swap3A_608, %swap3A_609], %swap3A_612 {strides = array<i32>} : memref<512x64xf32, #tpu.memory_space<vmem>>, vector<1x16xf32>,
      %slice3A_613 = vector.extract_strided_slice %get3A_76 {offsets = [9], sizes = [1], strides = [1]} : vector<16xi32> to vector<1xi32>
      %squeeze3A_614 = vector.extract %slice3A_613[0] : i32 from vector<1xi32>
      %and3A_615 = arith.constant 1 : i32
      %and3A_616 = arith.andi %squeeze3A_614, %and3A_615 : i32
      %mul3A_617 = arith.constant 64 : i32
      %mul3A_618 = arith.muli %and3A_616, %mul3A_617 : i32
      %mul3A_619 = arith.constant 16 : i32
      %mul3A_620 = arith.muli %scan3A_70, %mul3A_619 : i32
      %add3A_621 = arith.constant 384 : i32
      %add3A_622 = arith.addi %add3A_621, %mul3A_620 : i32
      %add3A_623 = arith.constant 9 : i32
      %add3A_624 = arith.addi %add3A_622, %add3A_623 : i32
      %mul3A_625 = arith.constant 16 : i32
      %mul3A_626 = arith.muli %scan3A_70, %mul3A_625 : i32
      %add3A_627 = arith.constant 9 : i32
      %add3A_628 = arith.addi %mul3A_626, %add3A_627 : i32
      %add3A_629 = arith.constant 0 : i32
      %add3A_630 = arith.addi %mul3A_618, %add3A_629 : i32
      %get3A_631 = arith.index_cast %add3A_628 : i32 to index
      %get3A_632 = arith.index_cast %add3A_630 : i32 to index
      %get3A_633 = tpu.vector_load %arg8[%get3A_631, %get3A_632] {strides = array<i32>} : memref<128x128xf32, #tpu.memory_space<vmem>>, vector<1x16xf32>,
      %get3A_634 = vector.shape_cast %get3A_633 : vector<1x16xf32> to vector<16xf32>
      %swap3A_635 = arith.index_cast %add3A_624 : i32 to index
      %swap3A_636 = arith.constant 0 : index
      %swap3A_637 = tpu.vector_load %arg9[%swap3A_635, %swap3A_636] {strides = array<i32>} : memref<512x64xf32, #tpu.memory_space<vmem>>, vector<1x16xf32>,
      %swap3A_638 = vector.shape_cast %swap3A_637 : vector<1x16xf32> to vector<16xf32>
      %swap3A_639 = vector.shape_cast %get3A_634 : vector<16xf32> to vector<1x16xf32>
      tpu.vector_store %arg9[%swap3A_635, %swap3A_636], %swap3A_639 {strides = array<i32>} : memref<512x64xf32, #tpu.memory_space<vmem>>, vector<1x16xf32>,
      %add3A_640 = arith.constant 16 : i32
      %add3A_641 = arith.addi %mul3A_618, %add3A_640 : i32
      %get3A_642 = arith.index_cast %add3A_628 : i32 to index
      %get3A_643 = arith.index_cast %add3A_641 : i32 to index
      %get3A_644 = tpu.vector_load %arg8[%get3A_642, %get3A_643] {strides = array<i32>} : memref<128x128xf32, #tpu.memory_space<vmem>>, vector<1x16xf32>,
      %get3A_645 = vector.shape_cast %get3A_644 : vector<1x16xf32> to vector<16xf32>
      %swap3A_646 = arith.index_cast %add3A_624 : i32 to index
      %swap3A_647 = arith.constant 16 : index
      %swap3A_648 = tpu.vector_load %arg9[%swap3A_646, %swap3A_647] {strides = array<i32>} : memref<512x64xf32, #tpu.memory_space<vmem>>, vector<1x16xf32>,
      %swap3A_649 = vector.shape_cast %swap3A_648 : vector<1x16xf32> to vector<16xf32>
      %swap3A_650 = vector.shape_cast %get3A_645 : vector<16xf32> to vector<1x16xf32>
      tpu.vector_store %arg9[%swap3A_646, %swap3A_647], %swap3A_650 {strides = array<i32>} : memref<512x64xf32, #tpu.memory_space<vmem>>, vector<1x16xf32>,
      %add3A_651 = arith.constant 32 : i32
      %add3A_652 = arith.addi %mul3A_618, %add3A_651 : i32
      %get3A_653 = arith.index_cast %add3A_628 : i32 to index
      %get3A_654 = arith.index_cast %add3A_652 : i32 to index
      %get3A_655 = tpu.vector_load %arg8[%get3A_653, %get3A_654] {strides = array<i32>} : memref<128x128xf32, #tpu.memory_space<vmem>>, vector<1x16xf32>,
      %get3A_656 = vector.shape_cast %get3A_655 : vector<1x16xf32> to vector<16xf32>
      %swap3A_657 = arith.index_cast %add3A_624 : i32 to index
      %swap3A_658 = arith.constant 32 : index
      %swap3A_659 = tpu.vector_load %arg9[%swap3A_657, %swap3A_658] {strides = array<i32>} : memref<512x64xf32, #tpu.memory_space<vmem>>, vector<1x16xf32>,
      %swap3A_660 = vector.shape_cast %swap3A_659 : vector<1x16xf32> to vector<16xf32>
      %swap3A_661 = vector.shape_cast %get3A_656 : vector<16xf32> to vector<1x16xf32>
      tpu.vector_store %arg9[%swap3A_657, %swap3A_658], %swap3A_661 {strides = array<i32>} : memref<512x64xf32, #tpu.memory_space<vmem>>, vector<1x16xf32>,
      %add3A_662 = arith.constant 48 : i32
      %add3A_663 = arith.addi %mul3A_618, %add3A_662 : i32
      %get3A_664 = arith.index_cast %add3A_628 : i32 to index
      %get3A_665 = arith.index_cast %add3A_663 : i32 to index
      %get3A_666 = tpu.vector_load %arg8[%get3A_664, %get3A_665] {strides = array<i32>} : memref<128x128xf32, #tpu.memory_space<vmem>>, vector<1x16xf32>,
      %get3A_667 = vector.shape_cast %get3A_666 : vector<1x16xf32> to vector<16xf32>
      %swap3A_668 = arith.index_cast %add3A_624 : i32 to index
      %swap3A_669 = arith.constant 48 : index
      %swap3A_670 = tpu.vector_load %arg9[%swap3A_668, %swap3A_669] {strides = array<i32>} : memref<512x64xf32, #tpu.memory_space<vmem>>, vector<1x16xf32>,
      %swap3A_671 = vector.shape_cast %swap3A_670 : vector<1x16xf32> to vector<16xf32>
      %swap3A_672 = vector.shape_cast %get3A_667 : vector<16xf32> to vector<1x16xf32>
      tpu.vector_store %arg9[%swap3A_668, %swap3A_669], %swap3A_672 {strides = array<i32>} : memref<512x64xf32, #tpu.memory_space<vmem>>, vector<1x16xf32>,
      %slice3A_673 = vector.extract_strided_slice %get3A_76 {offsets = [10], sizes = [1], strides = [1]} : vector<16xi32> to vector<1xi32>
      %squeeze3A_674 = vector.extract %slice3A_673[0] : i32 from vector<1xi32>
      %and3A_675 = arith.constant 1 : i32
      %and3A_676 = arith.andi %squeeze3A_674, %and3A_675 : i32
      %mul3A_677 = arith.constant 64 : i32
      %mul3A_678 = arith.muli %and3A_676, %mul3A_677 : i32
      %mul3A_679 = arith.constant 16 : i32
      %mul3A_680 = arith.muli %scan3A_70, %mul3A_679 : i32
      %add3A_681 = arith.constant 384 : i32
      %add3A_682 = arith.addi %add3A_681, %mul3A_680 : i32
      %add3A_683 = arith.constant 10 : i32
      %add3A_684 = arith.addi %add3A_682, %add3A_683 : i32
      %mul3A_685 = arith.constant 16 : i32
      %mul3A_686 = arith.muli %scan3A_70, %mul3A_685 : i32
      %add3A_687 = arith.constant 10 : i32
      %add3A_688 = arith.addi %mul3A_686, %add3A_687 : i32
      %add3A_689 = arith.constant 0 : i32
      %add3A_690 = arith.addi %mul3A_678, %add3A_689 : i32
      %get3A_691 = arith.index_cast %add3A_688 : i32 to index
      %get3A_692 = arith.index_cast %add3A_690 : i32 to index
      %get3A_693 = tpu.vector_load %arg8[%get3A_691, %get3A_692] {strides = array<i32>} : memref<128x128xf32, #tpu.memory_space<vmem>>, vector<1x16xf32>,
      %get3A_694 = vector.shape_cast %get3A_693 : vector<1x16xf32> to vector<16xf32>
      %swap3A_695 = arith.index_cast %add3A_684 : i32 to index
      %swap3A_696 = arith.constant 0 : index
      %swap3A_697 = tpu.vector_load %arg9[%swap3A_695, %swap3A_696] {strides = array<i32>} : memref<512x64xf32, #tpu.memory_space<vmem>>, vector<1x16xf32>,
      %swap3A_698 = vector.shape_cast %swap3A_697 : vector<1x16xf32> to vector<16xf32>
      %swap3A_699 = vector.shape_cast %get3A_694 : vector<16xf32> to vector<1x16xf32>
      tpu.vector_store %arg9[%swap3A_695, %swap3A_696], %swap3A_699 {strides = array<i32>} : memref<512x64xf32, #tpu.memory_space<vmem>>, vector<1x16xf32>,
      %add3A_700 = arith.constant 16 : i32
      %add3A_701 = arith.addi %mul3A_678, %add3A_700 : i32
      %get3A_702 = arith.index_cast %add3A_688 : i32 to index
      %get3A_703 = arith.index_cast %add3A_701 : i32 to index
      %get3A_704 = tpu.vector_load %arg8[%get3A_702, %get3A_703] {strides = array<i32>} : memref<128x128xf32, #tpu.memory_space<vmem>>, vector<1x16xf32>,
      %get3A_705 = vector.shape_cast %get3A_704 : vector<1x16xf32> to vector<16xf32>
      %swap3A_706 = arith.index_cast %add3A_684 : i32 to index
      %swap3A_707 = arith.constant 16 : index
      %swap3A_708 = tpu.vector_load %arg9[%swap3A_706, %swap3A_707] {strides = array<i32>} : memref<512x64xf32, #tpu.memory_space<vmem>>, vector<1x16xf32>,
      %swap3A_709 = vector.shape_cast %swap3A_708 : vector<1x16xf32> to vector<16xf32>
      %swap3A_710 = vector.shape_cast %get3A_705 : vector<16xf32> to vector<1x16xf32>
      tpu.vector_store %arg9[%swap3A_706, %swap3A_707], %swap3A_710 {strides = array<i32>} : memref<512x64xf32, #tpu.memory_space<vmem>>, vector<1x16xf32>,
      %add3A_711 = arith.constant 32 : i32
      %add3A_712 = arith.addi %mul3A_678, %add3A_711 : i32
      %get3A_713 = arith.index_cast %add3A_688 : i32 to index
      %get3A_714 = arith.index_cast %add3A_712 : i32 to index
      %get3A_715 = tpu.vector_load %arg8[%get3A_713, %get3A_714] {strides = array<i32>} : memref<128x128xf32, #tpu.memory_space<vmem>>, vector<1x16xf32>,
      %get3A_716 = vector.shape_cast %get3A_715 : vector<1x16xf32> to vector<16xf32>
      %swap3A_717 = arith.index_cast %add3A_684 : i32 to index
      %swap3A_718 = arith.constant 32 : index
      %swap3A_719 = tpu.vector_load %arg9[%swap3A_717, %swap3A_718] {strides = array<i32>} : memref<512x64xf32, #tpu.memory_space<vmem>>, vector<1x16xf32>,
      %swap3A_720 = vector.shape_cast %swap3A_719 : vector<1x16xf32> to vector<16xf32>
      %swap3A_721 = vector.shape_cast %get3A_716 : vector<16xf32> to vector<1x16xf32>
      tpu.vector_store %arg9[%swap3A_717, %swap3A_718], %swap3A_721 {strides = array<i32>} : memref<512x64xf32, #tpu.memory_space<vmem>>, vector<1x16xf32>,
      %add3A_722 = arith.constant 48 : i32
      %add3A_723 = arith.addi %mul3A_678, %add3A_722 : i32
      %get3A_724 = arith.index_cast %add3A_688 : i32 to index
      %get3A_725 = arith.index_cast %add3A_723 : i32 to index
      %get3A_726 = tpu.vector_load %arg8[%get3A_724, %get3A_725] {strides = array<i32>} : memref<128x128xf32, #tpu.memory_space<vmem>>, vector<1x16xf32>,
      %get3A_727 = vector.shape_cast %get3A_726 : vector<1x16xf32> to vector<16xf32>
      %swap3A_728 = arith.index_cast %add3A_684 : i32 to index
      %swap3A_729 = arith.constant 48 : index
      %swap3A_730 = tpu.vector_load %arg9[%swap3A_728, %swap3A_729] {strides = array<i32>} : memref<512x64xf32, #tpu.memory_space<vmem>>, vector<1x16xf32>,
      %swap3A_731 = vector.shape_cast %swap3A_730 : vector<1x16xf32> to vector<16xf32>
      %swap3A_732 = vector.shape_cast %get3A_727 : vector<16xf32> to vector<1x16xf32>
      tpu.vector_store %arg9[%swap3A_728, %swap3A_729], %swap3A_732 {strides = array<i32>} : memref<512x64xf32, #tpu.memory_space<vmem>>, vector<1x16xf32>,
      %slice3A_733 = vector.extract_strided_slice %get3A_76 {offsets = [11], sizes = [1], strides = [1]} : vector<16xi32> to vector<1xi32>
      %squeeze3A_734 = vector.extract %slice3A_733[0] : i32 from vector<1xi32>
      %and3A_735 = arith.constant 1 : i32
      %and3A_736 = arith.andi %squeeze3A_734, %and3A_735 : i32
      %mul3A_737 = arith.constant 64 : i32
      %mul3A_738 = arith.muli %and3A_736, %mul3A_737 : i32
      %mul3A_739 = arith.constant 16 : i32
      %mul3A_740 = arith.muli %scan3A_70, %mul3A_739 : i32
      %add3A_741 = arith.constant 384 : i32
      %add3A_742 = arith.addi %add3A_741, %mul3A_740 : i32
      %add3A_743 = arith.constant 11 : i32
      %add3A_744 = arith.addi %add3A_742, %add3A_743 : i32
      %mul3A_745 = arith.constant 16 : i32
      %mul3A_746 = arith.muli %scan3A_70, %mul3A_745 : i32
      %add3A_747 = arith.constant 11 : i32
      %add3A_748 = arith.addi %mul3A_746, %add3A_747 : i32
      %add3A_749 = arith.constant 0 : i32
      %add3A_750 = arith.addi %mul3A_738, %add3A_749 : i32
      %get3A_751 = arith.index_cast %add3A_748 : i32 to index
      %get3A_752 = arith.index_cast %add3A_750 : i32 to index
      %get3A_753 = tpu.vector_load %arg8[%get3A_751, %get3A_752] {strides = array<i32>} : memref<128x128xf32, #tpu.memory_space<vmem>>, vector<1x16xf32>,
      %get3A_754 = vector.shape_cast %get3A_753 : vector<1x16xf32> to vector<16xf32>
      %swap3A_755 = arith.index_cast %add3A_744 : i32 to index
      %swap3A_756 = arith.constant 0 : index
      %swap3A_757 = tpu.vector_load %arg9[%swap3A_755, %swap3A_756] {strides = array<i32>} : memref<512x64xf32, #tpu.memory_space<vmem>>, vector<1x16xf32>,
      %swap3A_758 = vector.shape_cast %swap3A_757 : vector<1x16xf32> to vector<16xf32>
      %swap3A_759 = vector.shape_cast %get3A_754 : vector<16xf32> to vector<1x16xf32>
      tpu.vector_store %arg9[%swap3A_755, %swap3A_756], %swap3A_759 {strides = array<i32>} : memref<512x64xf32, #tpu.memory_space<vmem>>, vector<1x16xf32>,
      %add3A_760 = arith.constant 16 : i32
      %add3A_761 = arith.addi %mul3A_738, %add3A_760 : i32
      %get3A_762 = arith.index_cast %add3A_748 : i32 to index
      %get3A_763 = arith.index_cast %add3A_761 : i32 to index
      %get3A_764 = tpu.vector_load %arg8[%get3A_762, %get3A_763] {strides = array<i32>} : memref<128x128xf32, #tpu.memory_space<vmem>>, vector<1x16xf32>,
      %get3A_765 = vector.shape_cast %get3A_764 : vector<1x16xf32> to vector<16xf32>
      %swap3A_766 = arith.index_cast %add3A_744 : i32 to index
      %swap3A_767 = arith.constant 16 : index
      %swap3A_768 = tpu.vector_load %arg9[%swap3A_766, %swap3A_767] {strides = array<i32>} : memref<512x64xf32, #tpu.memory_space<vmem>>, vector<1x16xf32>,
      %swap3A_769 = vector.shape_cast %swap3A_768 : vector<1x16xf32> to vector<16xf32>
      %swap3A_770 = vector.shape_cast %get3A_765 : vector<16xf32> to vector<1x16xf32>
      tpu.vector_store %arg9[%swap3A_766, %swap3A_767], %swap3A_770 {strides = array<i32>} : memref<512x64xf32, #tpu.memory_space<vmem>>, vector<1x16xf32>,
      %add3A_771 = arith.constant 32 : i32
      %add3A_772 = arith.addi %mul3A_738, %add3A_771 : i32
      %get3A_773 = arith.index_cast %add3A_748 : i32 to index
      %get3A_774 = arith.index_cast %add3A_772 : i32 to index
      %get3A_775 = tpu.vector_load %arg8[%get3A_773, %get3A_774] {strides = array<i32>} : memref<128x128xf32, #tpu.memory_space<vmem>>, vector<1x16xf32>,
      %get3A_776 = vector.shape_cast %get3A_775 : vector<1x16xf32> to vector<16xf32>
      %swap3A_777 = arith.index_cast %add3A_744 : i32 to index
      %swap3A_778 = arith.constant 32 : index
      %swap3A_779 = tpu.vector_load %arg9[%swap3A_777, %swap3A_778] {strides = array<i32>} : memref<512x64xf32, #tpu.memory_space<vmem>>, vector<1x16xf32>,
      %swap3A_780 = vector.shape_cast %swap3A_779 : vector<1x16xf32> to vector<16xf32>
      %swap3A_781 = vector.shape_cast %get3A_776 : vector<16xf32> to vector<1x16xf32>
      tpu.vector_store %arg9[%swap3A_777, %swap3A_778], %swap3A_781 {strides = array<i32>} : memref<512x64xf32, #tpu.memory_space<vmem>>, vector<1x16xf32>,
      %add3A_782 = arith.constant 48 : i32
      %add3A_783 = arith.addi %mul3A_738, %add3A_782 : i32
      %get3A_784 = arith.index_cast %add3A_748 : i32 to index
      %get3A_785 = arith.index_cast %add3A_783 : i32 to index
      %get3A_786 = tpu.vector_load %arg8[%get3A_784, %get3A_785] {strides = array<i32>} : memref<128x128xf32, #tpu.memory_space<vmem>>, vector<1x16xf32>,
      %get3A_787 = vector.shape_cast %get3A_786 : vector<1x16xf32> to vector<16xf32>
      %swap3A_788 = arith.index_cast %add3A_744 : i32 to index
      %swap3A_789 = arith.constant 48 : index
      %swap3A_790 = tpu.vector_load %arg9[%swap3A_788, %swap3A_789] {strides = array<i32>} : memref<512x64xf32, #tpu.memory_space<vmem>>, vector<1x16xf32>,
      %swap3A_791 = vector.shape_cast %swap3A_790 : vector<1x16xf32> to vector<16xf32>
      %swap3A_792 = vector.shape_cast %get3A_787 : vector<16xf32> to vector<1x16xf32>
      tpu.vector_store %arg9[%swap3A_788, %swap3A_789], %swap3A_792 {strides = array<i32>} : memref<512x64xf32, #tpu.memory_space<vmem>>, vector<1x16xf32>,
      %slice3A_793 = vector.extract_strided_slice %get3A_76 {offsets = [12], sizes = [1], strides = [1]} : vector<16xi32> to vector<1xi32>
      %squeeze3A_794 = vector.extract %slice3A_793[0] : i32 from vector<1xi32>
      %and3A_795 = arith.constant 1 : i32
      %and3A_796 = arith.andi %squeeze3A_794, %and3A_795 : i32
      %mul3A_797 = arith.constant 64 : i32
      %mul3A_798 = arith.muli %and3A_796, %mul3A_797 : i32
      %mul3A_799 = arith.constant 16 : i32
      %mul3A_800 = arith.muli %scan3A_70, %mul3A_799 : i32
      %add3A_801 = arith.constant 384 : i32
      %add3A_802 = arith.addi %add3A_801, %mul3A_800 : i32
      %add3A_803 = arith.constant 12 : i32
      %add3A_804 = arith.addi %add3A_802, %add3A_803 : i32
      %mul3A_805 = arith.constant 16 : i32
      %mul3A_806 = arith.muli %scan3A_70, %mul3A_805 : i32
      %add3A_807 = arith.constant 12 : i32
      %add3A_808 = arith.addi %mul3A_806, %add3A_807 : i32
      %add3A_809 = arith.constant 0 : i32
      %add3A_810 = arith.addi %mul3A_798, %add3A_809 : i32
      %get3A_811 = arith.index_cast %add3A_808 : i32 to index
      %get3A_812 = arith.index_cast %add3A_810 : i32 to index
      %get3A_813 = tpu.vector_load %arg8[%get3A_811, %get3A_812] {strides = array<i32>} : memref<128x128xf32, #tpu.memory_space<vmem>>, vector<1x16xf32>,
      %get3A_814 = vector.shape_cast %get3A_813 : vector<1x16xf32> to vector<16xf32>
      %swap3A_815 = arith.index_cast %add3A_804 : i32 to index
      %swap3A_816 = arith.constant 0 : index
      %swap3A_817 = tpu.vector_load %arg9[%swap3A_815, %swap3A_816] {strides = array<i32>} : memref<512x64xf32, #tpu.memory_space<vmem>>, vector<1x16xf32>,
      %swap3A_818 = vector.shape_cast %swap3A_817 : vector<1x16xf32> to vector<16xf32>
      %swap3A_819 = vector.shape_cast %get3A_814 : vector<16xf32> to vector<1x16xf32>
      tpu.vector_store %arg9[%swap3A_815, %swap3A_816], %swap3A_819 {strides = array<i32>} : memref<512x64xf32, #tpu.memory_space<vmem>>, vector<1x16xf32>,
      %add3A_820 = arith.constant 16 : i32
      %add3A_821 = arith.addi %mul3A_798, %add3A_820 : i32
      %get3A_822 = arith.index_cast %add3A_808 : i32 to index
      %get3A_823 = arith.index_cast %add3A_821 : i32 to index
      %get3A_824 = tpu.vector_load %arg8[%get3A_822, %get3A_823] {strides = array<i32>} : memref<128x128xf32, #tpu.memory_space<vmem>>, vector<1x16xf32>,
      %get3A_825 = vector.shape_cast %get3A_824 : vector<1x16xf32> to vector<16xf32>
      %swap3A_826 = arith.index_cast %add3A_804 : i32 to index
      %swap3A_827 = arith.constant 16 : index
      %swap3A_828 = tpu.vector_load %arg9[%swap3A_826, %swap3A_827] {strides = array<i32>} : memref<512x64xf32, #tpu.memory_space<vmem>>, vector<1x16xf32>,
      %swap3A_829 = vector.shape_cast %swap3A_828 : vector<1x16xf32> to vector<16xf32>
      %swap3A_830 = vector.shape_cast %get3A_825 : vector<16xf32> to vector<1x16xf32>
      tpu.vector_store %arg9[%swap3A_826, %swap3A_827], %swap3A_830 {strides = array<i32>} : memref<512x64xf32, #tpu.memory_space<vmem>>, vector<1x16xf32>,
      %add3A_831 = arith.constant 32 : i32
      %add3A_832 = arith.addi %mul3A_798, %add3A_831 : i32
      %get3A_833 = arith.index_cast %add3A_808 : i32 to index
      %get3A_834 = arith.index_cast %add3A_832 : i32 to index
      %get3A_835 = tpu.vector_load %arg8[%get3A_833, %get3A_834] {strides = array<i32>} : memref<128x128xf32, #tpu.memory_space<vmem>>, vector<1x16xf32>,
      %get3A_836 = vector.shape_cast %get3A_835 : vector<1x16xf32> to vector<16xf32>
      %swap3A_837 = arith.index_cast %add3A_804 : i32 to index
      %swap3A_838 = arith.constant 32 : index
      %swap3A_839 = tpu.vector_load %arg9[%swap3A_837, %swap3A_838] {strides = array<i32>} : memref<512x64xf32, #tpu.memory_space<vmem>>, vector<1x16xf32>,
      %swap3A_840 = vector.shape_cast %swap3A_839 : vector<1x16xf32> to vector<16xf32>
      %swap3A_841 = vector.shape_cast %get3A_836 : vector<16xf32> to vector<1x16xf32>
      tpu.vector_store %arg9[%swap3A_837, %swap3A_838], %swap3A_841 {strides = array<i32>} : memref<512x64xf32, #tpu.memory_space<vmem>>, vector<1x16xf32>,
      %add3A_842 = arith.constant 48 : i32
      %add3A_843 = arith.addi %mul3A_798, %add3A_842 : i32
      %get3A_844 = arith.index_cast %add3A_808 : i32 to index
      %get3A_845 = arith.index_cast %add3A_843 : i32 to index
      %get3A_846 = tpu.vector_load %arg8[%get3A_844, %get3A_845] {strides = array<i32>} : memref<128x128xf32, #tpu.memory_space<vmem>>, vector<1x16xf32>,
      %get3A_847 = vector.shape_cast %get3A_846 : vector<1x16xf32> to vector<16xf32>
      %swap3A_848 = arith.index_cast %add3A_804 : i32 to index
      %swap3A_849 = arith.constant 48 : index
      %swap3A_850 = tpu.vector_load %arg9[%swap3A_848, %swap3A_849] {strides = array<i32>} : memref<512x64xf32, #tpu.memory_space<vmem>>, vector<1x16xf32>,
      %swap3A_851 = vector.shape_cast %swap3A_850 : vector<1x16xf32> to vector<16xf32>
      %swap3A_852 = vector.shape_cast %get3A_847 : vector<16xf32> to vector<1x16xf32>
      tpu.vector_store %arg9[%swap3A_848, %swap3A_849], %swap3A_852 {strides = array<i32>} : memref<512x64xf32, #tpu.memory_space<vmem>>, vector<1x16xf32>,
      %slice3A_853 = vector.extract_strided_slice %get3A_76 {offsets = [13], sizes = [1], strides = [1]} : vector<16xi32> to vector<1xi32>
      %squeeze3A_854 = vector.extract %slice3A_853[0] : i32 from vector<1xi32>
      %and3A_855 = arith.constant 1 : i32
      %and3A_856 = arith.andi %squeeze3A_854, %and3A_855 : i32
      %mul3A_857 = arith.constant 64 : i32
      %mul3A_858 = arith.muli %and3A_856, %mul3A_857 : i32
      %mul3A_859 = arith.constant 16 : i32
      %mul3A_860 = arith.muli %scan3A_70, %mul3A_859 : i32
      %add3A_861 = arith.constant 384 : i32
      %add3A_862 = arith.addi %add3A_861, %mul3A_860 : i32
      %add3A_863 = arith.constant 13 : i32
      %add3A_864 = arith.addi %add3A_862, %add3A_863 : i32
      %mul3A_865 = arith.constant 16 : i32
      %mul3A_866 = arith.muli %scan3A_70, %mul3A_865 : i32
      %add3A_867 = arith.constant 13 : i32
      %add3A_868 = arith.addi %mul3A_866, %add3A_867 : i32
      %add3A_869 = arith.constant 0 : i32
      %add3A_870 = arith.addi %mul3A_858, %add3A_869 : i32
      %get3A_871 = arith.index_cast %add3A_868 : i32 to index
      %get3A_872 = arith.index_cast %add3A_870 : i32 to index
      %get3A_873 = tpu.vector_load %arg8[%get3A_871, %get3A_872] {strides = array<i32>} : memref<128x128xf32, #tpu.memory_space<vmem>>, vector<1x16xf32>,
      %get3A_874 = vector.shape_cast %get3A_873 : vector<1x16xf32> to vector<16xf32>
      %swap3A_875 = arith.index_cast %add3A_864 : i32 to index
      %swap3A_876 = arith.constant 0 : index
      %swap3A_877 = tpu.vector_load %arg9[%swap3A_875, %swap3A_876] {strides = array<i32>} : memref<512x64xf32, #tpu.memory_space<vmem>>, vector<1x16xf32>,
      %swap3A_878 = vector.shape_cast %swap3A_877 : vector<1x16xf32> to vector<16xf32>
      %swap3A_879 = vector.shape_cast %get3A_874 : vector<16xf32> to vector<1x16xf32>
      tpu.vector_store %arg9[%swap3A_875, %swap3A_876], %swap3A_879 {strides = array<i32>} : memref<512x64xf32, #tpu.memory_space<vmem>>, vector<1x16xf32>,
      %add3A_880 = arith.constant 16 : i32
      %add3A_881 = arith.addi %mul3A_858, %add3A_880 : i32
      %get3A_882 = arith.index_cast %add3A_868 : i32 to index
      %get3A_883 = arith.index_cast %add3A_881 : i32 to index
      %get3A_884 = tpu.vector_load %arg8[%get3A_882, %get3A_883] {strides = array<i32>} : memref<128x128xf32, #tpu.memory_space<vmem>>, vector<1x16xf32>,
      %get3A_885 = vector.shape_cast %get3A_884 : vector<1x16xf32> to vector<16xf32>
      %swap3A_886 = arith.index_cast %add3A_864 : i32 to index
      %swap3A_887 = arith.constant 16 : index
      %swap3A_888 = tpu.vector_load %arg9[%swap3A_886, %swap3A_887] {strides = array<i32>} : memref<512x64xf32, #tpu.memory_space<vmem>>, vector<1x16xf32>,
      %swap3A_889 = vector.shape_cast %swap3A_888 : vector<1x16xf32> to vector<16xf32>
      %swap3A_890 = vector.shape_cast %get3A_885 : vector<16xf32> to vector<1x16xf32>
      tpu.vector_store %arg9[%swap3A_886, %swap3A_887], %swap3A_890 {strides = array<i32>} : memref<512x64xf32, #tpu.memory_space<vmem>>, vector<1x16xf32>,
      %add3A_891 = arith.constant 32 : i32
      %add3A_892 = arith.addi %mul3A_858, %add3A_891 : i32
      %get3A_893 = arith.index_cast %add3A_868 : i32 to index
      %get3A_894 = arith.index_cast %add3A_892 : i32 to index
      %get3A_895 = tpu.vector_load %arg8[%get3A_893, %get3A_894] {strides = array<i32>} : memref<128x128xf32, #tpu.memory_space<vmem>>, vector<1x16xf32>,
      %get3A_896 = vector.shape_cast %get3A_895 : vector<1x16xf32> to vector<16xf32>
      %swap3A_897 = arith.index_cast %add3A_864 : i32 to index
      %swap3A_898 = arith.constant 32 : index
      %swap3A_899 = tpu.vector_load %arg9[%swap3A_897, %swap3A_898] {strides = array<i32>} : memref<512x64xf32, #tpu.memory_space<vmem>>, vector<1x16xf32>,
      %swap3A_900 = vector.shape_cast %swap3A_899 : vector<1x16xf32> to vector<16xf32>
      %swap3A_901 = vector.shape_cast %get3A_896 : vector<16xf32> to vector<1x16xf32>
      tpu.vector_store %arg9[%swap3A_897, %swap3A_898], %swap3A_901 {strides = array<i32>} : memref<512x64xf32, #tpu.memory_space<vmem>>, vector<1x16xf32>,
      %add3A_902 = arith.constant 48 : i32
      %add3A_903 = arith.addi %mul3A_858, %add3A_902 : i32
      %get3A_904 = arith.index_cast %add3A_868 : i32 to index
      %get3A_905 = arith.index_cast %add3A_903 : i32 to index
      %get3A_906 = tpu.vector_load %arg8[%get3A_904, %get3A_905] {strides = array<i32>} : memref<128x128xf32, #tpu.memory_space<vmem>>, vector<1x16xf32>,
      %get3A_907 = vector.shape_cast %get3A_906 : vector<1x16xf32> to vector<16xf32>
      %swap3A_908 = arith.index_cast %add3A_864 : i32 to index
      %swap3A_909 = arith.constant 48 : index
      %swap3A_910 = tpu.vector_load %arg9[%swap3A_908, %swap3A_909] {strides = array<i32>} : memref<512x64xf32, #tpu.memory_space<vmem>>, vector<1x16xf32>,
      %swap3A_911 = vector.shape_cast %swap3A_910 : vector<1x16xf32> to vector<16xf32>
      %swap3A_912 = vector.shape_cast %get3A_907 : vector<16xf32> to vector<1x16xf32>
      tpu.vector_store %arg9[%swap3A_908, %swap3A_909], %swap3A_912 {strides = array<i32>} : memref<512x64xf32, #tpu.memory_space<vmem>>, vector<1x16xf32>,
      %slice3A_913 = vector.extract_strided_slice %get3A_76 {offsets = [14], sizes = [1], strides = [1]} : vector<16xi32> to vector<1xi32>
      %squeeze3A_914 = vector.extract %slice3A_913[0] : i32 from vector<1xi32>
      %and3A_915 = arith.constant 1 : i32
      %and3A_916 = arith.andi %squeeze3A_914, %and3A_915 : i32
      %mul3A_917 = arith.constant 64 : i32
      %mul3A_918 = arith.muli %and3A_916, %mul3A_917 : i32
      %mul3A_919 = arith.constant 16 : i32
      %mul3A_920 = arith.muli %scan3A_70, %mul3A_919 : i32
      %add3A_921 = arith.constant 384 : i32
      %add3A_922 = arith.addi %add3A_921, %mul3A_920 : i32
      %add3A_923 = arith.constant 14 : i32
      %add3A_924 = arith.addi %add3A_922, %add3A_923 : i32
      %mul3A_925 = arith.constant 16 : i32
      %mul3A_926 = arith.muli %scan3A_70, %mul3A_925 : i32
      %add3A_927 = arith.constant 14 : i32
      %add3A_928 = arith.addi %mul3A_926, %add3A_927 : i32
      %add3A_929 = arith.constant 0 : i32
      %add3A_930 = arith.addi %mul3A_918, %add3A_929 : i32
      %get3A_931 = arith.index_cast %add3A_928 : i32 to index
      %get3A_932 = arith.index_cast %add3A_930 : i32 to index
      %get3A_933 = tpu.vector_load %arg8[%get3A_931, %get3A_932] {strides = array<i32>} : memref<128x128xf32, #tpu.memory_space<vmem>>, vector<1x16xf32>,
      %get3A_934 = vector.shape_cast %get3A_933 : vector<1x16xf32> to vector<16xf32>
      %swap3A_935 = arith.index_cast %add3A_924 : i32 to index
      %swap3A_936 = arith.constant 0 : index
      %swap3A_937 = tpu.vector_load %arg9[%swap3A_935, %swap3A_936] {strides = array<i32>} : memref<512x64xf32, #tpu.memory_space<vmem>>, vector<1x16xf32>,
      %swap3A_938 = vector.shape_cast %swap3A_937 : vector<1x16xf32> to vector<16xf32>
      %swap3A_939 = vector.shape_cast %get3A_934 : vector<16xf32> to vector<1x16xf32>
      tpu.vector_store %arg9[%swap3A_935, %swap3A_936], %swap3A_939 {strides = array<i32>} : memref<512x64xf32, #tpu.memory_space<vmem>>, vector<1x16xf32>,
      %add3A_940 = arith.constant 16 : i32
      %add3A_941 = arith.addi %mul3A_918, %add3A_940 : i32
      %get3A_942 = arith.index_cast %add3A_928 : i32 to index
      %get3A_943 = arith.index_cast %add3A_941 : i32 to index
      %get3A_944 = tpu.vector_load %arg8[%get3A_942, %get3A_943] {strides = array<i32>} : memref<128x128xf32, #tpu.memory_space<vmem>>, vector<1x16xf32>,
      %get3A_945 = vector.shape_cast %get3A_944 : vector<1x16xf32> to vector<16xf32>
      %swap3A_946 = arith.index_cast %add3A_924 : i32 to index
      %swap3A_947 = arith.constant 16 : index
      %swap3A_948 = tpu.vector_load %arg9[%swap3A_946, %swap3A_947] {strides = array<i32>} : memref<512x64xf32, #tpu.memory_space<vmem>>, vector<1x16xf32>,
      %swap3A_949 = vector.shape_cast %swap3A_948 : vector<1x16xf32> to vector<16xf32>
      %swap3A_950 = vector.shape_cast %get3A_945 : vector<16xf32> to vector<1x16xf32>
      tpu.vector_store %arg9[%swap3A_946, %swap3A_947], %swap3A_950 {strides = array<i32>} : memref<512x64xf32, #tpu.memory_space<vmem>>, vector<1x16xf32>,
      %add3A_951 = arith.constant 32 : i32
      %add3A_952 = arith.addi %mul3A_918, %add3A_951 : i32
      %get3A_953 = arith.index_cast %add3A_928 : i32 to index
      %get3A_954 = arith.index_cast %add3A_952 : i32 to index
      %get3A_955 = tpu.vector_load %arg8[%get3A_953, %get3A_954] {strides = array<i32>} : memref<128x128xf32, #tpu.memory_space<vmem>>, vector<1x16xf32>,
      %get3A_956 = vector.shape_cast %get3A_955 : vector<1x16xf32> to vector<16xf32>
      %swap3A_957 = arith.index_cast %add3A_924 : i32 to index
      %swap3A_958 = arith.constant 32 : index
      %swap3A_959 = tpu.vector_load %arg9[%swap3A_957, %swap3A_958] {strides = array<i32>} : memref<512x64xf32, #tpu.memory_space<vmem>>, vector<1x16xf32>,
      %swap3A_960 = vector.shape_cast %swap3A_959 : vector<1x16xf32> to vector<16xf32>
      %swap3A_961 = vector.shape_cast %get3A_956 : vector<16xf32> to vector<1x16xf32>
      tpu.vector_store %arg9[%swap3A_957, %swap3A_958], %swap3A_961 {strides = array<i32>} : memref<512x64xf32, #tpu.memory_space<vmem>>, vector<1x16xf32>,
      %add3A_962 = arith.constant 48 : i32
      %add3A_963 = arith.addi %mul3A_918, %add3A_962 : i32
      %get3A_964 = arith.index_cast %add3A_928 : i32 to index
      %get3A_965 = arith.index_cast %add3A_963 : i32 to index
      %get3A_966 = tpu.vector_load %arg8[%get3A_964, %get3A_965] {strides = array<i32>} : memref<128x128xf32, #tpu.memory_space<vmem>>, vector<1x16xf32>,
      %get3A_967 = vector.shape_cast %get3A_966 : vector<1x16xf32> to vector<16xf32>
      %swap3A_968 = arith.index_cast %add3A_924 : i32 to index
      %swap3A_969 = arith.constant 48 : index
      %swap3A_970 = tpu.vector_load %arg9[%swap3A_968, %swap3A_969] {strides = array<i32>} : memref<512x64xf32, #tpu.memory_space<vmem>>, vector<1x16xf32>,
      %swap3A_971 = vector.shape_cast %swap3A_970 : vector<1x16xf32> to vector<16xf32>
      %swap3A_972 = vector.shape_cast %get3A_967 : vector<16xf32> to vector<1x16xf32>
      tpu.vector_store %arg9[%swap3A_968, %swap3A_969], %swap3A_972 {strides = array<i32>} : memref<512x64xf32, #tpu.memory_space<vmem>>, vector<1x16xf32>,
      %slice3A_973 = vector.extract_strided_slice %get3A_76 {offsets = [15], sizes = [1], strides = [1]} : vector<16xi32> to vector<1xi32>
      %squeeze3A_974 = vector.extract %slice3A_973[0] : i32 from vector<1xi32>
      %and3A_975 = arith.constant 1 : i32
      %and3A_976 = arith.andi %squeeze3A_974, %and3A_975 : i32
      %mul3A_977 = arith.constant 64 : i32
      %mul3A_978 = arith.muli %and3A_976, %mul3A_977 : i32
      %mul3A_979 = arith.constant 16 : i32
      %mul3A_980 = arith.muli %scan3A_70, %mul3A_979 : i32
      %add3A_981 = arith.constant 384 : i32
      %add3A_982 = arith.addi %add3A_981, %mul3A_980 : i32
      %add3A_983 = arith.constant 15 : i32
      %add3A_984 = arith.addi %add3A_982, %add3A_983 : i32
      %mul3A_985 = arith.constant 16 : i32
      %mul3A_986 = arith.muli %scan3A_70, %mul3A_985 : i32
      %add3A_987 = arith.constant 15 : i32
      %add3A_988 = arith.addi %mul3A_986, %add3A_987 : i32
      %add3A_989 = arith.constant 0 : i32
      %add3A_990 = arith.addi %mul3A_978, %add3A_989 : i32
      %get3A_991 = arith.index_cast %add3A_988 : i32 to index
      %get3A_992 = arith.index_cast %add3A_990 : i32 to index
      %get3A_993 = tpu.vector_load %arg8[%get3A_991, %get3A_992] {strides = array<i32>} : memref<128x128xf32, #tpu.memory_space<vmem>>, vector<1x16xf32>,
      %get3A_994 = vector.shape_cast %get3A_993 : vector<1x16xf32> to vector<16xf32>
      %swap3A_995 = arith.index_cast %add3A_984 : i32 to index
      %swap3A_996 = arith.constant 0 : index
      %swap3A_997 = tpu.vector_load %arg9[%swap3A_995, %swap3A_996] {strides = array<i32>} : memref<512x64xf32, #tpu.memory_space<vmem>>, vector<1x16xf32>,
      %swap3A_998 = vector.shape_cast %swap3A_997 : vector<1x16xf32> to vector<16xf32>
      %swap3A_999 = vector.shape_cast %get3A_994 : vector<16xf32> to vector<1x16xf32>
      tpu.vector_store %arg9[%swap3A_995, %swap3A_996], %swap3A_999 {strides = array<i32>} : memref<512x64xf32, #tpu.memory_space<vmem>>, vector<1x16xf32>,
      %add3A_1000 = arith.constant 16 : i32
      %add3A_1001 = arith.addi %mul3A_978, %add3A_1000 : i32
      %get3A_1002 = arith.index_cast %add3A_988 : i32 to index
      %get3A_1003 = arith.index_cast %add3A_1001 : i32 to index
      %get3A_1004 = tpu.vector_load %arg8[%get3A_1002, %get3A_1003] {strides = array<i32>} : memref<128x128xf32, #tpu.memory_space<vmem>>, vector<1x16xf32>,
      %get3A_1005 = vector.shape_cast %get3A_1004 : vector<1x16xf32> to vector<16xf32>
      %swap3A_1006 = arith.index_cast %add3A_984 : i32 to index
      %swap3A_1007 = arith.constant 16 : index
      %swap3A_1008 = tpu.vector_load %arg9[%swap3A_1006, %swap3A_1007] {strides = array<i32>} : memref<512x64xf32, #tpu.memory_space<vmem>>, vector<1x16xf32>,
      %swap3A_1009 = vector.shape_cast %swap3A_1008 : vector<1x16xf32> to vector<16xf32>
      %swap3A_1010 = vector.shape_cast %get3A_1005 : vector<16xf32> to vector<1x16xf32>
      tpu.vector_store %arg9[%swap3A_1006, %swap3A_1007], %swap3A_1010 {strides = array<i32>} : memref<512x64xf32, #tpu.memory_space<vmem>>, vector<1x16xf32>,
      %add3A_1011 = arith.constant 32 : i32
      %add3A_1012 = arith.addi %mul3A_978, %add3A_1011 : i32
      %get3A_1013 = arith.index_cast %add3A_988 : i32 to index
      %get3A_1014 = arith.index_cast %add3A_1012 : i32 to index
      %get3A_1015 = tpu.vector_load %arg8[%get3A_1013, %get3A_1014] {strides = array<i32>} : memref<128x128xf32, #tpu.memory_space<vmem>>, vector<1x16xf32>,
      %get3A_1016 = vector.shape_cast %get3A_1015 : vector<1x16xf32> to vector<16xf32>
      %swap3A_1017 = arith.index_cast %add3A_984 : i32 to index
      %swap3A_1018 = arith.constant 32 : index
      %swap3A_1019 = tpu.vector_load %arg9[%swap3A_1017, %swap3A_1018] {strides = array<i32>} : memref<512x64xf32, #tpu.memory_space<vmem>>, vector<1x16xf32>,
      %swap3A_1020 = vector.shape_cast %swap3A_1019 : vector<1x16xf32> to vector<16xf32>
      %swap3A_1021 = vector.shape_cast %get3A_1016 : vector<16xf32> to vector<1x16xf32>
      tpu.vector_store %arg9[%swap3A_1017, %swap3A_1018], %swap3A_1021 {strides = array<i32>} : memref<512x64xf32, #tpu.memory_space<vmem>>, vector<1x16xf32>,
      %add3A_1022 = arith.constant 48 : i32
      %add3A_1023 = arith.addi %mul3A_978, %add3A_1022 : i32
      %get3A_1024 = arith.index_cast %add3A_988 : i32 to index
      %get3A_1025 = arith.index_cast %add3A_1023 : i32 to index
      %get3A_1026 = tpu.vector_load %arg8[%get3A_1024, %get3A_1025] {strides = array<i32>} : memref<128x128xf32, #tpu.memory_space<vmem>>, vector<1x16xf32>,
      %get3A_1027 = vector.shape_cast %get3A_1026 : vector<1x16xf32> to vector<16xf32>
      %swap3A_1028 = arith.index_cast %add3A_984 : i32 to index
      %swap3A_1029 = arith.constant 48 : index
      %swap3A_1030 = tpu.vector_load %arg9[%swap3A_1028, %swap3A_1029] {strides = array<i32>} : memref<512x64xf32, #tpu.memory_space<vmem>>, vector<1x16xf32>,
      %swap3A_1031 = vector.shape_cast %swap3A_1030 : vector<1x16xf32> to vector<16xf32>
      %swap3A_1032 = vector.shape_cast %get3A_1027 : vector<16xf32> to vector<1x16xf32>
      tpu.vector_store %arg9[%swap3A_1028, %swap3A_1029], %swap3A_1032 {strides = array<i32>} : memref<512x64xf32, #tpu.memory_space<vmem>>, vector<1x16xf32>,
    }
    %scan3A_69 = arith.constant 8 : i32
    "tpu.region"() ({
      %run_scoped3A = tpu.sem_alloc : memref<!tpu.dma_semaphore, #tpu.memory_space<semaphore_mem>>
      %dma_start3A_70 = arith.constant 0 : i32
      %dma_start3A_71 = tpu.memref_slice %arg4[%mul3A_2, %dma_start3A_70] : memref<16384x64xf32, #tpu.memory_space<hbm>> -> memref<512x64xf32, #tpu.memory_space<hbm>>
      %dma_start3A_72 = arith.constant 0 : i32
      %dma_start3A_73 = tpu.memref_slice %arg4[%mul3A_2, %dma_start3A_72] : memref<16384x64xf32, #tpu.memory_space<hbm>> -> memref<512x64xf32, #tpu.memory_space<hbm>>
      tpu.enqueue_dma source(%arg9 : memref<512x64xf32, #tpu.memory_space<vmem>>) target(%dma_start3A_73 : memref<512x64xf32, #tpu.memory_space<hbm>>) target_semaphore(%run_scoped3A : memref<!tpu.dma_semaphore, #tpu.memory_space<semaphore_mem>>)
      %dma_wait3A_74 = arith.constant 0 : i32
      %dma_wait3A_75 = tpu.memref_slice %arg4[%mul3A_2, %dma_wait3A_74] : memref<16384x64xf32, #tpu.memory_space<hbm>> -> memref<512x64xf32, #tpu.memory_space<hbm>>
      %dma_wait3A_76 = arith.constant 0 : i32
      %dma_wait3A_77 = tpu.memref_slice %arg4[%mul3A_2, %dma_wait3A_76] : memref<16384x64xf32, #tpu.memory_space<hbm>> -> memref<512x64xf32, #tpu.memory_space<hbm>>
      tpu.wait_dma2 semaphore(%run_scoped3A : memref<!tpu.dma_semaphore, #tpu.memory_space<semaphore_mem>>) src(%arg9 : memref<512x64xf32, #tpu.memory_space<vmem>>) dst(%dma_wait3A_77 : memref<512x64xf32, #tpu.memory_space<hbm>>)
      tpu.yield
    }) : () -> ()
    return
  }
}

</mosaic_0001>

<sc_bundles>
// kernel: kernel.3.cloned.1.call-start
scs
__scs_entry_jumppad:
0x0: {  	(pc) =	sbr.rel $0x88, $3  }
0x1: {  	(tag) =	ssettag $0x0;
	lr =	simm.s32 $0x1  }
0x2: {  	[smem:$0x3F9F] =	sst lr;
	_ =	strace $0xD0000000  }
0x3: {  	_ = 	snop  }
0x4: {  	_ = 	snop  }
0x5: {  	_ = 	snop  }
0x6: {  	_ = 	snop  }
0x7: {  	_ = 	snop  }
__scs_overlays_trampoline_lowered:
0x8: {  	[smem:$0x3FAE] =	sst s0  }
0x9: {  	[smem:$0x3FAF] =	sst s1  }
0xa: {  	[smem:$0x3FB0] =	sst s2  }
0xb: {  	[smem:$0x3FB1] =	sst s3  }
0xc: {  	[smem:$0x3FB2] =	sst s4  }
0xd: {  	[smem:$0x3FB3] =	sst s5  }
0xe: {  	[smem:$0x3FB4] =	sst s6  }
0xf: {  	[smem:$0x3FB5] =	sst s7  }
0x10: {  	[smem:$0x3FB6] =	sst s8  }
0x11: {  	[smem:$0x3FB7] =	sst s9;
	s0 =	simm.s32 @!p0 $0x0  }
0x12: {  	s1 =	sld [smem:$0x3F9D];
	s0 =	simm.s32 @p0 $0x1  }
0x13: {  	[smem:$0x3FB8] =	sst s0;
	s0 =	simm.s32 @!p1 $0x0  }
0x14: {  	s2 =	sld [smem:$0x3F9C];
	s0 =	simm.s32 @p1 $0x1  }
0x15: {  	[smem:$0x3FB9] =	sst s0;
	s0 =	simm.s32 @!p2 $0x0  }
0x16: {  	s3 =	sld [smem:$0x3FDB];
	s0 =	simm.s32 @p2 $0x1  }
0x17: {  	s4 =	simm.s32 $0x1BF5;
	[smem:$0x3FBB] =	sst s0  }
0x18: {  	s0 =	sld [smem:$0x3F9E];
	_ =	swait.ge [sflag:s4], $0x0  }
0x19: {  	s7 =	sld [smem:$0x3F9F]  }
0x1a: {  	s8 =	sadd.s32 $0xFFFFE003, lr  }
0x1b: {  	s9 =	sadd.s32 $0xFFFFFEF7, lr;
	s5 =	simm.s32 $0xFFFFFFFF;
	p2 =	slt.u32 s8, $0xFFFFF086  }
0x1c: {  	p1 =	slt.u32 s9, $0xF7A;
	s5 =	simm.s32 @!p2 $0x0  }
0x1d: {  	s5 =	simm.s32 @p1 $0x1;
	p0 =	seq.s32 s7, s2  }
0x1e: {  	s7 =	smul.u32 @!p0 $0xF7A, s2;
	p2 =	seq.s32 @!p0 s5, $0x0  }
0x1f: {  	s9 =	smul.u32 $0xF7A, s1;
	s8 =	simm.s32 @!p0 $0x1BF5;
	p2 =	por !p2, p0  }
0x20: {  	[sflag:s8] =	ssyncset.s32 @!p0 $0xFFFFF086;
	s6 =	sadd.s32 @!p0 s3, s7;
	s7 =	simm.s32 @!p0 $0x108  }
0x21: {  	s3 =	sadd.s32 s3, s9;
	s6 =	sadd.s32 @!p0 $0x88, s6;
	s7 =	simm.s32 @p2 $0x1082  }
0x22: {  	[simem:s7], [sflag:s8] =	dma.local @!p0 [hbm:s6], $0xF7A  }
0x23: {  	s9 =	sor.u32 $0xD0000000, s2;
	s6 =	simm.s32 $0x108;
	_ =	swait.ge @!p0 [sflag:s8], $0x0  }
0x24: {  	s3 =	sadd.s32 $0x88, s3;
	s6 =	simm.s32 @!p1 $0x1082;
	[sflag:s4] =	ssyncset.s32 $0xFFFFF086  }
0x25: {  	[simem:s6], [sflag:s4] =	dma.local [hbm:s3], $0xF7A  }
0x26: {  	[smem:$0x3F9F] =	sst s1;
	(tag) =	ssettag s2;
	_ =	strace s9  }
0x27: {  	s1 =	sld [smem:$0x3FAF]  }
0x28: {  	s2 =	sld [smem:$0x3FB0]  }
0x29: {  	s4 =	sld [smem:$0x3FB2]  }
0x2a: {  	p0 =	seq.s32 s5, $0x0;
	s5 =	sld [smem:$0x3FB3]  }
0x2b: {  	s6 =	sld [smem:$0x3FB4]  }
0x2c: {  	s7 =	sld [smem:$0x3FB5]  }
0x2d: {  	s3 =	simm.s32 $0x108;
	s8 =	sld [smem:$0x3FB6]  }
0x2e: {  	s3 =	simm.s32 @!p0 $0x1082;
	s9 =	sld [smem:$0x3FB7]  }
0x2f: {  	lr =	sadd.s32 s0, s3;
	s0 =	sld [smem:$0x3FAE]  }
0x30: {  	s3 =	sld [smem:$0x3FB1]  }
0x31: {  	[smem:$0x3FBA] =	sst s10  }
0x32: {  	s10 =	sld [smem:$0x3FB8];
	_ =	sdelay $0x3  }
0x33: {  	p0 =	seq.s32 s10, $0x1;
	s10 =	sld [smem:$0x3FBA];
	_ =	sdelay $0x3  }
0x34: {  	[smem:$0x3FBA] =	sst s10  }
0x35: {  	s10 =	sld [smem:$0x3FB9];
	_ =	sdelay $0x3  }
0x36: {  	p1 =	seq.s32 s10, $0x1;
	s10 =	sld [smem:$0x3FBA];
	_ =	sdelay $0x3  }
0x37: {  	[smem:$0x3FBA] =	sst s10  }
0x38: {  	s10 =	sld [smem:$0x3FBB]  }
0x39: {  	_ = 	snop;
	(pc) =	sbr.ind lr, $3  }
0x3a: {  	_ = 	snop  }
0x3b: {  	_ = 	snop  }
0x3c: {  	p2 =	seq.s32 s10, $0x1;
	s10 =	sld [smem:$0x3FBA]  }
0x3d: {  	_ =	shalt  }
0x3e: {  	_ =	shalt  }
0x3f: {  	_ =	shalt  }
0x40: {  	_ =	shalt  }
0x41: {  	_ =	shalt  }
0x42: {  	_ =	shalt  }
0x43: {  	_ =	shalt  }
0x44: {  	_ =	shalt  }
0x45: {  	_ =	shalt  }
0x46: {  	_ =	shalt  }
0x47: {  	_ =	shalt  }
0x48: {  	_ =	shalt  }
0x49: {  	_ =	shalt  }
0x4a: {  	_ =	shalt  }
0x4b: {  	_ =	shalt  }
0x4c: {  	_ =	shalt  }
0x4d: {  	_ =	shalt  }
0x4e: {  	_ =	shalt  }
0x4f: {  	_ =	shalt  }
0x50: {  	_ =	shalt  }
0x51: {  	_ =	shalt  }
0x52: {  	_ =	shalt  }
0x53: {  	_ =	shalt  }
0x54: {  	_ =	shalt  }
0x55: {  	_ =	shalt  }
0x56: {  	_ =	shalt  }
0x57: {  	_ =	shalt  }
0x58: {  	_ =	shalt  }
0x59: {  	_ =	shalt  }
0x5a: {  	_ =	shalt  }
0x5b: {  	_ =	shalt  }
0x5c: {  	_ =	shalt  }
0x5d: {  	_ =	shalt  }
0x5e: {  	_ =	shalt  }
0x5f: {  	_ =	shalt  }
0x60: {  	_ =	shalt  }
0x61: {  	_ =	shalt  }
0x62: {  	_ =	shalt  }
0x63: {  	_ =	shalt  }
0x64: {  	_ =	shalt  }
0x65: {  	_ =	shalt  }
0x66: {  	_ =	shalt  }
0x67: {  	_ =	shalt  }
0x68: {  	_ =	shalt  }
0x69: {  	_ =	shalt  }
0x6a: {  	_ =	shalt  }
0x6b: {  	_ =	shalt  }
0x6c: {  	_ =	shalt  }
0x6d: {  	_ =	shalt  }
0x6e: {  	_ =	shalt  }
0x6f: {  	_ =	shalt  }
0x70: {  	_ =	shalt  }
0x71: {  	_ =	shalt  }
0x72: {  	_ =	shalt  }
0x73: {  	_ =	shalt  }
0x74: {  	_ =	shalt  }
0x75: {  	_ =	shalt  }
0x76: {  	_ =	shalt  }
0x77: {  	_ =	shalt  }
0x78: {  	_ =	shalt  }
0x79: {  	_ =	shalt  }
0x7a: {  	_ =	shalt  }
0x7b: {  	_ =	shalt  }
0x7c: {  	_ =	shalt  }
0x7d: {  	_ =	shalt  }
0x7e: {  	_ =	shalt  }
0x7f: {  	_ =	shalt  }
0x80: {  	_ =	shalt  }
0x81: {  	_ =	shalt  }
0x82: {  	_ =	shalt  }
0x83: {  	_ =	shalt  }
0x84: {  	_ =	shalt  }
0x85: {  	_ =	shalt  }
0x86: {  	_ =	shalt  }
0x87: {  	_ =	shalt  }
.Lfunc_end0:
.L_simem_size_0:
called_computation_lowered:
.L_overlay_start_0:
0x88: {  	s2 =	sld [smem:$0x3FD9]  }
0x89: {  	s3 =	sld [smem:$0x3FFE];
	_ =	sdelay $0x1  }
0x8a: {  	s1 =	srdreg.scid  }
0x8b: {  	s0 =	sand.u32 $0x1, s1  }
0x8c: {  	s17 =	sshll.u32 s0, $0xA;
	s2 =	sadd.s32 s3, s2  }
0x8d: {  	s2 =	sadd.s32 s2, s17  }
0x8e: {  	[smem:$0x3FC6] =	sst s2  }
0x8f: {  	_ = 	snop  }
0x90: {  	s2 =	sld [smem:$0x3FC8];
	(tm) =	ssettm $0x1  }
0x91: {  	s18 =	sld [smem:$0x3FFB];
	_ =	sdelay $0x3  }
0x92: {  	_ =	strace s18  }
0x93: {  	s3 =	sld [smem:$0x3FFC];
	_ =	sdelay $0x3  }
0x94: {  	_ =	strace s3  }
0x95: {  	s3 =	sld [smem:$0x3FFD];
	_ =	sdelay $0x3  }
0x96: {  	_ =	strace s3  }
0x97: {  	_ =	strace $0x8FFFFFFF  }
0x98: {  	s19 =	sld [smem:$0x3FDB];
	_ =	sdelay $0x1  }
0x99: {  	s4 =	simm.s32 $_scs_section_size  }
0x9a: {  	s5 =	simm.s32 $_size__tile_overlayer_lowered;
	s6 =	simm.s32 $_tile_overlayer_lowered  }
0x9b: {  	s22 =	simm.s32 $0x1BFF;
	s21 =	sshll.u32 s6, $0x1;
	s3 =	sadd.s32 s4, s19  }
0x9c: {  	s7 =	simm.s32 $0x0;
	s20 =	sshll.u32 s5, $0x1;
	s5 =	sadd.s32 s21, s3  }
0x9d: {  	[timem:s7], [sflag:s22] =	dma.local [hbm:s5], s20  }
0x9e: {  	_ =	swait.ge [sflag:s22], s20  }
0x9f: {  	s4 =	ssub.s32 $0x0, s20;
	[sflag:s22] =	ssyncset.done $0x0  }
0xa0: {  	[sflag:s22] =	ssyncadd.s32 s4;
	_ =	sdelay $0x1  }
0xa1: {  	s23 =	simm.s32 $0x1B8B  }
0xa2: {  	_ =	swait.ge [sflag:s23], $0x1  }
0xa3: {  	[sflag:s23] =	ssyncset.done $0x0  }
0xa4: {  	s25 =	simm.s32 $0x1B8E;
	s24 =	sld [smem:$0x3FFE];
	[sflag:s23] =	ssyncadd.s32 $0xFFFFFFFF  }
0xa5: {  	s26 =	simm.s32 $execute0_lowered;
	[smem:$0x3FD2] =	sst s25  }
0xa6: {  	s5 =	sshll.u32 s26, $0x1;
	_ =	strace $0x80000046;
	[dreg:$0x1] =	wrdreg $0xFFFFFFFF  }
0xa7: {  	s28 =	simm.s32 $_size_execute0_lowered;
	s3 =	sadd.s32 s3, s5;
	[dreg:$0x0] =	wrdreg $0x0  }
0xa8: {  	s5 =	sshll.u32 s28, $0x1;
	[dreg:$0x2] =	wrdreg s3  }
0xa9: {  	[dreg:$0x3] =	wrdreg s5  }
0xaa: {  	[dreg:$0x4] =	wrdreg $0xC0  }
0xab: {  	_ =	task [dreg:s7], $0x5FFFF  }
0xac: {  	[dreg:$0x1] =	wrdreg $0xFFFFFFFF  }
0xad: {  	[dreg:$0x0] =	wrdreg $0x60  }
0xae: {  	[dreg:$0x2] =	wrdreg s24  }
0xaf: {  	[dreg:$0x3] =	wrdreg s2  }
0xb0: {  	[dreg:$0x4] =	wrdreg $0x9  }
0xb1: {  	_ =	task.clear_ibuf [dreg:s7], $0x5FFFF;
	_ =	strace $0x90000046  }
0xb2: {  	s29 =	simm.s32 $0x9;
	_ =	strace $0x80000048  }
0xb3: {  	_ =	swait.ge [sflag:s29], $0x1  }
0xb4: {  	[sflag:s29] =	ssyncadd.s32 $0xFFFFFFFF  }
0xb5: {  	_ =	strace $0x90000048  }
0xb6: {  	_ =	sfence  }
0xb7: {  	s30 =	sld [smem:$0x0];
	_ =	sdelay $0x2  }
0xb8: {  	s31 =	sshll.u32 s1, $0xD;
	s1 =	sshrl.u32 s1, $0x2  }
0xb9: {  	s3 =	sand.u32 $0x4000, s31;
	s1 =	sadd.s32 s1, s30  }
0xba: {  	s0 =	sor.u32 s3, s0;
	s1 =	sshll.u32 s1, $0x11  }
0xbb: {  	s0 =	sor.u32 s1, s0  }
0xbc: {  	s0 =	sadd.s32 $0x8F2B, s0  }
0xbd: {  	[sflag:s0] =	ssyncadd.remote.s32 $0x1  }
0xbe: {  	_ =	sfence.sel $0xFFFF  }
0xbf: {  	[dreg:$0x0] =	wrdreg $0xFFFFFFFF;
	(pc) =	sbr.abs _section_cstart, $3  }
0xc0: {  	[dreg:$0x1] =	wrdreg $0xFFFFFFFF  }
0xc1: {  	_ =	task.clear_ibuf [dreg:s7], $0x2FFFF;
	_ =	strace $0x9FFFFFFF  }
0xc2: {  	(tm) =	ssettm $0x7FFFFFFF  }
0xc3: {  	_ =	shalt  }
tec
execute0_lowered:
.L_overlay_start_1:
0x0: {  	(tag) =	ssettag $0x1  }
0x1: {  	s4 =	rddreg [dreg:$0x0]  }
0x2: {  	s5 =	rddreg [dreg:$0x1]  }
0x3: {  	s0 =	rddreg [dreg:$0x2]  }
0x4: {  	s3 =	srdreg.scid;
	s2 =	simm.s32 $0x0;
	s1 =	stileid.u32  }
0x5: {  	s9 =	simm.s32 $0x200;
	s10 =	simm.s32 $0x400;
	s11 =	simm.s32 $0x280  }
0x6: {  	s12 =	simm.s32 $0x4400;
	s13 =	simm.s32 $0x1;
	s14 =	simm.s32 $0x300  }
0x7: {  	s15 =	simm.s32 $0x380;
	s16 =	simm.s32 $0x8400;
	s17 =	simm.s32 $0x0  }
0x8: {  	s6 =	sand.u32 $0x1, s3;
	[smem:$0x7FF] =	sst s2;
	s30 =	sshll.u32 s1, $0xA  }
0x9: {  	s3 =	sadd.s32 $0xF42800, s4;
	s7 =	sshll.u32 s6, $0x9;
	s6 =	ssub.s32 $0x2, s6  }
0xa: {  	_ =	strace $0x80000047;
	s7 =	sor.u32 s7, s30;
	s31 =	sshrl.u32 s6, $0x1  }
0xb: {  	s8 =	sshll.u32 s7, $0x4;
	s7 =	sshrl.u32 s7, $0x3;
	s6 =	ssub.s32 s6, s31  }
0xc: {  	s8 =	sadd.s32 s8, s4;
	s4 =	sadd.s32 s5, s7;
	s6 =	smax.u32 s6, $0x1  }
0xd: {  	s7 =	simm.s32 $0x2;
	s5 =	sadd.s32 $0x400, s8;
	s8 =	simm.s32 $0x80  }
.LBB2_1:
0xe: {  	[tilespmem:s2], [sflag:$0x2] =	stream.linear.gather [hbm4b:s4+s2], $0x200, $0x38;
	[tilespmem:$0x18400] =	vst v63  }
0xf: {  	_ =	swait.ge [sflag:s7], $0x200  }
0x10: {  	[sflag:s7] =	ssyncset.done $0x0  }
0x11: {  	s18 =	simm.s32 $0x0;
	[sflag:s7] =	ssyncadd.s32 $0xFFFFFE00  }
0x12: {  	s19 =	simm.s32 $0x40;
	v0 =	vld [tilespmem:s18+$0x0]  }
.LBB2_2:
0x13: {  	p0 =	sne.s32 s19, $0x7C0  }
.Ltmp0:
0x14: {  	_ = 	snop;
	(pc) =	sbr.rel @p0 .LBB2_2-.Ltmp0, $3  }
0x15: {  	_ =	sdelay $0x1  }
0x16: {  	s20 =	sshra.s32 s19, $0x2;
	s19 =	sadd.s32 $0x40, s19;
	v1 =	vshra.s32 v0, $0x1  }
0x17: {  	v0 =	vld [tilespmem:s20+$0x0];
	[tilespmem:s18+$0x200] =	vst v1;
	s18 =	smov.u32 s20  }
0x18: {  	_ =	sdelay $0x3  }
0x19: {  	v0 =	vshra.s32 v0, $0x1  }
0x1a: {  	[tilespmem:s18+$0x200] =	vst v0  }
0x1b: {  	[tilespmem:s10], [sflag:$0x1] =	stream.indirect.gather [hbm4b:s3+s8], $0x80, s9, s8, $0xb8;
	[tilespmem:$0x18400] =	vst v63  }
0x1c: {  	_ = 	snop  }
0x1d: {  	[tilespmem:s12], [sflag:$0x1] =	stream.indirect.gather [hbm4b:s3+s8], $0x80, s11, s8, $0xb8;
	[tilespmem:$0x18400] =	vst v63  }
0x1e: {  	_ =	swait.ge [sflag:s13], $0x4000  }
0x1f: {  	[sflag:s13] =	ssyncset.done $0x0  }
0x20: {  	s19 =	simm.s32 $0x0;
	s18 =	simm.s32 $0x0;
	[sflag:s13] =	ssyncadd.s32 $0xFFFFC000  }
.LBB2_4:
0x21: {  	v0 =	vld [tilespmem:s18+$0x0];
	_ =	sdelay $0x4  }
0x22: {  	(v2sf) =	vpush v0, $0x0;
	_ =	sdelay $0xe  }
0x23: {  	s20 =	spop (v2sf)  }
0x24: {  	s20 =	sand.u32 $0x1, s20  }
0x25: {  	s21 =	sshll.u32 s20, $0x6;
	s20 =	sshra.s32 s19, $0x2  }
0x26: {  	s21 =	sadd.s32 s20, s21  }
0x27: {  	v1 =	vld [tilespmem:s21+$0x400];
	_ =	sdelay $0x4  }
0x28: {  	(v2sf) =	vpush v0, $0x1;
	[tilespmem:s20+$0x8400] =	vst v1  }
0x29: {  	v1 =	vld [tilespmem:s21+$0x410];
	_ =	sdelay $0x4  }
0x2a: {  	[tilespmem:s20+$0x8410] =	vst v1  }
0x2b: {  	v1 =	vld [tilespmem:s21+$0x420];
	_ =	sdelay $0x4  }
0x2c: {  	[tilespmem:s20+$0x8420] =	vst v1  }
0x2d: {  	v1 =	vld [tilespmem:s21+$0x430];
	_ =	sdelay $0x1  }
0x2e: {  	s25 =	spop (v2sf)  }
0x2f: {  	s21 =	sand.u32 $0x1, s25  }
0x30: {  	s21 =	sshll.u32 s21, $0x6  }
0x31: {  	s21 =	sadd.s32 s20, s21;
	[tilespmem:s20+$0x8430] =	vst v1  }
0x32: {  	v1 =	vld [tilespmem:s21+$0x480];
	_ =	sdelay $0x4  }
0x33: {  	(v2sf) =	vpush v0, $0x2;
	[tilespmem:s20+$0x8480] =	vst v1  }
0x34: {  	v1 =	vld [tilespmem:s21+$0x490];
	_ =	sdelay $0x4  }
0x35: {  	[tilespmem:s20+$0x8490] =	vst v1  }
0x36: {  	v1 =	vld [tilespmem:s21+$0x4A0];
	_ =	sdelay $0x4  }
0x37: {  	[tilespmem:s20+$0x84A0] =	vst v1  }
0x38: {  	v1 =	vld [tilespmem:s21+$0x4B0];
	_ =	sdelay $0x1  }
0x39: {  	s26 =	spop (v2sf)  }
0x3a: {  	s21 =	sand.u32 $0x1, s26  }
0x3b: {  	s21 =	sshll.u32 s21, $0x6  }
0x3c: {  	s21 =	sadd.s32 s20, s21;
	[tilespmem:s20+$0x84B0] =	vst v1  }
0x3d: {  	v1 =	vld [tilespmem:s21+$0x500];
	_ =	sdelay $0x4  }
0x3e: {  	(v2sf) =	vpush v0, $0x3;
	[tilespmem:s20+$0x8500] =	vst v1  }
0x3f: {  	v1 =	vld [tilespmem:s21+$0x510];
	_ =	sdelay $0x4  }
0x40: {  	[tilespmem:s20+$0x8510] =	vst v1  }
0x41: {  	v1 =	vld [tilespmem:s21+$0x520];
	_ =	sdelay $0x4  }
0x42: {  	[tilespmem:s20+$0x8520] =	vst v1  }
0x43: {  	v1 =	vld [tilespmem:s21+$0x530];
	_ =	sdelay $0x1  }
0x44: {  	s28 =	spop (v2sf)  }
0x45: {  	s21 =	sand.u32 $0x1, s28  }
0x46: {  	s21 =	sshll.u32 s21, $0x6  }
0x47: {  	s21 =	sadd.s32 s20, s21;
	[tilespmem:s20+$0x8530] =	vst v1  }
0x48: {  	v1 =	vld [tilespmem:s21+$0x580];
	_ =	sdelay $0x4  }
0x49: {  	(v2sf) =	vpush v0, $0x4;
	[tilespmem:s20+$0x8580] =	vst v1  }
0x4a: {  	v1 =	vld [tilespmem:s21+$0x590];
	_ =	sdelay $0x4  }
0x4b: {  	[tilespmem:s20+$0x8590] =	vst v1  }
0x4c: {  	v1 =	vld [tilespmem:s21+$0x5A0];
	_ =	sdelay $0x4  }
0x4d: {  	[tilespmem:s20+$0x85A0] =	vst v1  }
0x4e: {  	v1 =	vld [tilespmem:s21+$0x5B0];
	_ =	sdelay $0x1  }
0x4f: {  	s29 =	spop (v2sf)  }
0x50: {  	s21 =	sand.u32 $0x1, s29  }
0x51: {  	s21 =	sshll.u32 s21, $0x6  }
0x52: {  	s21 =	sadd.s32 s20, s21;
	[tilespmem:s20+$0x85B0] =	vst v1  }
0x53: {  	v1 =	vld [tilespmem:s21+$0x600];
	_ =	sdelay $0x4  }
0x54: {  	(v2sf) =	vpush v0, $0x5;
	[tilespmem:s20+$0x8600] =	vst v1  }
0x55: {  	v1 =	vld [tilespmem:s21+$0x610];
	_ =	sdelay $0x4  }
0x56: {  	[tilespmem:s20+$0x8610] =	vst v1  }
0x57: {  	v1 =	vld [tilespmem:s21+$0x620];
	_ =	sdelay $0x4  }
0x58: {  	[tilespmem:s20+$0x8620] =	vst v1  }
0x59: {  	v1 =	vld [tilespmem:s21+$0x630];
	_ =	sdelay $0x1  }
0x5a: {  	s30 =	spop (v2sf)  }
0x5b: {  	s21 =	sand.u32 $0x1, s30  }
0x5c: {  	s21 =	sshll.u32 s21, $0x6  }
0x5d: {  	s21 =	sadd.s32 s20, s21;
	[tilespmem:s20+$0x8630] =	vst v1  }
0x5e: {  	v1 =	vld [tilespmem:s21+$0x680];
	_ =	sdelay $0x4  }
0x5f: {  	(v2sf) =	vpush v0, $0x6;
	[tilespmem:s20+$0x8680] =	vst v1  }
0x60: {  	v1 =	vld [tilespmem:s21+$0x690];
	_ =	sdelay $0x4  }
0x61: {  	[tilespmem:s20+$0x8690] =	vst v1  }
0x62: {  	v1 =	vld [tilespmem:s21+$0x6A0];
	_ =	sdelay $0x4  }
0x63: {  	[tilespmem:s20+$0x86A0] =	vst v1  }
0x64: {  	v1 =	vld [tilespmem:s21+$0x6B0];
	_ =	sdelay $0x1  }
0x65: {  	s31 =	spop (v2sf)  }
0x66: {  	s21 =	sand.u32 $0x1, s31  }
0x67: {  	s21 =	sshll.u32 s21, $0x6  }
0x68: {  	s21 =	sadd.s32 s20, s21;
	[tilespmem:s20+$0x86B0] =	vst v1  }
0x69: {  	v1 =	vld [tilespmem:s21+$0x700];
	_ =	sdelay $0x4  }
0x6a: {  	(v2sf) =	vpush v0, $0x7;
	[tilespmem:s20+$0x8700] =	vst v1  }
0x6b: {  	v1 =	vld [tilespmem:s21+$0x710];
	_ =	sdelay $0x4  }
0x6c: {  	[tilespmem:s20+$0x8710] =	vst v1  }
0x6d: {  	v1 =	vld [tilespmem:s21+$0x720];
	_ =	sdelay $0x4  }
0x6e: {  	[tilespmem:s20+$0x8720] =	vst v1  }
0x6f: {  	v1 =	vld [tilespmem:s21+$0x730];
	_ =	sdelay $0x1  }
0x70: {  	s22 =	spop (v2sf)  }
0x71: {  	s21 =	sand.u32 $0x1, s22  }
0x72: {  	s21 =	sshll.u32 s21, $0x6  }
0x73: {  	s21 =	sadd.s32 s20, s21;
	[tilespmem:s20+$0x8730] =	vst v1  }
0x74: {  	v1 =	vld [tilespmem:s21+$0x780];
	_ =	sdelay $0x4  }
0x75: {  	(v2sf) =	vpush v0, $0x8;
	[tilespmem:s20+$0x8780] =	vst v1  }
0x76: {  	v1 =	vld [tilespmem:s21+$0x790];
	_ =	sdelay $0x4  }
0x77: {  	[tilespmem:s20+$0x8790] =	vst v1  }
0x78: {  	v1 =	vld [tilespmem:s21+$0x7A0];
	_ =	sdelay $0x4  }
0x79: {  	[tilespmem:s20+$0x87A0] =	vst v1  }
0x7a: {  	v1 =	vld [tilespmem:s21+$0x7B0];
	_ =	sdelay $0x1  }
0x7b: {  	s23 =	spop (v2sf)  }
0x7c: {  	s21 =	sand.u32 $0x1, s23  }
0x7d: {  	s21 =	sshll.u32 s21, $0x6  }
0x7e: {  	s21 =	sadd.s32 s20, s21;
	[tilespmem:s20+$0x87B0] =	vst v1  }
0x7f: {  	v1 =	vld [tilespmem:s21+$0x800];
	_ =	sdelay $0x4  }
0x80: {  	(v2sf) =	vpush v0, $0x9;
	[tilespmem:s20+$0x8800] =	vst v1  }
0x81: {  	v1 =	vld [tilespmem:s21+$0x810];
	_ =	sdelay $0x4  }
0x82: {  	[tilespmem:s20+$0x8810] =	vst v1  }
0x83: {  	v1 =	vld [tilespmem:s21+$0x820];
	_ =	sdelay $0x4  }
0x84: {  	[tilespmem:s20+$0x8820] =	vst v1  }
0x85: {  	v1 =	vld [tilespmem:s21+$0x830];
	_ =	sdelay $0x1  }
0x86: {  	s24 =	spop (v2sf)  }
0x87: {  	s21 =	sand.u32 $0x1, s24  }
0x88: {  	s21 =	sshll.u32 s21, $0x6  }
0x89: {  	s21 =	sadd.s32 s20, s21;
	[tilespmem:s20+$0x8830] =	vst v1  }
0x8a: {  	v1 =	vld [tilespmem:s21+$0x880];
	_ =	sdelay $0x4  }
0x8b: {  	(v2sf) =	vpush v0, $0xA;
	[tilespmem:s20+$0x8880] =	vst v1  }
0x8c: {  	v1 =	vld [tilespmem:s21+$0x890];
	_ =	sdelay $0x4  }
0x8d: {  	[tilespmem:s20+$0x8890] =	vst v1  }
0x8e: {  	v1 =	vld [tilespmem:s21+$0x8A0];
	_ =	sdelay $0x4  }
0x8f: {  	[tilespmem:s20+$0x88A0] =	vst v1  }
0x90: {  	v1 =	vld [tilespmem:s21+$0x8B0];
	_ =	sdelay $0x1  }
0x91: {  	s25 =	spop (v2sf)  }
0x92: {  	s21 =	sand.u32 $0x1, s25  }
0x93: {  	s21 =	sshll.u32 s21, $0x6  }
0x94: {  	s21 =	sadd.s32 s20, s21;
	[tilespmem:s20+$0x88B0] =	vst v1  }
0x95: {  	v1 =	vld [tilespmem:s21+$0x900];
	_ =	sdelay $0x4  }
0x96: {  	(v2sf) =	vpush v0, $0xB;
	[tilespmem:s20+$0x8900] =	vst v1  }
0x97: {  	v1 =	vld [tilespmem:s21+$0x910];
	_ =	sdelay $0x4  }
0x98: {  	[tilespmem:s20+$0x8910] =	vst v1  }
0x99: {  	v1 =	vld [tilespmem:s21+$0x920];
	_ =	sdelay $0x4  }
0x9a: {  	[tilespmem:s20+$0x8920] =	vst v1  }
0x9b: {  	v1 =	vld [tilespmem:s21+$0x930];
	_ =	sdelay $0x1  }
0x9c: {  	s26 =	spop (v2sf)  }
0x9d: {  	s21 =	sand.u32 $0x1, s26  }
0x9e: {  	s21 =	sshll.u32 s21, $0x6  }
0x9f: {  	s21 =	sadd.s32 s20, s21;
	[tilespmem:s20+$0x8930] =	vst v1  }
0xa0: {  	v1 =	vld [tilespmem:s21+$0x980];
	_ =	sdelay $0x4  }
0xa1: {  	(v2sf) =	vpush v0, $0xC;
	[tilespmem:s20+$0x8980] =	vst v1  }
0xa2: {  	v1 =	vld [tilespmem:s21+$0x990];
	_ =	sdelay $0x4  }
0xa3: {  	[tilespmem:s20+$0x8990] =	vst v1  }
0xa4: {  	v1 =	vld [tilespmem:s21+$0x9A0];
	_ =	sdelay $0x4  }
0xa5: {  	[tilespmem:s20+$0x89A0] =	vst v1  }
0xa6: {  	v1 =	vld [tilespmem:s21+$0x9B0];
	_ =	sdelay $0x1  }
0xa7: {  	s28 =	spop (v2sf)  }
0xa8: {  	s21 =	sand.u32 $0x1, s28  }
0xa9: {  	s21 =	sshll.u32 s21, $0x6  }
0xaa: {  	s21 =	sadd.s32 s20, s21;
	[tilespmem:s20+$0x89B0] =	vst v1  }
0xab: {  	v1 =	vld [tilespmem:s21+$0xA00];
	_ =	sdelay $0x4  }
0xac: {  	(v2sf) =	vpush v0, $0xD;
	[tilespmem:s20+$0x8A00] =	vst v1  }
0xad: {  	v1 =	vld [tilespmem:s21+$0xA10];
	_ =	sdelay $0x4  }
0xae: {  	[tilespmem:s20+$0x8A10] =	vst v1  }
0xaf: {  	v1 =	vld [tilespmem:s21+$0xA20];
	_ =	sdelay $0x4  }
0xb0: {  	[tilespmem:s20+$0x8A20] =	vst v1  }
0xb1: {  	v1 =	vld [tilespmem:s21+$0xA30];
	_ =	sdelay $0x1  }
0xb2: {  	s29 =	spop (v2sf)  }
0xb3: {  	s21 =	sand.u32 $0x1, s29  }
0xb4: {  	s21 =	sshll.u32 s21, $0x6  }
0xb5: {  	s21 =	sadd.s32 s20, s21;
	[tilespmem:s20+$0x8A30] =	vst v1  }
0xb6: {  	v1 =	vld [tilespmem:s21+$0xA80];
	_ =	sdelay $0x4  }
0xb7: {  	(v2sf) =	vpush v0, $0xE;
	[tilespmem:s20+$0x8A80] =	vst v1  }
0xb8: {  	v1 =	vld [tilespmem:s21+$0xA90];
	_ =	sdelay $0x4  }
0xb9: {  	[tilespmem:s20+$0x8A90] =	vst v1  }
0xba: {  	v1 =	vld [tilespmem:s21+$0xAA0];
	_ =	sdelay $0x4  }
0xbb: {  	[tilespmem:s20+$0x8AA0] =	vst v1  }
0xbc: {  	v1 =	vld [tilespmem:s21+$0xAB0];
	_ =	sdelay $0x1  }
0xbd: {  	s30 =	spop (v2sf)  }
0xbe: {  	s21 =	sand.u32 $0x1, s30  }
0xbf: {  	s21 =	sshll.u32 s21, $0x6  }
0xc0: {  	s21 =	sadd.s32 s20, s21;
	[tilespmem:s20+$0x8AB0] =	vst v1  }
0xc1: {  	v1 =	vld [tilespmem:s21+$0xB00];
	_ =	sdelay $0x4  }
0xc2: {  	(v2sf) =	vpush v0, $0xF;
	[tilespmem:s20+$0x8B00] =	vst v1  }
0xc3: {  	v63 =	vld [tilespmem:s21+$0xB10];
	_ =	sdelay $0x4  }
0xc4: {  	[tilespmem:s20+$0x8B10] =	vst v63  }
0xc5: {  	v0 =	vld [tilespmem:s21+$0xB20];
	_ =	sdelay $0x4  }
0xc6: {  	[tilespmem:s20+$0x8B20] =	vst v0  }
0xc7: {  	v0 =	vld [tilespmem:s21+$0xB30];
	_ =	sdelay $0x1  }
0xc8: {  	s31 =	spop (v2sf)  }
0xc9: {  	s21 =	sand.u32 $0x1, s31  }
0xca: {  	s21 =	sshll.u32 s21, $0x6  }
0xcb: {  	s21 =	sadd.s32 s20, s21;
	[tilespmem:s20+$0x8B30] =	vst v0  }
0xcc: {  	v0 =	vld [tilespmem:s21+$0xB80];
	_ =	sdelay $0x4  }
0xcd: {  	[tilespmem:s20+$0x8B80] =	vst v0  }
0xce: {  	v0 =	vld [tilespmem:s21+$0xB90];
	_ =	sdelay $0x4  }
0xcf: {  	[tilespmem:s20+$0x8B90] =	vst v0  }
0xd0: {  	v0 =	vld [tilespmem:s21+$0xBA0];
	_ =	sdelay $0x4  }
0xd1: {  	[tilespmem:s20+$0x8BA0] =	vst v0  }
0xd2: {  	p0 =	sne.s32 s19, $0xE000;
	v0 =	vld [tilespmem:s21+$0xBB0]  }
.Ltmp1:
0xd3: {  	_ = 	snop;
	(pc) =	sbr.rel @p0 .LBB2_4-.Ltmp1, $2  }
0xd4: {  	_ =	sdelay $0x2  }
0xd5: {  	s18 =	sadd.s32 $0x10, s18;
	s19 =	sadd.s32 $0x2000, s19;
	[tilespmem:s20+$0x8BB0] =	vst v0  }
0xd6: {  	s18 =	simm.s32 $0x80  }
0xd7: {  	[tilespmem:s10], [sflag:$0x1] =	stream.indirect.gather [hbm4b:s3+s18], $0x80, s14, s18, $0xb8;
	[tilespmem:$0x18400] =	vst v63  }
0xd8: {  	_ =	swait.ge [sflag:s13], $0x4000  }
0xd9: {  	[sflag:s13] =	ssyncset.done $0x0  }
0xda: {  	s19 =	simm.s32 $0x0;
	[sflag:s13] =	ssyncadd.s32 $0xFFFFC000  }
.LBB2_6:
0xdb: {  	v0 =	vld [tilespmem:s18+$0x0];
	_ =	sdelay $0x4  }
0xdc: {  	(v2sf) =	vpush v0, $0x0;
	_ =	sdelay $0xe  }
0xdd: {  	s20 =	spop (v2sf)  }
0xde: {  	s20 =	sand.u32 $0x1, s20  }
0xdf: {  	s21 =	sshll.u32 s20, $0x6;
	s20 =	sshra.s32 s19, $0x2  }
0xe0: {  	s21 =	sadd.s32 s20, s21  }
0xe1: {  	v1 =	vld [tilespmem:s21+$0x4400];
	_ =	sdelay $0x4  }
0xe2: {  	(v2sf) =	vpush v0, $0x1;
	[tilespmem:s20+$0xC400] =	vst v1  }
0xe3: {  	v1 =	vld [tilespmem:s21+$0x4410];
	_ =	sdelay $0x4  }
0xe4: {  	[tilespmem:s20+$0xC410] =	vst v1  }
0xe5: {  	v1 =	vld [tilespmem:s21+$0x4420];
	_ =	sdelay $0x4  }
0xe6: {  	[tilespmem:s20+$0xC420] =	vst v1  }
0xe7: {  	v1 =	vld [tilespmem:s21+$0x4430];
	_ =	sdelay $0x1  }
0xe8: {  	s25 =	spop (v2sf)  }
0xe9: {  	s21 =	sand.u32 $0x1, s25  }
0xea: {  	s21 =	sshll.u32 s21, $0x6  }
0xeb: {  	s21 =	sadd.s32 s20, s21;
	[tilespmem:s20+$0xC430] =	vst v1  }
0xec: {  	v1 =	vld [tilespmem:s21+$0x4480];
	_ =	sdelay $0x4  }
0xed: {  	(v2sf) =	vpush v0, $0x2;
	[tilespmem:s20+$0xC480] =	vst v1  }
0xee: {  	v1 =	vld [tilespmem:s21+$0x4490];
	_ =	sdelay $0x4  }
0xef: {  	[tilespmem:s20+$0xC490] =	vst v1  }
0xf0: {  	v1 =	vld [tilespmem:s21+$0x44A0];
	_ =	sdelay $0x4  }
0xf1: {  	[tilespmem:s20+$0xC4A0] =	vst v1  }
0xf2: {  	v1 =	vld [tilespmem:s21+$0x44B0];
	_ =	sdelay $0x1  }
0xf3: {  	s26 =	spop (v2sf)  }
0xf4: {  	s21 =	sand.u32 $0x1, s26  }
0xf5: {  	s21 =	sshll.u32 s21, $0x6  }
0xf6: {  	s21 =	sadd.s32 s20, s21;
	[tilespmem:s20+$0xC4B0] =	vst v1  }
0xf7: {  	v1 =	vld [tilespmem:s21+$0x4500];
	_ =	sdelay $0x4  }
0xf8: {  	(v2sf) =	vpush v0, $0x3;
	[tilespmem:s20+$0xC500] =	vst v1  }
0xf9: {  	v1 =	vld [tilespmem:s21+$0x4510];
	_ =	sdelay $0x4  }
0xfa: {  	[tilespmem:s20+$0xC510] =	vst v1  }
0xfb: {  	v1 =	vld [tilespmem:s21+$0x4520];
	_ =	sdelay $0x4  }
0xfc: {  	[tilespmem:s20+$0xC520] =	vst v1  }
0xfd: {  	v1 =	vld [tilespmem:s21+$0x4530];
	_ =	sdelay $0x1  }
0xfe: {  	s28 =	spop (v2sf)  }
0xff: {  	s21 =	sand.u32 $0x1, s28  }
0x100: {  	s21 =	sshll.u32 s21, $0x6  }
0x101: {  	s21 =	sadd.s32 s20, s21;
	[tilespmem:s20+$0xC530] =	vst v1  }
0x102: {  	v1 =	vld [tilespmem:s21+$0x4580];
	_ =	sdelay $0x4  }
0x103: {  	(v2sf) =	vpush v0, $0x4;
	[tilespmem:s20+$0xC580] =	vst v1  }
0x104: {  	v1 =	vld [tilespmem:s21+$0x4590];
	_ =	sdelay $0x4  }
0x105: {  	[tilespmem:s20+$0xC590] =	vst v1  }
0x106: {  	v1 =	vld [tilespmem:s21+$0x45A0];
	_ =	sdelay $0x4  }
0x107: {  	[tilespmem:s20+$0xC5A0] =	vst v1  }
0x108: {  	v1 =	vld [tilespmem:s21+$0x45B0];
	_ =	sdelay $0x1  }
0x109: {  	s29 =	spop (v2sf)  }
0x10a: {  	s21 =	sand.u32 $0x1, s29  }
0x10b: {  	s21 =	sshll.u32 s21, $0x6  }
0x10c: {  	s21 =	sadd.s32 s20, s21;
	[tilespmem:s20+$0xC5B0] =	vst v1  }
0x10d: {  	v1 =	vld [tilespmem:s21+$0x4600];
	_ =	sdelay $0x4  }
0x10e: {  	(v2sf) =	vpush v0, $0x5;
	[tilespmem:s20+$0xC600] =	vst v1  }
0x10f: {  	v1 =	vld [tilespmem:s21+$0x4610];
	_ =	sdelay $0x4  }
0x110: {  	[tilespmem:s20+$0xC610] =	vst v1  }
0x111: {  	v1 =	vld [tilespmem:s21+$0x4620];
	_ =	sdelay $0x4  }
0x112: {  	[tilespmem:s20+$0xC620] =	vst v1  }
0x113: {  	v1 =	vld [tilespmem:s21+$0x4630];
	_ =	sdelay $0x1  }
0x114: {  	s30 =	spop (v2sf)  }
0x115: {  	s21 =	sand.u32 $0x1, s30  }
0x116: {  	s21 =	sshll.u32 s21, $0x6  }
0x117: {  	s21 =	sadd.s32 s20, s21;
	[tilespmem:s20+$0xC630] =	vst v1  }
0x118: {  	v1 =	vld [tilespmem:s21+$0x4680];
	_ =	sdelay $0x4  }
0x119: {  	(v2sf) =	vpush v0, $0x6;
	[tilespmem:s20+$0xC680] =	vst v1  }
0x11a: {  	v1 =	vld [tilespmem:s21+$0x4690];
	_ =	sdelay $0x4  }
0x11b: {  	[tilespmem:s20+$0xC690] =	vst v1  }
0x11c: {  	v1 =	vld [tilespmem:s21+$0x46A0];
	_ =	sdelay $0x4  }
0x11d: {  	[tilespmem:s20+$0xC6A0] =	vst v1  }
0x11e: {  	v1 =	vld [tilespmem:s21+$0x46B0];
	_ =	sdelay $0x1  }
0x11f: {  	s31 =	spop (v2sf)  }
0x120: {  	s21 =	sand.u32 $0x1, s31  }
0x121: {  	s21 =	sshll.u32 s21, $0x6  }
0x122: {  	s21 =	sadd.s32 s20, s21;
	[tilespmem:s20+$0xC6B0] =	vst v1  }
0x123: {  	v1 =	vld [tilespmem:s21+$0x4700];
	_ =	sdelay $0x4  }
0x124: {  	(v2sf) =	vpush v0, $0x7;
	[tilespmem:s20+$0xC700] =	vst v1  }
0x125: {  	v1 =	vld [tilespmem:s21+$0x4710];
	_ =	sdelay $0x4  }
0x126: {  	[tilespmem:s20+$0xC710] =	vst v1  }
0x127: {  	v1 =	vld [tilespmem:s21+$0x4720];
	_ =	sdelay $0x4  }
0x128: {  	[tilespmem:s20+$0xC720] =	vst v1  }
0x129: {  	v1 =	vld [tilespmem:s21+$0x4730];
	_ =	sdelay $0x1  }
0x12a: {  	s22 =	spop (v2sf)  }
0x12b: {  	s21 =	sand.u32 $0x1, s22  }
0x12c: {  	s21 =	sshll.u32 s21, $0x6  }
0x12d: {  	s21 =	sadd.s32 s20, s21;
	[tilespmem:s20+$0xC730] =	vst v1  }
0x12e: {  	v1 =	vld [tilespmem:s21+$0x4780];
	_ =	sdelay $0x4  }
0x12f: {  	(v2sf) =	vpush v0, $0x8;
	[tilespmem:s20+$0xC780] =	vst v1  }
0x130: {  	v1 =	vld [tilespmem:s21+$0x4790];
	_ =	sdelay $0x4  }
0x131: {  	[tilespmem:s20+$0xC790] =	vst v1  }
0x132: {  	v1 =	vld [tilespmem:s21+$0x47A0];
	_ =	sdelay $0x4  }
0x133: {  	[tilespmem:s20+$0xC7A0] =	vst v1  }
0x134: {  	v1 =	vld [tilespmem:s21+$0x47B0];
	_ =	sdelay $0x1  }
0x135: {  	s23 =	spop (v2sf)  }
0x136: {  	s21 =	sand.u32 $0x1, s23  }
0x137: {  	s21 =	sshll.u32 s21, $0x6  }
0x138: {  	s21 =	sadd.s32 s20, s21;
	[tilespmem:s20+$0xC7B0] =	vst v1  }
0x139: {  	v1 =	vld [tilespmem:s21+$0x4800];
	_ =	sdelay $0x4  }
0x13a: {  	(v2sf) =	vpush v0, $0x9;
	[tilespmem:s20+$0xC800] =	vst v1  }
0x13b: {  	v1 =	vld [tilespmem:s21+$0x4810];
	_ =	sdelay $0x4  }
0x13c: {  	[tilespmem:s20+$0xC810] =	vst v1  }
0x13d: {  	v1 =	vld [tilespmem:s21+$0x4820];
	_ =	sdelay $0x4  }
0x13e: {  	[tilespmem:s20+$0xC820] =	vst v1  }
0x13f: {  	v1 =	vld [tilespmem:s21+$0x4830];
	_ =	sdelay $0x1  }
0x140: {  	s24 =	spop (v2sf)  }
0x141: {  	s21 =	sand.u32 $0x1, s24  }
0x142: {  	s21 =	sshll.u32 s21, $0x6  }
0x143: {  	s21 =	sadd.s32 s20, s21;
	[tilespmem:s20+$0xC830] =	vst v1  }
0x144: {  	v1 =	vld [tilespmem:s21+$0x4880];
	_ =	sdelay $0x4  }
0x145: {  	(v2sf) =	vpush v0, $0xA;
	[tilespmem:s20+$0xC880] =	vst v1  }
0x146: {  	v1 =	vld [tilespmem:s21+$0x4890];
	_ =	sdelay $0x4  }
0x147: {  	[tilespmem:s20+$0xC890] =	vst v1  }
0x148: {  	v1 =	vld [tilespmem:s21+$0x48A0];
	_ =	sdelay $0x4  }
0x149: {  	[tilespmem:s20+$0xC8A0] =	vst v1  }
0x14a: {  	v1 =	vld [tilespmem:s21+$0x48B0];
	_ =	sdelay $0x1  }
0x14b: {  	s25 =	spop (v2sf)  }
0x14c: {  	s21 =	sand.u32 $0x1, s25  }
0x14d: {  	s21 =	sshll.u32 s21, $0x6  }
0x14e: {  	s21 =	sadd.s32 s20, s21;
	[tilespmem:s20+$0xC8B0] =	vst v1  }
0x14f: {  	v1 =	vld [tilespmem:s21+$0x4900];
	_ =	sdelay $0x4  }
0x150: {  	(v2sf) =	vpush v0, $0xB;
	[tilespmem:s20+$0xC900] =	vst v1  }
0x151: {  	v1 =	vld [tilespmem:s21+$0x4910];
	_ =	sdelay $0x4  }
0x152: {  	[tilespmem:s20+$0xC910] =	vst v1  }
0x153: {  	v1 =	vld [tilespmem:s21+$0x4920];
	_ =	sdelay $0x4  }
0x154: {  	[tilespmem:s20+$0xC920] =	vst v1  }
0x155: {  	v1 =	vld [tilespmem:s21+$0x4930];
	_ =	sdelay $0x1  }
0x156: {  	s26 =	spop (v2sf)  }
0x157: {  	s21 =	sand.u32 $0x1, s26  }
0x158: {  	s21 =	sshll.u32 s21, $0x6  }
0x159: {  	s21 =	sadd.s32 s20, s21;
	[tilespmem:s20+$0xC930] =	vst v1  }
0x15a: {  	v1 =	vld [tilespmem:s21+$0x4980];
	_ =	sdelay $0x4  }
0x15b: {  	(v2sf) =	vpush v0, $0xC;
	[tilespmem:s20+$0xC980] =	vst v1  }
0x15c: {  	v1 =	vld [tilespmem:s21+$0x4990];
	_ =	sdelay $0x4  }
0x15d: {  	[tilespmem:s20+$0xC990] =	vst v1  }
0x15e: {  	v1 =	vld [tilespmem:s21+$0x49A0];
	_ =	sdelay $0x4  }
0x15f: {  	[tilespmem:s20+$0xC9A0] =	vst v1  }
0x160: {  	v1 =	vld [tilespmem:s21+$0x49B0];
	_ =	sdelay $0x1  }
0x161: {  	s28 =	spop (v2sf)  }
0x162: {  	s21 =	sand.u32 $0x1, s28  }
0x163: {  	s21 =	sshll.u32 s21, $0x6  }
0x164: {  	s21 =	sadd.s32 s20, s21;
	[tilespmem:s20+$0xC9B0] =	vst v1  }
0x165: {  	v1 =	vld [tilespmem:s21+$0x4A00];
	_ =	sdelay $0x4  }
0x166: {  	(v2sf) =	vpush v0, $0xD;
	[tilespmem:s20+$0xCA00] =	vst v1  }
0x167: {  	v1 =	vld [tilespmem:s21+$0x4A10];
	_ =	sdelay $0x4  }
0x168: {  	[tilespmem:s20+$0xCA10] =	vst v1  }
0x169: {  	v1 =	vld [tilespmem:s21+$0x4A20];
	_ =	sdelay $0x4  }
0x16a: {  	[tilespmem:s20+$0xCA20] =	vst v1  }
0x16b: {  	v1 =	vld [tilespmem:s21+$0x4A30];
	_ =	sdelay $0x1  }
0x16c: {  	s29 =	spop (v2sf)  }
0x16d: {  	s21 =	sand.u32 $0x1, s29  }
0x16e: {  	s21 =	sshll.u32 s21, $0x6  }
0x16f: {  	s21 =	sadd.s32 s20, s21;
	[tilespmem:s20+$0xCA30] =	vst v1  }
0x170: {  	v1 =	vld [tilespmem:s21+$0x4A80];
	_ =	sdelay $0x4  }
0x171: {  	(v2sf) =	vpush v0, $0xE;
	[tilespmem:s20+$0xCA80] =	vst v1  }
0x172: {  	v1 =	vld [tilespmem:s21+$0x4A90];
	_ =	sdelay $0x4  }
0x173: {  	[tilespmem:s20+$0xCA90] =	vst v1  }
0x174: {  	v1 =	vld [tilespmem:s21+$0x4AA0];
	_ =	sdelay $0x4  }
0x175: {  	[tilespmem:s20+$0xCAA0] =	vst v1  }
0x176: {  	v1 =	vld [tilespmem:s21+$0x4AB0];
	_ =	sdelay $0x1  }
0x177: {  	s30 =	spop (v2sf)  }
0x178: {  	s21 =	sand.u32 $0x1, s30  }
0x179: {  	s21 =	sshll.u32 s21, $0x6  }
0x17a: {  	s21 =	sadd.s32 s20, s21;
	[tilespmem:s20+$0xCAB0] =	vst v1  }
0x17b: {  	v1 =	vld [tilespmem:s21+$0x4B00];
	_ =	sdelay $0x4  }
0x17c: {  	(v2sf) =	vpush v0, $0xF;
	[tilespmem:s20+$0xCB00] =	vst v1  }
0x17d: {  	v63 =	vld [tilespmem:s21+$0x4B10];
	_ =	sdelay $0x4  }
0x17e: {  	[tilespmem:s20+$0xCB10] =	vst v63  }
0x17f: {  	v0 =	vld [tilespmem:s21+$0x4B20];
	_ =	sdelay $0x4  }
0x180: {  	[tilespmem:s20+$0xCB20] =	vst v0  }
0x181: {  	v0 =	vld [tilespmem:s21+$0x4B30];
	_ =	sdelay $0x1  }
0x182: {  	s31 =	spop (v2sf)  }
0x183: {  	s21 =	sand.u32 $0x1, s31  }
0x184: {  	s21 =	sshll.u32 s21, $0x6  }
0x185: {  	s21 =	sadd.s32 s20, s21;
	[tilespmem:s20+$0xCB30] =	vst v0  }
0x186: {  	v0 =	vld [tilespmem:s21+$0x4B80];
	_ =	sdelay $0x4  }
0x187: {  	[tilespmem:s20+$0xCB80] =	vst v0  }
0x188: {  	v0 =	vld [tilespmem:s21+$0x4B90];
	_ =	sdelay $0x4  }
0x189: {  	[tilespmem:s20+$0xCB90] =	vst v0  }
0x18a: {  	v0 =	vld [tilespmem:s21+$0x4BA0];
	_ =	sdelay $0x4  }
0x18b: {  	[tilespmem:s20+$0xCBA0] =	vst v0  }
0x18c: {  	p0 =	sne.s32 s19, $0xE000;
	v0 =	vld [tilespmem:s21+$0x4BB0]  }
.Ltmp2:
0x18d: {  	_ = 	snop;
	(pc) =	sbr.rel @p0 .LBB2_6-.Ltmp2, $2  }
0x18e: {  	_ =	sdelay $0x2  }
0x18f: {  	s18 =	sadd.s32 $0x10, s18;
	s19 =	sadd.s32 $0x2000, s19;
	[tilespmem:s20+$0xCBB0] =	vst v0  }
0x190: {  	[tilespmem:s12], [sflag:$0x1] =	stream.indirect.gather [hbm4b:s3+s8], $0x80, s15, s8, $0xb8;
	[tilespmem:$0x18400] =	vst v63  }
0x191: {  	_ =	swait.ge [sflag:s13], $0x4000  }
0x192: {  	[sflag:s13] =	ssyncset.done $0x0  }
0x193: {  	s18 =	simm.s32 $0x0;
	s19 =	simm.s32 $0x100;
	[sflag:s13] =	ssyncadd.s32 $0xFFFFC000  }
.LBB2_8:
0x194: {  	v0 =	vld [tilespmem:s19+$0x0];
	_ =	sdelay $0x4  }
0x195: {  	(v2sf) =	vpush v0, $0x0;
	_ =	sdelay $0xe  }
0x196: {  	s20 =	spop (v2sf)  }
0x197: {  	s20 =	sand.u32 $0x1, s20  }
0x198: {  	s21 =	sshll.u32 s20, $0x6;
	s20 =	sshra.s32 s18, $0x2  }
0x199: {  	s21 =	sadd.s32 s20, s21  }
0x19a: {  	v1 =	vld [tilespmem:s21+$0x400];
	_ =	sdelay $0x4  }
0x19b: {  	(v2sf) =	vpush v0, $0x1;
	[tilespmem:s20+$0x10400] =	vst v1  }
0x19c: {  	v1 =	vld [tilespmem:s21+$0x410];
	_ =	sdelay $0x4  }
0x19d: {  	[tilespmem:s20+$0x10410] =	vst v1  }
0x19e: {  	v1 =	vld [tilespmem:s21+$0x420];
	_ =	sdelay $0x4  }
0x19f: {  	[tilespmem:s20+$0x10420] =	vst v1  }
0x1a0: {  	v1 =	vld [tilespmem:s21+$0x430];
	_ =	sdelay $0x1  }
0x1a1: {  	s25 =	spop (v2sf)  }
0x1a2: {  	s21 =	sand.u32 $0x1, s25  }
0x1a3: {  	s21 =	sshll.u32 s21, $0x6  }
0x1a4: {  	s21 =	sadd.s32 s20, s21;
	[tilespmem:s20+$0x10430] =	vst v1  }
0x1a5: {  	v1 =	vld [tilespmem:s21+$0x480];
	_ =	sdelay $0x4  }
0x1a6: {  	(v2sf) =	vpush v0, $0x2;
	[tilespmem:s20+$0x10480] =	vst v1  }
0x1a7: {  	v1 =	vld [tilespmem:s21+$0x490];
	_ =	sdelay $0x4  }
0x1a8: {  	[tilespmem:s20+$0x10490] =	vst v1  }
0x1a9: {  	v1 =	vld [tilespmem:s21+$0x4A0];
	_ =	sdelay $0x4  }
0x1aa: {  	[tilespmem:s20+$0x104A0] =	vst v1  }
0x1ab: {  	v1 =	vld [tilespmem:s21+$0x4B0];
	_ =	sdelay $0x1  }
0x1ac: {  	s26 =	spop (v2sf)  }
0x1ad: {  	s21 =	sand.u32 $0x1, s26  }
0x1ae: {  	s21 =	sshll.u32 s21, $0x6  }
0x1af: {  	s21 =	sadd.s32 s20, s21;
	[tilespmem:s20+$0x104B0] =	vst v1  }
0x1b0: {  	v1 =	vld [tilespmem:s21+$0x500];
	_ =	sdelay $0x4  }
0x1b1: {  	(v2sf) =	vpush v0, $0x3;
	[tilespmem:s20+$0x10500] =	vst v1  }
0x1b2: {  	v1 =	vld [tilespmem:s21+$0x510];
	_ =	sdelay $0x4  }
0x1b3: {  	[tilespmem:s20+$0x10510] =	vst v1  }
0x1b4: {  	v1 =	vld [tilespmem:s21+$0x520];
	_ =	sdelay $0x4  }
0x1b5: {  	[tilespmem:s20+$0x10520] =	vst v1  }
0x1b6: {  	v1 =	vld [tilespmem:s21+$0x530];
	_ =	sdelay $0x1  }
0x1b7: {  	s28 =	spop (v2sf)  }
0x1b8: {  	s21 =	sand.u32 $0x1, s28  }
0x1b9: {  	s21 =	sshll.u32 s21, $0x6  }
0x1ba: {  	s21 =	sadd.s32 s20, s21;
	[tilespmem:s20+$0x10530] =	vst v1  }
0x1bb: {  	v1 =	vld [tilespmem:s21+$0x580];
	_ =	sdelay $0x4  }
0x1bc: {  	(v2sf) =	vpush v0, $0x4;
	[tilespmem:s20+$0x10580] =	vst v1  }
0x1bd: {  	v1 =	vld [tilespmem:s21+$0x590];
	_ =	sdelay $0x4  }
0x1be: {  	[tilespmem:s20+$0x10590] =	vst v1  }
0x1bf: {  	v1 =	vld [tilespmem:s21+$0x5A0];
	_ =	sdelay $0x4  }
0x1c0: {  	[tilespmem:s20+$0x105A0] =	vst v1  }
0x1c1: {  	v1 =	vld [tilespmem:s21+$0x5B0];
	_ =	sdelay $0x1  }
0x1c2: {  	s29 =	spop (v2sf)  }
0x1c3: {  	s21 =	sand.u32 $0x1, s29  }
0x1c4: {  	s21 =	sshll.u32 s21, $0x6  }
0x1c5: {  	s21 =	sadd.s32 s20, s21;
	[tilespmem:s20+$0x105B0] =	vst v1  }
0x1c6: {  	v1 =	vld [tilespmem:s21+$0x600];
	_ =	sdelay $0x4  }
0x1c7: {  	(v2sf) =	vpush v0, $0x5;
	[tilespmem:s20+$0x10600] =	vst v1  }
0x1c8: {  	v1 =	vld [tilespmem:s21+$0x610];
	_ =	sdelay $0x4  }
0x1c9: {  	[tilespmem:s20+$0x10610] =	vst v1  }
0x1ca: {  	v1 =	vld [tilespmem:s21+$0x620];
	_ =	sdelay $0x4  }
0x1cb: {  	[tilespmem:s20+$0x10620] =	vst v1  }
0x1cc: {  	v1 =	vld [tilespmem:s21+$0x630];
	_ =	sdelay $0x1  }
0x1cd: {  	s30 =	spop (v2sf)  }
0x1ce: {  	s21 =	sand.u32 $0x1, s30  }
0x1cf: {  	s21 =	sshll.u32 s21, $0x6  }
0x1d0: {  	s21 =	sadd.s32 s20, s21;
	[tilespmem:s20+$0x10630] =	vst v1  }
0x1d1: {  	v1 =	vld [tilespmem:s21+$0x680];
	_ =	sdelay $0x4  }
0x1d2: {  	(v2sf) =	vpush v0, $0x6;
	[tilespmem:s20+$0x10680] =	vst v1  }
0x1d3: {  	v1 =	vld [tilespmem:s21+$0x690];
	_ =	sdelay $0x4  }
0x1d4: {  	[tilespmem:s20+$0x10690] =	vst v1  }
0x1d5: {  	v1 =	vld [tilespmem:s21+$0x6A0];
	_ =	sdelay $0x4  }
0x1d6: {  	[tilespmem:s20+$0x106A0] =	vst v1  }
0x1d7: {  	v1 =	vld [tilespmem:s21+$0x6B0];
	_ =	sdelay $0x1  }
0x1d8: {  	s31 =	spop (v2sf)  }
0x1d9: {  	s21 =	sand.u32 $0x1, s31  }
0x1da: {  	s21 =	sshll.u32 s21, $0x6  }
0x1db: {  	s21 =	sadd.s32 s20, s21;
	[tilespmem:s20+$0x106B0] =	vst v1  }
0x1dc: {  	v1 =	vld [tilespmem:s21+$0x700];
	_ =	sdelay $0x4  }
0x1dd: {  	(v2sf) =	vpush v0, $0x7;
	[tilespmem:s20+$0x10700] =	vst v1  }
0x1de: {  	v1 =	vld [tilespmem:s21+$0x710];
	_ =	sdelay $0x4  }
0x1df: {  	[tilespmem:s20+$0x10710] =	vst v1  }
0x1e0: {  	v1 =	vld [tilespmem:s21+$0x720];
	_ =	sdelay $0x4  }
0x1e1: {  	[tilespmem:s20+$0x10720] =	vst v1  }
0x1e2: {  	v1 =	vld [tilespmem:s21+$0x730];
	_ =	sdelay $0x1  }
0x1e3: {  	s22 =	spop (v2sf)  }
0x1e4: {  	s21 =	sand.u32 $0x1, s22  }
0x1e5: {  	s21 =	sshll.u32 s21, $0x6  }
0x1e6: {  	s21 =	sadd.s32 s20, s21;
	[tilespmem:s20+$0x10730] =	vst v1  }
0x1e7: {  	v1 =	vld [tilespmem:s21+$0x780];
	_ =	sdelay $0x4  }
0x1e8: {  	(v2sf) =	vpush v0, $0x8;
	[tilespmem:s20+$0x10780] =	vst v1  }
0x1e9: {  	v1 =	vld [tilespmem:s21+$0x790];
	_ =	sdelay $0x4  }
0x1ea: {  	[tilespmem:s20+$0x10790] =	vst v1  }
0x1eb: {  	v1 =	vld [tilespmem:s21+$0x7A0];
	_ =	sdelay $0x4  }
0x1ec: {  	[tilespmem:s20+$0x107A0] =	vst v1  }
0x1ed: {  	v1 =	vld [tilespmem:s21+$0x7B0];
	_ =	sdelay $0x1  }
0x1ee: {  	s23 =	spop (v2sf)  }
0x1ef: {  	s21 =	sand.u32 $0x1, s23  }
0x1f0: {  	s21 =	sshll.u32 s21, $0x6  }
0x1f1: {  	s21 =	sadd.s32 s20, s21;
	[tilespmem:s20+$0x107B0] =	vst v1  }
0x1f2: {  	v1 =	vld [tilespmem:s21+$0x800];
	_ =	sdelay $0x4  }
0x1f3: {  	(v2sf) =	vpush v0, $0x9;
	[tilespmem:s20+$0x10800] =	vst v1  }
0x1f4: {  	v1 =	vld [tilespmem:s21+$0x810];
	_ =	sdelay $0x4  }
0x1f5: {  	[tilespmem:s20+$0x10810] =	vst v1  }
0x1f6: {  	v1 =	vld [tilespmem:s21+$0x820];
	_ =	sdelay $0x4  }
0x1f7: {  	[tilespmem:s20+$0x10820] =	vst v1  }
0x1f8: {  	v1 =	vld [tilespmem:s21+$0x830];
	_ =	sdelay $0x1  }
0x1f9: {  	s24 =	spop (v2sf)  }
0x1fa: {  	s21 =	sand.u32 $0x1, s24  }
0x1fb: {  	s21 =	sshll.u32 s21, $0x6  }
0x1fc: {  	s21 =	sadd.s32 s20, s21;
	[tilespmem:s20+$0x10830] =	vst v1  }
0x1fd: {  	v1 =	vld [tilespmem:s21+$0x880];
	_ =	sdelay $0x4  }
0x1fe: {  	(v2sf) =	vpush v0, $0xA;
	[tilespmem:s20+$0x10880] =	vst v1  }
0x1ff: {  	v1 =	vld [tilespmem:s21+$0x890];
	_ =	sdelay $0x4  }
0x200: {  	[tilespmem:s20+$0x10890] =	vst v1  }
0x201: {  	v1 =	vld [tilespmem:s21+$0x8A0];
	_ =	sdelay $0x4  }
0x202: {  	[tilespmem:s20+$0x108A0] =	vst v1  }
0x203: {  	v1 =	vld [tilespmem:s21+$0x8B0];
	_ =	sdelay $0x1  }
0x204: {  	s25 =	spop (v2sf)  }
0x205: {  	s21 =	sand.u32 $0x1, s25  }
0x206: {  	s21 =	sshll.u32 s21, $0x6  }
0x207: {  	s21 =	sadd.s32 s20, s21;
	[tilespmem:s20+$0x108B0] =	vst v1  }
0x208: {  	v1 =	vld [tilespmem:s21+$0x900];
	_ =	sdelay $0x4  }
0x209: {  	(v2sf) =	vpush v0, $0xB;
	[tilespmem:s20+$0x10900] =	vst v1  }
0x20a: {  	v1 =	vld [tilespmem:s21+$0x910];
	_ =	sdelay $0x4  }
0x20b: {  	[tilespmem:s20+$0x10910] =	vst v1  }
0x20c: {  	v1 =	vld [tilespmem:s21+$0x920];
	_ =	sdelay $0x4  }
0x20d: {  	[tilespmem:s20+$0x10920] =	vst v1  }
0x20e: {  	v1 =	vld [tilespmem:s21+$0x930];
	_ =	sdelay $0x1  }
0x20f: {  	s26 =	spop (v2sf)  }
0x210: {  	s21 =	sand.u32 $0x1, s26  }
0x211: {  	s21 =	sshll.u32 s21, $0x6  }
0x212: {  	s21 =	sadd.s32 s20, s21;
	[tilespmem:s20+$0x10930] =	vst v1  }
0x213: {  	v1 =	vld [tilespmem:s21+$0x980];
	_ =	sdelay $0x4  }
0x214: {  	(v2sf) =	vpush v0, $0xC;
	[tilespmem:s20+$0x10980] =	vst v1  }
0x215: {  	v1 =	vld [tilespmem:s21+$0x990];
	_ =	sdelay $0x4  }
0x216: {  	[tilespmem:s20+$0x10990] =	vst v1  }
0x217: {  	v1 =	vld [tilespmem:s21+$0x9A0];
	_ =	sdelay $0x4  }
0x218: {  	[tilespmem:s20+$0x109A0] =	vst v1  }
0x219: {  	v1 =	vld [tilespmem:s21+$0x9B0];
	_ =	sdelay $0x1  }
0x21a: {  	s28 =	spop (v2sf)  }
0x21b: {  	s21 =	sand.u32 $0x1, s28  }
0x21c: {  	s21 =	sshll.u32 s21, $0x6  }
0x21d: {  	s21 =	sadd.s32 s20, s21;
	[tilespmem:s20+$0x109B0] =	vst v1  }
0x21e: {  	v1 =	vld [tilespmem:s21+$0xA00];
	_ =	sdelay $0x4  }
0x21f: {  	(v2sf) =	vpush v0, $0xD;
	[tilespmem:s20+$0x10A00] =	vst v1  }
0x220: {  	v1 =	vld [tilespmem:s21+$0xA10];
	_ =	sdelay $0x4  }
0x221: {  	[tilespmem:s20+$0x10A10] =	vst v1  }
0x222: {  	v1 =	vld [tilespmem:s21+$0xA20];
	_ =	sdelay $0x4  }
0x223: {  	[tilespmem:s20+$0x10A20] =	vst v1  }
0x224: {  	v1 =	vld [tilespmem:s21+$0xA30];
	_ =	sdelay $0x1  }
0x225: {  	s29 =	spop (v2sf)  }
0x226: {  	s21 =	sand.u32 $0x1, s29  }
0x227: {  	s21 =	sshll.u32 s21, $0x6  }
0x228: {  	s21 =	sadd.s32 s20, s21;
	[tilespmem:s20+$0x10A30] =	vst v1  }
0x229: {  	v1 =	vld [tilespmem:s21+$0xA80];
	_ =	sdelay $0x4  }
0x22a: {  	(v2sf) =	vpush v0, $0xE;
	[tilespmem:s20+$0x10A80] =	vst v1  }
0x22b: {  	v1 =	vld [tilespmem:s21+$0xA90];
	_ =	sdelay $0x4  }
0x22c: {  	[tilespmem:s20+$0x10A90] =	vst v1  }
0x22d: {  	v1 =	vld [tilespmem:s21+$0xAA0];
	_ =	sdelay $0x4  }
0x22e: {  	[tilespmem:s20+$0x10AA0] =	vst v1  }
0x22f: {  	v1 =	vld [tilespmem:s21+$0xAB0];
	_ =	sdelay $0x1  }
0x230: {  	s30 =	spop (v2sf)  }
0x231: {  	s21 =	sand.u32 $0x1, s30  }
0x232: {  	s21 =	sshll.u32 s21, $0x6  }
0x233: {  	s21 =	sadd.s32 s20, s21;
	[tilespmem:s20+$0x10AB0] =	vst v1  }
0x234: {  	v1 =	vld [tilespmem:s21+$0xB00];
	_ =	sdelay $0x4  }
0x235: {  	(v2sf) =	vpush v0, $0xF;
	[tilespmem:s20+$0x10B00] =	vst v1  }
0x236: {  	v63 =	vld [tilespmem:s21+$0xB10];
	_ =	sdelay $0x4  }
0x237: {  	[tilespmem:s20+$0x10B10] =	vst v63  }
0x238: {  	v0 =	vld [tilespmem:s21+$0xB20];
	_ =	sdelay $0x4  }
0x239: {  	[tilespmem:s20+$0x10B20] =	vst v0  }
0x23a: {  	v0 =	vld [tilespmem:s21+$0xB30];
	_ =	sdelay $0x1  }
0x23b: {  	s31 =	spop (v2sf)  }
0x23c: {  	s21 =	sand.u32 $0x1, s31  }
0x23d: {  	s21 =	sshll.u32 s21, $0x6  }
0x23e: {  	s21 =	sadd.s32 s20, s21;
	[tilespmem:s20+$0x10B30] =	vst v0  }
0x23f: {  	v0 =	vld [tilespmem:s21+$0xB80];
	_ =	sdelay $0x4  }
0x240: {  	[tilespmem:s20+$0x10B80] =	vst v0  }
0x241: {  	v0 =	vld [tilespmem:s21+$0xB90];
	_ =	sdelay $0x4  }
0x242: {  	[tilespmem:s20+$0x10B90] =	vst v0  }
0x243: {  	v0 =	vld [tilespmem:s21+$0xBA0];
	_ =	sdelay $0x4  }
0x244: {  	[tilespmem:s20+$0x10BA0] =	vst v0  }
0x245: {  	p0 =	sne.s32 s18, $0xE000;
	v0 =	vld [tilespmem:s21+$0xBB0]  }
.Ltmp3:
0x246: {  	_ = 	snop;
	(pc) =	sbr.rel @p0 .LBB2_8-.Ltmp3, $2  }
0x247: {  	_ =	sdelay $0x2  }
0x248: {  	s19 =	sadd.s32 $0x10, s19;
	s18 =	sadd.s32 $0x2000, s18;
	[tilespmem:s20+$0x10BB0] =	vst v0  }
0x249: {  	_ =	swait.ge [sflag:s13], $0x4000  }
0x24a: {  	[sflag:s13] =	ssyncset.done $0x0  }
0x24b: {  	s18 =	simm.s32 $0x0;
	s19 =	simm.s32 $0x180;
	[sflag:s13] =	ssyncadd.s32 $0xFFFFC000  }
.LBB2_10:
0x24c: {  	v0 =	vld [tilespmem:s19+$0x0];
	_ =	sdelay $0x4  }
0x24d: {  	(v2sf) =	vpush v0, $0x0;
	_ =	sdelay $0xe  }
0x24e: {  	s20 =	spop (v2sf)  }
0x24f: {  	s20 =	sand.u32 $0x1, s20  }
0x250: {  	s21 =	sshll.u32 s20, $0x6;
	s20 =	sshra.s32 s18, $0x2  }
0x251: {  	s21 =	sadd.s32 s20, s21  }
0x252: {  	v1 =	vld [tilespmem:s21+$0x4400];
	_ =	sdelay $0x4  }
0x253: {  	(v2sf) =	vpush v0, $0x1;
	[tilespmem:s20+$0x14400] =	vst v1  }
0x254: {  	v1 =	vld [tilespmem:s21+$0x4410];
	_ =	sdelay $0x4  }
0x255: {  	[tilespmem:s20+$0x14410] =	vst v1  }
0x256: {  	v1 =	vld [tilespmem:s21+$0x4420];
	_ =	sdelay $0x4  }
0x257: {  	[tilespmem:s20+$0x14420] =	vst v1  }
0x258: {  	v1 =	vld [tilespmem:s21+$0x4430];
	_ =	sdelay $0x1  }
0x259: {  	s25 =	spop (v2sf)  }
0x25a: {  	s21 =	sand.u32 $0x1, s25  }
0x25b: {  	s21 =	sshll.u32 s21, $0x6  }
0x25c: {  	s21 =	sadd.s32 s20, s21;
	[tilespmem:s20+$0x14430] =	vst v1  }
0x25d: {  	v1 =	vld [tilespmem:s21+$0x4480];
	_ =	sdelay $0x4  }
0x25e: {  	(v2sf) =	vpush v0, $0x2;
	[tilespmem:s20+$0x14480] =	vst v1  }
0x25f: {  	v1 =	vld [tilespmem:s21+$0x4490];
	_ =	sdelay $0x4  }
0x260: {  	[tilespmem:s20+$0x14490] =	vst v1  }
0x261: {  	v1 =	vld [tilespmem:s21+$0x44A0];
	_ =	sdelay $0x4  }
0x262: {  	[tilespmem:s20+$0x144A0] =	vst v1  }
0x263: {  	v1 =	vld [tilespmem:s21+$0x44B0];
	_ =	sdelay $0x1  }
0x264: {  	s26 =	spop (v2sf)  }
0x265: {  	s21 =	sand.u32 $0x1, s26  }
0x266: {  	s21 =	sshll.u32 s21, $0x6  }
0x267: {  	s21 =	sadd.s32 s20, s21;
	[tilespmem:s20+$0x144B0] =	vst v1  }
0x268: {  	v1 =	vld [tilespmem:s21+$0x4500];
	_ =	sdelay $0x4  }
0x269: {  	(v2sf) =	vpush v0, $0x3;
	[tilespmem:s20+$0x14500] =	vst v1  }
0x26a: {  	v1 =	vld [tilespmem:s21+$0x4510];
	_ =	sdelay $0x4  }
0x26b: {  	[tilespmem:s20+$0x14510] =	vst v1  }
0x26c: {  	v1 =	vld [tilespmem:s21+$0x4520];
	_ =	sdelay $0x4  }
0x26d: {  	[tilespmem:s20+$0x14520] =	vst v1  }
0x26e: {  	v1 =	vld [tilespmem:s21+$0x4530];
	_ =	sdelay $0x1  }
0x26f: {  	s28 =	spop (v2sf)  }
0x270: {  	s21 =	sand.u32 $0x1, s28  }
0x271: {  	s21 =	sshll.u32 s21, $0x6  }
0x272: {  	s21 =	sadd.s32 s20, s21;
	[tilespmem:s20+$0x14530] =	vst v1  }
0x273: {  	v1 =	vld [tilespmem:s21+$0x4580];
	_ =	sdelay $0x4  }
0x274: {  	(v2sf) =	vpush v0, $0x4;
	[tilespmem:s20+$0x14580] =	vst v1  }
0x275: {  	v1 =	vld [tilespmem:s21+$0x4590];
	_ =	sdelay $0x4  }
0x276: {  	[tilespmem:s20+$0x14590] =	vst v1  }
0x277: {  	v1 =	vld [tilespmem:s21+$0x45A0];
	_ =	sdelay $0x4  }
0x278: {  	[tilespmem:s20+$0x145A0] =	vst v1  }
0x279: {  	v1 =	vld [tilespmem:s21+$0x45B0];
	_ =	sdelay $0x1  }
0x27a: {  	s29 =	spop (v2sf)  }
0x27b: {  	s21 =	sand.u32 $0x1, s29  }
0x27c: {  	s21 =	sshll.u32 s21, $0x6  }
0x27d: {  	s21 =	sadd.s32 s20, s21;
	[tilespmem:s20+$0x145B0] =	vst v1  }
0x27e: {  	v1 =	vld [tilespmem:s21+$0x4600];
	_ =	sdelay $0x4  }
0x27f: {  	(v2sf) =	vpush v0, $0x5;
	[tilespmem:s20+$0x14600] =	vst v1  }
0x280: {  	v1 =	vld [tilespmem:s21+$0x4610];
	_ =	sdelay $0x4  }
0x281: {  	[tilespmem:s20+$0x14610] =	vst v1  }
0x282: {  	v1 =	vld [tilespmem:s21+$0x4620];
	_ =	sdelay $0x4  }
0x283: {  	[tilespmem:s20+$0x14620] =	vst v1  }
0x284: {  	v1 =	vld [tilespmem:s21+$0x4630];
	_ =	sdelay $0x1  }
0x285: {  	s30 =	spop (v2sf)  }
0x286: {  	s21 =	sand.u32 $0x1, s30  }
0x287: {  	s21 =	sshll.u32 s21, $0x6  }
0x288: {  	s21 =	sadd.s32 s20, s21;
	[tilespmem:s20+$0x14630] =	vst v1  }
0x289: {  	v1 =	vld [tilespmem:s21+$0x4680];
	_ =	sdelay $0x4  }
0x28a: {  	(v2sf) =	vpush v0, $0x6;
	[tilespmem:s20+$0x14680] =	vst v1  }
0x28b: {  	v1 =	vld [tilespmem:s21+$0x4690];
	_ =	sdelay $0x4  }
0x28c: {  	[tilespmem:s20+$0x14690] =	vst v1  }
0x28d: {  	v1 =	vld [tilespmem:s21+$0x46A0];
	_ =	sdelay $0x4  }
0x28e: {  	[tilespmem:s20+$0x146A0] =	vst v1  }
0x28f: {  	v1 =	vld [tilespmem:s21+$0x46B0];
	_ =	sdelay $0x1  }
0x290: {  	s31 =	spop (v2sf)  }
0x291: {  	s21 =	sand.u32 $0x1, s31  }
0x292: {  	s21 =	sshll.u32 s21, $0x6  }
0x293: {  	s21 =	sadd.s32 s20, s21;
	[tilespmem:s20+$0x146B0] =	vst v1  }
0x294: {  	v1 =	vld [tilespmem:s21+$0x4700];
	_ =	sdelay $0x4  }
0x295: {  	(v2sf) =	vpush v0, $0x7;
	[tilespmem:s20+$0x14700] =	vst v1  }
0x296: {  	v1 =	vld [tilespmem:s21+$0x4710];
	_ =	sdelay $0x4  }
0x297: {  	[tilespmem:s20+$0x14710] =	vst v1  }
0x298: {  	v1 =	vld [tilespmem:s21+$0x4720];
	_ =	sdelay $0x4  }
0x299: {  	[tilespmem:s20+$0x14720] =	vst v1  }
0x29a: {  	v1 =	vld [tilespmem:s21+$0x4730];
	_ =	sdelay $0x1  }
0x29b: {  	s22 =	spop (v2sf)  }
0x29c: {  	s21 =	sand.u32 $0x1, s22  }
0x29d: {  	s21 =	sshll.u32 s21, $0x6  }
0x29e: {  	s21 =	sadd.s32 s20, s21;
	[tilespmem:s20+$0x14730] =	vst v1  }
0x29f: {  	v1 =	vld [tilespmem:s21+$0x4780];
	_ =	sdelay $0x4  }
0x2a0: {  	(v2sf) =	vpush v0, $0x8;
	[tilespmem:s20+$0x14780] =	vst v1  }
0x2a1: {  	v1 =	vld [tilespmem:s21+$0x4790];
	_ =	sdelay $0x4  }
0x2a2: {  	[tilespmem:s20+$0x14790] =	vst v1  }
0x2a3: {  	v1 =	vld [tilespmem:s21+$0x47A0];
	_ =	sdelay $0x4  }
0x2a4: {  	[tilespmem:s20+$0x147A0] =	vst v1  }
0x2a5: {  	v1 =	vld [tilespmem:s21+$0x47B0];
	_ =	sdelay $0x1  }
0x2a6: {  	s23 =	spop (v2sf)  }
0x2a7: {  	s21 =	sand.u32 $0x1, s23  }
0x2a8: {  	s21 =	sshll.u32 s21, $0x6  }
0x2a9: {  	s21 =	sadd.s32 s20, s21;
	[tilespmem:s20+$0x147B0] =	vst v1  }
0x2aa: {  	v1 =	vld [tilespmem:s21+$0x4800];
	_ =	sdelay $0x4  }
0x2ab: {  	(v2sf) =	vpush v0, $0x9;
	[tilespmem:s20+$0x14800] =	vst v1  }
0x2ac: {  	v1 =	vld [tilespmem:s21+$0x4810];
	_ =	sdelay $0x4  }
0x2ad: {  	[tilespmem:s20+$0x14810] =	vst v1  }
0x2ae: {  	v1 =	vld [tilespmem:s21+$0x4820];
	_ =	sdelay $0x4  }
0x2af: {  	[tilespmem:s20+$0x14820] =	vst v1  }
0x2b0: {  	v1 =	vld [tilespmem:s21+$0x4830];
	_ =	sdelay $0x1  }
0x2b1: {  	s24 =	spop (v2sf)  }
0x2b2: {  	s21 =	sand.u32 $0x1, s24  }
0x2b3: {  	s21 =	sshll.u32 s21, $0x6  }
0x2b4: {  	s21 =	sadd.s32 s20, s21;
	[tilespmem:s20+$0x14830] =	vst v1  }
0x2b5: {  	v1 =	vld [tilespmem:s21+$0x4880];
	_ =	sdelay $0x4  }
0x2b6: {  	(v2sf) =	vpush v0, $0xA;
	[tilespmem:s20+$0x14880] =	vst v1  }
0x2b7: {  	v1 =	vld [tilespmem:s21+$0x4890];
	_ =	sdelay $0x4  }
0x2b8: {  	[tilespmem:s20+$0x14890] =	vst v1  }
0x2b9: {  	v1 =	vld [tilespmem:s21+$0x48A0];
	_ =	sdelay $0x4  }
0x2ba: {  	[tilespmem:s20+$0x148A0] =	vst v1  }
0x2bb: {  	v1 =	vld [tilespmem:s21+$0x48B0];
	_ =	sdelay $0x1  }
0x2bc: {  	s25 =	spop (v2sf)  }
0x2bd: {  	s21 =	sand.u32 $0x1, s25  }
0x2be: {  	s21 =	sshll.u32 s21, $0x6  }
0x2bf: {  	s21 =	sadd.s32 s20, s21;
	[tilespmem:s20+$0x148B0] =	vst v1  }
0x2c0: {  	v1 =	vld [tilespmem:s21+$0x4900];
	_ =	sdelay $0x4  }
0x2c1: {  	(v2sf) =	vpush v0, $0xB;
	[tilespmem:s20+$0x14900] =	vst v1  }
0x2c2: {  	v1 =	vld [tilespmem:s21+$0x4910];
	_ =	sdelay $0x4  }
0x2c3: {  	[tilespmem:s20+$0x14910] =	vst v1  }
0x2c4: {  	v1 =	vld [tilespmem:s21+$0x4920];
	_ =	sdelay $0x4  }
0x2c5: {  	[tilespmem:s20+$0x14920] =	vst v1  }
0x2c6: {  	v1 =	vld [tilespmem:s21+$0x4930];
	_ =	sdelay $0x1  }
0x2c7: {  	s26 =	spop (v2sf)  }
0x2c8: {  	s21 =	sand.u32 $0x1, s26  }
0x2c9: {  	s21 =	sshll.u32 s21, $0x6  }
0x2ca: {  	s21 =	sadd.s32 s20, s21;
	[tilespmem:s20+$0x14930] =	vst v1  }
0x2cb: {  	v1 =	vld [tilespmem:s21+$0x4980];
	_ =	sdelay $0x4  }
0x2cc: {  	(v2sf) =	vpush v0, $0xC;
	[tilespmem:s20+$0x14980] =	vst v1  }
0x2cd: {  	v1 =	vld [tilespmem:s21+$0x4990];
	_ =	sdelay $0x4  }
0x2ce: {  	[tilespmem:s20+$0x14990] =	vst v1  }
0x2cf: {  	v1 =	vld [tilespmem:s21+$0x49A0];
	_ =	sdelay $0x4  }
0x2d0: {  	[tilespmem:s20+$0x149A0] =	vst v1  }
0x2d1: {  	v1 =	vld [tilespmem:s21+$0x49B0];
	_ =	sdelay $0x1  }
0x2d2: {  	s28 =	spop (v2sf)  }
0x2d3: {  	s21 =	sand.u32 $0x1, s28  }
0x2d4: {  	s21 =	sshll.u32 s21, $0x6  }
0x2d5: {  	s21 =	sadd.s32 s20, s21;
	[tilespmem:s20+$0x149B0] =	vst v1  }
0x2d6: {  	v1 =	vld [tilespmem:s21+$0x4A00];
	_ =	sdelay $0x4  }
0x2d7: {  	(v2sf) =	vpush v0, $0xD;
	[tilespmem:s20+$0x14A00] =	vst v1  }
0x2d8: {  	v1 =	vld [tilespmem:s21+$0x4A10];
	_ =	sdelay $0x4  }
0x2d9: {  	[tilespmem:s20+$0x14A10] =	vst v1  }
0x2da: {  	v1 =	vld [tilespmem:s21+$0x4A20];
	_ =	sdelay $0x4  }
0x2db: {  	[tilespmem:s20+$0x14A20] =	vst v1  }
0x2dc: {  	v1 =	vld [tilespmem:s21+$0x4A30];
	_ =	sdelay $0x1  }
0x2dd: {  	s29 =	spop (v2sf)  }
0x2de: {  	s21 =	sand.u32 $0x1, s29  }
0x2df: {  	s21 =	sshll.u32 s21, $0x6  }
0x2e0: {  	s21 =	sadd.s32 s20, s21;
	[tilespmem:s20+$0x14A30] =	vst v1  }
0x2e1: {  	v1 =	vld [tilespmem:s21+$0x4A80];
	_ =	sdelay $0x4  }
0x2e2: {  	(v2sf) =	vpush v0, $0xE;
	[tilespmem:s20+$0x14A80] =	vst v1  }
0x2e3: {  	v1 =	vld [tilespmem:s21+$0x4A90];
	_ =	sdelay $0x4  }
0x2e4: {  	[tilespmem:s20+$0x14A90] =	vst v1  }
0x2e5: {  	v1 =	vld [tilespmem:s21+$0x4AA0];
	_ =	sdelay $0x4  }
0x2e6: {  	[tilespmem:s20+$0x14AA0] =	vst v1  }
0x2e7: {  	v1 =	vld [tilespmem:s21+$0x4AB0];
	_ =	sdelay $0x1  }
0x2e8: {  	s30 =	spop (v2sf)  }
0x2e9: {  	s21 =	sand.u32 $0x1, s30  }
0x2ea: {  	s21 =	sshll.u32 s21, $0x6  }
0x2eb: {  	s21 =	sadd.s32 s20, s21;
	[tilespmem:s20+$0x14AB0] =	vst v1  }
0x2ec: {  	v1 =	vld [tilespmem:s21+$0x4B00];
	_ =	sdelay $0x4  }
0x2ed: {  	(v2sf) =	vpush v0, $0xF;
	[tilespmem:s20+$0x14B00] =	vst v1  }
0x2ee: {  	v63 =	vld [tilespmem:s21+$0x4B10];
	_ =	sdelay $0x4  }
0x2ef: {  	[tilespmem:s20+$0x14B10] =	vst v63  }
0x2f0: {  	v0 =	vld [tilespmem:s21+$0x4B20];
	_ =	sdelay $0x4  }
0x2f1: {  	[tilespmem:s20+$0x14B20] =	vst v0  }
0x2f2: {  	v0 =	vld [tilespmem:s21+$0x4B30];
	_ =	sdelay $0x1  }
0x2f3: {  	s31 =	spop (v2sf)  }
0x2f4: {  	s21 =	sand.u32 $0x1, s31  }
0x2f5: {  	s21 =	sshll.u32 s21, $0x6  }
0x2f6: {  	s21 =	sadd.s32 s20, s21;
	[tilespmem:s20+$0x14B30] =	vst v0  }
0x2f7: {  	v0 =	vld [tilespmem:s21+$0x4B80];
	_ =	sdelay $0x4  }
0x2f8: {  	[tilespmem:s20+$0x14B80] =	vst v0  }
0x2f9: {  	v0 =	vld [tilespmem:s21+$0x4B90];
	_ =	sdelay $0x4  }
0x2fa: {  	[tilespmem:s20+$0x14B90] =	vst v0  }
0x2fb: {  	v0 =	vld [tilespmem:s21+$0x4BA0];
	_ =	sdelay $0x4  }
0x2fc: {  	[tilespmem:s20+$0x14BA0] =	vst v0  }
0x2fd: {  	p0 =	sne.s32 s18, $0xE000;
	v0 =	vld [tilespmem:s21+$0x4BB0]  }
.Ltmp4:
0x2fe: {  	_ = 	snop;
	(pc) =	sbr.rel @p0 .LBB2_10-.Ltmp4, $2  }
0x2ff: {  	_ =	sdelay $0x2  }
0x300: {  	s19 =	sadd.s32 $0x10, s19;
	s18 =	sadd.s32 $0x2000, s18;
	[tilespmem:s20+$0x14BB0] =	vst v0  }
0x301: {  	s17 =	sadd.s32 $0x1, s17  }
0x302: {  	p0 =	sne.s32 s17, s6  }
.Ltmp5:
0x303: {  	_ = 	snop;
	(pc) =	sbr.rel @p0 .LBB2_1-.Ltmp5, $4  }
0x304: {  	[hbm4b:s5+s2] =	stream.linear.scatter [tilespmem:s16], [sflag:$0x2], $0x10000, $0x38;
	[tilespmem:$0x18400] =	vst v63  }
0x305: {  	_ =	swait.ge [sflag:s7], $0x10000  }
0x306: {  	[sflag:s7] =	ssyncset.done $0x0  }
0x307: {  	[sflag:s7] =	ssyncadd.s32 $0xFFFF0000  }
0x308: {  	_ =	sfence.sel $0x180000  }
0x309: {  	[bflag:$0x0] =	sbarrier.arrive $0xFFFF  }
0x30a: {  	p0 =	sne.s32 s1, $0x0;
	_ =	strace $0x90000047  }
0x30b: {  	s0 =	sadd.s32 @!p0 $0x100000, s0;
	[bflag:$0x2] =	sbarrier.arrive $0xFFFF  }
0x30c: {  	[sflag:s0] =	ssyncadd.tile.s32 @!p0 $0x1;
	_ =	shalt  }
.Lfunc_end2:
_tile_overlayer_lowered:
.L_overlay_start_2:
0x30d: {  	(tag) =	ssettag $0x2  }
0x30e: {  	s0 =	rddreg [dreg:$0x0];
	s2 =	stileid.u32  }
0x30f: {  	s1 =	rddreg [dreg:$0x1];
	p0 =	sne.s32 s2, $0x0  }
0x310: {  	s3 =	rddreg [dreg:$0x2];
	[bflag:$0x3] =	sbarrier.arrive $0xFFFF;
	s2 =	simm.s32 @!p0 $0x1C02  }
0x311: {  	[timem:s3], [sflag:s2] =	dma.local @!p0 [hbm:s0], s1  }
0x312: {  	s0 =	simm.s32 @!p0 $0x2  }
0x313: {  	_ =	swait.ge @!p0 [sflag:s0], s1  }
0x314: {  	s1 =	ssub.s32 @!p0 $0x0, s1;
	[sflag:s0] =	ssyncset.done @!p0 $0x0  }
0x315: {  	[sflag:s0] =	ssyncadd.s32 @!p0 s1  }
0x316: {  	[bflag:$0x3] =	sbarrier.arrive $0xFFFF  }
0x317: {  	_ =	shalt  }

</sc_bundles>
